<compile_context>
chip_gen: v7x
topology: tpu7x:2x2x1
jax: 0.10.2.dev20260603
libtpu: 0.0.44.dev20260713+nightly
codegen_flags: <defaults>
</compile_context>

<pallas_src>
import jax
import jax.numpy as jnp
from jax import lax
from jax.experimental import pallas as pl
from jax.experimental.pallas import tpu as pltpu
from jax.experimental.pallas import tpu_sc as plsc

_HID_N = 512
_HID_E = 128
_N_NODES = 10000
_N_EDGES = 320000

_NW = 32
_NB_PAD = 10240
_CN = 8
_CE = 80
_NCN = (_NB_PAD // _NW) // _CN
_NCE = (_N_EDGES // _NW) // _CE


def _body(nIdxB, eI0, eI12, Wcat, Wecat, node_out, edge_out,
          nidx, nbuf, eidx, ebuf, sem0, sem1):
    info = plsc.get_sparse_core_info()
    nc = info.num_cores
    wid = lax.axis_index("s") * nc + lax.axis_index("c")
    sems = [sem0, sem1]

    ng0 = wid * _NCN

    def n_fire(cur, b):
        pltpu.sync_copy(nIdxB.at[pl.ds((ng0 + cur) * 40, 40)], nidx.at[b])
        pltpu.async_copy(Wcat.at[nidx.at[b]], nbuf.at[b], sems[b])

    def n_drain(b):
        pltpu.make_async_copy(Wcat.at[nidx.at[b]], nbuf.at[b], sems[b]).wait()

    def n_consume(cur, b):
        def sum_row(r, _):
            for k in range(_HID_N // 16):
                s = nbuf[b, r, pl.ds(k * 16, 16)]
                for j in range(1, 5):
                    s = s + nbuf[b, j * 8 + r, pl.ds(k * 16, 16)]
                nbuf[b, r, pl.ds(k * 16, 16)] = s
            return _
        lax.fori_loop(0, _CN, sum_row, None)
        row0 = (ng0 + cur) * _CN
        pltpu.sync_copy(nbuf.at[b, pl.ds(0, _CN)],
                        node_out.at[pl.ds(row0, _CN)])

    n_fire(0, 0)

    def n_step(i, _):
        for b in (0, 1):
            cur = i * 2 + b

            @pl.when(cur + 1 < _NCN)
            def _():
                n_fire(cur + 1, 1 - b)
            n_drain(b)
            n_consume(cur, b)
        return _
    lax.fori_loop(0, _NCN // 2, n_step, None)

    eg0 = wid * (_N_EDGES // _NW)

    def e_fire(cur, b):
        row0 = eg0 + cur * _CE
        pltpu.sync_copy(eI0.at[pl.ds(row0, _CE)], eidx.at[b, 0])
        pltpu.sync_copy(eI12.at[pl.ds(row0, _CE)], eidx.at[b, 1])
        pltpu.async_copy(Wecat.at[eidx.at[b, 0]], ebuf.at[b, 0], sems[b])
        pltpu.async_copy(Wecat.at[eidx.at[b, 1]], ebuf.at[b, 1], sems[b])

    def e_drain(b):
        for i in (0, 1):
            pltpu.make_async_copy(Wecat.at[eidx.at[b, i]], ebuf.at[b, i],
                                  sems[b]).wait()

    def e_consume(cur, b):
        def sum_row(r, _):
            for k in range(_HID_E // 16):
                s = (ebuf[b, 0, r, pl.ds(k * 16, 16)]
                     + ebuf[b, 1, r, pl.ds(k * 16, 16)])
                ebuf[b, 0, r, pl.ds(k * 16, 16)] = s
            return _
        lax.fori_loop(0, _CE, sum_row, None)
        row0 = eg0 + cur * _CE
        pltpu.sync_copy(ebuf.at[b, 0], edge_out.at[pl.ds(row0, _CE)])

    e_fire(0, 0)

    def e_step(i, _):
        for b in (0, 1):
            cur = i * 2 + b
            e_fire(cur + 1, 1 - b)
            e_drain(b)
            e_consume(cur, b)
        return _
    lax.fori_loop(0, (_NCE - 1) // 2, e_step, None)
    e_drain(0)
    e_consume(_NCE - 1, 0)


@jax.jit
def _run(nIdxB, eI0, eI12, Wcat, Wecat):
    mesh = plsc.VectorSubcoreMesh(core_axis_name="c", subcore_axis_name="s")
    kfn = pl.kernel(
        _body,
        out_type=(
            jax.ShapeDtypeStruct((_NB_PAD, _HID_N), jnp.float32),
            jax.ShapeDtypeStruct((_N_EDGES, _HID_E), jnp.float32),
        ),
        mesh=mesh,
        scratch_types=[
            pltpu.VMEM((2, 40), jnp.int32),
            pltpu.VMEM((2, 40, _HID_N), jnp.float32),
            pltpu.VMEM((2, 2, _CE), jnp.int32),
            pltpu.VMEM((2, 2, _CE, _HID_E), jnp.float32),
            pltpu.SemaphoreType.DMA,
            pltpu.SemaphoreType.DMA,
        ],
    )
    return kfn(nIdxB, eI0, eI12, Wcat, Wecat)


def kernel(x, edge_attr, W0, W1, W2, W3, W4, W5, W6, W7, W8, We0, We1, We2):
    Wc14 = (W1[:, None, :] + W4[None, :, :]).reshape(81, _HID_N)
    Wc23 = (W2[:, None, :] + W3[None, :, :]).reshape(132, _HID_N)
    Wc56 = (W5[:, None, :] + W6[None, :, :]).reshape(40, _HID_N)
    Wc78 = (W7[:, None, :] + W8[None, :, :]).reshape(4, _HID_N)
    Wcat = jnp.concatenate([W0, Wc14, Wc23, Wc56, Wc78], axis=0)
    Wec12 = (We1[:, None, :] + We2[None, :, :]).reshape(99, _HID_E)
    Wecat = jnp.concatenate([We0, Wec12], axis=0)

    xp = jnp.zeros((_NB_PAD, 9), jnp.int32).at[:_N_NODES].set(x)
    nI = jnp.stack([
        xp[:, 0],
        119 + xp[:, 1] * 9 + xp[:, 4],
        200 + xp[:, 2] * 12 + xp[:, 3],
        332 + xp[:, 5] * 8 + xp[:, 6],
        372 + xp[:, 7] * 2 + xp[:, 8],
    ], axis=1)
    nIdxB = nI.reshape(_NB_PAD // _CN, _CN, 5).transpose(0, 2, 1).reshape(-1)
    eI0 = edge_attr[:, 0]
    eI12 = 119 + edge_attr[:, 1] * 11 + edge_attr[:, 2]

    node_out, edge_out = _run(nIdxB, eI0, eI12, Wcat, Wecat)
    return node_out[:_N_NODES], edge_out

# --- scband reference (transcript-rebuilt; emitter-appended) ---
"""Pipeline reference for scband-atom-encoder-12163347383178 (READ-ONLY COPY).

The authoritative reference and input builder live on the scoring server;
editing this copy changes nothing except your own understanding.
"""

import jax, jax.numpy as jnp
import numpy as np

FEAT_DIMS = [119, 9, 11, 12, 9, 5, 8, 2, 2]
HID_N = 512
HID_E = 128
N_NODES = 10000
N_EDGES = 320000


def setup_inputs(seed: int = 0):
    key = jax.random.key(seed)
    ks = jax.random.split(key, 2 + len(FEAT_DIMS) + 3)
    # categorical features; fill_max=2 keeps every column in-range for all tables
    x = jax.random.randint(ks[0], (N_NODES, 9), 0, 2, dtype=jnp.int32)
    edge_attr = jax.random.randint(ks[1], (N_EDGES, 3), 0, 2, dtype=jnp.int32)
    inp = {"x": x, "edge_attr": edge_attr}
    # node embedding tables: nn.Embedding(dim, hidden_dim=512), default init N(0,1)
    for i, d in enumerate(FEAT_DIMS):
        inp[f"W{i}"] = jax.random.normal(ks[2 + i], (d, HID_N), dtype=jnp.float32)
    # edge embedding tables: built over feat_dims in the original code, but only the
    # first edge_attr.size(1)=3 are used in forward -> materialize only those 3
    for i in range(3):
        inp[f"We{i}"] = jax.random.normal(ks[2 + len(FEAT_DIMS) + i], (FEAT_DIMS[i], HID_E), dtype=jnp.float32)
    return inp


def reference(x, edge_attr, W0, W1, W2, W3, W4, W5, W6, W7, W8, We0, We1, We2):
    Ws = [W0, W1, W2, W3, W4, W5, W6, W7, W8]
    Wes = [We0, We1, We2]
    x_embedding = jnp.zeros((x.shape[0], HID_N), dtype=jnp.float32)
    for i in range(x.shape[1]):
        x_embedding = x_embedding + jnp.take(Ws[i], x[:, i], axis=0)
    edge_emb = jnp.zeros((edge_attr.shape[0], HID_E), dtype=jnp.float32)
    for i in range(edge_attr.shape[1]):
        edge_emb = edge_emb + jnp.take(Wes[i], edge_attr[:, i], axis=0)
    return (x_embedding, edge_emb)

if __name__ == "__main__":
    import jax
    _d = setup_inputs()
    print(jax.jit(kernel)(*tuple(_d.values())))

</pallas_src>

<mosaic_0001>
#map = affine_map<(d0, d1) -> (0)>
#map1 = affine_map<(d0, d1) -> (0, 0)>
module attributes {stable_mosaic.version = 14 : i64} {
  func.func @_body(%arg0: i32, %arg1: i32, %arg2: memref<51200xi32, #tpu.memory_space<hbm>>, %arg3: memref<320000xi32, #tpu.memory_space<hbm>>, %arg4: memref<320000xi32, #tpu.memory_space<hbm>>, %arg5: memref<376x512xf32, #tpu.memory_space<hbm>>, %arg6: memref<218x128xf32, #tpu.memory_space<hbm>>, %arg7: memref<10240x512xf32, #tpu.memory_space<hbm>>, %arg8: memref<320000x128xf32, #tpu.memory_space<hbm>>, %arg9: memref<2x40xi32, #tpu.memory_space<vmem>>, %arg10: memref<2x40x512xf32, #tpu.memory_space<vmem>>, %arg11: memref<2x2x80xi32, #tpu.memory_space<vmem>>, %arg12: memref<2x2x80x128xf32, #tpu.memory_space<vmem>>, %arg13: memref<!tpu.dma_semaphore, #tpu.memory_space<semaphore_mem>>, %arg14: memref<!tpu.dma_semaphore, #tpu.memory_space<semaphore_mem>>) attributes {dimension_semantics = [#tpu.dimension_semantics<core_parallel>, #tpu.dimension_semantics<subcore_parallel>], iteration_bounds = array<i64: 2, 16>, scalar_prefetch = 0 : i64, scratch_operands = 6 : i64, tpu.core_type = #tpu.core_type<sc_vector_subcore>, window_params = [{transform_indices = #map}, {transform_indices = #map}, {transform_indices = #map}, {transform_indices = #map1}, {transform_indices = #map1}, {transform_indices = #map1}, {transform_indices = #map1}]} {
    %mul3A = arith.constant 2 : i32
    %mul3A_0 = arith.muli %arg1, %mul3A : i32
    %add3A = arith.addi %mul3A_0, %arg0 : i32
    %mul3A_1 = arith.constant 40 : i32
    %mul3A_2 = arith.muli %add3A, %mul3A_1 : i32
    %add3A_3 = arith.constant 0 : i32
    %add3A_4 = arith.addi %mul3A_2, %add3A_3 : i32
    %mul3A_5 = arith.constant 40 : i32
    %mul3A_6 = arith.muli %add3A_4, %mul3A_5 : i32
    %run_scoped3A = arith.constant 0 : i32
    "tpu.region"() ({
      %run_scoped3A_99 = tpu.sem_alloc : memref<!tpu.dma_semaphore, #tpu.memory_space<semaphore_mem>>
      %dma_start3A_100 = arith.constant 0 : i32
      %dma_start3A_101 = tpu.memref_slice %arg9[%run_scoped3A, %dma_start3A_100] : memref<2x40xi32, #tpu.memory_space<vmem>> -> memref<1x40xi32, #tpu.memory_space<vmem>>
      %dma_start3A_102 = tpu.memref_squeeze %dma_start3A_101 : memref<1x40xi32, #tpu.memory_space<vmem>> -> memref<40xi32, #tpu.memory_space<vmem>>
      %dma_start3A_103 = tpu.memref_slice %arg2[%mul3A_6] : memref<51200xi32, #tpu.memory_space<hbm>> -> memref<40xi32, #tpu.memory_space<hbm>>
      %dma_start3A_104 = arith.constant 0 : i32
      %dma_start3A_105 = tpu.memref_slice %arg9[%run_scoped3A, %dma_start3A_104] : memref<2x40xi32, #tpu.memory_space<vmem>> -> memref<1x40xi32, #tpu.memory_space<vmem>>
      %dma_start3A_106 = tpu.memref_squeeze %dma_start3A_105 : memref<1x40xi32, #tpu.memory_space<vmem>> -> memref<40xi32, #tpu.memory_space<vmem>>
      %dma_start3A_107 = tpu.memref_slice %arg2[%mul3A_6] : memref<51200xi32, #tpu.memory_space<hbm>> -> memref<40xi32, #tpu.memory_space<hbm>>
      tpu.enqueue_dma source(%dma_start3A_107 : memref<40xi32, #tpu.memory_space<hbm>>) target(%dma_start3A_106 : memref<40xi32, #tpu.memory_space<vmem>>) target_semaphore(%run_scoped3A_99 : memref<!tpu.dma_semaphore, #tpu.memory_space<semaphore_mem>>)
      %dma_wait3A_108 = arith.constant 0 : i32
      %dma_wait3A_109 = tpu.memref_slice %arg9[%run_scoped3A, %dma_wait3A_108] : memref<2x40xi32, #tpu.memory_space<vmem>> -> memref<1x40xi32, #tpu.memory_space<vmem>>
      %dma_wait3A_110 = tpu.memref_squeeze %dma_wait3A_109 : memref<1x40xi32, #tpu.memory_space<vmem>> -> memref<40xi32, #tpu.memory_space<vmem>>
      %dma_wait3A_111 = tpu.memref_slice %arg2[%mul3A_6] : memref<51200xi32, #tpu.memory_space<hbm>> -> memref<40xi32, #tpu.memory_space<hbm>>
      %dma_wait3A_112 = arith.constant 0 : i32
      %dma_wait3A_113 = tpu.memref_slice %arg9[%run_scoped3A, %dma_wait3A_112] : memref<2x40xi32, #tpu.memory_space<vmem>> -> memref<1x40xi32, #tpu.memory_space<vmem>>
      %dma_wait3A_114 = tpu.memref_squeeze %dma_wait3A_113 : memref<1x40xi32, #tpu.memory_space<vmem>> -> memref<40xi32, #tpu.memory_space<vmem>>
      %dma_wait3A_115 = tpu.memref_slice %arg2[%mul3A_6] : memref<51200xi32, #tpu.memory_space<hbm>> -> memref<40xi32, #tpu.memory_space<hbm>>
      tpu.wait_dma2 semaphore(%run_scoped3A_99 : memref<!tpu.dma_semaphore, #tpu.memory_space<semaphore_mem>>) src(%dma_wait3A_115 : memref<40xi32, #tpu.memory_space<hbm>>) dst(%dma_wait3A_114 : memref<40xi32, #tpu.memory_space<vmem>>)
      tpu.yield
    }) : () -> ()
    %dma_start3A = arith.constant 0 : i32
    %dma_start3A_7 = arith.constant 0 : i32
    %dma_start3A_8 = arith.constant 0 : i32
    %dma_start3A_9 = arith.constant 0 : i32
    %dma_start3A_10 = tpu.memref_slice %arg10[%dma_start3A_7, %dma_start3A_8, %dma_start3A_9] : memref<2x40x512xf32, #tpu.memory_space<vmem>> -> memref<1x40x512xf32, #tpu.memory_space<vmem>>
    %dma_start3A_11 = tpu.memref_squeeze %dma_start3A_10 : memref<1x40x512xf32, #tpu.memory_space<vmem>> -> memref<40x512xf32, #tpu.memory_space<vmem>>
    %dma_start3A_12 = arith.constant 0 : i32
    %dma_start3A_13 = tpu.memref_slice %arg9[%dma_start3A, %dma_start3A_12] : memref<2x40xi32, #tpu.memory_space<vmem>> -> memref<1x40xi32, #tpu.memory_space<vmem>>
    %dma_start3A_14 = tpu.memref_squeeze %dma_start3A_13 : memref<1x40xi32, #tpu.memory_space<vmem>> -> memref<40xi32, #tpu.memory_space<vmem>>
    %dma_start3A_15 = arith.constant 0 : i32
    %dma_start3A_16 = arith.constant 0 : i32
    %dma_start3A_17 = tpu.memref_slice %arg5[%dma_start3A_15, %dma_start3A_16] : memref<376x512xf32, #tpu.memory_space<hbm>> -> memref<376x512xf32, #tpu.memory_space<hbm>>
    tpu.enqueue_indirect_dma source(%dma_start3A_17 : memref<376x512xf32, #tpu.memory_space<hbm>>) target(%dma_start3A_11 : memref<40x512xf32, #tpu.memory_space<vmem>>) offsets(%dma_start3A_14 : memref<40xi32, #tpu.memory_space<vmem>>) semaphore(%arg13 : memref<!tpu.dma_semaphore, #tpu.memory_space<semaphore_mem>>)
    %scan3A = arith.constant 0 : i32
    %scan3A_18 = arith.constant 20 : i32
    %scan3A_19 = arith.addi %scan3A, %scan3A_18 : i32
    %scan3A_20 = arith.constant 1 : i32
    scf.for %scan3A_99 = %scan3A to %scan3A_19 step %scan3A_20  : i32 {
      %mul3A_100 = arith.constant 2 : i32
      %mul3A_101 = arith.muli %scan3A_99, %mul3A_100 : i32
      %add3A_102 = arith.constant 0 : i32
      %add3A_103 = arith.addi %mul3A_101, %add3A_102 : i32
      %add3A_104 = arith.constant 1 : i32
      %add3A_105 = arith.addi %add3A_103, %add3A_104 : i32
      %lt3A = arith.constant 40 : i32
      %lt3A_106 = arith.cmpi slt, %add3A_105, %lt3A : i32
      %convert_element_type3A = arith.extui %lt3A_106 : i1 to i32
      %cond3A = arith.constant 0 : i32
      %cond3A_107 = arith.cmpi ne, %convert_element_type3A, %cond3A : i32
      scf.if %cond3A_107 {
        %add3A_161 = arith.constant 1 : i32
        %add3A_162 = arith.addi %add3A_103, %add3A_161 : i32
        %add3A_163 = arith.addi %mul3A_2, %add3A_162 : i32
        %mul3A_164 = arith.constant 40 : i32
        %mul3A_165 = arith.muli %add3A_163, %mul3A_164 : i32
        %run_scoped3A_166 = arith.constant 1 : i32
        "tpu.region"() ({
          %run_scoped3A_179 = tpu.sem_alloc : memref<!tpu.dma_semaphore, #tpu.memory_space<semaphore_mem>>
          %dma_start3A_180 = arith.constant 0 : i32
          %dma_start3A_181 = tpu.memref_slice %arg9[%run_scoped3A_166, %dma_start3A_180] : memref<2x40xi32, #tpu.memory_space<vmem>> -> memref<1x40xi32, #tpu.memory_space<vmem>>
          %dma_start3A_182 = tpu.memref_squeeze %dma_start3A_181 : memref<1x40xi32, #tpu.memory_space<vmem>> -> memref<40xi32, #tpu.memory_space<vmem>>
          %dma_start3A_183 = tpu.memref_slice %arg2[%mul3A_165] : memref<51200xi32, #tpu.memory_space<hbm>> -> memref<40xi32, #tpu.memory_space<hbm>>
          %dma_start3A_184 = arith.constant 0 : i32
          %dma_start3A_185 = tpu.memref_slice %arg9[%run_scoped3A_166, %dma_start3A_184] : memref<2x40xi32, #tpu.memory_space<vmem>> -> memref<1x40xi32, #tpu.memory_space<vmem>>
          %dma_start3A_186 = tpu.memref_squeeze %dma_start3A_185 : memref<1x40xi32, #tpu.memory_space<vmem>> -> memref<40xi32, #tpu.memory_space<vmem>>
          %dma_start3A_187 = tpu.memref_slice %arg2[%mul3A_165] : memref<51200xi32, #tpu.memory_space<hbm>> -> memref<40xi32, #tpu.memory_space<hbm>>
          tpu.enqueue_dma source(%dma_start3A_187 : memref<40xi32, #tpu.memory_space<hbm>>) target(%dma_start3A_186 : memref<40xi32, #tpu.memory_space<vmem>>) target_semaphore(%run_scoped3A_179 : memref<!tpu.dma_semaphore, #tpu.memory_space<semaphore_mem>>)
          %dma_wait3A_188 = arith.constant 0 : i32
          %dma_wait3A_189 = tpu.memref_slice %arg9[%run_scoped3A_166, %dma_wait3A_188] : memref<2x40xi32, #tpu.memory_space<vmem>> -> memref<1x40xi32, #tpu.memory_space<vmem>>
          %dma_wait3A_190 = tpu.memref_squeeze %dma_wait3A_189 : memref<1x40xi32, #tpu.memory_space<vmem>> -> memref<40xi32, #tpu.memory_space<vmem>>
          %dma_wait3A_191 = tpu.memref_slice %arg2[%mul3A_165] : memref<51200xi32, #tpu.memory_space<hbm>> -> memref<40xi32, #tpu.memory_space<hbm>>
          %dma_wait3A_192 = arith.constant 0 : i32
          %dma_wait3A_193 = tpu.memref_slice %arg9[%run_scoped3A_166, %dma_wait3A_192] : memref<2x40xi32, #tpu.memory_space<vmem>> -> memref<1x40xi32, #tpu.memory_space<vmem>>
          %dma_wait3A_194 = tpu.memref_squeeze %dma_wait3A_193 : memref<1x40xi32, #tpu.memory_space<vmem>> -> memref<40xi32, #tpu.memory_space<vmem>>
          %dma_wait3A_195 = tpu.memref_slice %arg2[%mul3A_165] : memref<51200xi32, #tpu.memory_space<hbm>> -> memref<40xi32, #tpu.memory_space<hbm>>
          tpu.wait_dma2 semaphore(%run_scoped3A_179 : memref<!tpu.dma_semaphore, #tpu.memory_space<semaphore_mem>>) src(%dma_wait3A_195 : memref<40xi32, #tpu.memory_space<hbm>>) dst(%dma_wait3A_194 : memref<40xi32, #tpu.memory_space<vmem>>)
          tpu.yield
        }) : () -> ()
        %dma_start3A_167 = arith.constant 1 : i32
        %dma_start3A_168 = arith.constant 1 : i32
        %dma_start3A_169 = arith.constant 0 : i32
        %dma_start3A_170 = arith.constant 0 : i32
        %dma_start3A_171 = tpu.memref_slice %arg10[%dma_start3A_168, %dma_start3A_169, %dma_start3A_170] : memref<2x40x512xf32, #tpu.memory_space<vmem>> -> memref<1x40x512xf32, #tpu.memory_space<vmem>>
        %dma_start3A_172 = tpu.memref_squeeze %dma_start3A_171 : memref<1x40x512xf32, #tpu.memory_space<vmem>> -> memref<40x512xf32, #tpu.memory_space<vmem>>
        %dma_start3A_173 = arith.constant 0 : i32
        %dma_start3A_174 = tpu.memref_slice %arg9[%dma_start3A_167, %dma_start3A_173] : memref<2x40xi32, #tpu.memory_space<vmem>> -> memref<1x40xi32, #tpu.memory_space<vmem>>
        %dma_start3A_175 = tpu.memref_squeeze %dma_start3A_174 : memref<1x40xi32, #tpu.memory_space<vmem>> -> memref<40xi32, #tpu.memory_space<vmem>>
        %dma_start3A_176 = arith.constant 0 : i32
        %dma_start3A_177 = arith.constant 0 : i32
        %dma_start3A_178 = tpu.memref_slice %arg5[%dma_start3A_176, %dma_start3A_177] : memref<376x512xf32, #tpu.memory_space<hbm>> -> memref<376x512xf32, #tpu.memory_space<hbm>>
        tpu.enqueue_indirect_dma source(%dma_start3A_178 : memref<376x512xf32, #tpu.memory_space<hbm>>) target(%dma_start3A_172 : memref<40x512xf32, #tpu.memory_space<vmem>>) offsets(%dma_start3A_175 : memref<40xi32, #tpu.memory_space<vmem>>) semaphore(%arg14 : memref<!tpu.dma_semaphore, #tpu.memory_space<semaphore_mem>>)
      } else {
      }
      %dma_wait3A_108 = arith.constant 0 : i32
      %dma_wait3A_109 = arith.constant 0 : i32
      %dma_wait3A_110 = arith.constant 0 : i32
      %dma_wait3A_111 = arith.constant 0 : i32
      %dma_wait3A_112 = tpu.memref_slice %arg10[%dma_wait3A_109, %dma_wait3A_110, %dma_wait3A_111] : memref<2x40x512xf32, #tpu.memory_space<vmem>> -> memref<1x40x512xf32, #tpu.memory_space<vmem>>
      %dma_wait3A_113 = tpu.memref_squeeze %dma_wait3A_112 : memref<1x40x512xf32, #tpu.memory_space<vmem>> -> memref<40x512xf32, #tpu.memory_space<vmem>>
      %dma_wait3A_114 = arith.constant 0 : i32
      %dma_wait3A_115 = tpu.memref_slice %arg9[%dma_wait3A_108, %dma_wait3A_114] : memref<2x40xi32, #tpu.memory_space<vmem>> -> memref<1x40xi32, #tpu.memory_space<vmem>>
      %dma_wait3A_116 = tpu.memref_squeeze %dma_wait3A_115 : memref<1x40xi32, #tpu.memory_space<vmem>> -> memref<40xi32, #tpu.memory_space<vmem>>
      %dma_wait3A_117 = arith.constant 0 : i32
      %dma_wait3A_118 = arith.constant 0 : i32
      %dma_wait3A_119 = tpu.memref_slice %arg5[%dma_wait3A_117, %dma_wait3A_118] : memref<376x512xf32, #tpu.memory_space<hbm>> -> memref<376x512xf32, #tpu.memory_space<hbm>>
      tpu.wait_indirect_dma semaphore(%arg13 : memref<!tpu.dma_semaphore, #tpu.memory_space<semaphore_mem>>) src(%dma_wait3A_119 : memref<376x512xf32, #tpu.memory_space<hbm>>) dst(%dma_wait3A_113 : memref<40x512xf32, #tpu.memory_space<vmem>>)
      %scan3A_120 = arith.constant 0 : i32
      %scan3A_121 = arith.constant 8 : i32
      %scan3A_122 = arith.addi %scan3A_120, %scan3A_121 : i32
      %scan3A_123 = arith.constant 1 : i32
      scf.for %scan3A_161 = %scan3A_120 to %scan3A_122 step %scan3A_123  : i32 {
        %get3A = arith.constant 0 : i32
        %get3A_162 = arith.index_cast %get3A : i32 to index
        %get3A_163 = arith.index_cast %scan3A_161 : i32 to index
        %get3A_164 = arith.constant 0 : index
        %get3A_165 = tpu.vector_load %arg10[%get3A_162, %get3A_163, %get3A_164] {strides = array<i32>} : memref<2x40x512xf32, #tpu.memory_space<vmem>>, vector<1x1x16xf32>,
        %get3A_166 = vector.shape_cast %get3A_165 : vector<1x1x16xf32> to vector<16xf32>
        %add3A_167 = arith.constant 8 : i32
        %add3A_168 = arith.addi %add3A_167, %scan3A_161 : i32
        %get3A_169 = arith.constant 0 : i32
        %get3A_170 = arith.index_cast %get3A_169 : i32 to index
        %get3A_171 = arith.index_cast %add3A_168 : i32 to index
        %get3A_172 = arith.constant 0 : index
        %get3A_173 = tpu.vector_load %arg10[%get3A_170, %get3A_171, %get3A_172] {strides = array<i32>} : memref<2x40x512xf32, #tpu.memory_space<vmem>>, vector<1x1x16xf32>,
        %get3A_174 = vector.shape_cast %get3A_173 : vector<1x1x16xf32> to vector<16xf32>
        %add3A_175 = arith.addf %get3A_166, %get3A_174 : vector<16xf32>
        %add3A_176 = arith.constant 16 : i32
        %add3A_177 = arith.addi %add3A_176, %scan3A_161 : i32
        %get3A_178 = arith.constant 0 : i32
        %get3A_179 = arith.index_cast %get3A_178 : i32 to index
        %get3A_180 = arith.index_cast %add3A_177 : i32 to index
        %get3A_181 = arith.constant 0 : index
        %get3A_182 = tpu.vector_load %arg10[%get3A_179, %get3A_180, %get3A_181] {strides = array<i32>} : memref<2x40x512xf32, #tpu.memory_space<vmem>>, vector<1x1x16xf32>,
        %get3A_183 = vector.shape_cast %get3A_182 : vector<1x1x16xf32> to vector<16xf32>
        %add3A_184 = arith.addf %add3A_175, %get3A_183 : vector<16xf32>
        %add3A_185 = arith.constant 24 : i32
        %add3A_186 = arith.addi %add3A_185, %scan3A_161 : i32
        %get3A_187 = arith.constant 0 : i32
        %get3A_188 = arith.index_cast %get3A_187 : i32 to index
        %get3A_189 = arith.index_cast %add3A_186 : i32 to index
        %get3A_190 = arith.constant 0 : index
        %get3A_191 = tpu.vector_load %arg10[%get3A_188, %get3A_189, %get3A_190] {strides = array<i32>} : memref<2x40x512xf32, #tpu.memory_space<vmem>>, vector<1x1x16xf32>,
        %get3A_192 = vector.shape_cast %get3A_191 : vector<1x1x16xf32> to vector<16xf32>
        %add3A_193 = arith.addf %add3A_184, %get3A_192 : vector<16xf32>
        %add3A_194 = arith.constant 32 : i32
        %add3A_195 = arith.addi %add3A_194, %scan3A_161 : i32
        %get3A_196 = arith.constant 0 : i32
        %get3A_197 = arith.index_cast %get3A_196 : i32 to index
        %get3A_198 = arith.index_cast %add3A_195 : i32 to index
        %get3A_199 = arith.constant 0 : index
        %get3A_200 = tpu.vector_load %arg10[%get3A_197, %get3A_198, %get3A_199] {strides = array<i32>} : memref<2x40x512xf32, #tpu.memory_space<vmem>>, vector<1x1x16xf32>,
        %get3A_201 = vector.shape_cast %get3A_200 : vector<1x1x16xf32> to vector<16xf32>
        %add3A_202 = arith.addf %add3A_193, %get3A_201 : vector<16xf32>
        %swap3A = arith.constant 0 : i32
        %swap3A_203 = arith.index_cast %swap3A : i32 to index
        %swap3A_204 = arith.index_cast %scan3A_161 : i32 to index
        %swap3A_205 = arith.constant 0 : index
        %swap3A_206 = tpu.vector_load %arg10[%swap3A_203, %swap3A_204, %swap3A_205] {strides = array<i32>} : memref<2x40x512xf32, #tpu.memory_space<vmem>>, vector<1x1x16xf32>,
        %swap3A_207 = vector.shape_cast %swap3A_206 : vector<1x1x16xf32> to vector<16xf32>
        %swap3A_208 = vector.shape_cast %add3A_202 : vector<16xf32> to vector<1x1x16xf32>
        tpu.vector_store %arg10[%swap3A_203, %swap3A_204, %swap3A_205], %swap3A_208 {strides = array<i32>} : memref<2x40x512xf32, #tpu.memory_space<vmem>>, vector<1x1x16xf32>,
        %get3A_209 = arith.constant 0 : i32
        %get3A_210 = arith.index_cast %get3A_209 : i32 to index
        %get3A_211 = arith.index_cast %scan3A_161 : i32 to index
        %get3A_212 = arith.constant 16 : index
        %get3A_213 = tpu.vector_load %arg10[%get3A_210, %get3A_211, %get3A_212] {strides = array<i32>} : memref<2x40x512xf32, #tpu.memory_space<vmem>>, vector<1x1x16xf32>,
        %get3A_214 = vector.shape_cast %get3A_213 : vector<1x1x16xf32> to vector<16xf32>
        %add3A_215 = arith.constant 8 : i32
        %add3A_216 = arith.addi %add3A_215, %scan3A_161 : i32
        %get3A_217 = arith.constant 0 : i32
        %get3A_218 = arith.index_cast %get3A_217 : i32 to index
        %get3A_219 = arith.index_cast %add3A_216 : i32 to index
        %get3A_220 = arith.constant 16 : index
        %get3A_221 = tpu.vector_load %arg10[%get3A_218, %get3A_219, %get3A_220] {strides = array<i32>} : memref<2x40x512xf32, #tpu.memory_space<vmem>>, vector<1x1x16xf32>,
        %get3A_222 = vector.shape_cast %get3A_221 : vector<1x1x16xf32> to vector<16xf32>
        %add3A_223 = arith.addf %get3A_214, %get3A_222 : vector<16xf32>
        %add3A_224 = arith.constant 16 : i32
        %add3A_225 = arith.addi %add3A_224, %scan3A_161 : i32
        %get3A_226 = arith.constant 0 : i32
        %get3A_227 = arith.index_cast %get3A_226 : i32 to index
        %get3A_228 = arith.index_cast %add3A_225 : i32 to index
        %get3A_229 = arith.constant 16 : index
        %get3A_230 = tpu.vector_load %arg10[%get3A_227, %get3A_228, %get3A_229] {strides = array<i32>} : memref<2x40x512xf32, #tpu.memory_space<vmem>>, vector<1x1x16xf32>,
        %get3A_231 = vector.shape_cast %get3A_230 : vector<1x1x16xf32> to vector<16xf32>
        %add3A_232 = arith.addf %add3A_223, %get3A_231 : vector<16xf32>
        %add3A_233 = arith.constant 24 : i32
        %add3A_234 = arith.addi %add3A_233, %scan3A_161 : i32
        %get3A_235 = arith.constant 0 : i32
        %get3A_236 = arith.index_cast %get3A_235 : i32 to index
        %get3A_237 = arith.index_cast %add3A_234 : i32 to index
        %get3A_238 = arith.constant 16 : index
        %get3A_239 = tpu.vector_load %arg10[%get3A_236, %get3A_237, %get3A_238] {strides = array<i32>} : memref<2x40x512xf32, #tpu.memory_space<vmem>>, vector<1x1x16xf32>,
        %get3A_240 = vector.shape_cast %get3A_239 : vector<1x1x16xf32> to vector<16xf32>
        %add3A_241 = arith.addf %add3A_232, %get3A_240 : vector<16xf32>
        %add3A_242 = arith.constant 32 : i32
        %add3A_243 = arith.addi %add3A_242, %scan3A_161 : i32
        %get3A_244 = arith.constant 0 : i32
        %get3A_245 = arith.index_cast %get3A_244 : i32 to index
        %get3A_246 = arith.index_cast %add3A_243 : i32 to index
        %get3A_247 = arith.constant 16 : index
        %get3A_248 = tpu.vector_load %arg10[%get3A_245, %get3A_246, %get3A_247] {strides = array<i32>} : memref<2x40x512xf32, #tpu.memory_space<vmem>>, vector<1x1x16xf32>,
        %get3A_249 = vector.shape_cast %get3A_248 : vector<1x1x16xf32> to vector<16xf32>
        %add3A_250 = arith.addf %add3A_241, %get3A_249 : vector<16xf32>
        %swap3A_251 = arith.constant 0 : i32
        %swap3A_252 = arith.index_cast %swap3A_251 : i32 to index
        %swap3A_253 = arith.index_cast %scan3A_161 : i32 to index
        %swap3A_254 = arith.constant 16 : index
        %swap3A_255 = tpu.vector_load %arg10[%swap3A_252, %swap3A_253, %swap3A_254] {strides = array<i32>} : memref<2x40x512xf32, #tpu.memory_space<vmem>>, vector<1x1x16xf32>,
        %swap3A_256 = vector.shape_cast %swap3A_255 : vector<1x1x16xf32> to vector<16xf32>
        %swap3A_257 = vector.shape_cast %add3A_250 : vector<16xf32> to vector<1x1x16xf32>
        tpu.vector_store %arg10[%swap3A_252, %swap3A_253, %swap3A_254], %swap3A_257 {strides = array<i32>} : memref<2x40x512xf32, #tpu.memory_space<vmem>>, vector<1x1x16xf32>,
        %get3A_258 = arith.constant 0 : i32
        %get3A_259 = arith.index_cast %get3A_258 : i32 to index
        %get3A_260 = arith.index_cast %scan3A_161 : i32 to index
        %get3A_261 = arith.constant 32 : index
        %get3A_262 = tpu.vector_load %arg10[%get3A_259, %get3A_260, %get3A_261] {strides = array<i32>} : memref<2x40x512xf32, #tpu.memory_space<vmem>>, vector<1x1x16xf32>,
        %get3A_263 = vector.shape_cast %get3A_262 : vector<1x1x16xf32> to vector<16xf32>
        %add3A_264 = arith.constant 8 : i32
        %add3A_265 = arith.addi %add3A_264, %scan3A_161 : i32
        %get3A_266 = arith.constant 0 : i32
        %get3A_267 = arith.index_cast %get3A_266 : i32 to index
        %get3A_268 = arith.index_cast %add3A_265 : i32 to index
        %get3A_269 = arith.constant 32 : index
        %get3A_270 = tpu.vector_load %arg10[%get3A_267, %get3A_268, %get3A_269] {strides = array<i32>} : memref<2x40x512xf32, #tpu.memory_space<vmem>>, vector<1x1x16xf32>,
        %get3A_271 = vector.shape_cast %get3A_270 : vector<1x1x16xf32> to vector<16xf32>
        %add3A_272 = arith.addf %get3A_263, %get3A_271 : vector<16xf32>
        %add3A_273 = arith.constant 16 : i32
        %add3A_274 = arith.addi %add3A_273, %scan3A_161 : i32
        %get3A_275 = arith.constant 0 : i32
        %get3A_276 = arith.index_cast %get3A_275 : i32 to index
        %get3A_277 = arith.index_cast %add3A_274 : i32 to index
        %get3A_278 = arith.constant 32 : index
        %get3A_279 = tpu.vector_load %arg10[%get3A_276, %get3A_277, %get3A_278] {strides = array<i32>} : memref<2x40x512xf32, #tpu.memory_space<vmem>>, vector<1x1x16xf32>,
        %get3A_280 = vector.shape_cast %get3A_279 : vector<1x1x16xf32> to vector<16xf32>
        %add3A_281 = arith.addf %add3A_272, %get3A_280 : vector<16xf32>
        %add3A_282 = arith.constant 24 : i32
        %add3A_283 = arith.addi %add3A_282, %scan3A_161 : i32
        %get3A_284 = arith.constant 0 : i32
        %get3A_285 = arith.index_cast %get3A_284 : i32 to index
        %get3A_286 = arith.index_cast %add3A_283 : i32 to index
        %get3A_287 = arith.constant 32 : index
        %get3A_288 = tpu.vector_load %arg10[%get3A_285, %get3A_286, %get3A_287] {strides = array<i32>} : memref<2x40x512xf32, #tpu.memory_space<vmem>>, vector<1x1x16xf32>,
        %get3A_289 = vector.shape_cast %get3A_288 : vector<1x1x16xf32> to vector<16xf32>
        %add3A_290 = arith.addf %add3A_281, %get3A_289 : vector<16xf32>
        %add3A_291 = arith.constant 32 : i32
        %add3A_292 = arith.addi %add3A_291, %scan3A_161 : i32
        %get3A_293 = arith.constant 0 : i32
        %get3A_294 = arith.index_cast %get3A_293 : i32 to index
        %get3A_295 = arith.index_cast %add3A_292 : i32 to index
        %get3A_296 = arith.constant 32 : index
        %get3A_297 = tpu.vector_load %arg10[%get3A_294, %get3A_295, %get3A_296] {strides = array<i32>} : memref<2x40x512xf32, #tpu.memory_space<vmem>>, vector<1x1x16xf32>,
        %get3A_298 = vector.shape_cast %get3A_297 : vector<1x1x16xf32> to vector<16xf32>
        %add3A_299 = arith.addf %add3A_290, %get3A_298 : vector<16xf32>
        %swap3A_300 = arith.constant 0 : i32
        %swap3A_301 = arith.index_cast %swap3A_300 : i32 to index
        %swap3A_302 = arith.index_cast %scan3A_161 : i32 to index
        %swap3A_303 = arith.constant 32 : index
        %swap3A_304 = tpu.vector_load %arg10[%swap3A_301, %swap3A_302, %swap3A_303] {strides = array<i32>} : memref<2x40x512xf32, #tpu.memory_space<vmem>>, vector<1x1x16xf32>,
        %swap3A_305 = vector.shape_cast %swap3A_304 : vector<1x1x16xf32> to vector<16xf32>
        %swap3A_306 = vector.shape_cast %add3A_299 : vector<16xf32> to vector<1x1x16xf32>
        tpu.vector_store %arg10[%swap3A_301, %swap3A_302, %swap3A_303], %swap3A_306 {strides = array<i32>} : memref<2x40x512xf32, #tpu.memory_space<vmem>>, vector<1x1x16xf32>,
        %get3A_307 = arith.constant 0 : i32
        %get3A_308 = arith.index_cast %get3A_307 : i32 to index
        %get3A_309 = arith.index_cast %scan3A_161 : i32 to index
        %get3A_310 = arith.constant 48 : index
        %get3A_311 = tpu.vector_load %arg10[%get3A_308, %get3A_309, %get3A_310] {strides = array<i32>} : memref<2x40x512xf32, #tpu.memory_space<vmem>>, vector<1x1x16xf32>,
        %get3A_312 = vector.shape_cast %get3A_311 : vector<1x1x16xf32> to vector<16xf32>
        %add3A_313 = arith.constant 8 : i32
        %add3A_314 = arith.addi %add3A_313, %scan3A_161 : i32
        %get3A_315 = arith.constant 0 : i32
        %get3A_316 = arith.index_cast %get3A_315 : i32 to index
        %get3A_317 = arith.index_cast %add3A_314 : i32 to index
        %get3A_318 = arith.constant 48 : index
        %get3A_319 = tpu.vector_load %arg10[%get3A_316, %get3A_317, %get3A_318] {strides = array<i32>} : memref<2x40x512xf32, #tpu.memory_space<vmem>>, vector<1x1x16xf32>,
        %get3A_320 = vector.shape_cast %get3A_319 : vector<1x1x16xf32> to vector<16xf32>
        %add3A_321 = arith.addf %get3A_312, %get3A_320 : vector<16xf32>
        %add3A_322 = arith.constant 16 : i32
        %add3A_323 = arith.addi %add3A_322, %scan3A_161 : i32
        %get3A_324 = arith.constant 0 : i32
        %get3A_325 = arith.index_cast %get3A_324 : i32 to index
        %get3A_326 = arith.index_cast %add3A_323 : i32 to index
        %get3A_327 = arith.constant 48 : index
        %get3A_328 = tpu.vector_load %arg10[%get3A_325, %get3A_326, %get3A_327] {strides = array<i32>} : memref<2x40x512xf32, #tpu.memory_space<vmem>>, vector<1x1x16xf32>,
        %get3A_329 = vector.shape_cast %get3A_328 : vector<1x1x16xf32> to vector<16xf32>
        %add3A_330 = arith.addf %add3A_321, %get3A_329 : vector<16xf32>
        %add3A_331 = arith.constant 24 : i32
        %add3A_332 = arith.addi %add3A_331, %scan3A_161 : i32
        %get3A_333 = arith.constant 0 : i32
        %get3A_334 = arith.index_cast %get3A_333 : i32 to index
        %get3A_335 = arith.index_cast %add3A_332 : i32 to index
        %get3A_336 = arith.constant 48 : index
        %get3A_337 = tpu.vector_load %arg10[%get3A_334, %get3A_335, %get3A_336] {strides = array<i32>} : memref<2x40x512xf32, #tpu.memory_space<vmem>>, vector<1x1x16xf32>,
        %get3A_338 = vector.shape_cast %get3A_337 : vector<1x1x16xf32> to vector<16xf32>
        %add3A_339 = arith.addf %add3A_330, %get3A_338 : vector<16xf32>
        %add3A_340 = arith.constant 32 : i32
        %add3A_341 = arith.addi %add3A_340, %scan3A_161 : i32
        %get3A_342 = arith.constant 0 : i32
        %get3A_343 = arith.index_cast %get3A_342 : i32 to index
        %get3A_344 = arith.index_cast %add3A_341 : i32 to index
        %get3A_345 = arith.constant 48 : index
        %get3A_346 = tpu.vector_load %arg10[%get3A_343, %get3A_344, %get3A_345] {strides = array<i32>} : memref<2x40x512xf32, #tpu.memory_space<vmem>>, vector<1x1x16xf32>,
        %get3A_347 = vector.shape_cast %get3A_346 : vector<1x1x16xf32> to vector<16xf32>
        %add3A_348 = arith.addf %add3A_339, %get3A_347 : vector<16xf32>
        %swap3A_349 = arith.constant 0 : i32
        %swap3A_350 = arith.index_cast %swap3A_349 : i32 to index
        %swap3A_351 = arith.index_cast %scan3A_161 : i32 to index
        %swap3A_352 = arith.constant 48 : index
        %swap3A_353 = tpu.vector_load %arg10[%swap3A_350, %swap3A_351, %swap3A_352] {strides = array<i32>} : memref<2x40x512xf32, #tpu.memory_space<vmem>>, vector<1x1x16xf32>,
        %swap3A_354 = vector.shape_cast %swap3A_353 : vector<1x1x16xf32> to vector<16xf32>
        %swap3A_355 = vector.shape_cast %add3A_348 : vector<16xf32> to vector<1x1x16xf32>
        tpu.vector_store %arg10[%swap3A_350, %swap3A_351, %swap3A_352], %swap3A_355 {strides = array<i32>} : memref<2x40x512xf32, #tpu.memory_space<vmem>>, vector<1x1x16xf32>,
        %get3A_356 = arith.constant 0 : i32
        %get3A_357 = arith.index_cast %get3A_356 : i32 to index
        %get3A_358 = arith.index_cast %scan3A_161 : i32 to index
        %get3A_359 = arith.constant 64 : index
        %get3A_360 = tpu.vector_load %arg10[%get3A_357, %get3A_358, %get3A_359] {strides = array<i32>} : memref<2x40x512xf32, #tpu.memory_space<vmem>>, vector<1x1x16xf32>,
        %get3A_361 = vector.shape_cast %get3A_360 : vector<1x1x16xf32> to vector<16xf32>
        %add3A_362 = arith.constant 8 : i32
        %add3A_363 = arith.addi %add3A_362, %scan3A_161 : i32
        %get3A_364 = arith.constant 0 : i32
        %get3A_365 = arith.index_cast %get3A_364 : i32 to index
        %get3A_366 = arith.index_cast %add3A_363 : i32 to index
        %get3A_367 = arith.constant 64 : index
        %get3A_368 = tpu.vector_load %arg10[%get3A_365, %get3A_366, %get3A_367] {strides = array<i32>} : memref<2x40x512xf32, #tpu.memory_space<vmem>>, vector<1x1x16xf32>,
        %get3A_369 = vector.shape_cast %get3A_368 : vector<1x1x16xf32> to vector<16xf32>
        %add3A_370 = arith.addf %get3A_361, %get3A_369 : vector<16xf32>
        %add3A_371 = arith.constant 16 : i32
        %add3A_372 = arith.addi %add3A_371, %scan3A_161 : i32
        %get3A_373 = arith.constant 0 : i32
        %get3A_374 = arith.index_cast %get3A_373 : i32 to index
        %get3A_375 = arith.index_cast %add3A_372 : i32 to index
        %get3A_376 = arith.constant 64 : index
        %get3A_377 = tpu.vector_load %arg10[%get3A_374, %get3A_375, %get3A_376] {strides = array<i32>} : memref<2x40x512xf32, #tpu.memory_space<vmem>>, vector<1x1x16xf32>,
        %get3A_378 = vector.shape_cast %get3A_377 : vector<1x1x16xf32> to vector<16xf32>
        %add3A_379 = arith.addf %add3A_370, %get3A_378 : vector<16xf32>
        %add3A_380 = arith.constant 24 : i32
        %add3A_381 = arith.addi %add3A_380, %scan3A_161 : i32
        %get3A_382 = arith.constant 0 : i32
        %get3A_383 = arith.index_cast %get3A_382 : i32 to index
        %get3A_384 = arith.index_cast %add3A_381 : i32 to index
        %get3A_385 = arith.constant 64 : index
        %get3A_386 = tpu.vector_load %arg10[%get3A_383, %get3A_384, %get3A_385] {strides = array<i32>} : memref<2x40x512xf32, #tpu.memory_space<vmem>>, vector<1x1x16xf32>,
        %get3A_387 = vector.shape_cast %get3A_386 : vector<1x1x16xf32> to vector<16xf32>
        %add3A_388 = arith.addf %add3A_379, %get3A_387 : vector<16xf32>
        %add3A_389 = arith.constant 32 : i32
        %add3A_390 = arith.addi %add3A_389, %scan3A_161 : i32
        %get3A_391 = arith.constant 0 : i32
        %get3A_392 = arith.index_cast %get3A_391 : i32 to index
        %get3A_393 = arith.index_cast %add3A_390 : i32 to index
        %get3A_394 = arith.constant 64 : index
        %get3A_395 = tpu.vector_load %arg10[%get3A_392, %get3A_393, %get3A_394] {strides = array<i32>} : memref<2x40x512xf32, #tpu.memory_space<vmem>>, vector<1x1x16xf32>,
        %get3A_396 = vector.shape_cast %get3A_395 : vector<1x1x16xf32> to vector<16xf32>
        %add3A_397 = arith.addf %add3A_388, %get3A_396 : vector<16xf32>
        %swap3A_398 = arith.constant 0 : i32
        %swap3A_399 = arith.index_cast %swap3A_398 : i32 to index
        %swap3A_400 = arith.index_cast %scan3A_161 : i32 to index
        %swap3A_401 = arith.constant 64 : index
        %swap3A_402 = tpu.vector_load %arg10[%swap3A_399, %swap3A_400, %swap3A_401] {strides = array<i32>} : memref<2x40x512xf32, #tpu.memory_space<vmem>>, vector<1x1x16xf32>,
        %swap3A_403 = vector.shape_cast %swap3A_402 : vector<1x1x16xf32> to vector<16xf32>
        %swap3A_404 = vector.shape_cast %add3A_397 : vector<16xf32> to vector<1x1x16xf32>
        tpu.vector_store %arg10[%swap3A_399, %swap3A_400, %swap3A_401], %swap3A_404 {strides = array<i32>} : memref<2x40x512xf32, #tpu.memory_space<vmem>>, vector<1x1x16xf32>,
        %get3A_405 = arith.constant 0 : i32
        %get3A_406 = arith.index_cast %get3A_405 : i32 to index
        %get3A_407 = arith.index_cast %scan3A_161 : i32 to index
        %get3A_408 = arith.constant 80 : index
        %get3A_409 = tpu.vector_load %arg10[%get3A_406, %get3A_407, %get3A_408] {strides = array<i32>} : memref<2x40x512xf32, #tpu.memory_space<vmem>>, vector<1x1x16xf32>,
        %get3A_410 = vector.shape_cast %get3A_409 : vector<1x1x16xf32> to vector<16xf32>
        %add3A_411 = arith.constant 8 : i32
        %add3A_412 = arith.addi %add3A_411, %scan3A_161 : i32
        %get3A_413 = arith.constant 0 : i32
        %get3A_414 = arith.index_cast %get3A_413 : i32 to index
        %get3A_415 = arith.index_cast %add3A_412 : i32 to index
        %get3A_416 = arith.constant 80 : index
        %get3A_417 = tpu.vector_load %arg10[%get3A_414, %get3A_415, %get3A_416] {strides = array<i32>} : memref<2x40x512xf32, #tpu.memory_space<vmem>>, vector<1x1x16xf32>,
        %get3A_418 = vector.shape_cast %get3A_417 : vector<1x1x16xf32> to vector<16xf32>
        %add3A_419 = arith.addf %get3A_410, %get3A_418 : vector<16xf32>
        %add3A_420 = arith.constant 16 : i32
        %add3A_421 = arith.addi %add3A_420, %scan3A_161 : i32
        %get3A_422 = arith.constant 0 : i32
        %get3A_423 = arith.index_cast %get3A_422 : i32 to index
        %get3A_424 = arith.index_cast %add3A_421 : i32 to index
        %get3A_425 = arith.constant 80 : index
        %get3A_426 = tpu.vector_load %arg10[%get3A_423, %get3A_424, %get3A_425] {strides = array<i32>} : memref<2x40x512xf32, #tpu.memory_space<vmem>>, vector<1x1x16xf32>,
        %get3A_427 = vector.shape_cast %get3A_426 : vector<1x1x16xf32> to vector<16xf32>
        %add3A_428 = arith.addf %add3A_419, %get3A_427 : vector<16xf32>
        %add3A_429 = arith.constant 24 : i32
        %add3A_430 = arith.addi %add3A_429, %scan3A_161 : i32
        %get3A_431 = arith.constant 0 : i32
        %get3A_432 = arith.index_cast %get3A_431 : i32 to index
        %get3A_433 = arith.index_cast %add3A_430 : i32 to index
        %get3A_434 = arith.constant 80 : index
        %get3A_435 = tpu.vector_load %arg10[%get3A_432, %get3A_433, %get3A_434] {strides = array<i32>} : memref<2x40x512xf32, #tpu.memory_space<vmem>>, vector<1x1x16xf32>,
        %get3A_436 = vector.shape_cast %get3A_435 : vector<1x1x16xf32> to vector<16xf32>
        %add3A_437 = arith.addf %add3A_428, %get3A_436 : vector<16xf32>
        %add3A_438 = arith.constant 32 : i32
        %add3A_439 = arith.addi %add3A_438, %scan3A_161 : i32
        %get3A_440 = arith.constant 0 : i32
        %get3A_441 = arith.index_cast %get3A_440 : i32 to index
        %get3A_442 = arith.index_cast %add3A_439 : i32 to index
        %get3A_443 = arith.constant 80 : index
        %get3A_444 = tpu.vector_load %arg10[%get3A_441, %get3A_442, %get3A_443] {strides = array<i32>} : memref<2x40x512xf32, #tpu.memory_space<vmem>>, vector<1x1x16xf32>,
        %get3A_445 = vector.shape_cast %get3A_444 : vector<1x1x16xf32> to vector<16xf32>
        %add3A_446 = arith.addf %add3A_437, %get3A_445 : vector<16xf32>
        %swap3A_447 = arith.constant 0 : i32
        %swap3A_448 = arith.index_cast %swap3A_447 : i32 to index
        %swap3A_449 = arith.index_cast %scan3A_161 : i32 to index
        %swap3A_450 = arith.constant 80 : index
        %swap3A_451 = tpu.vector_load %arg10[%swap3A_448, %swap3A_449, %swap3A_450] {strides = array<i32>} : memref<2x40x512xf32, #tpu.memory_space<vmem>>, vector<1x1x16xf32>,
        %swap3A_452 = vector.shape_cast %swap3A_451 : vector<1x1x16xf32> to vector<16xf32>
        %swap3A_453 = vector.shape_cast %add3A_446 : vector<16xf32> to vector<1x1x16xf32>
        tpu.vector_store %arg10[%swap3A_448, %swap3A_449, %swap3A_450], %swap3A_453 {strides = array<i32>} : memref<2x40x512xf32, #tpu.memory_space<vmem>>, vector<1x1x16xf32>,
        %get3A_454 = arith.constant 0 : i32
        %get3A_455 = arith.index_cast %get3A_454 : i32 to index
        %get3A_456 = arith.index_cast %scan3A_161 : i32 to index
        %get3A_457 = arith.constant 96 : index
        %get3A_458 = tpu.vector_load %arg10[%get3A_455, %get3A_456, %get3A_457] {strides = array<i32>} : memref<2x40x512xf32, #tpu.memory_space<vmem>>, vector<1x1x16xf32>,
        %get3A_459 = vector.shape_cast %get3A_458 : vector<1x1x16xf32> to vector<16xf32>
        %add3A_460 = arith.constant 8 : i32
        %add3A_461 = arith.addi %add3A_460, %scan3A_161 : i32
        %get3A_462 = arith.constant 0 : i32
        %get3A_463 = arith.index_cast %get3A_462 : i32 to index
        %get3A_464 = arith.index_cast %add3A_461 : i32 to index
        %get3A_465 = arith.constant 96 : index
        %get3A_466 = tpu.vector_load %arg10[%get3A_463, %get3A_464, %get3A_465] {strides = array<i32>} : memref<2x40x512xf32, #tpu.memory_space<vmem>>, vector<1x1x16xf32>,
        %get3A_467 = vector.shape_cast %get3A_466 : vector<1x1x16xf32> to vector<16xf32>
        %add3A_468 = arith.addf %get3A_459, %get3A_467 : vector<16xf32>
        %add3A_469 = arith.constant 16 : i32
        %add3A_470 = arith.addi %add3A_469, %scan3A_161 : i32
        %get3A_471 = arith.constant 0 : i32
        %get3A_472 = arith.index_cast %get3A_471 : i32 to index
        %get3A_473 = arith.index_cast %add3A_470 : i32 to index
        %get3A_474 = arith.constant 96 : index
        %get3A_475 = tpu.vector_load %arg10[%get3A_472, %get3A_473, %get3A_474] {strides = array<i32>} : memref<2x40x512xf32, #tpu.memory_space<vmem>>, vector<1x1x16xf32>,
        %get3A_476 = vector.shape_cast %get3A_475 : vector<1x1x16xf32> to vector<16xf32>
        %add3A_477 = arith.addf %add3A_468, %get3A_476 : vector<16xf32>
        %add3A_478 = arith.constant 24 : i32
        %add3A_479 = arith.addi %add3A_478, %scan3A_161 : i32
        %get3A_480 = arith.constant 0 : i32
        %get3A_481 = arith.index_cast %get3A_480 : i32 to index
        %get3A_482 = arith.index_cast %add3A_479 : i32 to index
        %get3A_483 = arith.constant 96 : index
        %get3A_484 = tpu.vector_load %arg10[%get3A_481, %get3A_482, %get3A_483] {strides = array<i32>} : memref<2x40x512xf32, #tpu.memory_space<vmem>>, vector<1x1x16xf32>,
        %get3A_485 = vector.shape_cast %get3A_484 : vector<1x1x16xf32> to vector<16xf32>
        %add3A_486 = arith.addf %add3A_477, %get3A_485 : vector<16xf32>
        %add3A_487 = arith.constant 32 : i32
        %add3A_488 = arith.addi %add3A_487, %scan3A_161 : i32
        %get3A_489 = arith.constant 0 : i32
        %get3A_490 = arith.index_cast %get3A_489 : i32 to index
        %get3A_491 = arith.index_cast %add3A_488 : i32 to index
        %get3A_492 = arith.constant 96 : index
        %get3A_493 = tpu.vector_load %arg10[%get3A_490, %get3A_491, %get3A_492] {strides = array<i32>} : memref<2x40x512xf32, #tpu.memory_space<vmem>>, vector<1x1x16xf32>,
        %get3A_494 = vector.shape_cast %get3A_493 : vector<1x1x16xf32> to vector<16xf32>
        %add3A_495 = arith.addf %add3A_486, %get3A_494 : vector<16xf32>
        %swap3A_496 = arith.constant 0 : i32
        %swap3A_497 = arith.index_cast %swap3A_496 : i32 to index
        %swap3A_498 = arith.index_cast %scan3A_161 : i32 to index
        %swap3A_499 = arith.constant 96 : index
        %swap3A_500 = tpu.vector_load %arg10[%swap3A_497, %swap3A_498, %swap3A_499] {strides = array<i32>} : memref<2x40x512xf32, #tpu.memory_space<vmem>>, vector<1x1x16xf32>,
        %swap3A_501 = vector.shape_cast %swap3A_500 : vector<1x1x16xf32> to vector<16xf32>
        %swap3A_502 = vector.shape_cast %add3A_495 : vector<16xf32> to vector<1x1x16xf32>
        tpu.vector_store %arg10[%swap3A_497, %swap3A_498, %swap3A_499], %swap3A_502 {strides = array<i32>} : memref<2x40x512xf32, #tpu.memory_space<vmem>>, vector<1x1x16xf32>,
        %get3A_503 = arith.constant 0 : i32
        %get3A_504 = arith.index_cast %get3A_503 : i32 to index
        %get3A_505 = arith.index_cast %scan3A_161 : i32 to index
        %get3A_506 = arith.constant 112 : index
        %get3A_507 = tpu.vector_load %arg10[%get3A_504, %get3A_505, %get3A_506] {strides = array<i32>} : memref<2x40x512xf32, #tpu.memory_space<vmem>>, vector<1x1x16xf32>,
        %get3A_508 = vector.shape_cast %get3A_507 : vector<1x1x16xf32> to vector<16xf32>
        %add3A_509 = arith.constant 8 : i32
        %add3A_510 = arith.addi %add3A_509, %scan3A_161 : i32
        %get3A_511 = arith.constant 0 : i32
        %get3A_512 = arith.index_cast %get3A_511 : i32 to index
        %get3A_513 = arith.index_cast %add3A_510 : i32 to index
        %get3A_514 = arith.constant 112 : index
        %get3A_515 = tpu.vector_load %arg10[%get3A_512, %get3A_513, %get3A_514] {strides = array<i32>} : memref<2x40x512xf32, #tpu.memory_space<vmem>>, vector<1x1x16xf32>,
        %get3A_516 = vector.shape_cast %get3A_515 : vector<1x1x16xf32> to vector<16xf32>
        %add3A_517 = arith.addf %get3A_508, %get3A_516 : vector<16xf32>
        %add3A_518 = arith.constant 16 : i32
        %add3A_519 = arith.addi %add3A_518, %scan3A_161 : i32
        %get3A_520 = arith.constant 0 : i32
        %get3A_521 = arith.index_cast %get3A_520 : i32 to index
        %get3A_522 = arith.index_cast %add3A_519 : i32 to index
        %get3A_523 = arith.constant 112 : index
        %get3A_524 = tpu.vector_load %arg10[%get3A_521, %get3A_522, %get3A_523] {strides = array<i32>} : memref<2x40x512xf32, #tpu.memory_space<vmem>>, vector<1x1x16xf32>,
        %get3A_525 = vector.shape_cast %get3A_524 : vector<1x1x16xf32> to vector<16xf32>
        %add3A_526 = arith.addf %add3A_517, %get3A_525 : vector<16xf32>
        %add3A_527 = arith.constant 24 : i32
        %add3A_528 = arith.addi %add3A_527, %scan3A_161 : i32
        %get3A_529 = arith.constant 0 : i32
        %get3A_530 = arith.index_cast %get3A_529 : i32 to index
        %get3A_531 = arith.index_cast %add3A_528 : i32 to index
        %get3A_532 = arith.constant 112 : index
        %get3A_533 = tpu.vector_load %arg10[%get3A_530, %get3A_531, %get3A_532] {strides = array<i32>} : memref<2x40x512xf32, #tpu.memory_space<vmem>>, vector<1x1x16xf32>,
        %get3A_534 = vector.shape_cast %get3A_533 : vector<1x1x16xf32> to vector<16xf32>
        %add3A_535 = arith.addf %add3A_526, %get3A_534 : vector<16xf32>
        %add3A_536 = arith.constant 32 : i32
        %add3A_537 = arith.addi %add3A_536, %scan3A_161 : i32
        %get3A_538 = arith.constant 0 : i32
        %get3A_539 = arith.index_cast %get3A_538 : i32 to index
        %get3A_540 = arith.index_cast %add3A_537 : i32 to index
        %get3A_541 = arith.constant 112 : index
        %get3A_542 = tpu.vector_load %arg10[%get3A_539, %get3A_540, %get3A_541] {strides = array<i32>} : memref<2x40x512xf32, #tpu.memory_space<vmem>>, vector<1x1x16xf32>,
        %get3A_543 = vector.shape_cast %get3A_542 : vector<1x1x16xf32> to vector<16xf32>
        %add3A_544 = arith.addf %add3A_535, %get3A_543 : vector<16xf32>
        %swap3A_545 = arith.constant 0 : i32
        %swap3A_546 = arith.index_cast %swap3A_545 : i32 to index
        %swap3A_547 = arith.index_cast %scan3A_161 : i32 to index
        %swap3A_548 = arith.constant 112 : index
        %swap3A_549 = tpu.vector_load %arg10[%swap3A_546, %swap3A_547, %swap3A_548] {strides = array<i32>} : memref<2x40x512xf32, #tpu.memory_space<vmem>>, vector<1x1x16xf32>,
        %swap3A_550 = vector.shape_cast %swap3A_549 : vector<1x1x16xf32> to vector<16xf32>
        %swap3A_551 = vector.shape_cast %add3A_544 : vector<16xf32> to vector<1x1x16xf32>
        tpu.vector_store %arg10[%swap3A_546, %swap3A_547, %swap3A_548], %swap3A_551 {strides = array<i32>} : memref<2x40x512xf32, #tpu.memory_space<vmem>>, vector<1x1x16xf32>,
        %get3A_552 = arith.constant 0 : i32
        %get3A_553 = arith.index_cast %get3A_552 : i32 to index
        %get3A_554 = arith.index_cast %scan3A_161 : i32 to index
        %get3A_555 = arith.constant 128 : index
        %get3A_556 = tpu.vector_load %arg10[%get3A_553, %get3A_554, %get3A_555] {strides = array<i32>} : memref<2x40x512xf32, #tpu.memory_space<vmem>>, vector<1x1x16xf32>,
        %get3A_557 = vector.shape_cast %get3A_556 : vector<1x1x16xf32> to vector<16xf32>
        %add3A_558 = arith.constant 8 : i32
        %add3A_559 = arith.addi %add3A_558, %scan3A_161 : i32
        %get3A_560 = arith.constant 0 : i32
        %get3A_561 = arith.index_cast %get3A_560 : i32 to index
        %get3A_562 = arith.index_cast %add3A_559 : i32 to index
        %get3A_563 = arith.constant 128 : index
        %get3A_564 = tpu.vector_load %arg10[%get3A_561, %get3A_562, %get3A_563] {strides = array<i32>} : memref<2x40x512xf32, #tpu.memory_space<vmem>>, vector<1x1x16xf32>,
        %get3A_565 = vector.shape_cast %get3A_564 : vector<1x1x16xf32> to vector<16xf32>
        %add3A_566 = arith.addf %get3A_557, %get3A_565 : vector<16xf32>
        %add3A_567 = arith.constant 16 : i32
        %add3A_568 = arith.addi %add3A_567, %scan3A_161 : i32
        %get3A_569 = arith.constant 0 : i32
        %get3A_570 = arith.index_cast %get3A_569 : i32 to index
        %get3A_571 = arith.index_cast %add3A_568 : i32 to index
        %get3A_572 = arith.constant 128 : index
        %get3A_573 = tpu.vector_load %arg10[%get3A_570, %get3A_571, %get3A_572] {strides = array<i32>} : memref<2x40x512xf32, #tpu.memory_space<vmem>>, vector<1x1x16xf32>,
        %get3A_574 = vector.shape_cast %get3A_573 : vector<1x1x16xf32> to vector<16xf32>
        %add3A_575 = arith.addf %add3A_566, %get3A_574 : vector<16xf32>
        %add3A_576 = arith.constant 24 : i32
        %add3A_577 = arith.addi %add3A_576, %scan3A_161 : i32
        %get3A_578 = arith.constant 0 : i32
        %get3A_579 = arith.index_cast %get3A_578 : i32 to index
        %get3A_580 = arith.index_cast %add3A_577 : i32 to index
        %get3A_581 = arith.constant 128 : index
        %get3A_582 = tpu.vector_load %arg10[%get3A_579, %get3A_580, %get3A_581] {strides = array<i32>} : memref<2x40x512xf32, #tpu.memory_space<vmem>>, vector<1x1x16xf32>,
        %get3A_583 = vector.shape_cast %get3A_582 : vector<1x1x16xf32> to vector<16xf32>
        %add3A_584 = arith.addf %add3A_575, %get3A_583 : vector<16xf32>
        %add3A_585 = arith.constant 32 : i32
        %add3A_586 = arith.addi %add3A_585, %scan3A_161 : i32
        %get3A_587 = arith.constant 0 : i32
        %get3A_588 = arith.index_cast %get3A_587 : i32 to index
        %get3A_589 = arith.index_cast %add3A_586 : i32 to index
        %get3A_590 = arith.constant 128 : index
        %get3A_591 = tpu.vector_load %arg10[%get3A_588, %get3A_589, %get3A_590] {strides = array<i32>} : memref<2x40x512xf32, #tpu.memory_space<vmem>>, vector<1x1x16xf32>,
        %get3A_592 = vector.shape_cast %get3A_591 : vector<1x1x16xf32> to vector<16xf32>
        %add3A_593 = arith.addf %add3A_584, %get3A_592 : vector<16xf32>
        %swap3A_594 = arith.constant 0 : i32
        %swap3A_595 = arith.index_cast %swap3A_594 : i32 to index
        %swap3A_596 = arith.index_cast %scan3A_161 : i32 to index
        %swap3A_597 = arith.constant 128 : index
        %swap3A_598 = tpu.vector_load %arg10[%swap3A_595, %swap3A_596, %swap3A_597] {strides = array<i32>} : memref<2x40x512xf32, #tpu.memory_space<vmem>>, vector<1x1x16xf32>,
        %swap3A_599 = vector.shape_cast %swap3A_598 : vector<1x1x16xf32> to vector<16xf32>
        %swap3A_600 = vector.shape_cast %add3A_593 : vector<16xf32> to vector<1x1x16xf32>
        tpu.vector_store %arg10[%swap3A_595, %swap3A_596, %swap3A_597], %swap3A_600 {strides = array<i32>} : memref<2x40x512xf32, #tpu.memory_space<vmem>>, vector<1x1x16xf32>,
        %get3A_601 = arith.constant 0 : i32
        %get3A_602 = arith.index_cast %get3A_601 : i32 to index
        %get3A_603 = arith.index_cast %scan3A_161 : i32 to index
        %get3A_604 = arith.constant 144 : index
        %get3A_605 = tpu.vector_load %arg10[%get3A_602, %get3A_603, %get3A_604] {strides = array<i32>} : memref<2x40x512xf32, #tpu.memory_space<vmem>>, vector<1x1x16xf32>,
        %get3A_606 = vector.shape_cast %get3A_605 : vector<1x1x16xf32> to vector<16xf32>
        %add3A_607 = arith.constant 8 : i32
        %add3A_608 = arith.addi %add3A_607, %scan3A_161 : i32
        %get3A_609 = arith.constant 0 : i32
        %get3A_610 = arith.index_cast %get3A_609 : i32 to index
        %get3A_611 = arith.index_cast %add3A_608 : i32 to index
        %get3A_612 = arith.constant 144 : index
        %get3A_613 = tpu.vector_load %arg10[%get3A_610, %get3A_611, %get3A_612] {strides = array<i32>} : memref<2x40x512xf32, #tpu.memory_space<vmem>>, vector<1x1x16xf32>,
        %get3A_614 = vector.shape_cast %get3A_613 : vector<1x1x16xf32> to vector<16xf32>
        %add3A_615 = arith.addf %get3A_606, %get3A_614 : vector<16xf32>
        %add3A_616 = arith.constant 16 : i32
        %add3A_617 = arith.addi %add3A_616, %scan3A_161 : i32
        %get3A_618 = arith.constant 0 : i32
        %get3A_619 = arith.index_cast %get3A_618 : i32 to index
        %get3A_620 = arith.index_cast %add3A_617 : i32 to index
        %get3A_621 = arith.constant 144 : index
        %get3A_622 = tpu.vector_load %arg10[%get3A_619, %get3A_620, %get3A_621] {strides = array<i32>} : memref<2x40x512xf32, #tpu.memory_space<vmem>>, vector<1x1x16xf32>,
        %get3A_623 = vector.shape_cast %get3A_622 : vector<1x1x16xf32> to vector<16xf32>
        %add3A_624 = arith.addf %add3A_615, %get3A_623 : vector<16xf32>
        %add3A_625 = arith.constant 24 : i32
        %add3A_626 = arith.addi %add3A_625, %scan3A_161 : i32
        %get3A_627 = arith.constant 0 : i32
        %get3A_628 = arith.index_cast %get3A_627 : i32 to index
        %get3A_629 = arith.index_cast %add3A_626 : i32 to index
        %get3A_630 = arith.constant 144 : index
        %get3A_631 = tpu.vector_load %arg10[%get3A_628, %get3A_629, %get3A_630] {strides = array<i32>} : memref<2x40x512xf32, #tpu.memory_space<vmem>>, vector<1x1x16xf32>,
        %get3A_632 = vector.shape_cast %get3A_631 : vector<1x1x16xf32> to vector<16xf32>
        %add3A_633 = arith.addf %add3A_624, %get3A_632 : vector<16xf32>
        %add3A_634 = arith.constant 32 : i32
        %add3A_635 = arith.addi %add3A_634, %scan3A_161 : i32
        %get3A_636 = arith.constant 0 : i32
        %get3A_637 = arith.index_cast %get3A_636 : i32 to index
        %get3A_638 = arith.index_cast %add3A_635 : i32 to index
        %get3A_639 = arith.constant 144 : index
        %get3A_640 = tpu.vector_load %arg10[%get3A_637, %get3A_638, %get3A_639] {strides = array<i32>} : memref<2x40x512xf32, #tpu.memory_space<vmem>>, vector<1x1x16xf32>,
        %get3A_641 = vector.shape_cast %get3A_640 : vector<1x1x16xf32> to vector<16xf32>
        %add3A_642 = arith.addf %add3A_633, %get3A_641 : vector<16xf32>
        %swap3A_643 = arith.constant 0 : i32
        %swap3A_644 = arith.index_cast %swap3A_643 : i32 to index
        %swap3A_645 = arith.index_cast %scan3A_161 : i32 to index
        %swap3A_646 = arith.constant 144 : index
        %swap3A_647 = tpu.vector_load %arg10[%swap3A_644, %swap3A_645, %swap3A_646] {strides = array<i32>} : memref<2x40x512xf32, #tpu.memory_space<vmem>>, vector<1x1x16xf32>,
        %swap3A_648 = vector.shape_cast %swap3A_647 : vector<1x1x16xf32> to vector<16xf32>
        %swap3A_649 = vector.shape_cast %add3A_642 : vector<16xf32> to vector<1x1x16xf32>
        tpu.vector_store %arg10[%swap3A_644, %swap3A_645, %swap3A_646], %swap3A_649 {strides = array<i32>} : memref<2x40x512xf32, #tpu.memory_space<vmem>>, vector<1x1x16xf32>,
        %get3A_650 = arith.constant 0 : i32
        %get3A_651 = arith.index_cast %get3A_650 : i32 to index
        %get3A_652 = arith.index_cast %scan3A_161 : i32 to index
        %get3A_653 = arith.constant 160 : index
        %get3A_654 = tpu.vector_load %arg10[%get3A_651, %get3A_652, %get3A_653] {strides = array<i32>} : memref<2x40x512xf32, #tpu.memory_space<vmem>>, vector<1x1x16xf32>,
        %get3A_655 = vector.shape_cast %get3A_654 : vector<1x1x16xf32> to vector<16xf32>
        %add3A_656 = arith.constant 8 : i32
        %add3A_657 = arith.addi %add3A_656, %scan3A_161 : i32
        %get3A_658 = arith.constant 0 : i32
        %get3A_659 = arith.index_cast %get3A_658 : i32 to index
        %get3A_660 = arith.index_cast %add3A_657 : i32 to index
        %get3A_661 = arith.constant 160 : index
        %get3A_662 = tpu.vector_load %arg10[%get3A_659, %get3A_660, %get3A_661] {strides = array<i32>} : memref<2x40x512xf32, #tpu.memory_space<vmem>>, vector<1x1x16xf32>,
        %get3A_663 = vector.shape_cast %get3A_662 : vector<1x1x16xf32> to vector<16xf32>
        %add3A_664 = arith.addf %get3A_655, %get3A_663 : vector<16xf32>
        %add3A_665 = arith.constant 16 : i32
        %add3A_666 = arith.addi %add3A_665, %scan3A_161 : i32
        %get3A_667 = arith.constant 0 : i32
        %get3A_668 = arith.index_cast %get3A_667 : i32 to index
        %get3A_669 = arith.index_cast %add3A_666 : i32 to index
        %get3A_670 = arith.constant 160 : index
        %get3A_671 = tpu.vector_load %arg10[%get3A_668, %get3A_669, %get3A_670] {strides = array<i32>} : memref<2x40x512xf32, #tpu.memory_space<vmem>>, vector<1x1x16xf32>,
        %get3A_672 = vector.shape_cast %get3A_671 : vector<1x1x16xf32> to vector<16xf32>
        %add3A_673 = arith.addf %add3A_664, %get3A_672 : vector<16xf32>
        %add3A_674 = arith.constant 24 : i32
        %add3A_675 = arith.addi %add3A_674, %scan3A_161 : i32
        %get3A_676 = arith.constant 0 : i32
        %get3A_677 = arith.index_cast %get3A_676 : i32 to index
        %get3A_678 = arith.index_cast %add3A_675 : i32 to index
        %get3A_679 = arith.constant 160 : index
        %get3A_680 = tpu.vector_load %arg10[%get3A_677, %get3A_678, %get3A_679] {strides = array<i32>} : memref<2x40x512xf32, #tpu.memory_space<vmem>>, vector<1x1x16xf32>,
        %get3A_681 = vector.shape_cast %get3A_680 : vector<1x1x16xf32> to vector<16xf32>
        %add3A_682 = arith.addf %add3A_673, %get3A_681 : vector<16xf32>
        %add3A_683 = arith.constant 32 : i32
        %add3A_684 = arith.addi %add3A_683, %scan3A_161 : i32
        %get3A_685 = arith.constant 0 : i32
        %get3A_686 = arith.index_cast %get3A_685 : i32 to index
        %get3A_687 = arith.index_cast %add3A_684 : i32 to index
        %get3A_688 = arith.constant 160 : index
        %get3A_689 = tpu.vector_load %arg10[%get3A_686, %get3A_687, %get3A_688] {strides = array<i32>} : memref<2x40x512xf32, #tpu.memory_space<vmem>>, vector<1x1x16xf32>,
        %get3A_690 = vector.shape_cast %get3A_689 : vector<1x1x16xf32> to vector<16xf32>
        %add3A_691 = arith.addf %add3A_682, %get3A_690 : vector<16xf32>
        %swap3A_692 = arith.constant 0 : i32
        %swap3A_693 = arith.index_cast %swap3A_692 : i32 to index
        %swap3A_694 = arith.index_cast %scan3A_161 : i32 to index
        %swap3A_695 = arith.constant 160 : index
        %swap3A_696 = tpu.vector_load %arg10[%swap3A_693, %swap3A_694, %swap3A_695] {strides = array<i32>} : memref<2x40x512xf32, #tpu.memory_space<vmem>>, vector<1x1x16xf32>,
        %swap3A_697 = vector.shape_cast %swap3A_696 : vector<1x1x16xf32> to vector<16xf32>
        %swap3A_698 = vector.shape_cast %add3A_691 : vector<16xf32> to vector<1x1x16xf32>
        tpu.vector_store %arg10[%swap3A_693, %swap3A_694, %swap3A_695], %swap3A_698 {strides = array<i32>} : memref<2x40x512xf32, #tpu.memory_space<vmem>>, vector<1x1x16xf32>,
        %get3A_699 = arith.constant 0 : i32
        %get3A_700 = arith.index_cast %get3A_699 : i32 to index
        %get3A_701 = arith.index_cast %scan3A_161 : i32 to index
        %get3A_702 = arith.constant 176 : index
        %get3A_703 = tpu.vector_load %arg10[%get3A_700, %get3A_701, %get3A_702] {strides = array<i32>} : memref<2x40x512xf32, #tpu.memory_space<vmem>>, vector<1x1x16xf32>,
        %get3A_704 = vector.shape_cast %get3A_703 : vector<1x1x16xf32> to vector<16xf32>
        %add3A_705 = arith.constant 8 : i32
        %add3A_706 = arith.addi %add3A_705, %scan3A_161 : i32
        %get3A_707 = arith.constant 0 : i32
        %get3A_708 = arith.index_cast %get3A_707 : i32 to index
        %get3A_709 = arith.index_cast %add3A_706 : i32 to index
        %get3A_710 = arith.constant 176 : index
        %get3A_711 = tpu.vector_load %arg10[%get3A_708, %get3A_709, %get3A_710] {strides = array<i32>} : memref<2x40x512xf32, #tpu.memory_space<vmem>>, vector<1x1x16xf32>,
        %get3A_712 = vector.shape_cast %get3A_711 : vector<1x1x16xf32> to vector<16xf32>
        %add3A_713 = arith.addf %get3A_704, %get3A_712 : vector<16xf32>
        %add3A_714 = arith.constant 16 : i32
        %add3A_715 = arith.addi %add3A_714, %scan3A_161 : i32
        %get3A_716 = arith.constant 0 : i32
        %get3A_717 = arith.index_cast %get3A_716 : i32 to index
        %get3A_718 = arith.index_cast %add3A_715 : i32 to index
        %get3A_719 = arith.constant 176 : index
        %get3A_720 = tpu.vector_load %arg10[%get3A_717, %get3A_718, %get3A_719] {strides = array<i32>} : memref<2x40x512xf32, #tpu.memory_space<vmem>>, vector<1x1x16xf32>,
        %get3A_721 = vector.shape_cast %get3A_720 : vector<1x1x16xf32> to vector<16xf32>
        %add3A_722 = arith.addf %add3A_713, %get3A_721 : vector<16xf32>
        %add3A_723 = arith.constant 24 : i32
        %add3A_724 = arith.addi %add3A_723, %scan3A_161 : i32
        %get3A_725 = arith.constant 0 : i32
        %get3A_726 = arith.index_cast %get3A_725 : i32 to index
        %get3A_727 = arith.index_cast %add3A_724 : i32 to index
        %get3A_728 = arith.constant 176 : index
        %get3A_729 = tpu.vector_load %arg10[%get3A_726, %get3A_727, %get3A_728] {strides = array<i32>} : memref<2x40x512xf32, #tpu.memory_space<vmem>>, vector<1x1x16xf32>,
        %get3A_730 = vector.shape_cast %get3A_729 : vector<1x1x16xf32> to vector<16xf32>
        %add3A_731 = arith.addf %add3A_722, %get3A_730 : vector<16xf32>
        %add3A_732 = arith.constant 32 : i32
        %add3A_733 = arith.addi %add3A_732, %scan3A_161 : i32
        %get3A_734 = arith.constant 0 : i32
        %get3A_735 = arith.index_cast %get3A_734 : i32 to index
        %get3A_736 = arith.index_cast %add3A_733 : i32 to index
        %get3A_737 = arith.constant 176 : index
        %get3A_738 = tpu.vector_load %arg10[%get3A_735, %get3A_736, %get3A_737] {strides = array<i32>} : memref<2x40x512xf32, #tpu.memory_space<vmem>>, vector<1x1x16xf32>,
        %get3A_739 = vector.shape_cast %get3A_738 : vector<1x1x16xf32> to vector<16xf32>
        %add3A_740 = arith.addf %add3A_731, %get3A_739 : vector<16xf32>
        %swap3A_741 = arith.constant 0 : i32
        %swap3A_742 = arith.index_cast %swap3A_741 : i32 to index
        %swap3A_743 = arith.index_cast %scan3A_161 : i32 to index
        %swap3A_744 = arith.constant 176 : index
        %swap3A_745 = tpu.vector_load %arg10[%swap3A_742, %swap3A_743, %swap3A_744] {strides = array<i32>} : memref<2x40x512xf32, #tpu.memory_space<vmem>>, vector<1x1x16xf32>,
        %swap3A_746 = vector.shape_cast %swap3A_745 : vector<1x1x16xf32> to vector<16xf32>
        %swap3A_747 = vector.shape_cast %add3A_740 : vector<16xf32> to vector<1x1x16xf32>
        tpu.vector_store %arg10[%swap3A_742, %swap3A_743, %swap3A_744], %swap3A_747 {strides = array<i32>} : memref<2x40x512xf32, #tpu.memory_space<vmem>>, vector<1x1x16xf32>,
        %get3A_748 = arith.constant 0 : i32
        %get3A_749 = arith.index_cast %get3A_748 : i32 to index
        %get3A_750 = arith.index_cast %scan3A_161 : i32 to index
        %get3A_751 = arith.constant 192 : index
        %get3A_752 = tpu.vector_load %arg10[%get3A_749, %get3A_750, %get3A_751] {strides = array<i32>} : memref<2x40x512xf32, #tpu.memory_space<vmem>>, vector<1x1x16xf32>,
        %get3A_753 = vector.shape_cast %get3A_752 : vector<1x1x16xf32> to vector<16xf32>
        %add3A_754 = arith.constant 8 : i32
        %add3A_755 = arith.addi %add3A_754, %scan3A_161 : i32
        %get3A_756 = arith.constant 0 : i32
        %get3A_757 = arith.index_cast %get3A_756 : i32 to index
        %get3A_758 = arith.index_cast %add3A_755 : i32 to index
        %get3A_759 = arith.constant 192 : index
        %get3A_760 = tpu.vector_load %arg10[%get3A_757, %get3A_758, %get3A_759] {strides = array<i32>} : memref<2x40x512xf32, #tpu.memory_space<vmem>>, vector<1x1x16xf32>,
        %get3A_761 = vector.shape_cast %get3A_760 : vector<1x1x16xf32> to vector<16xf32>
        %add3A_762 = arith.addf %get3A_753, %get3A_761 : vector<16xf32>
        %add3A_763 = arith.constant 16 : i32
        %add3A_764 = arith.addi %add3A_763, %scan3A_161 : i32
        %get3A_765 = arith.constant 0 : i32
        %get3A_766 = arith.index_cast %get3A_765 : i32 to index
        %get3A_767 = arith.index_cast %add3A_764 : i32 to index
        %get3A_768 = arith.constant 192 : index
        %get3A_769 = tpu.vector_load %arg10[%get3A_766, %get3A_767, %get3A_768] {strides = array<i32>} : memref<2x40x512xf32, #tpu.memory_space<vmem>>, vector<1x1x16xf32>,
        %get3A_770 = vector.shape_cast %get3A_769 : vector<1x1x16xf32> to vector<16xf32>
        %add3A_771 = arith.addf %add3A_762, %get3A_770 : vector<16xf32>
        %add3A_772 = arith.constant 24 : i32
        %add3A_773 = arith.addi %add3A_772, %scan3A_161 : i32
        %get3A_774 = arith.constant 0 : i32
        %get3A_775 = arith.index_cast %get3A_774 : i32 to index
        %get3A_776 = arith.index_cast %add3A_773 : i32 to index
        %get3A_777 = arith.constant 192 : index
        %get3A_778 = tpu.vector_load %arg10[%get3A_775, %get3A_776, %get3A_777] {strides = array<i32>} : memref<2x40x512xf32, #tpu.memory_space<vmem>>, vector<1x1x16xf32>,
        %get3A_779 = vector.shape_cast %get3A_778 : vector<1x1x16xf32> to vector<16xf32>
        %add3A_780 = arith.addf %add3A_771, %get3A_779 : vector<16xf32>
        %add3A_781 = arith.constant 32 : i32
        %add3A_782 = arith.addi %add3A_781, %scan3A_161 : i32
        %get3A_783 = arith.constant 0 : i32
        %get3A_784 = arith.index_cast %get3A_783 : i32 to index
        %get3A_785 = arith.index_cast %add3A_782 : i32 to index
        %get3A_786 = arith.constant 192 : index
        %get3A_787 = tpu.vector_load %arg10[%get3A_784, %get3A_785, %get3A_786] {strides = array<i32>} : memref<2x40x512xf32, #tpu.memory_space<vmem>>, vector<1x1x16xf32>,
        %get3A_788 = vector.shape_cast %get3A_787 : vector<1x1x16xf32> to vector<16xf32>
        %add3A_789 = arith.addf %add3A_780, %get3A_788 : vector<16xf32>
        %swap3A_790 = arith.constant 0 : i32
        %swap3A_791 = arith.index_cast %swap3A_790 : i32 to index
        %swap3A_792 = arith.index_cast %scan3A_161 : i32 to index
        %swap3A_793 = arith.constant 192 : index
        %swap3A_794 = tpu.vector_load %arg10[%swap3A_791, %swap3A_792, %swap3A_793] {strides = array<i32>} : memref<2x40x512xf32, #tpu.memory_space<vmem>>, vector<1x1x16xf32>,
        %swap3A_795 = vector.shape_cast %swap3A_794 : vector<1x1x16xf32> to vector<16xf32>
        %swap3A_796 = vector.shape_cast %add3A_789 : vector<16xf32> to vector<1x1x16xf32>
        tpu.vector_store %arg10[%swap3A_791, %swap3A_792, %swap3A_793], %swap3A_796 {strides = array<i32>} : memref<2x40x512xf32, #tpu.memory_space<vmem>>, vector<1x1x16xf32>,
        %get3A_797 = arith.constant 0 : i32
        %get3A_798 = arith.index_cast %get3A_797 : i32 to index
        %get3A_799 = arith.index_cast %scan3A_161 : i32 to index
        %get3A_800 = arith.constant 208 : index
        %get3A_801 = tpu.vector_load %arg10[%get3A_798, %get3A_799, %get3A_800] {strides = array<i32>} : memref<2x40x512xf32, #tpu.memory_space<vmem>>, vector<1x1x16xf32>,
        %get3A_802 = vector.shape_cast %get3A_801 : vector<1x1x16xf32> to vector<16xf32>
        %add3A_803 = arith.constant 8 : i32
        %add3A_804 = arith.addi %add3A_803, %scan3A_161 : i32
        %get3A_805 = arith.constant 0 : i32
        %get3A_806 = arith.index_cast %get3A_805 : i32 to index
        %get3A_807 = arith.index_cast %add3A_804 : i32 to index
        %get3A_808 = arith.constant 208 : index
        %get3A_809 = tpu.vector_load %arg10[%get3A_806, %get3A_807, %get3A_808] {strides = array<i32>} : memref<2x40x512xf32, #tpu.memory_space<vmem>>, vector<1x1x16xf32>,
        %get3A_810 = vector.shape_cast %get3A_809 : vector<1x1x16xf32> to vector<16xf32>
        %add3A_811 = arith.addf %get3A_802, %get3A_810 : vector<16xf32>
        %add3A_812 = arith.constant 16 : i32
        %add3A_813 = arith.addi %add3A_812, %scan3A_161 : i32
        %get3A_814 = arith.constant 0 : i32
        %get3A_815 = arith.index_cast %get3A_814 : i32 to index
        %get3A_816 = arith.index_cast %add3A_813 : i32 to index
        %get3A_817 = arith.constant 208 : index
        %get3A_818 = tpu.vector_load %arg10[%get3A_815, %get3A_816, %get3A_817] {strides = array<i32>} : memref<2x40x512xf32, #tpu.memory_space<vmem>>, vector<1x1x16xf32>,
        %get3A_819 = vector.shape_cast %get3A_818 : vector<1x1x16xf32> to vector<16xf32>
        %add3A_820 = arith.addf %add3A_811, %get3A_819 : vector<16xf32>
        %add3A_821 = arith.constant 24 : i32
        %add3A_822 = arith.addi %add3A_821, %scan3A_161 : i32
        %get3A_823 = arith.constant 0 : i32
        %get3A_824 = arith.index_cast %get3A_823 : i32 to index
        %get3A_825 = arith.index_cast %add3A_822 : i32 to index
        %get3A_826 = arith.constant 208 : index
        %get3A_827 = tpu.vector_load %arg10[%get3A_824, %get3A_825, %get3A_826] {strides = array<i32>} : memref<2x40x512xf32, #tpu.memory_space<vmem>>, vector<1x1x16xf32>,
        %get3A_828 = vector.shape_cast %get3A_827 : vector<1x1x16xf32> to vector<16xf32>
        %add3A_829 = arith.addf %add3A_820, %get3A_828 : vector<16xf32>
        %add3A_830 = arith.constant 32 : i32
        %add3A_831 = arith.addi %add3A_830, %scan3A_161 : i32
        %get3A_832 = arith.constant 0 : i32
        %get3A_833 = arith.index_cast %get3A_832 : i32 to index
        %get3A_834 = arith.index_cast %add3A_831 : i32 to index
        %get3A_835 = arith.constant 208 : index
        %get3A_836 = tpu.vector_load %arg10[%get3A_833, %get3A_834, %get3A_835] {strides = array<i32>} : memref<2x40x512xf32, #tpu.memory_space<vmem>>, vector<1x1x16xf32>,
        %get3A_837 = vector.shape_cast %get3A_836 : vector<1x1x16xf32> to vector<16xf32>
        %add3A_838 = arith.addf %add3A_829, %get3A_837 : vector<16xf32>
        %swap3A_839 = arith.constant 0 : i32
        %swap3A_840 = arith.index_cast %swap3A_839 : i32 to index
        %swap3A_841 = arith.index_cast %scan3A_161 : i32 to index
        %swap3A_842 = arith.constant 208 : index
        %swap3A_843 = tpu.vector_load %arg10[%swap3A_840, %swap3A_841, %swap3A_842] {strides = array<i32>} : memref<2x40x512xf32, #tpu.memory_space<vmem>>, vector<1x1x16xf32>,
        %swap3A_844 = vector.shape_cast %swap3A_843 : vector<1x1x16xf32> to vector<16xf32>
        %swap3A_845 = vector.shape_cast %add3A_838 : vector<16xf32> to vector<1x1x16xf32>
        tpu.vector_store %arg10[%swap3A_840, %swap3A_841, %swap3A_842], %swap3A_845 {strides = array<i32>} : memref<2x40x512xf32, #tpu.memory_space<vmem>>, vector<1x1x16xf32>,
        %get3A_846 = arith.constant 0 : i32
        %get3A_847 = arith.index_cast %get3A_846 : i32 to index
        %get3A_848 = arith.index_cast %scan3A_161 : i32 to index
        %get3A_849 = arith.constant 224 : index
        %get3A_850 = tpu.vector_load %arg10[%get3A_847, %get3A_848, %get3A_849] {strides = array<i32>} : memref<2x40x512xf32, #tpu.memory_space<vmem>>, vector<1x1x16xf32>,
        %get3A_851 = vector.shape_cast %get3A_850 : vector<1x1x16xf32> to vector<16xf32>
        %add3A_852 = arith.constant 8 : i32
        %add3A_853 = arith.addi %add3A_852, %scan3A_161 : i32
        %get3A_854 = arith.constant 0 : i32
        %get3A_855 = arith.index_cast %get3A_854 : i32 to index
        %get3A_856 = arith.index_cast %add3A_853 : i32 to index
        %get3A_857 = arith.constant 224 : index
        %get3A_858 = tpu.vector_load %arg10[%get3A_855, %get3A_856, %get3A_857] {strides = array<i32>} : memref<2x40x512xf32, #tpu.memory_space<vmem>>, vector<1x1x16xf32>,
        %get3A_859 = vector.shape_cast %get3A_858 : vector<1x1x16xf32> to vector<16xf32>
        %add3A_860 = arith.addf %get3A_851, %get3A_859 : vector<16xf32>
        %add3A_861 = arith.constant 16 : i32
        %add3A_862 = arith.addi %add3A_861, %scan3A_161 : i32
        %get3A_863 = arith.constant 0 : i32
        %get3A_864 = arith.index_cast %get3A_863 : i32 to index
        %get3A_865 = arith.index_cast %add3A_862 : i32 to index
        %get3A_866 = arith.constant 224 : index
        %get3A_867 = tpu.vector_load %arg10[%get3A_864, %get3A_865, %get3A_866] {strides = array<i32>} : memref<2x40x512xf32, #tpu.memory_space<vmem>>, vector<1x1x16xf32>,
        %get3A_868 = vector.shape_cast %get3A_867 : vector<1x1x16xf32> to vector<16xf32>
        %add3A_869 = arith.addf %add3A_860, %get3A_868 : vector<16xf32>
        %add3A_870 = arith.constant 24 : i32
        %add3A_871 = arith.addi %add3A_870, %scan3A_161 : i32
        %get3A_872 = arith.constant 0 : i32
        %get3A_873 = arith.index_cast %get3A_872 : i32 to index
        %get3A_874 = arith.index_cast %add3A_871 : i32 to index
        %get3A_875 = arith.constant 224 : index
        %get3A_876 = tpu.vector_load %arg10[%get3A_873, %get3A_874, %get3A_875] {strides = array<i32>} : memref<2x40x512xf32, #tpu.memory_space<vmem>>, vector<1x1x16xf32>,
        %get3A_877 = vector.shape_cast %get3A_876 : vector<1x1x16xf32> to vector<16xf32>
        %add3A_878 = arith.addf %add3A_869, %get3A_877 : vector<16xf32>
        %add3A_879 = arith.constant 32 : i32
        %add3A_880 = arith.addi %add3A_879, %scan3A_161 : i32
        %get3A_881 = arith.constant 0 : i32
        %get3A_882 = arith.index_cast %get3A_881 : i32 to index
        %get3A_883 = arith.index_cast %add3A_880 : i32 to index
        %get3A_884 = arith.constant 224 : index
        %get3A_885 = tpu.vector_load %arg10[%get3A_882, %get3A_883, %get3A_884] {strides = array<i32>} : memref<2x40x512xf32, #tpu.memory_space<vmem>>, vector<1x1x16xf32>,
        %get3A_886 = vector.shape_cast %get3A_885 : vector<1x1x16xf32> to vector<16xf32>
        %add3A_887 = arith.addf %add3A_878, %get3A_886 : vector<16xf32>
        %swap3A_888 = arith.constant 0 : i32
        %swap3A_889 = arith.index_cast %swap3A_888 : i32 to index
        %swap3A_890 = arith.index_cast %scan3A_161 : i32 to index
        %swap3A_891 = arith.constant 224 : index
        %swap3A_892 = tpu.vector_load %arg10[%swap3A_889, %swap3A_890, %swap3A_891] {strides = array<i32>} : memref<2x40x512xf32, #tpu.memory_space<vmem>>, vector<1x1x16xf32>,
        %swap3A_893 = vector.shape_cast %swap3A_892 : vector<1x1x16xf32> to vector<16xf32>
        %swap3A_894 = vector.shape_cast %add3A_887 : vector<16xf32> to vector<1x1x16xf32>
        tpu.vector_store %arg10[%swap3A_889, %swap3A_890, %swap3A_891], %swap3A_894 {strides = array<i32>} : memref<2x40x512xf32, #tpu.memory_space<vmem>>, vector<1x1x16xf32>,
        %get3A_895 = arith.constant 0 : i32
        %get3A_896 = arith.index_cast %get3A_895 : i32 to index
        %get3A_897 = arith.index_cast %scan3A_161 : i32 to index
        %get3A_898 = arith.constant 240 : index
        %get3A_899 = tpu.vector_load %arg10[%get3A_896, %get3A_897, %get3A_898] {strides = array<i32>} : memref<2x40x512xf32, #tpu.memory_space<vmem>>, vector<1x1x16xf32>,
        %get3A_900 = vector.shape_cast %get3A_899 : vector<1x1x16xf32> to vector<16xf32>
        %add3A_901 = arith.constant 8 : i32
        %add3A_902 = arith.addi %add3A_901, %scan3A_161 : i32
        %get3A_903 = arith.constant 0 : i32
        %get3A_904 = arith.index_cast %get3A_903 : i32 to index
        %get3A_905 = arith.index_cast %add3A_902 : i32 to index
        %get3A_906 = arith.constant 240 : index
        %get3A_907 = tpu.vector_load %arg10[%get3A_904, %get3A_905, %get3A_906] {strides = array<i32>} : memref<2x40x512xf32, #tpu.memory_space<vmem>>, vector<1x1x16xf32>,
        %get3A_908 = vector.shape_cast %get3A_907 : vector<1x1x16xf32> to vector<16xf32>
        %add3A_909 = arith.addf %get3A_900, %get3A_908 : vector<16xf32>
        %add3A_910 = arith.constant 16 : i32
        %add3A_911 = arith.addi %add3A_910, %scan3A_161 : i32
        %get3A_912 = arith.constant 0 : i32
        %get3A_913 = arith.index_cast %get3A_912 : i32 to index
        %get3A_914 = arith.index_cast %add3A_911 : i32 to index
        %get3A_915 = arith.constant 240 : index
        %get3A_916 = tpu.vector_load %arg10[%get3A_913, %get3A_914, %get3A_915] {strides = array<i32>} : memref<2x40x512xf32, #tpu.memory_space<vmem>>, vector<1x1x16xf32>,
        %get3A_917 = vector.shape_cast %get3A_916 : vector<1x1x16xf32> to vector<16xf32>
        %add3A_918 = arith.addf %add3A_909, %get3A_917 : vector<16xf32>
        %add3A_919 = arith.constant 24 : i32
        %add3A_920 = arith.addi %add3A_919, %scan3A_161 : i32
        %get3A_921 = arith.constant 0 : i32
        %get3A_922 = arith.index_cast %get3A_921 : i32 to index
        %get3A_923 = arith.index_cast %add3A_920 : i32 to index
        %get3A_924 = arith.constant 240 : index
        %get3A_925 = tpu.vector_load %arg10[%get3A_922, %get3A_923, %get3A_924] {strides = array<i32>} : memref<2x40x512xf32, #tpu.memory_space<vmem>>, vector<1x1x16xf32>,
        %get3A_926 = vector.shape_cast %get3A_925 : vector<1x1x16xf32> to vector<16xf32>
        %add3A_927 = arith.addf %add3A_918, %get3A_926 : vector<16xf32>
        %add3A_928 = arith.constant 32 : i32
        %add3A_929 = arith.addi %add3A_928, %scan3A_161 : i32
        %get3A_930 = arith.constant 0 : i32
        %get3A_931 = arith.index_cast %get3A_930 : i32 to index
        %get3A_932 = arith.index_cast %add3A_929 : i32 to index
        %get3A_933 = arith.constant 240 : index
        %get3A_934 = tpu.vector_load %arg10[%get3A_931, %get3A_932, %get3A_933] {strides = array<i32>} : memref<2x40x512xf32, #tpu.memory_space<vmem>>, vector<1x1x16xf32>,
        %get3A_935 = vector.shape_cast %get3A_934 : vector<1x1x16xf32> to vector<16xf32>
        %add3A_936 = arith.addf %add3A_927, %get3A_935 : vector<16xf32>
        %swap3A_937 = arith.constant 0 : i32
        %swap3A_938 = arith.index_cast %swap3A_937 : i32 to index
        %swap3A_939 = arith.index_cast %scan3A_161 : i32 to index
        %swap3A_940 = arith.constant 240 : index
        %swap3A_941 = tpu.vector_load %arg10[%swap3A_938, %swap3A_939, %swap3A_940] {strides = array<i32>} : memref<2x40x512xf32, #tpu.memory_space<vmem>>, vector<1x1x16xf32>,
        %swap3A_942 = vector.shape_cast %swap3A_941 : vector<1x1x16xf32> to vector<16xf32>
        %swap3A_943 = vector.shape_cast %add3A_936 : vector<16xf32> to vector<1x1x16xf32>
        tpu.vector_store %arg10[%swap3A_938, %swap3A_939, %swap3A_940], %swap3A_943 {strides = array<i32>} : memref<2x40x512xf32, #tpu.memory_space<vmem>>, vector<1x1x16xf32>,
        %get3A_944 = arith.constant 0 : i32
        %get3A_945 = arith.index_cast %get3A_944 : i32 to index
        %get3A_946 = arith.index_cast %scan3A_161 : i32 to index
        %get3A_947 = arith.constant 256 : index
        %get3A_948 = tpu.vector_load %arg10[%get3A_945, %get3A_946, %get3A_947] {strides = array<i32>} : memref<2x40x512xf32, #tpu.memory_space<vmem>>, vector<1x1x16xf32>,
        %get3A_949 = vector.shape_cast %get3A_948 : vector<1x1x16xf32> to vector<16xf32>
        %add3A_950 = arith.constant 8 : i32
        %add3A_951 = arith.addi %add3A_950, %scan3A_161 : i32
        %get3A_952 = arith.constant 0 : i32
        %get3A_953 = arith.index_cast %get3A_952 : i32 to index
        %get3A_954 = arith.index_cast %add3A_951 : i32 to index
        %get3A_955 = arith.constant 256 : index
        %get3A_956 = tpu.vector_load %arg10[%get3A_953, %get3A_954, %get3A_955] {strides = array<i32>} : memref<2x40x512xf32, #tpu.memory_space<vmem>>, vector<1x1x16xf32>,
        %get3A_957 = vector.shape_cast %get3A_956 : vector<1x1x16xf32> to vector<16xf32>
        %add3A_958 = arith.addf %get3A_949, %get3A_957 : vector<16xf32>
        %add3A_959 = arith.constant 16 : i32
        %add3A_960 = arith.addi %add3A_959, %scan3A_161 : i32
        %get3A_961 = arith.constant 0 : i32
        %get3A_962 = arith.index_cast %get3A_961 : i32 to index
        %get3A_963 = arith.index_cast %add3A_960 : i32 to index
        %get3A_964 = arith.constant 256 : index
        %get3A_965 = tpu.vector_load %arg10[%get3A_962, %get3A_963, %get3A_964] {strides = array<i32>} : memref<2x40x512xf32, #tpu.memory_space<vmem>>, vector<1x1x16xf32>,
        %get3A_966 = vector.shape_cast %get3A_965 : vector<1x1x16xf32> to vector<16xf32>
        %add3A_967 = arith.addf %add3A_958, %get3A_966 : vector<16xf32>
        %add3A_968 = arith.constant 24 : i32
        %add3A_969 = arith.addi %add3A_968, %scan3A_161 : i32
        %get3A_970 = arith.constant 0 : i32
        %get3A_971 = arith.index_cast %get3A_970 : i32 to index
        %get3A_972 = arith.index_cast %add3A_969 : i32 to index
        %get3A_973 = arith.constant 256 : index
        %get3A_974 = tpu.vector_load %arg10[%get3A_971, %get3A_972, %get3A_973] {strides = array<i32>} : memref<2x40x512xf32, #tpu.memory_space<vmem>>, vector<1x1x16xf32>,
        %get3A_975 = vector.shape_cast %get3A_974 : vector<1x1x16xf32> to vector<16xf32>
        %add3A_976 = arith.addf %add3A_967, %get3A_975 : vector<16xf32>
        %add3A_977 = arith.constant 32 : i32
        %add3A_978 = arith.addi %add3A_977, %scan3A_161 : i32
        %get3A_979 = arith.constant 0 : i32
        %get3A_980 = arith.index_cast %get3A_979 : i32 to index
        %get3A_981 = arith.index_cast %add3A_978 : i32 to index
        %get3A_982 = arith.constant 256 : index
        %get3A_983 = tpu.vector_load %arg10[%get3A_980, %get3A_981, %get3A_982] {strides = array<i32>} : memref<2x40x512xf32, #tpu.memory_space<vmem>>, vector<1x1x16xf32>,
        %get3A_984 = vector.shape_cast %get3A_983 : vector<1x1x16xf32> to vector<16xf32>
        %add3A_985 = arith.addf %add3A_976, %get3A_984 : vector<16xf32>
        %swap3A_986 = arith.constant 0 : i32
        %swap3A_987 = arith.index_cast %swap3A_986 : i32 to index
        %swap3A_988 = arith.index_cast %scan3A_161 : i32 to index
        %swap3A_989 = arith.constant 256 : index
        %swap3A_990 = tpu.vector_load %arg10[%swap3A_987, %swap3A_988, %swap3A_989] {strides = array<i32>} : memref<2x40x512xf32, #tpu.memory_space<vmem>>, vector<1x1x16xf32>,
        %swap3A_991 = vector.shape_cast %swap3A_990 : vector<1x1x16xf32> to vector<16xf32>
        %swap3A_992 = vector.shape_cast %add3A_985 : vector<16xf32> to vector<1x1x16xf32>
        tpu.vector_store %arg10[%swap3A_987, %swap3A_988, %swap3A_989], %swap3A_992 {strides = array<i32>} : memref<2x40x512xf32, #tpu.memory_space<vmem>>, vector<1x1x16xf32>,
        %get3A_993 = arith.constant 0 : i32
        %get3A_994 = arith.index_cast %get3A_993 : i32 to index
        %get3A_995 = arith.index_cast %scan3A_161 : i32 to index
        %get3A_996 = arith.constant 272 : index
        %get3A_997 = tpu.vector_load %arg10[%get3A_994, %get3A_995, %get3A_996] {strides = array<i32>} : memref<2x40x512xf32, #tpu.memory_space<vmem>>, vector<1x1x16xf32>,
        %get3A_998 = vector.shape_cast %get3A_997 : vector<1x1x16xf32> to vector<16xf32>
        %add3A_999 = arith.constant 8 : i32
        %add3A_1000 = arith.addi %add3A_999, %scan3A_161 : i32
        %get3A_1001 = arith.constant 0 : i32
        %get3A_1002 = arith.index_cast %get3A_1001 : i32 to index
        %get3A_1003 = arith.index_cast %add3A_1000 : i32 to index
        %get3A_1004 = arith.constant 272 : index
        %get3A_1005 = tpu.vector_load %arg10[%get3A_1002, %get3A_1003, %get3A_1004] {strides = array<i32>} : memref<2x40x512xf32, #tpu.memory_space<vmem>>, vector<1x1x16xf32>,
        %get3A_1006 = vector.shape_cast %get3A_1005 : vector<1x1x16xf32> to vector<16xf32>
        %add3A_1007 = arith.addf %get3A_998, %get3A_1006 : vector<16xf32>
        %add3A_1008 = arith.constant 16 : i32
        %add3A_1009 = arith.addi %add3A_1008, %scan3A_161 : i32
        %get3A_1010 = arith.constant 0 : i32
        %get3A_1011 = arith.index_cast %get3A_1010 : i32 to index
        %get3A_1012 = arith.index_cast %add3A_1009 : i32 to index
        %get3A_1013 = arith.constant 272 : index
        %get3A_1014 = tpu.vector_load %arg10[%get3A_1011, %get3A_1012, %get3A_1013] {strides = array<i32>} : memref<2x40x512xf32, #tpu.memory_space<vmem>>, vector<1x1x16xf32>,
        %get3A_1015 = vector.shape_cast %get3A_1014 : vector<1x1x16xf32> to vector<16xf32>
        %add3A_1016 = arith.addf %add3A_1007, %get3A_1015 : vector<16xf32>
        %add3A_1017 = arith.constant 24 : i32
        %add3A_1018 = arith.addi %add3A_1017, %scan3A_161 : i32
        %get3A_1019 = arith.constant 0 : i32
        %get3A_1020 = arith.index_cast %get3A_1019 : i32 to index
        %get3A_1021 = arith.index_cast %add3A_1018 : i32 to index
        %get3A_1022 = arith.constant 272 : index
        %get3A_1023 = tpu.vector_load %arg10[%get3A_1020, %get3A_1021, %get3A_1022] {strides = array<i32>} : memref<2x40x512xf32, #tpu.memory_space<vmem>>, vector<1x1x16xf32>,
        %get3A_1024 = vector.shape_cast %get3A_1023 : vector<1x1x16xf32> to vector<16xf32>
        %add3A_1025 = arith.addf %add3A_1016, %get3A_1024 : vector<16xf32>
        %add3A_1026 = arith.constant 32 : i32
        %add3A_1027 = arith.addi %add3A_1026, %scan3A_161 : i32
        %get3A_1028 = arith.constant 0 : i32
        %get3A_1029 = arith.index_cast %get3A_1028 : i32 to index
        %get3A_1030 = arith.index_cast %add3A_1027 : i32 to index
        %get3A_1031 = arith.constant 272 : index
        %get3A_1032 = tpu.vector_load %arg10[%get3A_1029, %get3A_1030, %get3A_1031] {strides = array<i32>} : memref<2x40x512xf32, #tpu.memory_space<vmem>>, vector<1x1x16xf32>,
        %get3A_1033 = vector.shape_cast %get3A_1032 : vector<1x1x16xf32> to vector<16xf32>
        %add3A_1034 = arith.addf %add3A_1025, %get3A_1033 : vector<16xf32>
        %swap3A_1035 = arith.constant 0 : i32
        %swap3A_1036 = arith.index_cast %swap3A_1035 : i32 to index
        %swap3A_1037 = arith.index_cast %scan3A_161 : i32 to index
        %swap3A_1038 = arith.constant 272 : index
        %swap3A_1039 = tpu.vector_load %arg10[%swap3A_1036, %swap3A_1037, %swap3A_1038] {strides = array<i32>} : memref<2x40x512xf32, #tpu.memory_space<vmem>>, vector<1x1x16xf32>,
        %swap3A_1040 = vector.shape_cast %swap3A_1039 : vector<1x1x16xf32> to vector<16xf32>
        %swap3A_1041 = vector.shape_cast %add3A_1034 : vector<16xf32> to vector<1x1x16xf32>
        tpu.vector_store %arg10[%swap3A_1036, %swap3A_1037, %swap3A_1038], %swap3A_1041 {strides = array<i32>} : memref<2x40x512xf32, #tpu.memory_space<vmem>>, vector<1x1x16xf32>,
        %get3A_1042 = arith.constant 0 : i32
        %get3A_1043 = arith.index_cast %get3A_1042 : i32 to index
        %get3A_1044 = arith.index_cast %scan3A_161 : i32 to index
        %get3A_1045 = arith.constant 288 : index
        %get3A_1046 = tpu.vector_load %arg10[%get3A_1043, %get3A_1044, %get3A_1045] {strides = array<i32>} : memref<2x40x512xf32, #tpu.memory_space<vmem>>, vector<1x1x16xf32>,
        %get3A_1047 = vector.shape_cast %get3A_1046 : vector<1x1x16xf32> to vector<16xf32>
        %add3A_1048 = arith.constant 8 : i32
        %add3A_1049 = arith.addi %add3A_1048, %scan3A_161 : i32
        %get3A_1050 = arith.constant 0 : i32
        %get3A_1051 = arith.index_cast %get3A_1050 : i32 to index
        %get3A_1052 = arith.index_cast %add3A_1049 : i32 to index
        %get3A_1053 = arith.constant 288 : index
        %get3A_1054 = tpu.vector_load %arg10[%get3A_1051, %get3A_1052, %get3A_1053] {strides = array<i32>} : memref<2x40x512xf32, #tpu.memory_space<vmem>>, vector<1x1x16xf32>,
        %get3A_1055 = vector.shape_cast %get3A_1054 : vector<1x1x16xf32> to vector<16xf32>
        %add3A_1056 = arith.addf %get3A_1047, %get3A_1055 : vector<16xf32>
        %add3A_1057 = arith.constant 16 : i32
        %add3A_1058 = arith.addi %add3A_1057, %scan3A_161 : i32
        %get3A_1059 = arith.constant 0 : i32
        %get3A_1060 = arith.index_cast %get3A_1059 : i32 to index
        %get3A_1061 = arith.index_cast %add3A_1058 : i32 to index
        %get3A_1062 = arith.constant 288 : index
        %get3A_1063 = tpu.vector_load %arg10[%get3A_1060, %get3A_1061, %get3A_1062] {strides = array<i32>} : memref<2x40x512xf32, #tpu.memory_space<vmem>>, vector<1x1x16xf32>,
        %get3A_1064 = vector.shape_cast %get3A_1063 : vector<1x1x16xf32> to vector<16xf32>
        %add3A_1065 = arith.addf %add3A_1056, %get3A_1064 : vector<16xf32>
        %add3A_1066 = arith.constant 24 : i32
        %add3A_1067 = arith.addi %add3A_1066, %scan3A_161 : i32
        %get3A_1068 = arith.constant 0 : i32
        %get3A_1069 = arith.index_cast %get3A_1068 : i32 to index
        %get3A_1070 = arith.index_cast %add3A_1067 : i32 to index
        %get3A_1071 = arith.constant 288 : index
        %get3A_1072 = tpu.vector_load %arg10[%get3A_1069, %get3A_1070, %get3A_1071] {strides = array<i32>} : memref<2x40x512xf32, #tpu.memory_space<vmem>>, vector<1x1x16xf32>,
        %get3A_1073 = vector.shape_cast %get3A_1072 : vector<1x1x16xf32> to vector<16xf32>
        %add3A_1074 = arith.addf %add3A_1065, %get3A_1073 : vector<16xf32>
        %add3A_1075 = arith.constant 32 : i32
        %add3A_1076 = arith.addi %add3A_1075, %scan3A_161 : i32
        %get3A_1077 = arith.constant 0 : i32
        %get3A_1078 = arith.index_cast %get3A_1077 : i32 to index
        %get3A_1079 = arith.index_cast %add3A_1076 : i32 to index
        %get3A_1080 = arith.constant 288 : index
        %get3A_1081 = tpu.vector_load %arg10[%get3A_1078, %get3A_1079, %get3A_1080] {strides = array<i32>} : memref<2x40x512xf32, #tpu.memory_space<vmem>>, vector<1x1x16xf32>,
        %get3A_1082 = vector.shape_cast %get3A_1081 : vector<1x1x16xf32> to vector<16xf32>
        %add3A_1083 = arith.addf %add3A_1074, %get3A_1082 : vector<16xf32>
        %swap3A_1084 = arith.constant 0 : i32
        %swap3A_1085 = arith.index_cast %swap3A_1084 : i32 to index
        %swap3A_1086 = arith.index_cast %scan3A_161 : i32 to index
        %swap3A_1087 = arith.constant 288 : index
        %swap3A_1088 = tpu.vector_load %arg10[%swap3A_1085, %swap3A_1086, %swap3A_1087] {strides = array<i32>} : memref<2x40x512xf32, #tpu.memory_space<vmem>>, vector<1x1x16xf32>,
        %swap3A_1089 = vector.shape_cast %swap3A_1088 : vector<1x1x16xf32> to vector<16xf32>
        %swap3A_1090 = vector.shape_cast %add3A_1083 : vector<16xf32> to vector<1x1x16xf32>
        tpu.vector_store %arg10[%swap3A_1085, %swap3A_1086, %swap3A_1087], %swap3A_1090 {strides = array<i32>} : memref<2x40x512xf32, #tpu.memory_space<vmem>>, vector<1x1x16xf32>,
        %get3A_1091 = arith.constant 0 : i32
        %get3A_1092 = arith.index_cast %get3A_1091 : i32 to index
        %get3A_1093 = arith.index_cast %scan3A_161 : i32 to index
        %get3A_1094 = arith.constant 304 : index
        %get3A_1095 = tpu.vector_load %arg10[%get3A_1092, %get3A_1093, %get3A_1094] {strides = array<i32>} : memref<2x40x512xf32, #tpu.memory_space<vmem>>, vector<1x1x16xf32>,
        %get3A_1096 = vector.shape_cast %get3A_1095 : vector<1x1x16xf32> to vector<16xf32>
        %add3A_1097 = arith.constant 8 : i32
        %add3A_1098 = arith.addi %add3A_1097, %scan3A_161 : i32
        %get3A_1099 = arith.constant 0 : i32
        %get3A_1100 = arith.index_cast %get3A_1099 : i32 to index
        %get3A_1101 = arith.index_cast %add3A_1098 : i32 to index
        %get3A_1102 = arith.constant 304 : index
        %get3A_1103 = tpu.vector_load %arg10[%get3A_1100, %get3A_1101, %get3A_1102] {strides = array<i32>} : memref<2x40x512xf32, #tpu.memory_space<vmem>>, vector<1x1x16xf32>,
        %get3A_1104 = vector.shape_cast %get3A_1103 : vector<1x1x16xf32> to vector<16xf32>
        %add3A_1105 = arith.addf %get3A_1096, %get3A_1104 : vector<16xf32>
        %add3A_1106 = arith.constant 16 : i32
        %add3A_1107 = arith.addi %add3A_1106, %scan3A_161 : i32
        %get3A_1108 = arith.constant 0 : i32
        %get3A_1109 = arith.index_cast %get3A_1108 : i32 to index
        %get3A_1110 = arith.index_cast %add3A_1107 : i32 to index
        %get3A_1111 = arith.constant 304 : index
        %get3A_1112 = tpu.vector_load %arg10[%get3A_1109, %get3A_1110, %get3A_1111] {strides = array<i32>} : memref<2x40x512xf32, #tpu.memory_space<vmem>>, vector<1x1x16xf32>,
        %get3A_1113 = vector.shape_cast %get3A_1112 : vector<1x1x16xf32> to vector<16xf32>
        %add3A_1114 = arith.addf %add3A_1105, %get3A_1113 : vector<16xf32>
        %add3A_1115 = arith.constant 24 : i32
        %add3A_1116 = arith.addi %add3A_1115, %scan3A_161 : i32
        %get3A_1117 = arith.constant 0 : i32
        %get3A_1118 = arith.index_cast %get3A_1117 : i32 to index
        %get3A_1119 = arith.index_cast %add3A_1116 : i32 to index
        %get3A_1120 = arith.constant 304 : index
        %get3A_1121 = tpu.vector_load %arg10[%get3A_1118, %get3A_1119, %get3A_1120] {strides = array<i32>} : memref<2x40x512xf32, #tpu.memory_space<vmem>>, vector<1x1x16xf32>,
        %get3A_1122 = vector.shape_cast %get3A_1121 : vector<1x1x16xf32> to vector<16xf32>
        %add3A_1123 = arith.addf %add3A_1114, %get3A_1122 : vector<16xf32>
        %add3A_1124 = arith.constant 32 : i32
        %add3A_1125 = arith.addi %add3A_1124, %scan3A_161 : i32
        %get3A_1126 = arith.constant 0 : i32
        %get3A_1127 = arith.index_cast %get3A_1126 : i32 to index
        %get3A_1128 = arith.index_cast %add3A_1125 : i32 to index
        %get3A_1129 = arith.constant 304 : index
        %get3A_1130 = tpu.vector_load %arg10[%get3A_1127, %get3A_1128, %get3A_1129] {strides = array<i32>} : memref<2x40x512xf32, #tpu.memory_space<vmem>>, vector<1x1x16xf32>,
        %get3A_1131 = vector.shape_cast %get3A_1130 : vector<1x1x16xf32> to vector<16xf32>
        %add3A_1132 = arith.addf %add3A_1123, %get3A_1131 : vector<16xf32>
        %swap3A_1133 = arith.constant 0 : i32
        %swap3A_1134 = arith.index_cast %swap3A_1133 : i32 to index
        %swap3A_1135 = arith.index_cast %scan3A_161 : i32 to index
        %swap3A_1136 = arith.constant 304 : index
        %swap3A_1137 = tpu.vector_load %arg10[%swap3A_1134, %swap3A_1135, %swap3A_1136] {strides = array<i32>} : memref<2x40x512xf32, #tpu.memory_space<vmem>>, vector<1x1x16xf32>,
        %swap3A_1138 = vector.shape_cast %swap3A_1137 : vector<1x1x16xf32> to vector<16xf32>
        %swap3A_1139 = vector.shape_cast %add3A_1132 : vector<16xf32> to vector<1x1x16xf32>
        tpu.vector_store %arg10[%swap3A_1134, %swap3A_1135, %swap3A_1136], %swap3A_1139 {strides = array<i32>} : memref<2x40x512xf32, #tpu.memory_space<vmem>>, vector<1x1x16xf32>,
        %get3A_1140 = arith.constant 0 : i32
        %get3A_1141 = arith.index_cast %get3A_1140 : i32 to index
        %get3A_1142 = arith.index_cast %scan3A_161 : i32 to index
        %get3A_1143 = arith.constant 320 : index
        %get3A_1144 = tpu.vector_load %arg10[%get3A_1141, %get3A_1142, %get3A_1143] {strides = array<i32>} : memref<2x40x512xf32, #tpu.memory_space<vmem>>, vector<1x1x16xf32>,
        %get3A_1145 = vector.shape_cast %get3A_1144 : vector<1x1x16xf32> to vector<16xf32>
        %add3A_1146 = arith.constant 8 : i32
        %add3A_1147 = arith.addi %add3A_1146, %scan3A_161 : i32
        %get3A_1148 = arith.constant 0 : i32
        %get3A_1149 = arith.index_cast %get3A_1148 : i32 to index
        %get3A_1150 = arith.index_cast %add3A_1147 : i32 to index
        %get3A_1151 = arith.constant 320 : index
        %get3A_1152 = tpu.vector_load %arg10[%get3A_1149, %get3A_1150, %get3A_1151] {strides = array<i32>} : memref<2x40x512xf32, #tpu.memory_space<vmem>>, vector<1x1x16xf32>,
        %get3A_1153 = vector.shape_cast %get3A_1152 : vector<1x1x16xf32> to vector<16xf32>
        %add3A_1154 = arith.addf %get3A_1145, %get3A_1153 : vector<16xf32>
        %add3A_1155 = arith.constant 16 : i32
        %add3A_1156 = arith.addi %add3A_1155, %scan3A_161 : i32
        %get3A_1157 = arith.constant 0 : i32
        %get3A_1158 = arith.index_cast %get3A_1157 : i32 to index
        %get3A_1159 = arith.index_cast %add3A_1156 : i32 to index
        %get3A_1160 = arith.constant 320 : index
        %get3A_1161 = tpu.vector_load %arg10[%get3A_1158, %get3A_1159, %get3A_1160] {strides = array<i32>} : memref<2x40x512xf32, #tpu.memory_space<vmem>>, vector<1x1x16xf32>,
        %get3A_1162 = vector.shape_cast %get3A_1161 : vector<1x1x16xf32> to vector<16xf32>
        %add3A_1163 = arith.addf %add3A_1154, %get3A_1162 : vector<16xf32>
        %add3A_1164 = arith.constant 24 : i32
        %add3A_1165 = arith.addi %add3A_1164, %scan3A_161 : i32
        %get3A_1166 = arith.constant 0 : i32
        %get3A_1167 = arith.index_cast %get3A_1166 : i32 to index
        %get3A_1168 = arith.index_cast %add3A_1165 : i32 to index
        %get3A_1169 = arith.constant 320 : index
        %get3A_1170 = tpu.vector_load %arg10[%get3A_1167, %get3A_1168, %get3A_1169] {strides = array<i32>} : memref<2x40x512xf32, #tpu.memory_space<vmem>>, vector<1x1x16xf32>,
        %get3A_1171 = vector.shape_cast %get3A_1170 : vector<1x1x16xf32> to vector<16xf32>
        %add3A_1172 = arith.addf %add3A_1163, %get3A_1171 : vector<16xf32>
        %add3A_1173 = arith.constant 32 : i32
        %add3A_1174 = arith.addi %add3A_1173, %scan3A_161 : i32
        %get3A_1175 = arith.constant 0 : i32
        %get3A_1176 = arith.index_cast %get3A_1175 : i32 to index
        %get3A_1177 = arith.index_cast %add3A_1174 : i32 to index
        %get3A_1178 = arith.constant 320 : index
        %get3A_1179 = tpu.vector_load %arg10[%get3A_1176, %get3A_1177, %get3A_1178] {strides = array<i32>} : memref<2x40x512xf32, #tpu.memory_space<vmem>>, vector<1x1x16xf32>,
        %get3A_1180 = vector.shape_cast %get3A_1179 : vector<1x1x16xf32> to vector<16xf32>
        %add3A_1181 = arith.addf %add3A_1172, %get3A_1180 : vector<16xf32>
        %swap3A_1182 = arith.constant 0 : i32
        %swap3A_1183 = arith.index_cast %swap3A_1182 : i32 to index
        %swap3A_1184 = arith.index_cast %scan3A_161 : i32 to index
        %swap3A_1185 = arith.constant 320 : index
        %swap3A_1186 = tpu.vector_load %arg10[%swap3A_1183, %swap3A_1184, %swap3A_1185] {strides = array<i32>} : memref<2x40x512xf32, #tpu.memory_space<vmem>>, vector<1x1x16xf32>,
        %swap3A_1187 = vector.shape_cast %swap3A_1186 : vector<1x1x16xf32> to vector<16xf32>
        %swap3A_1188 = vector.shape_cast %add3A_1181 : vector<16xf32> to vector<1x1x16xf32>
        tpu.vector_store %arg10[%swap3A_1183, %swap3A_1184, %swap3A_1185], %swap3A_1188 {strides = array<i32>} : memref<2x40x512xf32, #tpu.memory_space<vmem>>, vector<1x1x16xf32>,
        %get3A_1189 = arith.constant 0 : i32
        %get3A_1190 = arith.index_cast %get3A_1189 : i32 to index
        %get3A_1191 = arith.index_cast %scan3A_161 : i32 to index
        %get3A_1192 = arith.constant 336 : index
        %get3A_1193 = tpu.vector_load %arg10[%get3A_1190, %get3A_1191, %get3A_1192] {strides = array<i32>} : memref<2x40x512xf32, #tpu.memory_space<vmem>>, vector<1x1x16xf32>,
        %get3A_1194 = vector.shape_cast %get3A_1193 : vector<1x1x16xf32> to vector<16xf32>
        %add3A_1195 = arith.constant 8 : i32
        %add3A_1196 = arith.addi %add3A_1195, %scan3A_161 : i32
        %get3A_1197 = arith.constant 0 : i32
        %get3A_1198 = arith.index_cast %get3A_1197 : i32 to index
        %get3A_1199 = arith.index_cast %add3A_1196 : i32 to index
        %get3A_1200 = arith.constant 336 : index
        %get3A_1201 = tpu.vector_load %arg10[%get3A_1198, %get3A_1199, %get3A_1200] {strides = array<i32>} : memref<2x40x512xf32, #tpu.memory_space<vmem>>, vector<1x1x16xf32>,
        %get3A_1202 = vector.shape_cast %get3A_1201 : vector<1x1x16xf32> to vector<16xf32>
        %add3A_1203 = arith.addf %get3A_1194, %get3A_1202 : vector<16xf32>
        %add3A_1204 = arith.constant 16 : i32
        %add3A_1205 = arith.addi %add3A_1204, %scan3A_161 : i32
        %get3A_1206 = arith.constant 0 : i32
        %get3A_1207 = arith.index_cast %get3A_1206 : i32 to index
        %get3A_1208 = arith.index_cast %add3A_1205 : i32 to index
        %get3A_1209 = arith.constant 336 : index
        %get3A_1210 = tpu.vector_load %arg10[%get3A_1207, %get3A_1208, %get3A_1209] {strides = array<i32>} : memref<2x40x512xf32, #tpu.memory_space<vmem>>, vector<1x1x16xf32>,
        %get3A_1211 = vector.shape_cast %get3A_1210 : vector<1x1x16xf32> to vector<16xf32>
        %add3A_1212 = arith.addf %add3A_1203, %get3A_1211 : vector<16xf32>
        %add3A_1213 = arith.constant 24 : i32
        %add3A_1214 = arith.addi %add3A_1213, %scan3A_161 : i32
        %get3A_1215 = arith.constant 0 : i32
        %get3A_1216 = arith.index_cast %get3A_1215 : i32 to index
        %get3A_1217 = arith.index_cast %add3A_1214 : i32 to index
        %get3A_1218 = arith.constant 336 : index
        %get3A_1219 = tpu.vector_load %arg10[%get3A_1216, %get3A_1217, %get3A_1218] {strides = array<i32>} : memref<2x40x512xf32, #tpu.memory_space<vmem>>, vector<1x1x16xf32>,
        %get3A_1220 = vector.shape_cast %get3A_1219 : vector<1x1x16xf32> to vector<16xf32>
        %add3A_1221 = arith.addf %add3A_1212, %get3A_1220 : vector<16xf32>
        %add3A_1222 = arith.constant 32 : i32
        %add3A_1223 = arith.addi %add3A_1222, %scan3A_161 : i32
        %get3A_1224 = arith.constant 0 : i32
        %get3A_1225 = arith.index_cast %get3A_1224 : i32 to index
        %get3A_1226 = arith.index_cast %add3A_1223 : i32 to index
        %get3A_1227 = arith.constant 336 : index
        %get3A_1228 = tpu.vector_load %arg10[%get3A_1225, %get3A_1226, %get3A_1227] {strides = array<i32>} : memref<2x40x512xf32, #tpu.memory_space<vmem>>, vector<1x1x16xf32>,
        %get3A_1229 = vector.shape_cast %get3A_1228 : vector<1x1x16xf32> to vector<16xf32>
        %add3A_1230 = arith.addf %add3A_1221, %get3A_1229 : vector<16xf32>
        %swap3A_1231 = arith.constant 0 : i32
        %swap3A_1232 = arith.index_cast %swap3A_1231 : i32 to index
        %swap3A_1233 = arith.index_cast %scan3A_161 : i32 to index
        %swap3A_1234 = arith.constant 336 : index
        %swap3A_1235 = tpu.vector_load %arg10[%swap3A_1232, %swap3A_1233, %swap3A_1234] {strides = array<i32>} : memref<2x40x512xf32, #tpu.memory_space<vmem>>, vector<1x1x16xf32>,
        %swap3A_1236 = vector.shape_cast %swap3A_1235 : vector<1x1x16xf32> to vector<16xf32>
        %swap3A_1237 = vector.shape_cast %add3A_1230 : vector<16xf32> to vector<1x1x16xf32>
        tpu.vector_store %arg10[%swap3A_1232, %swap3A_1233, %swap3A_1234], %swap3A_1237 {strides = array<i32>} : memref<2x40x512xf32, #tpu.memory_space<vmem>>, vector<1x1x16xf32>,
        %get3A_1238 = arith.constant 0 : i32
        %get3A_1239 = arith.index_cast %get3A_1238 : i32 to index
        %get3A_1240 = arith.index_cast %scan3A_161 : i32 to index
        %get3A_1241 = arith.constant 352 : index
        %get3A_1242 = tpu.vector_load %arg10[%get3A_1239, %get3A_1240, %get3A_1241] {strides = array<i32>} : memref<2x40x512xf32, #tpu.memory_space<vmem>>, vector<1x1x16xf32>,
        %get3A_1243 = vector.shape_cast %get3A_1242 : vector<1x1x16xf32> to vector<16xf32>
        %add3A_1244 = arith.constant 8 : i32
        %add3A_1245 = arith.addi %add3A_1244, %scan3A_161 : i32
        %get3A_1246 = arith.constant 0 : i32
        %get3A_1247 = arith.index_cast %get3A_1246 : i32 to index
        %get3A_1248 = arith.index_cast %add3A_1245 : i32 to index
        %get3A_1249 = arith.constant 352 : index
        %get3A_1250 = tpu.vector_load %arg10[%get3A_1247, %get3A_1248, %get3A_1249] {strides = array<i32>} : memref<2x40x512xf32, #tpu.memory_space<vmem>>, vector<1x1x16xf32>,
        %get3A_1251 = vector.shape_cast %get3A_1250 : vector<1x1x16xf32> to vector<16xf32>
        %add3A_1252 = arith.addf %get3A_1243, %get3A_1251 : vector<16xf32>
        %add3A_1253 = arith.constant 16 : i32
        %add3A_1254 = arith.addi %add3A_1253, %scan3A_161 : i32
        %get3A_1255 = arith.constant 0 : i32
        %get3A_1256 = arith.index_cast %get3A_1255 : i32 to index
        %get3A_1257 = arith.index_cast %add3A_1254 : i32 to index
        %get3A_1258 = arith.constant 352 : index
        %get3A_1259 = tpu.vector_load %arg10[%get3A_1256, %get3A_1257, %get3A_1258] {strides = array<i32>} : memref<2x40x512xf32, #tpu.memory_space<vmem>>, vector<1x1x16xf32>,
        %get3A_1260 = vector.shape_cast %get3A_1259 : vector<1x1x16xf32> to vector<16xf32>
        %add3A_1261 = arith.addf %add3A_1252, %get3A_1260 : vector<16xf32>
        %add3A_1262 = arith.constant 24 : i32
        %add3A_1263 = arith.addi %add3A_1262, %scan3A_161 : i32
        %get3A_1264 = arith.constant 0 : i32
        %get3A_1265 = arith.index_cast %get3A_1264 : i32 to index
        %get3A_1266 = arith.index_cast %add3A_1263 : i32 to index
        %get3A_1267 = arith.constant 352 : index
        %get3A_1268 = tpu.vector_load %arg10[%get3A_1265, %get3A_1266, %get3A_1267] {strides = array<i32>} : memref<2x40x512xf32, #tpu.memory_space<vmem>>, vector<1x1x16xf32>,
        %get3A_1269 = vector.shape_cast %get3A_1268 : vector<1x1x16xf32> to vector<16xf32>
        %add3A_1270 = arith.addf %add3A_1261, %get3A_1269 : vector<16xf32>
        %add3A_1271 = arith.constant 32 : i32
        %add3A_1272 = arith.addi %add3A_1271, %scan3A_161 : i32
        %get3A_1273 = arith.constant 0 : i32
        %get3A_1274 = arith.index_cast %get3A_1273 : i32 to index
        %get3A_1275 = arith.index_cast %add3A_1272 : i32 to index
        %get3A_1276 = arith.constant 352 : index
        %get3A_1277 = tpu.vector_load %arg10[%get3A_1274, %get3A_1275, %get3A_1276] {strides = array<i32>} : memref<2x40x512xf32, #tpu.memory_space<vmem>>, vector<1x1x16xf32>,
        %get3A_1278 = vector.shape_cast %get3A_1277 : vector<1x1x16xf32> to vector<16xf32>
        %add3A_1279 = arith.addf %add3A_1270, %get3A_1278 : vector<16xf32>
        %swap3A_1280 = arith.constant 0 : i32
        %swap3A_1281 = arith.index_cast %swap3A_1280 : i32 to index
        %swap3A_1282 = arith.index_cast %scan3A_161 : i32 to index
        %swap3A_1283 = arith.constant 352 : index
        %swap3A_1284 = tpu.vector_load %arg10[%swap3A_1281, %swap3A_1282, %swap3A_1283] {strides = array<i32>} : memref<2x40x512xf32, #tpu.memory_space<vmem>>, vector<1x1x16xf32>,
        %swap3A_1285 = vector.shape_cast %swap3A_1284 : vector<1x1x16xf32> to vector<16xf32>
        %swap3A_1286 = vector.shape_cast %add3A_1279 : vector<16xf32> to vector<1x1x16xf32>
        tpu.vector_store %arg10[%swap3A_1281, %swap3A_1282, %swap3A_1283], %swap3A_1286 {strides = array<i32>} : memref<2x40x512xf32, #tpu.memory_space<vmem>>, vector<1x1x16xf32>,
        %get3A_1287 = arith.constant 0 : i32
        %get3A_1288 = arith.index_cast %get3A_1287 : i32 to index
        %get3A_1289 = arith.index_cast %scan3A_161 : i32 to index
        %get3A_1290 = arith.constant 368 : index
        %get3A_1291 = tpu.vector_load %arg10[%get3A_1288, %get3A_1289, %get3A_1290] {strides = array<i32>} : memref<2x40x512xf32, #tpu.memory_space<vmem>>, vector<1x1x16xf32>,
        %get3A_1292 = vector.shape_cast %get3A_1291 : vector<1x1x16xf32> to vector<16xf32>
        %add3A_1293 = arith.constant 8 : i32
        %add3A_1294 = arith.addi %add3A_1293, %scan3A_161 : i32
        %get3A_1295 = arith.constant 0 : i32
        %get3A_1296 = arith.index_cast %get3A_1295 : i32 to index
        %get3A_1297 = arith.index_cast %add3A_1294 : i32 to index
        %get3A_1298 = arith.constant 368 : index
        %get3A_1299 = tpu.vector_load %arg10[%get3A_1296, %get3A_1297, %get3A_1298] {strides = array<i32>} : memref<2x40x512xf32, #tpu.memory_space<vmem>>, vector<1x1x16xf32>,
        %get3A_1300 = vector.shape_cast %get3A_1299 : vector<1x1x16xf32> to vector<16xf32>
        %add3A_1301 = arith.addf %get3A_1292, %get3A_1300 : vector<16xf32>
        %add3A_1302 = arith.constant 16 : i32
        %add3A_1303 = arith.addi %add3A_1302, %scan3A_161 : i32
        %get3A_1304 = arith.constant 0 : i32
        %get3A_1305 = arith.index_cast %get3A_1304 : i32 to index
        %get3A_1306 = arith.index_cast %add3A_1303 : i32 to index
        %get3A_1307 = arith.constant 368 : index
        %get3A_1308 = tpu.vector_load %arg10[%get3A_1305, %get3A_1306, %get3A_1307] {strides = array<i32>} : memref<2x40x512xf32, #tpu.memory_space<vmem>>, vector<1x1x16xf32>,
        %get3A_1309 = vector.shape_cast %get3A_1308 : vector<1x1x16xf32> to vector<16xf32>
        %add3A_1310 = arith.addf %add3A_1301, %get3A_1309 : vector<16xf32>
        %add3A_1311 = arith.constant 24 : i32
        %add3A_1312 = arith.addi %add3A_1311, %scan3A_161 : i32
        %get3A_1313 = arith.constant 0 : i32
        %get3A_1314 = arith.index_cast %get3A_1313 : i32 to index
        %get3A_1315 = arith.index_cast %add3A_1312 : i32 to index
        %get3A_1316 = arith.constant 368 : index
        %get3A_1317 = tpu.vector_load %arg10[%get3A_1314, %get3A_1315, %get3A_1316] {strides = array<i32>} : memref<2x40x512xf32, #tpu.memory_space<vmem>>, vector<1x1x16xf32>,
        %get3A_1318 = vector.shape_cast %get3A_1317 : vector<1x1x16xf32> to vector<16xf32>
        %add3A_1319 = arith.addf %add3A_1310, %get3A_1318 : vector<16xf32>
        %add3A_1320 = arith.constant 32 : i32
        %add3A_1321 = arith.addi %add3A_1320, %scan3A_161 : i32
        %get3A_1322 = arith.constant 0 : i32
        %get3A_1323 = arith.index_cast %get3A_1322 : i32 to index
        %get3A_1324 = arith.index_cast %add3A_1321 : i32 to index
        %get3A_1325 = arith.constant 368 : index
        %get3A_1326 = tpu.vector_load %arg10[%get3A_1323, %get3A_1324, %get3A_1325] {strides = array<i32>} : memref<2x40x512xf32, #tpu.memory_space<vmem>>, vector<1x1x16xf32>,
        %get3A_1327 = vector.shape_cast %get3A_1326 : vector<1x1x16xf32> to vector<16xf32>
        %add3A_1328 = arith.addf %add3A_1319, %get3A_1327 : vector<16xf32>
        %swap3A_1329 = arith.constant 0 : i32
        %swap3A_1330 = arith.index_cast %swap3A_1329 : i32 to index
        %swap3A_1331 = arith.index_cast %scan3A_161 : i32 to index
        %swap3A_1332 = arith.constant 368 : index
        %swap3A_1333 = tpu.vector_load %arg10[%swap3A_1330, %swap3A_1331, %swap3A_1332] {strides = array<i32>} : memref<2x40x512xf32, #tpu.memory_space<vmem>>, vector<1x1x16xf32>,
        %swap3A_1334 = vector.shape_cast %swap3A_1333 : vector<1x1x16xf32> to vector<16xf32>
        %swap3A_1335 = vector.shape_cast %add3A_1328 : vector<16xf32> to vector<1x1x16xf32>
        tpu.vector_store %arg10[%swap3A_1330, %swap3A_1331, %swap3A_1332], %swap3A_1335 {strides = array<i32>} : memref<2x40x512xf32, #tpu.memory_space<vmem>>, vector<1x1x16xf32>,
        %get3A_1336 = arith.constant 0 : i32
        %get3A_1337 = arith.index_cast %get3A_1336 : i32 to index
        %get3A_1338 = arith.index_cast %scan3A_161 : i32 to index
        %get3A_1339 = arith.constant 384 : index
        %get3A_1340 = tpu.vector_load %arg10[%get3A_1337, %get3A_1338, %get3A_1339] {strides = array<i32>} : memref<2x40x512xf32, #tpu.memory_space<vmem>>, vector<1x1x16xf32>,
        %get3A_1341 = vector.shape_cast %get3A_1340 : vector<1x1x16xf32> to vector<16xf32>
        %add3A_1342 = arith.constant 8 : i32
        %add3A_1343 = arith.addi %add3A_1342, %scan3A_161 : i32
        %get3A_1344 = arith.constant 0 : i32
        %get3A_1345 = arith.index_cast %get3A_1344 : i32 to index
        %get3A_1346 = arith.index_cast %add3A_1343 : i32 to index
        %get3A_1347 = arith.constant 384 : index
        %get3A_1348 = tpu.vector_load %arg10[%get3A_1345, %get3A_1346, %get3A_1347] {strides = array<i32>} : memref<2x40x512xf32, #tpu.memory_space<vmem>>, vector<1x1x16xf32>,
        %get3A_1349 = vector.shape_cast %get3A_1348 : vector<1x1x16xf32> to vector<16xf32>
        %add3A_1350 = arith.addf %get3A_1341, %get3A_1349 : vector<16xf32>
        %add3A_1351 = arith.constant 16 : i32
        %add3A_1352 = arith.addi %add3A_1351, %scan3A_161 : i32
        %get3A_1353 = arith.constant 0 : i32
        %get3A_1354 = arith.index_cast %get3A_1353 : i32 to index
        %get3A_1355 = arith.index_cast %add3A_1352 : i32 to index
        %get3A_1356 = arith.constant 384 : index
        %get3A_1357 = tpu.vector_load %arg10[%get3A_1354, %get3A_1355, %get3A_1356] {strides = array<i32>} : memref<2x40x512xf32, #tpu.memory_space<vmem>>, vector<1x1x16xf32>,
        %get3A_1358 = vector.shape_cast %get3A_1357 : vector<1x1x16xf32> to vector<16xf32>
        %add3A_1359 = arith.addf %add3A_1350, %get3A_1358 : vector<16xf32>
        %add3A_1360 = arith.constant 24 : i32
        %add3A_1361 = arith.addi %add3A_1360, %scan3A_161 : i32
        %get3A_1362 = arith.constant 0 : i32
        %get3A_1363 = arith.index_cast %get3A_1362 : i32 to index
        %get3A_1364 = arith.index_cast %add3A_1361 : i32 to index
        %get3A_1365 = arith.constant 384 : index
        %get3A_1366 = tpu.vector_load %arg10[%get3A_1363, %get3A_1364, %get3A_1365] {strides = array<i32>} : memref<2x40x512xf32, #tpu.memory_space<vmem>>, vector<1x1x16xf32>,
        %get3A_1367 = vector.shape_cast %get3A_1366 : vector<1x1x16xf32> to vector<16xf32>
        %add3A_1368 = arith.addf %add3A_1359, %get3A_1367 : vector<16xf32>
        %add3A_1369 = arith.constant 32 : i32
        %add3A_1370 = arith.addi %add3A_1369, %scan3A_161 : i32
        %get3A_1371 = arith.constant 0 : i32
        %get3A_1372 = arith.index_cast %get3A_1371 : i32 to index
        %get3A_1373 = arith.index_cast %add3A_1370 : i32 to index
        %get3A_1374 = arith.constant 384 : index
        %get3A_1375 = tpu.vector_load %arg10[%get3A_1372, %get3A_1373, %get3A_1374] {strides = array<i32>} : memref<2x40x512xf32, #tpu.memory_space<vmem>>, vector<1x1x16xf32>,
        %get3A_1376 = vector.shape_cast %get3A_1375 : vector<1x1x16xf32> to vector<16xf32>
        %add3A_1377 = arith.addf %add3A_1368, %get3A_1376 : vector<16xf32>
        %swap3A_1378 = arith.constant 0 : i32
        %swap3A_1379 = arith.index_cast %swap3A_1378 : i32 to index
        %swap3A_1380 = arith.index_cast %scan3A_161 : i32 to index
        %swap3A_1381 = arith.constant 384 : index
        %swap3A_1382 = tpu.vector_load %arg10[%swap3A_1379, %swap3A_1380, %swap3A_1381] {strides = array<i32>} : memref<2x40x512xf32, #tpu.memory_space<vmem>>, vector<1x1x16xf32>,
        %swap3A_1383 = vector.shape_cast %swap3A_1382 : vector<1x1x16xf32> to vector<16xf32>
        %swap3A_1384 = vector.shape_cast %add3A_1377 : vector<16xf32> to vector<1x1x16xf32>
        tpu.vector_store %arg10[%swap3A_1379, %swap3A_1380, %swap3A_1381], %swap3A_1384 {strides = array<i32>} : memref<2x40x512xf32, #tpu.memory_space<vmem>>, vector<1x1x16xf32>,
        %get3A_1385 = arith.constant 0 : i32
        %get3A_1386 = arith.index_cast %get3A_1385 : i32 to index
        %get3A_1387 = arith.index_cast %scan3A_161 : i32 to index
        %get3A_1388 = arith.constant 400 : index
        %get3A_1389 = tpu.vector_load %arg10[%get3A_1386, %get3A_1387, %get3A_1388] {strides = array<i32>} : memref<2x40x512xf32, #tpu.memory_space<vmem>>, vector<1x1x16xf32>,
        %get3A_1390 = vector.shape_cast %get3A_1389 : vector<1x1x16xf32> to vector<16xf32>
        %add3A_1391 = arith.constant 8 : i32
        %add3A_1392 = arith.addi %add3A_1391, %scan3A_161 : i32
        %get3A_1393 = arith.constant 0 : i32
        %get3A_1394 = arith.index_cast %get3A_1393 : i32 to index
        %get3A_1395 = arith.index_cast %add3A_1392 : i32 to index
        %get3A_1396 = arith.constant 400 : index
        %get3A_1397 = tpu.vector_load %arg10[%get3A_1394, %get3A_1395, %get3A_1396] {strides = array<i32>} : memref<2x40x512xf32, #tpu.memory_space<vmem>>, vector<1x1x16xf32>,
        %get3A_1398 = vector.shape_cast %get3A_1397 : vector<1x1x16xf32> to vector<16xf32>
        %add3A_1399 = arith.addf %get3A_1390, %get3A_1398 : vector<16xf32>
        %add3A_1400 = arith.constant 16 : i32
        %add3A_1401 = arith.addi %add3A_1400, %scan3A_161 : i32
        %get3A_1402 = arith.constant 0 : i32
        %get3A_1403 = arith.index_cast %get3A_1402 : i32 to index
        %get3A_1404 = arith.index_cast %add3A_1401 : i32 to index
        %get3A_1405 = arith.constant 400 : index
        %get3A_1406 = tpu.vector_load %arg10[%get3A_1403, %get3A_1404, %get3A_1405] {strides = array<i32>} : memref<2x40x512xf32, #tpu.memory_space<vmem>>, vector<1x1x16xf32>,
        %get3A_1407 = vector.shape_cast %get3A_1406 : vector<1x1x16xf32> to vector<16xf32>
        %add3A_1408 = arith.addf %add3A_1399, %get3A_1407 : vector<16xf32>
        %add3A_1409 = arith.constant 24 : i32
        %add3A_1410 = arith.addi %add3A_1409, %scan3A_161 : i32
        %get3A_1411 = arith.constant 0 : i32
        %get3A_1412 = arith.index_cast %get3A_1411 : i32 to index
        %get3A_1413 = arith.index_cast %add3A_1410 : i32 to index
        %get3A_1414 = arith.constant 400 : index
        %get3A_1415 = tpu.vector_load %arg10[%get3A_1412, %get3A_1413, %get3A_1414] {strides = array<i32>} : memref<2x40x512xf32, #tpu.memory_space<vmem>>, vector<1x1x16xf32>,
        %get3A_1416 = vector.shape_cast %get3A_1415 : vector<1x1x16xf32> to vector<16xf32>
        %add3A_1417 = arith.addf %add3A_1408, %get3A_1416 : vector<16xf32>
        %add3A_1418 = arith.constant 32 : i32
        %add3A_1419 = arith.addi %add3A_1418, %scan3A_161 : i32
        %get3A_1420 = arith.constant 0 : i32
        %get3A_1421 = arith.index_cast %get3A_1420 : i32 to index
        %get3A_1422 = arith.index_cast %add3A_1419 : i32 to index
        %get3A_1423 = arith.constant 400 : index
        %get3A_1424 = tpu.vector_load %arg10[%get3A_1421, %get3A_1422, %get3A_1423] {strides = array<i32>} : memref<2x40x512xf32, #tpu.memory_space<vmem>>, vector<1x1x16xf32>,
        %get3A_1425 = vector.shape_cast %get3A_1424 : vector<1x1x16xf32> to vector<16xf32>
        %add3A_1426 = arith.addf %add3A_1417, %get3A_1425 : vector<16xf32>
        %swap3A_1427 = arith.constant 0 : i32
        %swap3A_1428 = arith.index_cast %swap3A_1427 : i32 to index
        %swap3A_1429 = arith.index_cast %scan3A_161 : i32 to index
        %swap3A_1430 = arith.constant 400 : index
        %swap3A_1431 = tpu.vector_load %arg10[%swap3A_1428, %swap3A_1429, %swap3A_1430] {strides = array<i32>} : memref<2x40x512xf32, #tpu.memory_space<vmem>>, vector<1x1x16xf32>,
        %swap3A_1432 = vector.shape_cast %swap3A_1431 : vector<1x1x16xf32> to vector<16xf32>
        %swap3A_1433 = vector.shape_cast %add3A_1426 : vector<16xf32> to vector<1x1x16xf32>
        tpu.vector_store %arg10[%swap3A_1428, %swap3A_1429, %swap3A_1430], %swap3A_1433 {strides = array<i32>} : memref<2x40x512xf32, #tpu.memory_space<vmem>>, vector<1x1x16xf32>,
        %get3A_1434 = arith.constant 0 : i32
        %get3A_1435 = arith.index_cast %get3A_1434 : i32 to index
        %get3A_1436 = arith.index_cast %scan3A_161 : i32 to index
        %get3A_1437 = arith.constant 416 : index
        %get3A_1438 = tpu.vector_load %arg10[%get3A_1435, %get3A_1436, %get3A_1437] {strides = array<i32>} : memref<2x40x512xf32, #tpu.memory_space<vmem>>, vector<1x1x16xf32>,
        %get3A_1439 = vector.shape_cast %get3A_1438 : vector<1x1x16xf32> to vector<16xf32>
        %add3A_1440 = arith.constant 8 : i32
        %add3A_1441 = arith.addi %add3A_1440, %scan3A_161 : i32
        %get3A_1442 = arith.constant 0 : i32
        %get3A_1443 = arith.index_cast %get3A_1442 : i32 to index
        %get3A_1444 = arith.index_cast %add3A_1441 : i32 to index
        %get3A_1445 = arith.constant 416 : index
        %get3A_1446 = tpu.vector_load %arg10[%get3A_1443, %get3A_1444, %get3A_1445] {strides = array<i32>} : memref<2x40x512xf32, #tpu.memory_space<vmem>>, vector<1x1x16xf32>,
        %get3A_1447 = vector.shape_cast %get3A_1446 : vector<1x1x16xf32> to vector<16xf32>
        %add3A_1448 = arith.addf %get3A_1439, %get3A_1447 : vector<16xf32>
        %add3A_1449 = arith.constant 16 : i32
        %add3A_1450 = arith.addi %add3A_1449, %scan3A_161 : i32
        %get3A_1451 = arith.constant 0 : i32
        %get3A_1452 = arith.index_cast %get3A_1451 : i32 to index
        %get3A_1453 = arith.index_cast %add3A_1450 : i32 to index
        %get3A_1454 = arith.constant 416 : index
        %get3A_1455 = tpu.vector_load %arg10[%get3A_1452, %get3A_1453, %get3A_1454] {strides = array<i32>} : memref<2x40x512xf32, #tpu.memory_space<vmem>>, vector<1x1x16xf32>,
        %get3A_1456 = vector.shape_cast %get3A_1455 : vector<1x1x16xf32> to vector<16xf32>
        %add3A_1457 = arith.addf %add3A_1448, %get3A_1456 : vector<16xf32>
        %add3A_1458 = arith.constant 24 : i32
        %add3A_1459 = arith.addi %add3A_1458, %scan3A_161 : i32
        %get3A_1460 = arith.constant 0 : i32
        %get3A_1461 = arith.index_cast %get3A_1460 : i32 to index
        %get3A_1462 = arith.index_cast %add3A_1459 : i32 to index
        %get3A_1463 = arith.constant 416 : index
        %get3A_1464 = tpu.vector_load %arg10[%get3A_1461, %get3A_1462, %get3A_1463] {strides = array<i32>} : memref<2x40x512xf32, #tpu.memory_space<vmem>>, vector<1x1x16xf32>,
        %get3A_1465 = vector.shape_cast %get3A_1464 : vector<1x1x16xf32> to vector<16xf32>
        %add3A_1466 = arith.addf %add3A_1457, %get3A_1465 : vector<16xf32>
        %add3A_1467 = arith.constant 32 : i32
        %add3A_1468 = arith.addi %add3A_1467, %scan3A_161 : i32
        %get3A_1469 = arith.constant 0 : i32
        %get3A_1470 = arith.index_cast %get3A_1469 : i32 to index
        %get3A_1471 = arith.index_cast %add3A_1468 : i32 to index
        %get3A_1472 = arith.constant 416 : index
        %get3A_1473 = tpu.vector_load %arg10[%get3A_1470, %get3A_1471, %get3A_1472] {strides = array<i32>} : memref<2x40x512xf32, #tpu.memory_space<vmem>>, vector<1x1x16xf32>,
        %get3A_1474 = vector.shape_cast %get3A_1473 : vector<1x1x16xf32> to vector<16xf32>
        %add3A_1475 = arith.addf %add3A_1466, %get3A_1474 : vector<16xf32>
        %swap3A_1476 = arith.constant 0 : i32
        %swap3A_1477 = arith.index_cast %swap3A_1476 : i32 to index
        %swap3A_1478 = arith.index_cast %scan3A_161 : i32 to index
        %swap3A_1479 = arith.constant 416 : index
        %swap3A_1480 = tpu.vector_load %arg10[%swap3A_1477, %swap3A_1478, %swap3A_1479] {strides = array<i32>} : memref<2x40x512xf32, #tpu.memory_space<vmem>>, vector<1x1x16xf32>,
        %swap3A_1481 = vector.shape_cast %swap3A_1480 : vector<1x1x16xf32> to vector<16xf32>
        %swap3A_1482 = vector.shape_cast %add3A_1475 : vector<16xf32> to vector<1x1x16xf32>
        tpu.vector_store %arg10[%swap3A_1477, %swap3A_1478, %swap3A_1479], %swap3A_1482 {strides = array<i32>} : memref<2x40x512xf32, #tpu.memory_space<vmem>>, vector<1x1x16xf32>,
        %get3A_1483 = arith.constant 0 : i32
        %get3A_1484 = arith.index_cast %get3A_1483 : i32 to index
        %get3A_1485 = arith.index_cast %scan3A_161 : i32 to index
        %get3A_1486 = arith.constant 432 : index
        %get3A_1487 = tpu.vector_load %arg10[%get3A_1484, %get3A_1485, %get3A_1486] {strides = array<i32>} : memref<2x40x512xf32, #tpu.memory_space<vmem>>, vector<1x1x16xf32>,
        %get3A_1488 = vector.shape_cast %get3A_1487 : vector<1x1x16xf32> to vector<16xf32>
        %add3A_1489 = arith.constant 8 : i32
        %add3A_1490 = arith.addi %add3A_1489, %scan3A_161 : i32
        %get3A_1491 = arith.constant 0 : i32
        %get3A_1492 = arith.index_cast %get3A_1491 : i32 to index
        %get3A_1493 = arith.index_cast %add3A_1490 : i32 to index
        %get3A_1494 = arith.constant 432 : index
        %get3A_1495 = tpu.vector_load %arg10[%get3A_1492, %get3A_1493, %get3A_1494] {strides = array<i32>} : memref<2x40x512xf32, #tpu.memory_space<vmem>>, vector<1x1x16xf32>,
        %get3A_1496 = vector.shape_cast %get3A_1495 : vector<1x1x16xf32> to vector<16xf32>
        %add3A_1497 = arith.addf %get3A_1488, %get3A_1496 : vector<16xf32>
        %add3A_1498 = arith.constant 16 : i32
        %add3A_1499 = arith.addi %add3A_1498, %scan3A_161 : i32
        %get3A_1500 = arith.constant 0 : i32
        %get3A_1501 = arith.index_cast %get3A_1500 : i32 to index
        %get3A_1502 = arith.index_cast %add3A_1499 : i32 to index
        %get3A_1503 = arith.constant 432 : index
        %get3A_1504 = tpu.vector_load %arg10[%get3A_1501, %get3A_1502, %get3A_1503] {strides = array<i32>} : memref<2x40x512xf32, #tpu.memory_space<vmem>>, vector<1x1x16xf32>,
        %get3A_1505 = vector.shape_cast %get3A_1504 : vector<1x1x16xf32> to vector<16xf32>
        %add3A_1506 = arith.addf %add3A_1497, %get3A_1505 : vector<16xf32>
        %add3A_1507 = arith.constant 24 : i32
        %add3A_1508 = arith.addi %add3A_1507, %scan3A_161 : i32
        %get3A_1509 = arith.constant 0 : i32
        %get3A_1510 = arith.index_cast %get3A_1509 : i32 to index
        %get3A_1511 = arith.index_cast %add3A_1508 : i32 to index
        %get3A_1512 = arith.constant 432 : index
        %get3A_1513 = tpu.vector_load %arg10[%get3A_1510, %get3A_1511, %get3A_1512] {strides = array<i32>} : memref<2x40x512xf32, #tpu.memory_space<vmem>>, vector<1x1x16xf32>,
        %get3A_1514 = vector.shape_cast %get3A_1513 : vector<1x1x16xf32> to vector<16xf32>
        %add3A_1515 = arith.addf %add3A_1506, %get3A_1514 : vector<16xf32>
        %add3A_1516 = arith.constant 32 : i32
        %add3A_1517 = arith.addi %add3A_1516, %scan3A_161 : i32
        %get3A_1518 = arith.constant 0 : i32
        %get3A_1519 = arith.index_cast %get3A_1518 : i32 to index
        %get3A_1520 = arith.index_cast %add3A_1517 : i32 to index
        %get3A_1521 = arith.constant 432 : index
        %get3A_1522 = tpu.vector_load %arg10[%get3A_1519, %get3A_1520, %get3A_1521] {strides = array<i32>} : memref<2x40x512xf32, #tpu.memory_space<vmem>>, vector<1x1x16xf32>,
        %get3A_1523 = vector.shape_cast %get3A_1522 : vector<1x1x16xf32> to vector<16xf32>
        %add3A_1524 = arith.addf %add3A_1515, %get3A_1523 : vector<16xf32>
        %swap3A_1525 = arith.constant 0 : i32
        %swap3A_1526 = arith.index_cast %swap3A_1525 : i32 to index
        %swap3A_1527 = arith.index_cast %scan3A_161 : i32 to index
        %swap3A_1528 = arith.constant 432 : index
        %swap3A_1529 = tpu.vector_load %arg10[%swap3A_1526, %swap3A_1527, %swap3A_1528] {strides = array<i32>} : memref<2x40x512xf32, #tpu.memory_space<vmem>>, vector<1x1x16xf32>,
        %swap3A_1530 = vector.shape_cast %swap3A_1529 : vector<1x1x16xf32> to vector<16xf32>
        %swap3A_1531 = vector.shape_cast %add3A_1524 : vector<16xf32> to vector<1x1x16xf32>
        tpu.vector_store %arg10[%swap3A_1526, %swap3A_1527, %swap3A_1528], %swap3A_1531 {strides = array<i32>} : memref<2x40x512xf32, #tpu.memory_space<vmem>>, vector<1x1x16xf32>,
        %get3A_1532 = arith.constant 0 : i32
        %get3A_1533 = arith.index_cast %get3A_1532 : i32 to index
        %get3A_1534 = arith.index_cast %scan3A_161 : i32 to index
        %get3A_1535 = arith.constant 448 : index
        %get3A_1536 = tpu.vector_load %arg10[%get3A_1533, %get3A_1534, %get3A_1535] {strides = array<i32>} : memref<2x40x512xf32, #tpu.memory_space<vmem>>, vector<1x1x16xf32>,
        %get3A_1537 = vector.shape_cast %get3A_1536 : vector<1x1x16xf32> to vector<16xf32>
        %add3A_1538 = arith.constant 8 : i32
        %add3A_1539 = arith.addi %add3A_1538, %scan3A_161 : i32
        %get3A_1540 = arith.constant 0 : i32
        %get3A_1541 = arith.index_cast %get3A_1540 : i32 to index
        %get3A_1542 = arith.index_cast %add3A_1539 : i32 to index
        %get3A_1543 = arith.constant 448 : index
        %get3A_1544 = tpu.vector_load %arg10[%get3A_1541, %get3A_1542, %get3A_1543] {strides = array<i32>} : memref<2x40x512xf32, #tpu.memory_space<vmem>>, vector<1x1x16xf32>,
        %get3A_1545 = vector.shape_cast %get3A_1544 : vector<1x1x16xf32> to vector<16xf32>
        %add3A_1546 = arith.addf %get3A_1537, %get3A_1545 : vector<16xf32>
        %add3A_1547 = arith.constant 16 : i32
        %add3A_1548 = arith.addi %add3A_1547, %scan3A_161 : i32
        %get3A_1549 = arith.constant 0 : i32
        %get3A_1550 = arith.index_cast %get3A_1549 : i32 to index
        %get3A_1551 = arith.index_cast %add3A_1548 : i32 to index
        %get3A_1552 = arith.constant 448 : index
        %get3A_1553 = tpu.vector_load %arg10[%get3A_1550, %get3A_1551, %get3A_1552] {strides = array<i32>} : memref<2x40x512xf32, #tpu.memory_space<vmem>>, vector<1x1x16xf32>,
        %get3A_1554 = vector.shape_cast %get3A_1553 : vector<1x1x16xf32> to vector<16xf32>
        %add3A_1555 = arith.addf %add3A_1546, %get3A_1554 : vector<16xf32>
        %add3A_1556 = arith.constant 24 : i32
        %add3A_1557 = arith.addi %add3A_1556, %scan3A_161 : i32
        %get3A_1558 = arith.constant 0 : i32
        %get3A_1559 = arith.index_cast %get3A_1558 : i32 to index
        %get3A_1560 = arith.index_cast %add3A_1557 : i32 to index
        %get3A_1561 = arith.constant 448 : index
        %get3A_1562 = tpu.vector_load %arg10[%get3A_1559, %get3A_1560, %get3A_1561] {strides = array<i32>} : memref<2x40x512xf32, #tpu.memory_space<vmem>>, vector<1x1x16xf32>,
        %get3A_1563 = vector.shape_cast %get3A_1562 : vector<1x1x16xf32> to vector<16xf32>
        %add3A_1564 = arith.addf %add3A_1555, %get3A_1563 : vector<16xf32>
        %add3A_1565 = arith.constant 32 : i32
        %add3A_1566 = arith.addi %add3A_1565, %scan3A_161 : i32
        %get3A_1567 = arith.constant 0 : i32
        %get3A_1568 = arith.index_cast %get3A_1567 : i32 to index
        %get3A_1569 = arith.index_cast %add3A_1566 : i32 to index
        %get3A_1570 = arith.constant 448 : index
        %get3A_1571 = tpu.vector_load %arg10[%get3A_1568, %get3A_1569, %get3A_1570] {strides = array<i32>} : memref<2x40x512xf32, #tpu.memory_space<vmem>>, vector<1x1x16xf32>,
        %get3A_1572 = vector.shape_cast %get3A_1571 : vector<1x1x16xf32> to vector<16xf32>
        %add3A_1573 = arith.addf %add3A_1564, %get3A_1572 : vector<16xf32>
        %swap3A_1574 = arith.constant 0 : i32
        %swap3A_1575 = arith.index_cast %swap3A_1574 : i32 to index
        %swap3A_1576 = arith.index_cast %scan3A_161 : i32 to index
        %swap3A_1577 = arith.constant 448 : index
        %swap3A_1578 = tpu.vector_load %arg10[%swap3A_1575, %swap3A_1576, %swap3A_1577] {strides = array<i32>} : memref<2x40x512xf32, #tpu.memory_space<vmem>>, vector<1x1x16xf32>,
        %swap3A_1579 = vector.shape_cast %swap3A_1578 : vector<1x1x16xf32> to vector<16xf32>
        %swap3A_1580 = vector.shape_cast %add3A_1573 : vector<16xf32> to vector<1x1x16xf32>
        tpu.vector_store %arg10[%swap3A_1575, %swap3A_1576, %swap3A_1577], %swap3A_1580 {strides = array<i32>} : memref<2x40x512xf32, #tpu.memory_space<vmem>>, vector<1x1x16xf32>,
        %get3A_1581 = arith.constant 0 : i32
        %get3A_1582 = arith.index_cast %get3A_1581 : i32 to index
        %get3A_1583 = arith.index_cast %scan3A_161 : i32 to index
        %get3A_1584 = arith.constant 464 : index
        %get3A_1585 = tpu.vector_load %arg10[%get3A_1582, %get3A_1583, %get3A_1584] {strides = array<i32>} : memref<2x40x512xf32, #tpu.memory_space<vmem>>, vector<1x1x16xf32>,
        %get3A_1586 = vector.shape_cast %get3A_1585 : vector<1x1x16xf32> to vector<16xf32>
        %add3A_1587 = arith.constant 8 : i32
        %add3A_1588 = arith.addi %add3A_1587, %scan3A_161 : i32
        %get3A_1589 = arith.constant 0 : i32
        %get3A_1590 = arith.index_cast %get3A_1589 : i32 to index
        %get3A_1591 = arith.index_cast %add3A_1588 : i32 to index
        %get3A_1592 = arith.constant 464 : index
        %get3A_1593 = tpu.vector_load %arg10[%get3A_1590, %get3A_1591, %get3A_1592] {strides = array<i32>} : memref<2x40x512xf32, #tpu.memory_space<vmem>>, vector<1x1x16xf32>,
        %get3A_1594 = vector.shape_cast %get3A_1593 : vector<1x1x16xf32> to vector<16xf32>
        %add3A_1595 = arith.addf %get3A_1586, %get3A_1594 : vector<16xf32>
        %add3A_1596 = arith.constant 16 : i32
        %add3A_1597 = arith.addi %add3A_1596, %scan3A_161 : i32
        %get3A_1598 = arith.constant 0 : i32
        %get3A_1599 = arith.index_cast %get3A_1598 : i32 to index
        %get3A_1600 = arith.index_cast %add3A_1597 : i32 to index
        %get3A_1601 = arith.constant 464 : index
        %get3A_1602 = tpu.vector_load %arg10[%get3A_1599, %get3A_1600, %get3A_1601] {strides = array<i32>} : memref<2x40x512xf32, #tpu.memory_space<vmem>>, vector<1x1x16xf32>,
        %get3A_1603 = vector.shape_cast %get3A_1602 : vector<1x1x16xf32> to vector<16xf32>
        %add3A_1604 = arith.addf %add3A_1595, %get3A_1603 : vector<16xf32>
        %add3A_1605 = arith.constant 24 : i32
        %add3A_1606 = arith.addi %add3A_1605, %scan3A_161 : i32
        %get3A_1607 = arith.constant 0 : i32
        %get3A_1608 = arith.index_cast %get3A_1607 : i32 to index
        %get3A_1609 = arith.index_cast %add3A_1606 : i32 to index
        %get3A_1610 = arith.constant 464 : index
        %get3A_1611 = tpu.vector_load %arg10[%get3A_1608, %get3A_1609, %get3A_1610] {strides = array<i32>} : memref<2x40x512xf32, #tpu.memory_space<vmem>>, vector<1x1x16xf32>,
        %get3A_1612 = vector.shape_cast %get3A_1611 : vector<1x1x16xf32> to vector<16xf32>
        %add3A_1613 = arith.addf %add3A_1604, %get3A_1612 : vector<16xf32>
        %add3A_1614 = arith.constant 32 : i32
        %add3A_1615 = arith.addi %add3A_1614, %scan3A_161 : i32
        %get3A_1616 = arith.constant 0 : i32
        %get3A_1617 = arith.index_cast %get3A_1616 : i32 to index
        %get3A_1618 = arith.index_cast %add3A_1615 : i32 to index
        %get3A_1619 = arith.constant 464 : index
        %get3A_1620 = tpu.vector_load %arg10[%get3A_1617, %get3A_1618, %get3A_1619] {strides = array<i32>} : memref<2x40x512xf32, #tpu.memory_space<vmem>>, vector<1x1x16xf32>,
        %get3A_1621 = vector.shape_cast %get3A_1620 : vector<1x1x16xf32> to vector<16xf32>
        %add3A_1622 = arith.addf %add3A_1613, %get3A_1621 : vector<16xf32>
        %swap3A_1623 = arith.constant 0 : i32
        %swap3A_1624 = arith.index_cast %swap3A_1623 : i32 to index
        %swap3A_1625 = arith.index_cast %scan3A_161 : i32 to index
        %swap3A_1626 = arith.constant 464 : index
        %swap3A_1627 = tpu.vector_load %arg10[%swap3A_1624, %swap3A_1625, %swap3A_1626] {strides = array<i32>} : memref<2x40x512xf32, #tpu.memory_space<vmem>>, vector<1x1x16xf32>,
        %swap3A_1628 = vector.shape_cast %swap3A_1627 : vector<1x1x16xf32> to vector<16xf32>
        %swap3A_1629 = vector.shape_cast %add3A_1622 : vector<16xf32> to vector<1x1x16xf32>
        tpu.vector_store %arg10[%swap3A_1624, %swap3A_1625, %swap3A_1626], %swap3A_1629 {strides = array<i32>} : memref<2x40x512xf32, #tpu.memory_space<vmem>>, vector<1x1x16xf32>,
        %get3A_1630 = arith.constant 0 : i32
        %get3A_1631 = arith.index_cast %get3A_1630 : i32 to index
        %get3A_1632 = arith.index_cast %scan3A_161 : i32 to index
        %get3A_1633 = arith.constant 480 : index
        %get3A_1634 = tpu.vector_load %arg10[%get3A_1631, %get3A_1632, %get3A_1633] {strides = array<i32>} : memref<2x40x512xf32, #tpu.memory_space<vmem>>, vector<1x1x16xf32>,
        %get3A_1635 = vector.shape_cast %get3A_1634 : vector<1x1x16xf32> to vector<16xf32>
        %add3A_1636 = arith.constant 8 : i32
        %add3A_1637 = arith.addi %add3A_1636, %scan3A_161 : i32
        %get3A_1638 = arith.constant 0 : i32
        %get3A_1639 = arith.index_cast %get3A_1638 : i32 to index
        %get3A_1640 = arith.index_cast %add3A_1637 : i32 to index
        %get3A_1641 = arith.constant 480 : index
        %get3A_1642 = tpu.vector_load %arg10[%get3A_1639, %get3A_1640, %get3A_1641] {strides = array<i32>} : memref<2x40x512xf32, #tpu.memory_space<vmem>>, vector<1x1x16xf32>,
        %get3A_1643 = vector.shape_cast %get3A_1642 : vector<1x1x16xf32> to vector<16xf32>
        %add3A_1644 = arith.addf %get3A_1635, %get3A_1643 : vector<16xf32>
        %add3A_1645 = arith.constant 16 : i32
        %add3A_1646 = arith.addi %add3A_1645, %scan3A_161 : i32
        %get3A_1647 = arith.constant 0 : i32
        %get3A_1648 = arith.index_cast %get3A_1647 : i32 to index
        %get3A_1649 = arith.index_cast %add3A_1646 : i32 to index
        %get3A_1650 = arith.constant 480 : index
        %get3A_1651 = tpu.vector_load %arg10[%get3A_1648, %get3A_1649, %get3A_1650] {strides = array<i32>} : memref<2x40x512xf32, #tpu.memory_space<vmem>>, vector<1x1x16xf32>,
        %get3A_1652 = vector.shape_cast %get3A_1651 : vector<1x1x16xf32> to vector<16xf32>
        %add3A_1653 = arith.addf %add3A_1644, %get3A_1652 : vector<16xf32>
        %add3A_1654 = arith.constant 24 : i32
        %add3A_1655 = arith.addi %add3A_1654, %scan3A_161 : i32
        %get3A_1656 = arith.constant 0 : i32
        %get3A_1657 = arith.index_cast %get3A_1656 : i32 to index
        %get3A_1658 = arith.index_cast %add3A_1655 : i32 to index
        %get3A_1659 = arith.constant 480 : index
        %get3A_1660 = tpu.vector_load %arg10[%get3A_1657, %get3A_1658, %get3A_1659] {strides = array<i32>} : memref<2x40x512xf32, #tpu.memory_space<vmem>>, vector<1x1x16xf32>,
        %get3A_1661 = vector.shape_cast %get3A_1660 : vector<1x1x16xf32> to vector<16xf32>
        %add3A_1662 = arith.addf %add3A_1653, %get3A_1661 : vector<16xf32>
        %add3A_1663 = arith.constant 32 : i32
        %add3A_1664 = arith.addi %add3A_1663, %scan3A_161 : i32
        %get3A_1665 = arith.constant 0 : i32
        %get3A_1666 = arith.index_cast %get3A_1665 : i32 to index
        %get3A_1667 = arith.index_cast %add3A_1664 : i32 to index
        %get3A_1668 = arith.constant 480 : index
        %get3A_1669 = tpu.vector_load %arg10[%get3A_1666, %get3A_1667, %get3A_1668] {strides = array<i32>} : memref<2x40x512xf32, #tpu.memory_space<vmem>>, vector<1x1x16xf32>,
        %get3A_1670 = vector.shape_cast %get3A_1669 : vector<1x1x16xf32> to vector<16xf32>
        %add3A_1671 = arith.addf %add3A_1662, %get3A_1670 : vector<16xf32>
        %swap3A_1672 = arith.constant 0 : i32
        %swap3A_1673 = arith.index_cast %swap3A_1672 : i32 to index
        %swap3A_1674 = arith.index_cast %scan3A_161 : i32 to index
        %swap3A_1675 = arith.constant 480 : index
        %swap3A_1676 = tpu.vector_load %arg10[%swap3A_1673, %swap3A_1674, %swap3A_1675] {strides = array<i32>} : memref<2x40x512xf32, #tpu.memory_space<vmem>>, vector<1x1x16xf32>,
        %swap3A_1677 = vector.shape_cast %swap3A_1676 : vector<1x1x16xf32> to vector<16xf32>
        %swap3A_1678 = vector.shape_cast %add3A_1671 : vector<16xf32> to vector<1x1x16xf32>
        tpu.vector_store %arg10[%swap3A_1673, %swap3A_1674, %swap3A_1675], %swap3A_1678 {strides = array<i32>} : memref<2x40x512xf32, #tpu.memory_space<vmem>>, vector<1x1x16xf32>,
        %get3A_1679 = arith.constant 0 : i32
        %get3A_1680 = arith.index_cast %get3A_1679 : i32 to index
        %get3A_1681 = arith.index_cast %scan3A_161 : i32 to index
        %get3A_1682 = arith.constant 496 : index
        %get3A_1683 = tpu.vector_load %arg10[%get3A_1680, %get3A_1681, %get3A_1682] {strides = array<i32>} : memref<2x40x512xf32, #tpu.memory_space<vmem>>, vector<1x1x16xf32>,
        %get3A_1684 = vector.shape_cast %get3A_1683 : vector<1x1x16xf32> to vector<16xf32>
        %add3A_1685 = arith.constant 8 : i32
        %add3A_1686 = arith.addi %add3A_1685, %scan3A_161 : i32
        %get3A_1687 = arith.constant 0 : i32
        %get3A_1688 = arith.index_cast %get3A_1687 : i32 to index
        %get3A_1689 = arith.index_cast %add3A_1686 : i32 to index
        %get3A_1690 = arith.constant 496 : index
        %get3A_1691 = tpu.vector_load %arg10[%get3A_1688, %get3A_1689, %get3A_1690] {strides = array<i32>} : memref<2x40x512xf32, #tpu.memory_space<vmem>>, vector<1x1x16xf32>,
        %get3A_1692 = vector.shape_cast %get3A_1691 : vector<1x1x16xf32> to vector<16xf32>
        %add3A_1693 = arith.addf %get3A_1684, %get3A_1692 : vector<16xf32>
        %add3A_1694 = arith.constant 16 : i32
        %add3A_1695 = arith.addi %add3A_1694, %scan3A_161 : i32
        %get3A_1696 = arith.constant 0 : i32
        %get3A_1697 = arith.index_cast %get3A_1696 : i32 to index
        %get3A_1698 = arith.index_cast %add3A_1695 : i32 to index
        %get3A_1699 = arith.constant 496 : index
        %get3A_1700 = tpu.vector_load %arg10[%get3A_1697, %get3A_1698, %get3A_1699] {strides = array<i32>} : memref<2x40x512xf32, #tpu.memory_space<vmem>>, vector<1x1x16xf32>,
        %get3A_1701 = vector.shape_cast %get3A_1700 : vector<1x1x16xf32> to vector<16xf32>
        %add3A_1702 = arith.addf %add3A_1693, %get3A_1701 : vector<16xf32>
        %add3A_1703 = arith.constant 24 : i32
        %add3A_1704 = arith.addi %add3A_1703, %scan3A_161 : i32
        %get3A_1705 = arith.constant 0 : i32
        %get3A_1706 = arith.index_cast %get3A_1705 : i32 to index
        %get3A_1707 = arith.index_cast %add3A_1704 : i32 to index
        %get3A_1708 = arith.constant 496 : index
        %get3A_1709 = tpu.vector_load %arg10[%get3A_1706, %get3A_1707, %get3A_1708] {strides = array<i32>} : memref<2x40x512xf32, #tpu.memory_space<vmem>>, vector<1x1x16xf32>,
        %get3A_1710 = vector.shape_cast %get3A_1709 : vector<1x1x16xf32> to vector<16xf32>
        %add3A_1711 = arith.addf %add3A_1702, %get3A_1710 : vector<16xf32>
        %add3A_1712 = arith.constant 32 : i32
        %add3A_1713 = arith.addi %add3A_1712, %scan3A_161 : i32
        %get3A_1714 = arith.constant 0 : i32
        %get3A_1715 = arith.index_cast %get3A_1714 : i32 to index
        %get3A_1716 = arith.index_cast %add3A_1713 : i32 to index
        %get3A_1717 = arith.constant 496 : index
        %get3A_1718 = tpu.vector_load %arg10[%get3A_1715, %get3A_1716, %get3A_1717] {strides = array<i32>} : memref<2x40x512xf32, #tpu.memory_space<vmem>>, vector<1x1x16xf32>,
        %get3A_1719 = vector.shape_cast %get3A_1718 : vector<1x1x16xf32> to vector<16xf32>
        %add3A_1720 = arith.addf %add3A_1711, %get3A_1719 : vector<16xf32>
        %swap3A_1721 = arith.constant 0 : i32
        %swap3A_1722 = arith.index_cast %swap3A_1721 : i32 to index
        %swap3A_1723 = arith.index_cast %scan3A_161 : i32 to index
        %swap3A_1724 = arith.constant 496 : index
        %swap3A_1725 = tpu.vector_load %arg10[%swap3A_1722, %swap3A_1723, %swap3A_1724] {strides = array<i32>} : memref<2x40x512xf32, #tpu.memory_space<vmem>>, vector<1x1x16xf32>,
        %swap3A_1726 = vector.shape_cast %swap3A_1725 : vector<1x1x16xf32> to vector<16xf32>
        %swap3A_1727 = vector.shape_cast %add3A_1720 : vector<16xf32> to vector<1x1x16xf32>
        tpu.vector_store %arg10[%swap3A_1722, %swap3A_1723, %swap3A_1724], %swap3A_1727 {strides = array<i32>} : memref<2x40x512xf32, #tpu.memory_space<vmem>>, vector<1x1x16xf32>,
      }
      %scan3A_124 = arith.constant 8 : i32
      %add3A_125 = arith.addi %mul3A_2, %add3A_103 : i32
      %mul3A_126 = arith.constant 8 : i32
      %mul3A_127 = arith.muli %add3A_125, %mul3A_126 : i32
      %run_scoped3A_128 = arith.constant 0 : i32
      "tpu.region"() ({
        %run_scoped3A_161 = tpu.sem_alloc : memref<!tpu.dma_semaphore, #tpu.memory_space<semaphore_mem>>
        %dma_start3A_162 = arith.constant 0 : i32
        %dma_start3A_163 = arith.constant 0 : i32
        %dma_start3A_164 = tpu.memref_slice %arg10[%run_scoped3A_128, %dma_start3A_162, %dma_start3A_163] : memref<2x40x512xf32, #tpu.memory_space<vmem>> -> memref<1x8x512xf32, #tpu.memory_space<vmem>>
        %dma_start3A_165 = tpu.memref_squeeze %dma_start3A_164 : memref<1x8x512xf32, #tpu.memory_space<vmem>> -> memref<8x512xf32, #tpu.memory_space<vmem>>
        %dma_start3A_166 = arith.constant 0 : i32
        %dma_start3A_167 = tpu.memref_slice %arg7[%mul3A_127, %dma_start3A_166] : memref<10240x512xf32, #tpu.memory_space<hbm>> -> memref<8x512xf32, #tpu.memory_space<hbm>>
        %dma_start3A_168 = arith.constant 0 : i32
        %dma_start3A_169 = tpu.memref_slice %arg7[%mul3A_127, %dma_start3A_168] : memref<10240x512xf32, #tpu.memory_space<hbm>> -> memref<8x512xf32, #tpu.memory_space<hbm>>
        %dma_start3A_170 = arith.constant 0 : i32
        %dma_start3A_171 = arith.constant 0 : i32
        %dma_start3A_172 = tpu.memref_slice %arg10[%run_scoped3A_128, %dma_start3A_170, %dma_start3A_171] : memref<2x40x512xf32, #tpu.memory_space<vmem>> -> memref<1x8x512xf32, #tpu.memory_space<vmem>>
        %dma_start3A_173 = tpu.memref_squeeze %dma_start3A_172 : memref<1x8x512xf32, #tpu.memory_space<vmem>> -> memref<8x512xf32, #tpu.memory_space<vmem>>
        tpu.enqueue_dma source(%dma_start3A_173 : memref<8x512xf32, #tpu.memory_space<vmem>>) target(%dma_start3A_169 : memref<8x512xf32, #tpu.memory_space<hbm>>) target_semaphore(%run_scoped3A_161 : memref<!tpu.dma_semaphore, #tpu.memory_space<semaphore_mem>>)
        %dma_wait3A_174 = arith.constant 0 : i32
        %dma_wait3A_175 = arith.constant 0 : i32
        %dma_wait3A_176 = tpu.memref_slice %arg10[%run_scoped3A_128, %dma_wait3A_174, %dma_wait3A_175] : memref<2x40x512xf32, #tpu.memory_space<vmem>> -> memref<1x8x512xf32, #tpu.memory_space<vmem>>
        %dma_wait3A_177 = tpu.memref_squeeze %dma_wait3A_176 : memref<1x8x512xf32, #tpu.memory_space<vmem>> -> memref<8x512xf32, #tpu.memory_space<vmem>>
        %dma_wait3A_178 = arith.constant 0 : i32
        %dma_wait3A_179 = tpu.memref_slice %arg7[%mul3A_127, %dma_wait3A_178] : memref<10240x512xf32, #tpu.memory_space<hbm>> -> memref<8x512xf32, #tpu.memory_space<hbm>>
        %dma_wait3A_180 = arith.constant 0 : i32
        %dma_wait3A_181 = tpu.memref_slice %arg7[%mul3A_127, %dma_wait3A_180] : memref<10240x512xf32, #tpu.memory_space<hbm>> -> memref<8x512xf32, #tpu.memory_space<hbm>>
        %dma_wait3A_182 = arith.constant 0 : i32
        %dma_wait3A_183 = arith.constant 0 : i32
        %dma_wait3A_184 = tpu.memref_slice %arg10[%run_scoped3A_128, %dma_wait3A_182, %dma_wait3A_183] : memref<2x40x512xf32, #tpu.memory_space<vmem>> -> memref<1x8x512xf32, #tpu.memory_space<vmem>>
        %dma_wait3A_185 = tpu.memref_squeeze %dma_wait3A_184 : memref<1x8x512xf32, #tpu.memory_space<vmem>> -> memref<8x512xf32, #tpu.memory_space<vmem>>
        tpu.wait_dma2 semaphore(%run_scoped3A_161 : memref<!tpu.dma_semaphore, #tpu.memory_space<semaphore_mem>>) src(%dma_wait3A_185 : memref<8x512xf32, #tpu.memory_space<vmem>>) dst(%dma_wait3A_181 : memref<8x512xf32, #tpu.memory_space<hbm>>)
        tpu.yield
      }) : () -> ()
      %mul3A_129 = arith.constant 2 : i32
      %mul3A_130 = arith.muli %scan3A_99, %mul3A_129 : i32
      %add3A_131 = arith.constant 1 : i32
      %add3A_132 = arith.addi %mul3A_130, %add3A_131 : i32
      %add3A_133 = arith.constant 1 : i32
      %add3A_134 = arith.addi %add3A_132, %add3A_133 : i32
      %lt3A_135 = arith.constant 40 : i32
      %lt3A_136 = arith.cmpi slt, %add3A_134, %lt3A_135 : i32
      %convert_element_type3A_137 = arith.extui %lt3A_136 : i1 to i32
      %cond3A_138 = arith.constant 0 : i32
      %cond3A_139 = arith.cmpi ne, %convert_element_type3A_137, %cond3A_138 : i32
      scf.if %cond3A_139 {
        %add3A_161 = arith.constant 1 : i32
        %add3A_162 = arith.addi %add3A_132, %add3A_161 : i32
        %add3A_163 = arith.addi %mul3A_2, %add3A_162 : i32
        %mul3A_164 = arith.constant 40 : i32
        %mul3A_165 = arith.muli %add3A_163, %mul3A_164 : i32
        %run_scoped3A_166 = arith.constant 0 : i32
        "tpu.region"() ({
          %run_scoped3A_179 = tpu.sem_alloc : memref<!tpu.dma_semaphore, #tpu.memory_space<semaphore_mem>>
          %dma_start3A_180 = arith.constant 0 : i32
          %dma_start3A_181 = tpu.memref_slice %arg9[%run_scoped3A_166, %dma_start3A_180] : memref<2x40xi32, #tpu.memory_space<vmem>> -> memref<1x40xi32, #tpu.memory_space<vmem>>
          %dma_start3A_182 = tpu.memref_squeeze %dma_start3A_181 : memref<1x40xi32, #tpu.memory_space<vmem>> -> memref<40xi32, #tpu.memory_space<vmem>>
          %dma_start3A_183 = tpu.memref_slice %arg2[%mul3A_165] : memref<51200xi32, #tpu.memory_space<hbm>> -> memref<40xi32, #tpu.memory_space<hbm>>
          %dma_start3A_184 = arith.constant 0 : i32
          %dma_start3A_185 = tpu.memref_slice %arg9[%run_scoped3A_166, %dma_start3A_184] : memref<2x40xi32, #tpu.memory_space<vmem>> -> memref<1x40xi32, #tpu.memory_space<vmem>>
          %dma_start3A_186 = tpu.memref_squeeze %dma_start3A_185 : memref<1x40xi32, #tpu.memory_space<vmem>> -> memref<40xi32, #tpu.memory_space<vmem>>
          %dma_start3A_187 = tpu.memref_slice %arg2[%mul3A_165] : memref<51200xi32, #tpu.memory_space<hbm>> -> memref<40xi32, #tpu.memory_space<hbm>>
          tpu.enqueue_dma source(%dma_start3A_187 : memref<40xi32, #tpu.memory_space<hbm>>) target(%dma_start3A_186 : memref<40xi32, #tpu.memory_space<vmem>>) target_semaphore(%run_scoped3A_179 : memref<!tpu.dma_semaphore, #tpu.memory_space<semaphore_mem>>)
          %dma_wait3A_188 = arith.constant 0 : i32
          %dma_wait3A_189 = tpu.memref_slice %arg9[%run_scoped3A_166, %dma_wait3A_188] : memref<2x40xi32, #tpu.memory_space<vmem>> -> memref<1x40xi32, #tpu.memory_space<vmem>>
          %dma_wait3A_190 = tpu.memref_squeeze %dma_wait3A_189 : memref<1x40xi32, #tpu.memory_space<vmem>> -> memref<40xi32, #tpu.memory_space<vmem>>
          %dma_wait3A_191 = tpu.memref_slice %arg2[%mul3A_165] : memref<51200xi32, #tpu.memory_space<hbm>> -> memref<40xi32, #tpu.memory_space<hbm>>
          %dma_wait3A_192 = arith.constant 0 : i32
          %dma_wait3A_193 = tpu.memref_slice %arg9[%run_scoped3A_166, %dma_wait3A_192] : memref<2x40xi32, #tpu.memory_space<vmem>> -> memref<1x40xi32, #tpu.memory_space<vmem>>
          %dma_wait3A_194 = tpu.memref_squeeze %dma_wait3A_193 : memref<1x40xi32, #tpu.memory_space<vmem>> -> memref<40xi32, #tpu.memory_space<vmem>>
          %dma_wait3A_195 = tpu.memref_slice %arg2[%mul3A_165] : memref<51200xi32, #tpu.memory_space<hbm>> -> memref<40xi32, #tpu.memory_space<hbm>>
          tpu.wait_dma2 semaphore(%run_scoped3A_179 : memref<!tpu.dma_semaphore, #tpu.memory_space<semaphore_mem>>) src(%dma_wait3A_195 : memref<40xi32, #tpu.memory_space<hbm>>) dst(%dma_wait3A_194 : memref<40xi32, #tpu.memory_space<vmem>>)
          tpu.yield
        }) : () -> ()
        %dma_start3A_167 = arith.constant 0 : i32
        %dma_start3A_168 = arith.constant 0 : i32
        %dma_start3A_169 = arith.constant 0 : i32
        %dma_start3A_170 = arith.constant 0 : i32
        %dma_start3A_171 = tpu.memref_slice %arg10[%dma_start3A_168, %dma_start3A_169, %dma_start3A_170] : memref<2x40x512xf32, #tpu.memory_space<vmem>> -> memref<1x40x512xf32, #tpu.memory_space<vmem>>
        %dma_start3A_172 = tpu.memref_squeeze %dma_start3A_171 : memref<1x40x512xf32, #tpu.memory_space<vmem>> -> memref<40x512xf32, #tpu.memory_space<vmem>>
        %dma_start3A_173 = arith.constant 0 : i32
        %dma_start3A_174 = tpu.memref_slice %arg9[%dma_start3A_167, %dma_start3A_173] : memref<2x40xi32, #tpu.memory_space<vmem>> -> memref<1x40xi32, #tpu.memory_space<vmem>>
        %dma_start3A_175 = tpu.memref_squeeze %dma_start3A_174 : memref<1x40xi32, #tpu.memory_space<vmem>> -> memref<40xi32, #tpu.memory_space<vmem>>
        %dma_start3A_176 = arith.constant 0 : i32
        %dma_start3A_177 = arith.constant 0 : i32
        %dma_start3A_178 = tpu.memref_slice %arg5[%dma_start3A_176, %dma_start3A_177] : memref<376x512xf32, #tpu.memory_space<hbm>> -> memref<376x512xf32, #tpu.memory_space<hbm>>
        tpu.enqueue_indirect_dma source(%dma_start3A_178 : memref<376x512xf32, #tpu.memory_space<hbm>>) target(%dma_start3A_172 : memref<40x512xf32, #tpu.memory_space<vmem>>) offsets(%dma_start3A_175 : memref<40xi32, #tpu.memory_space<vmem>>) semaphore(%arg13 : memref<!tpu.dma_semaphore, #tpu.memory_space<semaphore_mem>>)
      } else {
      }
      %dma_wait3A_140 = arith.constant 1 : i32
      %dma_wait3A_141 = arith.constant 1 : i32
      %dma_wait3A_142 = arith.constant 0 : i32
      %dma_wait3A_143 = arith.constant 0 : i32
      %dma_wait3A_144 = tpu.memref_slice %arg10[%dma_wait3A_141, %dma_wait3A_142, %dma_wait3A_143] : memref<2x40x512xf32, #tpu.memory_space<vmem>> -> memref<1x40x512xf32, #tpu.memory_space<vmem>>
      %dma_wait3A_145 = tpu.memref_squeeze %dma_wait3A_144 : memref<1x40x512xf32, #tpu.memory_space<vmem>> -> memref<40x512xf32, #tpu.memory_space<vmem>>
      %dma_wait3A_146 = arith.constant 0 : i32
      %dma_wait3A_147 = tpu.memref_slice %arg9[%dma_wait3A_140, %dma_wait3A_146] : memref<2x40xi32, #tpu.memory_space<vmem>> -> memref<1x40xi32, #tpu.memory_space<vmem>>
      %dma_wait3A_148 = tpu.memref_squeeze %dma_wait3A_147 : memref<1x40xi32, #tpu.memory_space<vmem>> -> memref<40xi32, #tpu.memory_space<vmem>>
      %dma_wait3A_149 = arith.constant 0 : i32
      %dma_wait3A_150 = arith.constant 0 : i32
      %dma_wait3A_151 = tpu.memref_slice %arg5[%dma_wait3A_149, %dma_wait3A_150] : memref<376x512xf32, #tpu.memory_space<hbm>> -> memref<376x512xf32, #tpu.memory_space<hbm>>
      tpu.wait_indirect_dma semaphore(%arg14 : memref<!tpu.dma_semaphore, #tpu.memory_space<semaphore_mem>>) src(%dma_wait3A_151 : memref<376x512xf32, #tpu.memory_space<hbm>>) dst(%dma_wait3A_145 : memref<40x512xf32, #tpu.memory_space<vmem>>)
      %scan3A_152 = arith.constant 0 : i32
      %scan3A_153 = arith.constant 8 : i32
      %scan3A_154 = arith.addi %scan3A_152, %scan3A_153 : i32
      %scan3A_155 = arith.constant 1 : i32
      scf.for %scan3A_161 = %scan3A_152 to %scan3A_154 step %scan3A_155  : i32 {
        %get3A = arith.constant 1 : i32
        %get3A_162 = arith.index_cast %get3A : i32 to index
        %get3A_163 = arith.index_cast %scan3A_161 : i32 to index
        %get3A_164 = arith.constant 0 : index
        %get3A_165 = tpu.vector_load %arg10[%get3A_162, %get3A_163, %get3A_164] {strides = array<i32>} : memref<2x40x512xf32, #tpu.memory_space<vmem>>, vector<1x1x16xf32>,
        %get3A_166 = vector.shape_cast %get3A_165 : vector<1x1x16xf32> to vector<16xf32>
        %add3A_167 = arith.constant 8 : i32
        %add3A_168 = arith.addi %add3A_167, %scan3A_161 : i32
        %get3A_169 = arith.constant 1 : i32
        %get3A_170 = arith.index_cast %get3A_169 : i32 to index
        %get3A_171 = arith.index_cast %add3A_168 : i32 to index
        %get3A_172 = arith.constant 0 : index
        %get3A_173 = tpu.vector_load %arg10[%get3A_170, %get3A_171, %get3A_172] {strides = array<i32>} : memref<2x40x512xf32, #tpu.memory_space<vmem>>, vector<1x1x16xf32>,
        %get3A_174 = vector.shape_cast %get3A_173 : vector<1x1x16xf32> to vector<16xf32>
        %add3A_175 = arith.addf %get3A_166, %get3A_174 : vector<16xf32>
        %add3A_176 = arith.constant 16 : i32
        %add3A_177 = arith.addi %add3A_176, %scan3A_161 : i32
        %get3A_178 = arith.constant 1 : i32
        %get3A_179 = arith.index_cast %get3A_178 : i32 to index
        %get3A_180 = arith.index_cast %add3A_177 : i32 to index
        %get3A_181 = arith.constant 0 : index
        %get3A_182 = tpu.vector_load %arg10[%get3A_179, %get3A_180, %get3A_181] {strides = array<i32>} : memref<2x40x512xf32, #tpu.memory_space<vmem>>, vector<1x1x16xf32>,
        %get3A_183 = vector.shape_cast %get3A_182 : vector<1x1x16xf32> to vector<16xf32>
        %add3A_184 = arith.addf %add3A_175, %get3A_183 : vector<16xf32>
        %add3A_185 = arith.constant 24 : i32
        %add3A_186 = arith.addi %add3A_185, %scan3A_161 : i32
        %get3A_187 = arith.constant 1 : i32
        %get3A_188 = arith.index_cast %get3A_187 : i32 to index
        %get3A_189 = arith.index_cast %add3A_186 : i32 to index
        %get3A_190 = arith.constant 0 : index
        %get3A_191 = tpu.vector_load %arg10[%get3A_188, %get3A_189, %get3A_190] {strides = array<i32>} : memref<2x40x512xf32, #tpu.memory_space<vmem>>, vector<1x1x16xf32>,
        %get3A_192 = vector.shape_cast %get3A_191 : vector<1x1x16xf32> to vector<16xf32>
        %add3A_193 = arith.addf %add3A_184, %get3A_192 : vector<16xf32>
        %add3A_194 = arith.constant 32 : i32
        %add3A_195 = arith.addi %add3A_194, %scan3A_161 : i32
        %get3A_196 = arith.constant 1 : i32
        %get3A_197 = arith.index_cast %get3A_196 : i32 to index
        %get3A_198 = arith.index_cast %add3A_195 : i32 to index
        %get3A_199 = arith.constant 0 : index
        %get3A_200 = tpu.vector_load %arg10[%get3A_197, %get3A_198, %get3A_199] {strides = array<i32>} : memref<2x40x512xf32, #tpu.memory_space<vmem>>, vector<1x1x16xf32>,
        %get3A_201 = vector.shape_cast %get3A_200 : vector<1x1x16xf32> to vector<16xf32>
        %add3A_202 = arith.addf %add3A_193, %get3A_201 : vector<16xf32>
        %swap3A = arith.constant 1 : i32
        %swap3A_203 = arith.index_cast %swap3A : i32 to index
        %swap3A_204 = arith.index_cast %scan3A_161 : i32 to index
        %swap3A_205 = arith.constant 0 : index
        %swap3A_206 = tpu.vector_load %arg10[%swap3A_203, %swap3A_204, %swap3A_205] {strides = array<i32>} : memref<2x40x512xf32, #tpu.memory_space<vmem>>, vector<1x1x16xf32>,
        %swap3A_207 = vector.shape_cast %swap3A_206 : vector<1x1x16xf32> to vector<16xf32>
        %swap3A_208 = vector.shape_cast %add3A_202 : vector<16xf32> to vector<1x1x16xf32>
        tpu.vector_store %arg10[%swap3A_203, %swap3A_204, %swap3A_205], %swap3A_208 {strides = array<i32>} : memref<2x40x512xf32, #tpu.memory_space<vmem>>, vector<1x1x16xf32>,
        %get3A_209 = arith.constant 1 : i32
        %get3A_210 = arith.index_cast %get3A_209 : i32 to index
        %get3A_211 = arith.index_cast %scan3A_161 : i32 to index
        %get3A_212 = arith.constant 16 : index
        %get3A_213 = tpu.vector_load %arg10[%get3A_210, %get3A_211, %get3A_212] {strides = array<i32>} : memref<2x40x512xf32, #tpu.memory_space<vmem>>, vector<1x1x16xf32>,
        %get3A_214 = vector.shape_cast %get3A_213 : vector<1x1x16xf32> to vector<16xf32>
        %add3A_215 = arith.constant 8 : i32
        %add3A_216 = arith.addi %add3A_215, %scan3A_161 : i32
        %get3A_217 = arith.constant 1 : i32
        %get3A_218 = arith.index_cast %get3A_217 : i32 to index
        %get3A_219 = arith.index_cast %add3A_216 : i32 to index
        %get3A_220 = arith.constant 16 : index
        %get3A_221 = tpu.vector_load %arg10[%get3A_218, %get3A_219, %get3A_220] {strides = array<i32>} : memref<2x40x512xf32, #tpu.memory_space<vmem>>, vector<1x1x16xf32>,
        %get3A_222 = vector.shape_cast %get3A_221 : vector<1x1x16xf32> to vector<16xf32>
        %add3A_223 = arith.addf %get3A_214, %get3A_222 : vector<16xf32>
        %add3A_224 = arith.constant 16 : i32
        %add3A_225 = arith.addi %add3A_224, %scan3A_161 : i32
        %get3A_226 = arith.constant 1 : i32
        %get3A_227 = arith.index_cast %get3A_226 : i32 to index
        %get3A_228 = arith.index_cast %add3A_225 : i32 to index
        %get3A_229 = arith.constant 16 : index
        %get3A_230 = tpu.vector_load %arg10[%get3A_227, %get3A_228, %get3A_229] {strides = array<i32>} : memref<2x40x512xf32, #tpu.memory_space<vmem>>, vector<1x1x16xf32>,
        %get3A_231 = vector.shape_cast %get3A_230 : vector<1x1x16xf32> to vector<16xf32>
        %add3A_232 = arith.addf %add3A_223, %get3A_231 : vector<16xf32>
        %add3A_233 = arith.constant 24 : i32
        %add3A_234 = arith.addi %add3A_233, %scan3A_161 : i32
        %get3A_235 = arith.constant 1 : i32
        %get3A_236 = arith.index_cast %get3A_235 : i32 to index
        %get3A_237 = arith.index_cast %add3A_234 : i32 to index
        %get3A_238 = arith.constant 16 : index
        %get3A_239 = tpu.vector_load %arg10[%get3A_236, %get3A_237, %get3A_238] {strides = array<i32>} : memref<2x40x512xf32, #tpu.memory_space<vmem>>, vector<1x1x16xf32>,
        %get3A_240 = vector.shape_cast %get3A_239 : vector<1x1x16xf32> to vector<16xf32>
        %add3A_241 = arith.addf %add3A_232, %get3A_240 : vector<16xf32>
        %add3A_242 = arith.constant 32 : i32
        %add3A_243 = arith.addi %add3A_242, %scan3A_161 : i32
        %get3A_244 = arith.constant 1 : i32
        %get3A_245 = arith.index_cast %get3A_244 : i32 to index
        %get3A_246 = arith.index_cast %add3A_243 : i32 to index
        %get3A_247 = arith.constant 16 : index
        %get3A_248 = tpu.vector_load %arg10[%get3A_245, %get3A_246, %get3A_247] {strides = array<i32>} : memref<2x40x512xf32, #tpu.memory_space<vmem>>, vector<1x1x16xf32>,
        %get3A_249 = vector.shape_cast %get3A_248 : vector<1x1x16xf32> to vector<16xf32>
        %add3A_250 = arith.addf %add3A_241, %get3A_249 : vector<16xf32>
        %swap3A_251 = arith.constant 1 : i32
        %swap3A_252 = arith.index_cast %swap3A_251 : i32 to index
        %swap3A_253 = arith.index_cast %scan3A_161 : i32 to index
        %swap3A_254 = arith.constant 16 : index
        %swap3A_255 = tpu.vector_load %arg10[%swap3A_252, %swap3A_253, %swap3A_254] {strides = array<i32>} : memref<2x40x512xf32, #tpu.memory_space<vmem>>, vector<1x1x16xf32>,
        %swap3A_256 = vector.shape_cast %swap3A_255 : vector<1x1x16xf32> to vector<16xf32>
        %swap3A_257 = vector.shape_cast %add3A_250 : vector<16xf32> to vector<1x1x16xf32>
        tpu.vector_store %arg10[%swap3A_252, %swap3A_253, %swap3A_254], %swap3A_257 {strides = array<i32>} : memref<2x40x512xf32, #tpu.memory_space<vmem>>, vector<1x1x16xf32>,
        %get3A_258 = arith.constant 1 : i32
        %get3A_259 = arith.index_cast %get3A_258 : i32 to index
        %get3A_260 = arith.index_cast %scan3A_161 : i32 to index
        %get3A_261 = arith.constant 32 : index
        %get3A_262 = tpu.vector_load %arg10[%get3A_259, %get3A_260, %get3A_261] {strides = array<i32>} : memref<2x40x512xf32, #tpu.memory_space<vmem>>, vector<1x1x16xf32>,
        %get3A_263 = vector.shape_cast %get3A_262 : vector<1x1x16xf32> to vector<16xf32>
        %add3A_264 = arith.constant 8 : i32
        %add3A_265 = arith.addi %add3A_264, %scan3A_161 : i32
        %get3A_266 = arith.constant 1 : i32
        %get3A_267 = arith.index_cast %get3A_266 : i32 to index
        %get3A_268 = arith.index_cast %add3A_265 : i32 to index
        %get3A_269 = arith.constant 32 : index
        %get3A_270 = tpu.vector_load %arg10[%get3A_267, %get3A_268, %get3A_269] {strides = array<i32>} : memref<2x40x512xf32, #tpu.memory_space<vmem>>, vector<1x1x16xf32>,
        %get3A_271 = vector.shape_cast %get3A_270 : vector<1x1x16xf32> to vector<16xf32>
        %add3A_272 = arith.addf %get3A_263, %get3A_271 : vector<16xf32>
        %add3A_273 = arith.constant 16 : i32
        %add3A_274 = arith.addi %add3A_273, %scan3A_161 : i32
        %get3A_275 = arith.constant 1 : i32
        %get3A_276 = arith.index_cast %get3A_275 : i32 to index
        %get3A_277 = arith.index_cast %add3A_274 : i32 to index
        %get3A_278 = arith.constant 32 : index
        %get3A_279 = tpu.vector_load %arg10[%get3A_276, %get3A_277, %get3A_278] {strides = array<i32>} : memref<2x40x512xf32, #tpu.memory_space<vmem>>, vector<1x1x16xf32>,
        %get3A_280 = vector.shape_cast %get3A_279 : vector<1x1x16xf32> to vector<16xf32>
        %add3A_281 = arith.addf %add3A_272, %get3A_280 : vector<16xf32>
        %add3A_282 = arith.constant 24 : i32
        %add3A_283 = arith.addi %add3A_282, %scan3A_161 : i32
        %get3A_284 = arith.constant 1 : i32
        %get3A_285 = arith.index_cast %get3A_284 : i32 to index
        %get3A_286 = arith.index_cast %add3A_283 : i32 to index
        %get3A_287 = arith.constant 32 : index
        %get3A_288 = tpu.vector_load %arg10[%get3A_285, %get3A_286, %get3A_287] {strides = array<i32>} : memref<2x40x512xf32, #tpu.memory_space<vmem>>, vector<1x1x16xf32>,
        %get3A_289 = vector.shape_cast %get3A_288 : vector<1x1x16xf32> to vector<16xf32>
        %add3A_290 = arith.addf %add3A_281, %get3A_289 : vector<16xf32>
        %add3A_291 = arith.constant 32 : i32
        %add3A_292 = arith.addi %add3A_291, %scan3A_161 : i32
        %get3A_293 = arith.constant 1 : i32
        %get3A_294 = arith.index_cast %get3A_293 : i32 to index
        %get3A_295 = arith.index_cast %add3A_292 : i32 to index
        %get3A_296 = arith.constant 32 : index
        %get3A_297 = tpu.vector_load %arg10[%get3A_294, %get3A_295, %get3A_296] {strides = array<i32>} : memref<2x40x512xf32, #tpu.memory_space<vmem>>, vector<1x1x16xf32>,
        %get3A_298 = vector.shape_cast %get3A_297 : vector<1x1x16xf32> to vector<16xf32>
        %add3A_299 = arith.addf %add3A_290, %get3A_298 : vector<16xf32>
        %swap3A_300 = arith.constant 1 : i32
        %swap3A_301 = arith.index_cast %swap3A_300 : i32 to index
        %swap3A_302 = arith.index_cast %scan3A_161 : i32 to index
        %swap3A_303 = arith.constant 32 : index
        %swap3A_304 = tpu.vector_load %arg10[%swap3A_301, %swap3A_302, %swap3A_303] {strides = array<i32>} : memref<2x40x512xf32, #tpu.memory_space<vmem>>, vector<1x1x16xf32>,
        %swap3A_305 = vector.shape_cast %swap3A_304 : vector<1x1x16xf32> to vector<16xf32>
        %swap3A_306 = vector.shape_cast %add3A_299 : vector<16xf32> to vector<1x1x16xf32>
        tpu.vector_store %arg10[%swap3A_301, %swap3A_302, %swap3A_303], %swap3A_306 {strides = array<i32>} : memref<2x40x512xf32, #tpu.memory_space<vmem>>, vector<1x1x16xf32>,
        %get3A_307 = arith.constant 1 : i32
        %get3A_308 = arith.index_cast %get3A_307 : i32 to index
        %get3A_309 = arith.index_cast %scan3A_161 : i32 to index
        %get3A_310 = arith.constant 48 : index
        %get3A_311 = tpu.vector_load %arg10[%get3A_308, %get3A_309, %get3A_310] {strides = array<i32>} : memref<2x40x512xf32, #tpu.memory_space<vmem>>, vector<1x1x16xf32>,
        %get3A_312 = vector.shape_cast %get3A_311 : vector<1x1x16xf32> to vector<16xf32>
        %add3A_313 = arith.constant 8 : i32
        %add3A_314 = arith.addi %add3A_313, %scan3A_161 : i32
        %get3A_315 = arith.constant 1 : i32
        %get3A_316 = arith.index_cast %get3A_315 : i32 to index
        %get3A_317 = arith.index_cast %add3A_314 : i32 to index
        %get3A_318 = arith.constant 48 : index
        %get3A_319 = tpu.vector_load %arg10[%get3A_316, %get3A_317, %get3A_318] {strides = array<i32>} : memref<2x40x512xf32, #tpu.memory_space<vmem>>, vector<1x1x16xf32>,
        %get3A_320 = vector.shape_cast %get3A_319 : vector<1x1x16xf32> to vector<16xf32>
        %add3A_321 = arith.addf %get3A_312, %get3A_320 : vector<16xf32>
        %add3A_322 = arith.constant 16 : i32
        %add3A_323 = arith.addi %add3A_322, %scan3A_161 : i32
        %get3A_324 = arith.constant 1 : i32
        %get3A_325 = arith.index_cast %get3A_324 : i32 to index
        %get3A_326 = arith.index_cast %add3A_323 : i32 to index
        %get3A_327 = arith.constant 48 : index
        %get3A_328 = tpu.vector_load %arg10[%get3A_325, %get3A_326, %get3A_327] {strides = array<i32>} : memref<2x40x512xf32, #tpu.memory_space<vmem>>, vector<1x1x16xf32>,
        %get3A_329 = vector.shape_cast %get3A_328 : vector<1x1x16xf32> to vector<16xf32>
        %add3A_330 = arith.addf %add3A_321, %get3A_329 : vector<16xf32>
        %add3A_331 = arith.constant 24 : i32
        %add3A_332 = arith.addi %add3A_331, %scan3A_161 : i32
        %get3A_333 = arith.constant 1 : i32
        %get3A_334 = arith.index_cast %get3A_333 : i32 to index
        %get3A_335 = arith.index_cast %add3A_332 : i32 to index
        %get3A_336 = arith.constant 48 : index
        %get3A_337 = tpu.vector_load %arg10[%get3A_334, %get3A_335, %get3A_336] {strides = array<i32>} : memref<2x40x512xf32, #tpu.memory_space<vmem>>, vector<1x1x16xf32>,
        %get3A_338 = vector.shape_cast %get3A_337 : vector<1x1x16xf32> to vector<16xf32>
        %add3A_339 = arith.addf %add3A_330, %get3A_338 : vector<16xf32>
        %add3A_340 = arith.constant 32 : i32
        %add3A_341 = arith.addi %add3A_340, %scan3A_161 : i32
        %get3A_342 = arith.constant 1 : i32
        %get3A_343 = arith.index_cast %get3A_342 : i32 to index
        %get3A_344 = arith.index_cast %add3A_341 : i32 to index
        %get3A_345 = arith.constant 48 : index
        %get3A_346 = tpu.vector_load %arg10[%get3A_343, %get3A_344, %get3A_345] {strides = array<i32>} : memref<2x40x512xf32, #tpu.memory_space<vmem>>, vector<1x1x16xf32>,
        %get3A_347 = vector.shape_cast %get3A_346 : vector<1x1x16xf32> to vector<16xf32>
        %add3A_348 = arith.addf %add3A_339, %get3A_347 : vector<16xf32>
        %swap3A_349 = arith.constant 1 : i32
        %swap3A_350 = arith.index_cast %swap3A_349 : i32 to index
        %swap3A_351 = arith.index_cast %scan3A_161 : i32 to index
        %swap3A_352 = arith.constant 48 : index
        %swap3A_353 = tpu.vector_load %arg10[%swap3A_350, %swap3A_351, %swap3A_352] {strides = array<i32>} : memref<2x40x512xf32, #tpu.memory_space<vmem>>, vector<1x1x16xf32>,
        %swap3A_354 = vector.shape_cast %swap3A_353 : vector<1x1x16xf32> to vector<16xf32>
        %swap3A_355 = vector.shape_cast %add3A_348 : vector<16xf32> to vector<1x1x16xf32>
        tpu.vector_store %arg10[%swap3A_350, %swap3A_351, %swap3A_352], %swap3A_355 {strides = array<i32>} : memref<2x40x512xf32, #tpu.memory_space<vmem>>, vector<1x1x16xf32>,
        %get3A_356 = arith.constant 1 : i32
        %get3A_357 = arith.index_cast %get3A_356 : i32 to index
        %get3A_358 = arith.index_cast %scan3A_161 : i32 to index
        %get3A_359 = arith.constant 64 : index
        %get3A_360 = tpu.vector_load %arg10[%get3A_357, %get3A_358, %get3A_359] {strides = array<i32>} : memref<2x40x512xf32, #tpu.memory_space<vmem>>, vector<1x1x16xf32>,
        %get3A_361 = vector.shape_cast %get3A_360 : vector<1x1x16xf32> to vector<16xf32>
        %add3A_362 = arith.constant 8 : i32
        %add3A_363 = arith.addi %add3A_362, %scan3A_161 : i32
        %get3A_364 = arith.constant 1 : i32
        %get3A_365 = arith.index_cast %get3A_364 : i32 to index
        %get3A_366 = arith.index_cast %add3A_363 : i32 to index
        %get3A_367 = arith.constant 64 : index
        %get3A_368 = tpu.vector_load %arg10[%get3A_365, %get3A_366, %get3A_367] {strides = array<i32>} : memref<2x40x512xf32, #tpu.memory_space<vmem>>, vector<1x1x16xf32>,
        %get3A_369 = vector.shape_cast %get3A_368 : vector<1x1x16xf32> to vector<16xf32>
        %add3A_370 = arith.addf %get3A_361, %get3A_369 : vector<16xf32>
        %add3A_371 = arith.constant 16 : i32
        %add3A_372 = arith.addi %add3A_371, %scan3A_161 : i32
        %get3A_373 = arith.constant 1 : i32
        %get3A_374 = arith.index_cast %get3A_373 : i32 to index
        %get3A_375 = arith.index_cast %add3A_372 : i32 to index
        %get3A_376 = arith.constant 64 : index
        %get3A_377 = tpu.vector_load %arg10[%get3A_374, %get3A_375, %get3A_376] {strides = array<i32>} : memref<2x40x512xf32, #tpu.memory_space<vmem>>, vector<1x1x16xf32>,
        %get3A_378 = vector.shape_cast %get3A_377 : vector<1x1x16xf32> to vector<16xf32>
        %add3A_379 = arith.addf %add3A_370, %get3A_378 : vector<16xf32>
        %add3A_380 = arith.constant 24 : i32
        %add3A_381 = arith.addi %add3A_380, %scan3A_161 : i32
        %get3A_382 = arith.constant 1 : i32
        %get3A_383 = arith.index_cast %get3A_382 : i32 to index
        %get3A_384 = arith.index_cast %add3A_381 : i32 to index
        %get3A_385 = arith.constant 64 : index
        %get3A_386 = tpu.vector_load %arg10[%get3A_383, %get3A_384, %get3A_385] {strides = array<i32>} : memref<2x40x512xf32, #tpu.memory_space<vmem>>, vector<1x1x16xf32>,
        %get3A_387 = vector.shape_cast %get3A_386 : vector<1x1x16xf32> to vector<16xf32>
        %add3A_388 = arith.addf %add3A_379, %get3A_387 : vector<16xf32>
        %add3A_389 = arith.constant 32 : i32
        %add3A_390 = arith.addi %add3A_389, %scan3A_161 : i32
        %get3A_391 = arith.constant 1 : i32
        %get3A_392 = arith.index_cast %get3A_391 : i32 to index
        %get3A_393 = arith.index_cast %add3A_390 : i32 to index
        %get3A_394 = arith.constant 64 : index
        %get3A_395 = tpu.vector_load %arg10[%get3A_392, %get3A_393, %get3A_394] {strides = array<i32>} : memref<2x40x512xf32, #tpu.memory_space<vmem>>, vector<1x1x16xf32>,
        %get3A_396 = vector.shape_cast %get3A_395 : vector<1x1x16xf32> to vector<16xf32>
        %add3A_397 = arith.addf %add3A_388, %get3A_396 : vector<16xf32>
        %swap3A_398 = arith.constant 1 : i32
        %swap3A_399 = arith.index_cast %swap3A_398 : i32 to index
        %swap3A_400 = arith.index_cast %scan3A_161 : i32 to index
        %swap3A_401 = arith.constant 64 : index
        %swap3A_402 = tpu.vector_load %arg10[%swap3A_399, %swap3A_400, %swap3A_401] {strides = array<i32>} : memref<2x40x512xf32, #tpu.memory_space<vmem>>, vector<1x1x16xf32>,
        %swap3A_403 = vector.shape_cast %swap3A_402 : vector<1x1x16xf32> to vector<16xf32>
        %swap3A_404 = vector.shape_cast %add3A_397 : vector<16xf32> to vector<1x1x16xf32>
        tpu.vector_store %arg10[%swap3A_399, %swap3A_400, %swap3A_401], %swap3A_404 {strides = array<i32>} : memref<2x40x512xf32, #tpu.memory_space<vmem>>, vector<1x1x16xf32>,
        %get3A_405 = arith.constant 1 : i32
        %get3A_406 = arith.index_cast %get3A_405 : i32 to index
        %get3A_407 = arith.index_cast %scan3A_161 : i32 to index
        %get3A_408 = arith.constant 80 : index
        %get3A_409 = tpu.vector_load %arg10[%get3A_406, %get3A_407, %get3A_408] {strides = array<i32>} : memref<2x40x512xf32, #tpu.memory_space<vmem>>, vector<1x1x16xf32>,
        %get3A_410 = vector.shape_cast %get3A_409 : vector<1x1x16xf32> to vector<16xf32>
        %add3A_411 = arith.constant 8 : i32
        %add3A_412 = arith.addi %add3A_411, %scan3A_161 : i32
        %get3A_413 = arith.constant 1 : i32
        %get3A_414 = arith.index_cast %get3A_413 : i32 to index
        %get3A_415 = arith.index_cast %add3A_412 : i32 to index
        %get3A_416 = arith.constant 80 : index
        %get3A_417 = tpu.vector_load %arg10[%get3A_414, %get3A_415, %get3A_416] {strides = array<i32>} : memref<2x40x512xf32, #tpu.memory_space<vmem>>, vector<1x1x16xf32>,
        %get3A_418 = vector.shape_cast %get3A_417 : vector<1x1x16xf32> to vector<16xf32>
        %add3A_419 = arith.addf %get3A_410, %get3A_418 : vector<16xf32>
        %add3A_420 = arith.constant 16 : i32
        %add3A_421 = arith.addi %add3A_420, %scan3A_161 : i32
        %get3A_422 = arith.constant 1 : i32
        %get3A_423 = arith.index_cast %get3A_422 : i32 to index
        %get3A_424 = arith.index_cast %add3A_421 : i32 to index
        %get3A_425 = arith.constant 80 : index
        %get3A_426 = tpu.vector_load %arg10[%get3A_423, %get3A_424, %get3A_425] {strides = array<i32>} : memref<2x40x512xf32, #tpu.memory_space<vmem>>, vector<1x1x16xf32>,
        %get3A_427 = vector.shape_cast %get3A_426 : vector<1x1x16xf32> to vector<16xf32>
        %add3A_428 = arith.addf %add3A_419, %get3A_427 : vector<16xf32>
        %add3A_429 = arith.constant 24 : i32
        %add3A_430 = arith.addi %add3A_429, %scan3A_161 : i32
        %get3A_431 = arith.constant 1 : i32
        %get3A_432 = arith.index_cast %get3A_431 : i32 to index
        %get3A_433 = arith.index_cast %add3A_430 : i32 to index
        %get3A_434 = arith.constant 80 : index
        %get3A_435 = tpu.vector_load %arg10[%get3A_432, %get3A_433, %get3A_434] {strides = array<i32>} : memref<2x40x512xf32, #tpu.memory_space<vmem>>, vector<1x1x16xf32>,
        %get3A_436 = vector.shape_cast %get3A_435 : vector<1x1x16xf32> to vector<16xf32>
        %add3A_437 = arith.addf %add3A_428, %get3A_436 : vector<16xf32>
        %add3A_438 = arith.constant 32 : i32
        %add3A_439 = arith.addi %add3A_438, %scan3A_161 : i32
        %get3A_440 = arith.constant 1 : i32
        %get3A_441 = arith.index_cast %get3A_440 : i32 to index
        %get3A_442 = arith.index_cast %add3A_439 : i32 to index
        %get3A_443 = arith.constant 80 : index
        %get3A_444 = tpu.vector_load %arg10[%get3A_441, %get3A_442, %get3A_443] {strides = array<i32>} : memref<2x40x512xf32, #tpu.memory_space<vmem>>, vector<1x1x16xf32>,
        %get3A_445 = vector.shape_cast %get3A_444 : vector<1x1x16xf32> to vector<16xf32>
        %add3A_446 = arith.addf %add3A_437, %get3A_445 : vector<16xf32>
        %swap3A_447 = arith.constant 1 : i32
        %swap3A_448 = arith.index_cast %swap3A_447 : i32 to index
        %swap3A_449 = arith.index_cast %scan3A_161 : i32 to index
        %swap3A_450 = arith.constant 80 : index
        %swap3A_451 = tpu.vector_load %arg10[%swap3A_448, %swap3A_449, %swap3A_450] {strides = array<i32>} : memref<2x40x512xf32, #tpu.memory_space<vmem>>, vector<1x1x16xf32>,
        %swap3A_452 = vector.shape_cast %swap3A_451 : vector<1x1x16xf32> to vector<16xf32>
        %swap3A_453 = vector.shape_cast %add3A_446 : vector<16xf32> to vector<1x1x16xf32>
        tpu.vector_store %arg10[%swap3A_448, %swap3A_449, %swap3A_450], %swap3A_453 {strides = array<i32>} : memref<2x40x512xf32, #tpu.memory_space<vmem>>, vector<1x1x16xf32>,
        %get3A_454 = arith.constant 1 : i32
        %get3A_455 = arith.index_cast %get3A_454 : i32 to index
        %get3A_456 = arith.index_cast %scan3A_161 : i32 to index
        %get3A_457 = arith.constant 96 : index
        %get3A_458 = tpu.vector_load %arg10[%get3A_455, %get3A_456, %get3A_457] {strides = array<i32>} : memref<2x40x512xf32, #tpu.memory_space<vmem>>, vector<1x1x16xf32>,
        %get3A_459 = vector.shape_cast %get3A_458 : vector<1x1x16xf32> to vector<16xf32>
        %add3A_460 = arith.constant 8 : i32
        %add3A_461 = arith.addi %add3A_460, %scan3A_161 : i32
        %get3A_462 = arith.constant 1 : i32
        %get3A_463 = arith.index_cast %get3A_462 : i32 to index
        %get3A_464 = arith.index_cast %add3A_461 : i32 to index
        %get3A_465 = arith.constant 96 : index
        %get3A_466 = tpu.vector_load %arg10[%get3A_463, %get3A_464, %get3A_465] {strides = array<i32>} : memref<2x40x512xf32, #tpu.memory_space<vmem>>, vector<1x1x16xf32>,
        %get3A_467 = vector.shape_cast %get3A_466 : vector<1x1x16xf32> to vector<16xf32>
        %add3A_468 = arith.addf %get3A_459, %get3A_467 : vector<16xf32>
        %add3A_469 = arith.constant 16 : i32
        %add3A_470 = arith.addi %add3A_469, %scan3A_161 : i32
        %get3A_471 = arith.constant 1 : i32
        %get3A_472 = arith.index_cast %get3A_471 : i32 to index
        %get3A_473 = arith.index_cast %add3A_470 : i32 to index
        %get3A_474 = arith.constant 96 : index
        %get3A_475 = tpu.vector_load %arg10[%get3A_472, %get3A_473, %get3A_474] {strides = array<i32>} : memref<2x40x512xf32, #tpu.memory_space<vmem>>, vector<1x1x16xf32>,
        %get3A_476 = vector.shape_cast %get3A_475 : vector<1x1x16xf32> to vector<16xf32>
        %add3A_477 = arith.addf %add3A_468, %get3A_476 : vector<16xf32>
        %add3A_478 = arith.constant 24 : i32
        %add3A_479 = arith.addi %add3A_478, %scan3A_161 : i32
        %get3A_480 = arith.constant 1 : i32
        %get3A_481 = arith.index_cast %get3A_480 : i32 to index
        %get3A_482 = arith.index_cast %add3A_479 : i32 to index
        %get3A_483 = arith.constant 96 : index
        %get3A_484 = tpu.vector_load %arg10[%get3A_481, %get3A_482, %get3A_483] {strides = array<i32>} : memref<2x40x512xf32, #tpu.memory_space<vmem>>, vector<1x1x16xf32>,
        %get3A_485 = vector.shape_cast %get3A_484 : vector<1x1x16xf32> to vector<16xf32>
        %add3A_486 = arith.addf %add3A_477, %get3A_485 : vector<16xf32>
        %add3A_487 = arith.constant 32 : i32
        %add3A_488 = arith.addi %add3A_487, %scan3A_161 : i32
        %get3A_489 = arith.constant 1 : i32
        %get3A_490 = arith.index_cast %get3A_489 : i32 to index
        %get3A_491 = arith.index_cast %add3A_488 : i32 to index
        %get3A_492 = arith.constant 96 : index
        %get3A_493 = tpu.vector_load %arg10[%get3A_490, %get3A_491, %get3A_492] {strides = array<i32>} : memref<2x40x512xf32, #tpu.memory_space<vmem>>, vector<1x1x16xf32>,
        %get3A_494 = vector.shape_cast %get3A_493 : vector<1x1x16xf32> to vector<16xf32>
        %add3A_495 = arith.addf %add3A_486, %get3A_494 : vector<16xf32>
        %swap3A_496 = arith.constant 1 : i32
        %swap3A_497 = arith.index_cast %swap3A_496 : i32 to index
        %swap3A_498 = arith.index_cast %scan3A_161 : i32 to index
        %swap3A_499 = arith.constant 96 : index
        %swap3A_500 = tpu.vector_load %arg10[%swap3A_497, %swap3A_498, %swap3A_499] {strides = array<i32>} : memref<2x40x512xf32, #tpu.memory_space<vmem>>, vector<1x1x16xf32>,
        %swap3A_501 = vector.shape_cast %swap3A_500 : vector<1x1x16xf32> to vector<16xf32>
        %swap3A_502 = vector.shape_cast %add3A_495 : vector<16xf32> to vector<1x1x16xf32>
        tpu.vector_store %arg10[%swap3A_497, %swap3A_498, %swap3A_499], %swap3A_502 {strides = array<i32>} : memref<2x40x512xf32, #tpu.memory_space<vmem>>, vector<1x1x16xf32>,
        %get3A_503 = arith.constant 1 : i32
        %get3A_504 = arith.index_cast %get3A_503 : i32 to index
        %get3A_505 = arith.index_cast %scan3A_161 : i32 to index
        %get3A_506 = arith.constant 112 : index
        %get3A_507 = tpu.vector_load %arg10[%get3A_504, %get3A_505, %get3A_506] {strides = array<i32>} : memref<2x40x512xf32, #tpu.memory_space<vmem>>, vector<1x1x16xf32>,
        %get3A_508 = vector.shape_cast %get3A_507 : vector<1x1x16xf32> to vector<16xf32>
        %add3A_509 = arith.constant 8 : i32
        %add3A_510 = arith.addi %add3A_509, %scan3A_161 : i32
        %get3A_511 = arith.constant 1 : i32
        %get3A_512 = arith.index_cast %get3A_511 : i32 to index
        %get3A_513 = arith.index_cast %add3A_510 : i32 to index
        %get3A_514 = arith.constant 112 : index
        %get3A_515 = tpu.vector_load %arg10[%get3A_512, %get3A_513, %get3A_514] {strides = array<i32>} : memref<2x40x512xf32, #tpu.memory_space<vmem>>, vector<1x1x16xf32>,
        %get3A_516 = vector.shape_cast %get3A_515 : vector<1x1x16xf32> to vector<16xf32>
        %add3A_517 = arith.addf %get3A_508, %get3A_516 : vector<16xf32>
        %add3A_518 = arith.constant 16 : i32
        %add3A_519 = arith.addi %add3A_518, %scan3A_161 : i32
        %get3A_520 = arith.constant 1 : i32
        %get3A_521 = arith.index_cast %get3A_520 : i32 to index
        %get3A_522 = arith.index_cast %add3A_519 : i32 to index
        %get3A_523 = arith.constant 112 : index
        %get3A_524 = tpu.vector_load %arg10[%get3A_521, %get3A_522, %get3A_523] {strides = array<i32>} : memref<2x40x512xf32, #tpu.memory_space<vmem>>, vector<1x1x16xf32>,
        %get3A_525 = vector.shape_cast %get3A_524 : vector<1x1x16xf32> to vector<16xf32>
        %add3A_526 = arith.addf %add3A_517, %get3A_525 : vector<16xf32>
        %add3A_527 = arith.constant 24 : i32
        %add3A_528 = arith.addi %add3A_527, %scan3A_161 : i32
        %get3A_529 = arith.constant 1 : i32
        %get3A_530 = arith.index_cast %get3A_529 : i32 to index
        %get3A_531 = arith.index_cast %add3A_528 : i32 to index
        %get3A_532 = arith.constant 112 : index
        %get3A_533 = tpu.vector_load %arg10[%get3A_530, %get3A_531, %get3A_532] {strides = array<i32>} : memref<2x40x512xf32, #tpu.memory_space<vmem>>, vector<1x1x16xf32>,
        %get3A_534 = vector.shape_cast %get3A_533 : vector<1x1x16xf32> to vector<16xf32>
        %add3A_535 = arith.addf %add3A_526, %get3A_534 : vector<16xf32>
        %add3A_536 = arith.constant 32 : i32
        %add3A_537 = arith.addi %add3A_536, %scan3A_161 : i32
        %get3A_538 = arith.constant 1 : i32
        %get3A_539 = arith.index_cast %get3A_538 : i32 to index
        %get3A_540 = arith.index_cast %add3A_537 : i32 to index
        %get3A_541 = arith.constant 112 : index
        %get3A_542 = tpu.vector_load %arg10[%get3A_539, %get3A_540, %get3A_541] {strides = array<i32>} : memref<2x40x512xf32, #tpu.memory_space<vmem>>, vector<1x1x16xf32>,
        %get3A_543 = vector.shape_cast %get3A_542 : vector<1x1x16xf32> to vector<16xf32>
        %add3A_544 = arith.addf %add3A_535, %get3A_543 : vector<16xf32>
        %swap3A_545 = arith.constant 1 : i32
        %swap3A_546 = arith.index_cast %swap3A_545 : i32 to index
        %swap3A_547 = arith.index_cast %scan3A_161 : i32 to index
        %swap3A_548 = arith.constant 112 : index
        %swap3A_549 = tpu.vector_load %arg10[%swap3A_546, %swap3A_547, %swap3A_548] {strides = array<i32>} : memref<2x40x512xf32, #tpu.memory_space<vmem>>, vector<1x1x16xf32>,
        %swap3A_550 = vector.shape_cast %swap3A_549 : vector<1x1x16xf32> to vector<16xf32>
        %swap3A_551 = vector.shape_cast %add3A_544 : vector<16xf32> to vector<1x1x16xf32>
        tpu.vector_store %arg10[%swap3A_546, %swap3A_547, %swap3A_548], %swap3A_551 {strides = array<i32>} : memref<2x40x512xf32, #tpu.memory_space<vmem>>, vector<1x1x16xf32>,
        %get3A_552 = arith.constant 1 : i32
        %get3A_553 = arith.index_cast %get3A_552 : i32 to index
        %get3A_554 = arith.index_cast %scan3A_161 : i32 to index
        %get3A_555 = arith.constant 128 : index
        %get3A_556 = tpu.vector_load %arg10[%get3A_553, %get3A_554, %get3A_555] {strides = array<i32>} : memref<2x40x512xf32, #tpu.memory_space<vmem>>, vector<1x1x16xf32>,
        %get3A_557 = vector.shape_cast %get3A_556 : vector<1x1x16xf32> to vector<16xf32>
        %add3A_558 = arith.constant 8 : i32
        %add3A_559 = arith.addi %add3A_558, %scan3A_161 : i32
        %get3A_560 = arith.constant 1 : i32
        %get3A_561 = arith.index_cast %get3A_560 : i32 to index
        %get3A_562 = arith.index_cast %add3A_559 : i32 to index
        %get3A_563 = arith.constant 128 : index
        %get3A_564 = tpu.vector_load %arg10[%get3A_561, %get3A_562, %get3A_563] {strides = array<i32>} : memref<2x40x512xf32, #tpu.memory_space<vmem>>, vector<1x1x16xf32>,
        %get3A_565 = vector.shape_cast %get3A_564 : vector<1x1x16xf32> to vector<16xf32>
        %add3A_566 = arith.addf %get3A_557, %get3A_565 : vector<16xf32>
        %add3A_567 = arith.constant 16 : i32
        %add3A_568 = arith.addi %add3A_567, %scan3A_161 : i32
        %get3A_569 = arith.constant 1 : i32
        %get3A_570 = arith.index_cast %get3A_569 : i32 to index
        %get3A_571 = arith.index_cast %add3A_568 : i32 to index
        %get3A_572 = arith.constant 128 : index
        %get3A_573 = tpu.vector_load %arg10[%get3A_570, %get3A_571, %get3A_572] {strides = array<i32>} : memref<2x40x512xf32, #tpu.memory_space<vmem>>, vector<1x1x16xf32>,
        %get3A_574 = vector.shape_cast %get3A_573 : vector<1x1x16xf32> to vector<16xf32>
        %add3A_575 = arith.addf %add3A_566, %get3A_574 : vector<16xf32>
        %add3A_576 = arith.constant 24 : i32
        %add3A_577 = arith.addi %add3A_576, %scan3A_161 : i32
        %get3A_578 = arith.constant 1 : i32
        %get3A_579 = arith.index_cast %get3A_578 : i32 to index
        %get3A_580 = arith.index_cast %add3A_577 : i32 to index
        %get3A_581 = arith.constant 128 : index
        %get3A_582 = tpu.vector_load %arg10[%get3A_579, %get3A_580, %get3A_581] {strides = array<i32>} : memref<2x40x512xf32, #tpu.memory_space<vmem>>, vector<1x1x16xf32>,
        %get3A_583 = vector.shape_cast %get3A_582 : vector<1x1x16xf32> to vector<16xf32>
        %add3A_584 = arith.addf %add3A_575, %get3A_583 : vector<16xf32>
        %add3A_585 = arith.constant 32 : i32
        %add3A_586 = arith.addi %add3A_585, %scan3A_161 : i32
        %get3A_587 = arith.constant 1 : i32
        %get3A_588 = arith.index_cast %get3A_587 : i32 to index
        %get3A_589 = arith.index_cast %add3A_586 : i32 to index
        %get3A_590 = arith.constant 128 : index
        %get3A_591 = tpu.vector_load %arg10[%get3A_588, %get3A_589, %get3A_590] {strides = array<i32>} : memref<2x40x512xf32, #tpu.memory_space<vmem>>, vector<1x1x16xf32>,
        %get3A_592 = vector.shape_cast %get3A_591 : vector<1x1x16xf32> to vector<16xf32>
        %add3A_593 = arith.addf %add3A_584, %get3A_592 : vector<16xf32>
        %swap3A_594 = arith.constant 1 : i32
        %swap3A_595 = arith.index_cast %swap3A_594 : i32 to index
        %swap3A_596 = arith.index_cast %scan3A_161 : i32 to index
        %swap3A_597 = arith.constant 128 : index
        %swap3A_598 = tpu.vector_load %arg10[%swap3A_595, %swap3A_596, %swap3A_597] {strides = array<i32>} : memref<2x40x512xf32, #tpu.memory_space<vmem>>, vector<1x1x16xf32>,
        %swap3A_599 = vector.shape_cast %swap3A_598 : vector<1x1x16xf32> to vector<16xf32>
        %swap3A_600 = vector.shape_cast %add3A_593 : vector<16xf32> to vector<1x1x16xf32>
        tpu.vector_store %arg10[%swap3A_595, %swap3A_596, %swap3A_597], %swap3A_600 {strides = array<i32>} : memref<2x40x512xf32, #tpu.memory_space<vmem>>, vector<1x1x16xf32>,
        %get3A_601 = arith.constant 1 : i32
        %get3A_602 = arith.index_cast %get3A_601 : i32 to index
        %get3A_603 = arith.index_cast %scan3A_161 : i32 to index
        %get3A_604 = arith.constant 144 : index
        %get3A_605 = tpu.vector_load %arg10[%get3A_602, %get3A_603, %get3A_604] {strides = array<i32>} : memref<2x40x512xf32, #tpu.memory_space<vmem>>, vector<1x1x16xf32>,
        %get3A_606 = vector.shape_cast %get3A_605 : vector<1x1x16xf32> to vector<16xf32>
        %add3A_607 = arith.constant 8 : i32
        %add3A_608 = arith.addi %add3A_607, %scan3A_161 : i32
        %get3A_609 = arith.constant 1 : i32
        %get3A_610 = arith.index_cast %get3A_609 : i32 to index
        %get3A_611 = arith.index_cast %add3A_608 : i32 to index
        %get3A_612 = arith.constant 144 : index
        %get3A_613 = tpu.vector_load %arg10[%get3A_610, %get3A_611, %get3A_612] {strides = array<i32>} : memref<2x40x512xf32, #tpu.memory_space<vmem>>, vector<1x1x16xf32>,
        %get3A_614 = vector.shape_cast %get3A_613 : vector<1x1x16xf32> to vector<16xf32>
        %add3A_615 = arith.addf %get3A_606, %get3A_614 : vector<16xf32>
        %add3A_616 = arith.constant 16 : i32
        %add3A_617 = arith.addi %add3A_616, %scan3A_161 : i32
        %get3A_618 = arith.constant 1 : i32
        %get3A_619 = arith.index_cast %get3A_618 : i32 to index
        %get3A_620 = arith.index_cast %add3A_617 : i32 to index
        %get3A_621 = arith.constant 144 : index
        %get3A_622 = tpu.vector_load %arg10[%get3A_619, %get3A_620, %get3A_621] {strides = array<i32>} : memref<2x40x512xf32, #tpu.memory_space<vmem>>, vector<1x1x16xf32>,
        %get3A_623 = vector.shape_cast %get3A_622 : vector<1x1x16xf32> to vector<16xf32>
        %add3A_624 = arith.addf %add3A_615, %get3A_623 : vector<16xf32>
        %add3A_625 = arith.constant 24 : i32
        %add3A_626 = arith.addi %add3A_625, %scan3A_161 : i32
        %get3A_627 = arith.constant 1 : i32
        %get3A_628 = arith.index_cast %get3A_627 : i32 to index
        %get3A_629 = arith.index_cast %add3A_626 : i32 to index
        %get3A_630 = arith.constant 144 : index
        %get3A_631 = tpu.vector_load %arg10[%get3A_628, %get3A_629, %get3A_630] {strides = array<i32>} : memref<2x40x512xf32, #tpu.memory_space<vmem>>, vector<1x1x16xf32>,
        %get3A_632 = vector.shape_cast %get3A_631 : vector<1x1x16xf32> to vector<16xf32>
        %add3A_633 = arith.addf %add3A_624, %get3A_632 : vector<16xf32>
        %add3A_634 = arith.constant 32 : i32
        %add3A_635 = arith.addi %add3A_634, %scan3A_161 : i32
        %get3A_636 = arith.constant 1 : i32
        %get3A_637 = arith.index_cast %get3A_636 : i32 to index
        %get3A_638 = arith.index_cast %add3A_635 : i32 to index
        %get3A_639 = arith.constant 144 : index
        %get3A_640 = tpu.vector_load %arg10[%get3A_637, %get3A_638, %get3A_639] {strides = array<i32>} : memref<2x40x512xf32, #tpu.memory_space<vmem>>, vector<1x1x16xf32>,
        %get3A_641 = vector.shape_cast %get3A_640 : vector<1x1x16xf32> to vector<16xf32>
        %add3A_642 = arith.addf %add3A_633, %get3A_641 : vector<16xf32>
        %swap3A_643 = arith.constant 1 : i32
        %swap3A_644 = arith.index_cast %swap3A_643 : i32 to index
        %swap3A_645 = arith.index_cast %scan3A_161 : i32 to index
        %swap3A_646 = arith.constant 144 : index
        %swap3A_647 = tpu.vector_load %arg10[%swap3A_644, %swap3A_645, %swap3A_646] {strides = array<i32>} : memref<2x40x512xf32, #tpu.memory_space<vmem>>, vector<1x1x16xf32>,
        %swap3A_648 = vector.shape_cast %swap3A_647 : vector<1x1x16xf32> to vector<16xf32>
        %swap3A_649 = vector.shape_cast %add3A_642 : vector<16xf32> to vector<1x1x16xf32>
        tpu.vector_store %arg10[%swap3A_644, %swap3A_645, %swap3A_646], %swap3A_649 {strides = array<i32>} : memref<2x40x512xf32, #tpu.memory_space<vmem>>, vector<1x1x16xf32>,
        %get3A_650 = arith.constant 1 : i32
        %get3A_651 = arith.index_cast %get3A_650 : i32 to index
        %get3A_652 = arith.index_cast %scan3A_161 : i32 to index
        %get3A_653 = arith.constant 160 : index
        %get3A_654 = tpu.vector_load %arg10[%get3A_651, %get3A_652, %get3A_653] {strides = array<i32>} : memref<2x40x512xf32, #tpu.memory_space<vmem>>, vector<1x1x16xf32>,
        %get3A_655 = vector.shape_cast %get3A_654 : vector<1x1x16xf32> to vector<16xf32>
        %add3A_656 = arith.constant 8 : i32
        %add3A_657 = arith.addi %add3A_656, %scan3A_161 : i32
        %get3A_658 = arith.constant 1 : i32
        %get3A_659 = arith.index_cast %get3A_658 : i32 to index
        %get3A_660 = arith.index_cast %add3A_657 : i32 to index
        %get3A_661 = arith.constant 160 : index
        %get3A_662 = tpu.vector_load %arg10[%get3A_659, %get3A_660, %get3A_661] {strides = array<i32>} : memref<2x40x512xf32, #tpu.memory_space<vmem>>, vector<1x1x16xf32>,
        %get3A_663 = vector.shape_cast %get3A_662 : vector<1x1x16xf32> to vector<16xf32>
        %add3A_664 = arith.addf %get3A_655, %get3A_663 : vector<16xf32>
        %add3A_665 = arith.constant 16 : i32
        %add3A_666 = arith.addi %add3A_665, %scan3A_161 : i32
        %get3A_667 = arith.constant 1 : i32
        %get3A_668 = arith.index_cast %get3A_667 : i32 to index
        %get3A_669 = arith.index_cast %add3A_666 : i32 to index
        %get3A_670 = arith.constant 160 : index
        %get3A_671 = tpu.vector_load %arg10[%get3A_668, %get3A_669, %get3A_670] {strides = array<i32>} : memref<2x40x512xf32, #tpu.memory_space<vmem>>, vector<1x1x16xf32>,
        %get3A_672 = vector.shape_cast %get3A_671 : vector<1x1x16xf32> to vector<16xf32>
        %add3A_673 = arith.addf %add3A_664, %get3A_672 : vector<16xf32>
        %add3A_674 = arith.constant 24 : i32
        %add3A_675 = arith.addi %add3A_674, %scan3A_161 : i32
        %get3A_676 = arith.constant 1 : i32
        %get3A_677 = arith.index_cast %get3A_676 : i32 to index
        %get3A_678 = arith.index_cast %add3A_675 : i32 to index
        %get3A_679 = arith.constant 160 : index
        %get3A_680 = tpu.vector_load %arg10[%get3A_677, %get3A_678, %get3A_679] {strides = array<i32>} : memref<2x40x512xf32, #tpu.memory_space<vmem>>, vector<1x1x16xf32>,
        %get3A_681 = vector.shape_cast %get3A_680 : vector<1x1x16xf32> to vector<16xf32>
        %add3A_682 = arith.addf %add3A_673, %get3A_681 : vector<16xf32>
        %add3A_683 = arith.constant 32 : i32
        %add3A_684 = arith.addi %add3A_683, %scan3A_161 : i32
        %get3A_685 = arith.constant 1 : i32
        %get3A_686 = arith.index_cast %get3A_685 : i32 to index
        %get3A_687 = arith.index_cast %add3A_684 : i32 to index
        %get3A_688 = arith.constant 160 : index
        %get3A_689 = tpu.vector_load %arg10[%get3A_686, %get3A_687, %get3A_688] {strides = array<i32>} : memref<2x40x512xf32, #tpu.memory_space<vmem>>, vector<1x1x16xf32>,
        %get3A_690 = vector.shape_cast %get3A_689 : vector<1x1x16xf32> to vector<16xf32>
        %add3A_691 = arith.addf %add3A_682, %get3A_690 : vector<16xf32>
        %swap3A_692 = arith.constant 1 : i32
        %swap3A_693 = arith.index_cast %swap3A_692 : i32 to index
        %swap3A_694 = arith.index_cast %scan3A_161 : i32 to index
        %swap3A_695 = arith.constant 160 : index
        %swap3A_696 = tpu.vector_load %arg10[%swap3A_693, %swap3A_694, %swap3A_695] {strides = array<i32>} : memref<2x40x512xf32, #tpu.memory_space<vmem>>, vector<1x1x16xf32>,
        %swap3A_697 = vector.shape_cast %swap3A_696 : vector<1x1x16xf32> to vector<16xf32>
        %swap3A_698 = vector.shape_cast %add3A_691 : vector<16xf32> to vector<1x1x16xf32>
        tpu.vector_store %arg10[%swap3A_693, %swap3A_694, %swap3A_695], %swap3A_698 {strides = array<i32>} : memref<2x40x512xf32, #tpu.memory_space<vmem>>, vector<1x1x16xf32>,
        %get3A_699 = arith.constant 1 : i32
        %get3A_700 = arith.index_cast %get3A_699 : i32 to index
        %get3A_701 = arith.index_cast %scan3A_161 : i32 to index
        %get3A_702 = arith.constant 176 : index
        %get3A_703 = tpu.vector_load %arg10[%get3A_700, %get3A_701, %get3A_702] {strides = array<i32>} : memref<2x40x512xf32, #tpu.memory_space<vmem>>, vector<1x1x16xf32>,
        %get3A_704 = vector.shape_cast %get3A_703 : vector<1x1x16xf32> to vector<16xf32>
        %add3A_705 = arith.constant 8 : i32
        %add3A_706 = arith.addi %add3A_705, %scan3A_161 : i32
        %get3A_707 = arith.constant 1 : i32
        %get3A_708 = arith.index_cast %get3A_707 : i32 to index
        %get3A_709 = arith.index_cast %add3A_706 : i32 to index
        %get3A_710 = arith.constant 176 : index
        %get3A_711 = tpu.vector_load %arg10[%get3A_708, %get3A_709, %get3A_710] {strides = array<i32>} : memref<2x40x512xf32, #tpu.memory_space<vmem>>, vector<1x1x16xf32>,
        %get3A_712 = vector.shape_cast %get3A_711 : vector<1x1x16xf32> to vector<16xf32>
        %add3A_713 = arith.addf %get3A_704, %get3A_712 : vector<16xf32>
        %add3A_714 = arith.constant 16 : i32
        %add3A_715 = arith.addi %add3A_714, %scan3A_161 : i32
        %get3A_716 = arith.constant 1 : i32
        %get3A_717 = arith.index_cast %get3A_716 : i32 to index
        %get3A_718 = arith.index_cast %add3A_715 : i32 to index
        %get3A_719 = arith.constant 176 : index
        %get3A_720 = tpu.vector_load %arg10[%get3A_717, %get3A_718, %get3A_719] {strides = array<i32>} : memref<2x40x512xf32, #tpu.memory_space<vmem>>, vector<1x1x16xf32>,
        %get3A_721 = vector.shape_cast %get3A_720 : vector<1x1x16xf32> to vector<16xf32>
        %add3A_722 = arith.addf %add3A_713, %get3A_721 : vector<16xf32>
        %add3A_723 = arith.constant 24 : i32
        %add3A_724 = arith.addi %add3A_723, %scan3A_161 : i32
        %get3A_725 = arith.constant 1 : i32
        %get3A_726 = arith.index_cast %get3A_725 : i32 to index
        %get3A_727 = arith.index_cast %add3A_724 : i32 to index
        %get3A_728 = arith.constant 176 : index
        %get3A_729 = tpu.vector_load %arg10[%get3A_726, %get3A_727, %get3A_728] {strides = array<i32>} : memref<2x40x512xf32, #tpu.memory_space<vmem>>, vector<1x1x16xf32>,
        %get3A_730 = vector.shape_cast %get3A_729 : vector<1x1x16xf32> to vector<16xf32>
        %add3A_731 = arith.addf %add3A_722, %get3A_730 : vector<16xf32>
        %add3A_732 = arith.constant 32 : i32
        %add3A_733 = arith.addi %add3A_732, %scan3A_161 : i32
        %get3A_734 = arith.constant 1 : i32
        %get3A_735 = arith.index_cast %get3A_734 : i32 to index
        %get3A_736 = arith.index_cast %add3A_733 : i32 to index
        %get3A_737 = arith.constant 176 : index
        %get3A_738 = tpu.vector_load %arg10[%get3A_735, %get3A_736, %get3A_737] {strides = array<i32>} : memref<2x40x512xf32, #tpu.memory_space<vmem>>, vector<1x1x16xf32>,
        %get3A_739 = vector.shape_cast %get3A_738 : vector<1x1x16xf32> to vector<16xf32>
        %add3A_740 = arith.addf %add3A_731, %get3A_739 : vector<16xf32>
        %swap3A_741 = arith.constant 1 : i32
        %swap3A_742 = arith.index_cast %swap3A_741 : i32 to index
        %swap3A_743 = arith.index_cast %scan3A_161 : i32 to index
        %swap3A_744 = arith.constant 176 : index
        %swap3A_745 = tpu.vector_load %arg10[%swap3A_742, %swap3A_743, %swap3A_744] {strides = array<i32>} : memref<2x40x512xf32, #tpu.memory_space<vmem>>, vector<1x1x16xf32>,
        %swap3A_746 = vector.shape_cast %swap3A_745 : vector<1x1x16xf32> to vector<16xf32>
        %swap3A_747 = vector.shape_cast %add3A_740 : vector<16xf32> to vector<1x1x16xf32>
        tpu.vector_store %arg10[%swap3A_742, %swap3A_743, %swap3A_744], %swap3A_747 {strides = array<i32>} : memref<2x40x512xf32, #tpu.memory_space<vmem>>, vector<1x1x16xf32>,
        %get3A_748 = arith.constant 1 : i32
        %get3A_749 = arith.index_cast %get3A_748 : i32 to index
        %get3A_750 = arith.index_cast %scan3A_161 : i32 to index
        %get3A_751 = arith.constant 192 : index
        %get3A_752 = tpu.vector_load %arg10[%get3A_749, %get3A_750, %get3A_751] {strides = array<i32>} : memref<2x40x512xf32, #tpu.memory_space<vmem>>, vector<1x1x16xf32>,
        %get3A_753 = vector.shape_cast %get3A_752 : vector<1x1x16xf32> to vector<16xf32>
        %add3A_754 = arith.constant 8 : i32
        %add3A_755 = arith.addi %add3A_754, %scan3A_161 : i32
        %get3A_756 = arith.constant 1 : i32
        %get3A_757 = arith.index_cast %get3A_756 : i32 to index
        %get3A_758 = arith.index_cast %add3A_755 : i32 to index
        %get3A_759 = arith.constant 192 : index
        %get3A_760 = tpu.vector_load %arg10[%get3A_757, %get3A_758, %get3A_759] {strides = array<i32>} : memref<2x40x512xf32, #tpu.memory_space<vmem>>, vector<1x1x16xf32>,
        %get3A_761 = vector.shape_cast %get3A_760 : vector<1x1x16xf32> to vector<16xf32>
        %add3A_762 = arith.addf %get3A_753, %get3A_761 : vector<16xf32>
        %add3A_763 = arith.constant 16 : i32
        %add3A_764 = arith.addi %add3A_763, %scan3A_161 : i32
        %get3A_765 = arith.constant 1 : i32
        %get3A_766 = arith.index_cast %get3A_765 : i32 to index
        %get3A_767 = arith.index_cast %add3A_764 : i32 to index
        %get3A_768 = arith.constant 192 : index
        %get3A_769 = tpu.vector_load %arg10[%get3A_766, %get3A_767, %get3A_768] {strides = array<i32>} : memref<2x40x512xf32, #tpu.memory_space<vmem>>, vector<1x1x16xf32>,
        %get3A_770 = vector.shape_cast %get3A_769 : vector<1x1x16xf32> to vector<16xf32>
        %add3A_771 = arith.addf %add3A_762, %get3A_770 : vector<16xf32>
        %add3A_772 = arith.constant 24 : i32
        %add3A_773 = arith.addi %add3A_772, %scan3A_161 : i32
        %get3A_774 = arith.constant 1 : i32
        %get3A_775 = arith.index_cast %get3A_774 : i32 to index
        %get3A_776 = arith.index_cast %add3A_773 : i32 to index
        %get3A_777 = arith.constant 192 : index
        %get3A_778 = tpu.vector_load %arg10[%get3A_775, %get3A_776, %get3A_777] {strides = array<i32>} : memref<2x40x512xf32, #tpu.memory_space<vmem>>, vector<1x1x16xf32>,
        %get3A_779 = vector.shape_cast %get3A_778 : vector<1x1x16xf32> to vector<16xf32>
        %add3A_780 = arith.addf %add3A_771, %get3A_779 : vector<16xf32>
        %add3A_781 = arith.constant 32 : i32
        %add3A_782 = arith.addi %add3A_781, %scan3A_161 : i32
        %get3A_783 = arith.constant 1 : i32
        %get3A_784 = arith.index_cast %get3A_783 : i32 to index
        %get3A_785 = arith.index_cast %add3A_782 : i32 to index
        %get3A_786 = arith.constant 192 : index
        %get3A_787 = tpu.vector_load %arg10[%get3A_784, %get3A_785, %get3A_786] {strides = array<i32>} : memref<2x40x512xf32, #tpu.memory_space<vmem>>, vector<1x1x16xf32>,
        %get3A_788 = vector.shape_cast %get3A_787 : vector<1x1x16xf32> to vector<16xf32>
        %add3A_789 = arith.addf %add3A_780, %get3A_788 : vector<16xf32>
        %swap3A_790 = arith.constant 1 : i32
        %swap3A_791 = arith.index_cast %swap3A_790 : i32 to index
        %swap3A_792 = arith.index_cast %scan3A_161 : i32 to index
        %swap3A_793 = arith.constant 192 : index
        %swap3A_794 = tpu.vector_load %arg10[%swap3A_791, %swap3A_792, %swap3A_793] {strides = array<i32>} : memref<2x40x512xf32, #tpu.memory_space<vmem>>, vector<1x1x16xf32>,
        %swap3A_795 = vector.shape_cast %swap3A_794 : vector<1x1x16xf32> to vector<16xf32>
        %swap3A_796 = vector.shape_cast %add3A_789 : vector<16xf32> to vector<1x1x16xf32>
        tpu.vector_store %arg10[%swap3A_791, %swap3A_792, %swap3A_793], %swap3A_796 {strides = array<i32>} : memref<2x40x512xf32, #tpu.memory_space<vmem>>, vector<1x1x16xf32>,
        %get3A_797 = arith.constant 1 : i32
        %get3A_798 = arith.index_cast %get3A_797 : i32 to index
        %get3A_799 = arith.index_cast %scan3A_161 : i32 to index
        %get3A_800 = arith.constant 208 : index
        %get3A_801 = tpu.vector_load %arg10[%get3A_798, %get3A_799, %get3A_800] {strides = array<i32>} : memref<2x40x512xf32, #tpu.memory_space<vmem>>, vector<1x1x16xf32>,
        %get3A_802 = vector.shape_cast %get3A_801 : vector<1x1x16xf32> to vector<16xf32>
        %add3A_803 = arith.constant 8 : i32
        %add3A_804 = arith.addi %add3A_803, %scan3A_161 : i32
        %get3A_805 = arith.constant 1 : i32
        %get3A_806 = arith.index_cast %get3A_805 : i32 to index
        %get3A_807 = arith.index_cast %add3A_804 : i32 to index
        %get3A_808 = arith.constant 208 : index
        %get3A_809 = tpu.vector_load %arg10[%get3A_806, %get3A_807, %get3A_808] {strides = array<i32>} : memref<2x40x512xf32, #tpu.memory_space<vmem>>, vector<1x1x16xf32>,
        %get3A_810 = vector.shape_cast %get3A_809 : vector<1x1x16xf32> to vector<16xf32>
        %add3A_811 = arith.addf %get3A_802, %get3A_810 : vector<16xf32>
        %add3A_812 = arith.constant 16 : i32
        %add3A_813 = arith.addi %add3A_812, %scan3A_161 : i32
        %get3A_814 = arith.constant 1 : i32
        %get3A_815 = arith.index_cast %get3A_814 : i32 to index
        %get3A_816 = arith.index_cast %add3A_813 : i32 to index
        %get3A_817 = arith.constant 208 : index
        %get3A_818 = tpu.vector_load %arg10[%get3A_815, %get3A_816, %get3A_817] {strides = array<i32>} : memref<2x40x512xf32, #tpu.memory_space<vmem>>, vector<1x1x16xf32>,
        %get3A_819 = vector.shape_cast %get3A_818 : vector<1x1x16xf32> to vector<16xf32>
        %add3A_820 = arith.addf %add3A_811, %get3A_819 : vector<16xf32>
        %add3A_821 = arith.constant 24 : i32
        %add3A_822 = arith.addi %add3A_821, %scan3A_161 : i32
        %get3A_823 = arith.constant 1 : i32
        %get3A_824 = arith.index_cast %get3A_823 : i32 to index
        %get3A_825 = arith.index_cast %add3A_822 : i32 to index
        %get3A_826 = arith.constant 208 : index
        %get3A_827 = tpu.vector_load %arg10[%get3A_824, %get3A_825, %get3A_826] {strides = array<i32>} : memref<2x40x512xf32, #tpu.memory_space<vmem>>, vector<1x1x16xf32>,
        %get3A_828 = vector.shape_cast %get3A_827 : vector<1x1x16xf32> to vector<16xf32>
        %add3A_829 = arith.addf %add3A_820, %get3A_828 : vector<16xf32>
        %add3A_830 = arith.constant 32 : i32
        %add3A_831 = arith.addi %add3A_830, %scan3A_161 : i32
        %get3A_832 = arith.constant 1 : i32
        %get3A_833 = arith.index_cast %get3A_832 : i32 to index
        %get3A_834 = arith.index_cast %add3A_831 : i32 to index
        %get3A_835 = arith.constant 208 : index
        %get3A_836 = tpu.vector_load %arg10[%get3A_833, %get3A_834, %get3A_835] {strides = array<i32>} : memref<2x40x512xf32, #tpu.memory_space<vmem>>, vector<1x1x16xf32>,
        %get3A_837 = vector.shape_cast %get3A_836 : vector<1x1x16xf32> to vector<16xf32>
        %add3A_838 = arith.addf %add3A_829, %get3A_837 : vector<16xf32>
        %swap3A_839 = arith.constant 1 : i32
        %swap3A_840 = arith.index_cast %swap3A_839 : i32 to index
        %swap3A_841 = arith.index_cast %scan3A_161 : i32 to index
        %swap3A_842 = arith.constant 208 : index
        %swap3A_843 = tpu.vector_load %arg10[%swap3A_840, %swap3A_841, %swap3A_842] {strides = array<i32>} : memref<2x40x512xf32, #tpu.memory_space<vmem>>, vector<1x1x16xf32>,
        %swap3A_844 = vector.shape_cast %swap3A_843 : vector<1x1x16xf32> to vector<16xf32>
        %swap3A_845 = vector.shape_cast %add3A_838 : vector<16xf32> to vector<1x1x16xf32>
        tpu.vector_store %arg10[%swap3A_840, %swap3A_841, %swap3A_842], %swap3A_845 {strides = array<i32>} : memref<2x40x512xf32, #tpu.memory_space<vmem>>, vector<1x1x16xf32>,
        %get3A_846 = arith.constant 1 : i32
        %get3A_847 = arith.index_cast %get3A_846 : i32 to index
        %get3A_848 = arith.index_cast %scan3A_161 : i32 to index
        %get3A_849 = arith.constant 224 : index
        %get3A_850 = tpu.vector_load %arg10[%get3A_847, %get3A_848, %get3A_849] {strides = array<i32>} : memref<2x40x512xf32, #tpu.memory_space<vmem>>, vector<1x1x16xf32>,
        %get3A_851 = vector.shape_cast %get3A_850 : vector<1x1x16xf32> to vector<16xf32>
        %add3A_852 = arith.constant 8 : i32
        %add3A_853 = arith.addi %add3A_852, %scan3A_161 : i32
        %get3A_854 = arith.constant 1 : i32
        %get3A_855 = arith.index_cast %get3A_854 : i32 to index
        %get3A_856 = arith.index_cast %add3A_853 : i32 to index
        %get3A_857 = arith.constant 224 : index
        %get3A_858 = tpu.vector_load %arg10[%get3A_855, %get3A_856, %get3A_857] {strides = array<i32>} : memref<2x40x512xf32, #tpu.memory_space<vmem>>, vector<1x1x16xf32>,
        %get3A_859 = vector.shape_cast %get3A_858 : vector<1x1x16xf32> to vector<16xf32>
        %add3A_860 = arith.addf %get3A_851, %get3A_859 : vector<16xf32>
        %add3A_861 = arith.constant 16 : i32
        %add3A_862 = arith.addi %add3A_861, %scan3A_161 : i32
        %get3A_863 = arith.constant 1 : i32
        %get3A_864 = arith.index_cast %get3A_863 : i32 to index
        %get3A_865 = arith.index_cast %add3A_862 : i32 to index
        %get3A_866 = arith.constant 224 : index
        %get3A_867 = tpu.vector_load %arg10[%get3A_864, %get3A_865, %get3A_866] {strides = array<i32>} : memref<2x40x512xf32, #tpu.memory_space<vmem>>, vector<1x1x16xf32>,
        %get3A_868 = vector.shape_cast %get3A_867 : vector<1x1x16xf32> to vector<16xf32>
        %add3A_869 = arith.addf %add3A_860, %get3A_868 : vector<16xf32>
        %add3A_870 = arith.constant 24 : i32
        %add3A_871 = arith.addi %add3A_870, %scan3A_161 : i32
        %get3A_872 = arith.constant 1 : i32
        %get3A_873 = arith.index_cast %get3A_872 : i32 to index
        %get3A_874 = arith.index_cast %add3A_871 : i32 to index
        %get3A_875 = arith.constant 224 : index
        %get3A_876 = tpu.vector_load %arg10[%get3A_873, %get3A_874, %get3A_875] {strides = array<i32>} : memref<2x40x512xf32, #tpu.memory_space<vmem>>, vector<1x1x16xf32>,
        %get3A_877 = vector.shape_cast %get3A_876 : vector<1x1x16xf32> to vector<16xf32>
        %add3A_878 = arith.addf %add3A_869, %get3A_877 : vector<16xf32>
        %add3A_879 = arith.constant 32 : i32
        %add3A_880 = arith.addi %add3A_879, %scan3A_161 : i32
        %get3A_881 = arith.constant 1 : i32
        %get3A_882 = arith.index_cast %get3A_881 : i32 to index
        %get3A_883 = arith.index_cast %add3A_880 : i32 to index
        %get3A_884 = arith.constant 224 : index
        %get3A_885 = tpu.vector_load %arg10[%get3A_882, %get3A_883, %get3A_884] {strides = array<i32>} : memref<2x40x512xf32, #tpu.memory_space<vmem>>, vector<1x1x16xf32>,
        %get3A_886 = vector.shape_cast %get3A_885 : vector<1x1x16xf32> to vector<16xf32>
        %add3A_887 = arith.addf %add3A_878, %get3A_886 : vector<16xf32>
        %swap3A_888 = arith.constant 1 : i32
        %swap3A_889 = arith.index_cast %swap3A_888 : i32 to index
        %swap3A_890 = arith.index_cast %scan3A_161 : i32 to index
        %swap3A_891 = arith.constant 224 : index
        %swap3A_892 = tpu.vector_load %arg10[%swap3A_889, %swap3A_890, %swap3A_891] {strides = array<i32>} : memref<2x40x512xf32, #tpu.memory_space<vmem>>, vector<1x1x16xf32>,
        %swap3A_893 = vector.shape_cast %swap3A_892 : vector<1x1x16xf32> to vector<16xf32>
        %swap3A_894 = vector.shape_cast %add3A_887 : vector<16xf32> to vector<1x1x16xf32>
        tpu.vector_store %arg10[%swap3A_889, %swap3A_890, %swap3A_891], %swap3A_894 {strides = array<i32>} : memref<2x40x512xf32, #tpu.memory_space<vmem>>, vector<1x1x16xf32>,
        %get3A_895 = arith.constant 1 : i32
        %get3A_896 = arith.index_cast %get3A_895 : i32 to index
        %get3A_897 = arith.index_cast %scan3A_161 : i32 to index
        %get3A_898 = arith.constant 240 : index
        %get3A_899 = tpu.vector_load %arg10[%get3A_896, %get3A_897, %get3A_898] {strides = array<i32>} : memref<2x40x512xf32, #tpu.memory_space<vmem>>, vector<1x1x16xf32>,
        %get3A_900 = vector.shape_cast %get3A_899 : vector<1x1x16xf32> to vector<16xf32>
        %add3A_901 = arith.constant 8 : i32
        %add3A_902 = arith.addi %add3A_901, %scan3A_161 : i32
        %get3A_903 = arith.constant 1 : i32
        %get3A_904 = arith.index_cast %get3A_903 : i32 to index
        %get3A_905 = arith.index_cast %add3A_902 : i32 to index
        %get3A_906 = arith.constant 240 : index
        %get3A_907 = tpu.vector_load %arg10[%get3A_904, %get3A_905, %get3A_906] {strides = array<i32>} : memref<2x40x512xf32, #tpu.memory_space<vmem>>, vector<1x1x16xf32>,
        %get3A_908 = vector.shape_cast %get3A_907 : vector<1x1x16xf32> to vector<16xf32>
        %add3A_909 = arith.addf %get3A_900, %get3A_908 : vector<16xf32>
        %add3A_910 = arith.constant 16 : i32
        %add3A_911 = arith.addi %add3A_910, %scan3A_161 : i32
        %get3A_912 = arith.constant 1 : i32
        %get3A_913 = arith.index_cast %get3A_912 : i32 to index
        %get3A_914 = arith.index_cast %add3A_911 : i32 to index
        %get3A_915 = arith.constant 240 : index
        %get3A_916 = tpu.vector_load %arg10[%get3A_913, %get3A_914, %get3A_915] {strides = array<i32>} : memref<2x40x512xf32, #tpu.memory_space<vmem>>, vector<1x1x16xf32>,
        %get3A_917 = vector.shape_cast %get3A_916 : vector<1x1x16xf32> to vector<16xf32>
        %add3A_918 = arith.addf %add3A_909, %get3A_917 : vector<16xf32>
        %add3A_919 = arith.constant 24 : i32
        %add3A_920 = arith.addi %add3A_919, %scan3A_161 : i32
        %get3A_921 = arith.constant 1 : i32
        %get3A_922 = arith.index_cast %get3A_921 : i32 to index
        %get3A_923 = arith.index_cast %add3A_920 : i32 to index
        %get3A_924 = arith.constant 240 : index
        %get3A_925 = tpu.vector_load %arg10[%get3A_922, %get3A_923, %get3A_924] {strides = array<i32>} : memref<2x40x512xf32, #tpu.memory_space<vmem>>, vector<1x1x16xf32>,
        %get3A_926 = vector.shape_cast %get3A_925 : vector<1x1x16xf32> to vector<16xf32>
        %add3A_927 = arith.addf %add3A_918, %get3A_926 : vector<16xf32>
        %add3A_928 = arith.constant 32 : i32
        %add3A_929 = arith.addi %add3A_928, %scan3A_161 : i32
        %get3A_930 = arith.constant 1 : i32
        %get3A_931 = arith.index_cast %get3A_930 : i32 to index
        %get3A_932 = arith.index_cast %add3A_929 : i32 to index
        %get3A_933 = arith.constant 240 : index
        %get3A_934 = tpu.vector_load %arg10[%get3A_931, %get3A_932, %get3A_933] {strides = array<i32>} : memref<2x40x512xf32, #tpu.memory_space<vmem>>, vector<1x1x16xf32>,
        %get3A_935 = vector.shape_cast %get3A_934 : vector<1x1x16xf32> to vector<16xf32>
        %add3A_936 = arith.addf %add3A_927, %get3A_935 : vector<16xf32>
        %swap3A_937 = arith.constant 1 : i32
        %swap3A_938 = arith.index_cast %swap3A_937 : i32 to index
        %swap3A_939 = arith.index_cast %scan3A_161 : i32 to index
        %swap3A_940 = arith.constant 240 : index
        %swap3A_941 = tpu.vector_load %arg10[%swap3A_938, %swap3A_939, %swap3A_940] {strides = array<i32>} : memref<2x40x512xf32, #tpu.memory_space<vmem>>, vector<1x1x16xf32>,
        %swap3A_942 = vector.shape_cast %swap3A_941 : vector<1x1x16xf32> to vector<16xf32>
        %swap3A_943 = vector.shape_cast %add3A_936 : vector<16xf32> to vector<1x1x16xf32>
        tpu.vector_store %arg10[%swap3A_938, %swap3A_939, %swap3A_940], %swap3A_943 {strides = array<i32>} : memref<2x40x512xf32, #tpu.memory_space<vmem>>, vector<1x1x16xf32>,
        %get3A_944 = arith.constant 1 : i32
        %get3A_945 = arith.index_cast %get3A_944 : i32 to index
        %get3A_946 = arith.index_cast %scan3A_161 : i32 to index
        %get3A_947 = arith.constant 256 : index
        %get3A_948 = tpu.vector_load %arg10[%get3A_945, %get3A_946, %get3A_947] {strides = array<i32>} : memref<2x40x512xf32, #tpu.memory_space<vmem>>, vector<1x1x16xf32>,
        %get3A_949 = vector.shape_cast %get3A_948 : vector<1x1x16xf32> to vector<16xf32>
        %add3A_950 = arith.constant 8 : i32
        %add3A_951 = arith.addi %add3A_950, %scan3A_161 : i32
        %get3A_952 = arith.constant 1 : i32
        %get3A_953 = arith.index_cast %get3A_952 : i32 to index
        %get3A_954 = arith.index_cast %add3A_951 : i32 to index
        %get3A_955 = arith.constant 256 : index
        %get3A_956 = tpu.vector_load %arg10[%get3A_953, %get3A_954, %get3A_955] {strides = array<i32>} : memref<2x40x512xf32, #tpu.memory_space<vmem>>, vector<1x1x16xf32>,
        %get3A_957 = vector.shape_cast %get3A_956 : vector<1x1x16xf32> to vector<16xf32>
        %add3A_958 = arith.addf %get3A_949, %get3A_957 : vector<16xf32>
        %add3A_959 = arith.constant 16 : i32
        %add3A_960 = arith.addi %add3A_959, %scan3A_161 : i32
        %get3A_961 = arith.constant 1 : i32
        %get3A_962 = arith.index_cast %get3A_961 : i32 to index
        %get3A_963 = arith.index_cast %add3A_960 : i32 to index
        %get3A_964 = arith.constant 256 : index
        %get3A_965 = tpu.vector_load %arg10[%get3A_962, %get3A_963, %get3A_964] {strides = array<i32>} : memref<2x40x512xf32, #tpu.memory_space<vmem>>, vector<1x1x16xf32>,
        %get3A_966 = vector.shape_cast %get3A_965 : vector<1x1x16xf32> to vector<16xf32>
        %add3A_967 = arith.addf %add3A_958, %get3A_966 : vector<16xf32>
        %add3A_968 = arith.constant 24 : i32
        %add3A_969 = arith.addi %add3A_968, %scan3A_161 : i32
        %get3A_970 = arith.constant 1 : i32
        %get3A_971 = arith.index_cast %get3A_970 : i32 to index
        %get3A_972 = arith.index_cast %add3A_969 : i32 to index
        %get3A_973 = arith.constant 256 : index
        %get3A_974 = tpu.vector_load %arg10[%get3A_971, %get3A_972, %get3A_973] {strides = array<i32>} : memref<2x40x512xf32, #tpu.memory_space<vmem>>, vector<1x1x16xf32>,
        %get3A_975 = vector.shape_cast %get3A_974 : vector<1x1x16xf32> to vector<16xf32>
        %add3A_976 = arith.addf %add3A_967, %get3A_975 : vector<16xf32>
        %add3A_977 = arith.constant 32 : i32
        %add3A_978 = arith.addi %add3A_977, %scan3A_161 : i32
        %get3A_979 = arith.constant 1 : i32
        %get3A_980 = arith.index_cast %get3A_979 : i32 to index
        %get3A_981 = arith.index_cast %add3A_978 : i32 to index
        %get3A_982 = arith.constant 256 : index
        %get3A_983 = tpu.vector_load %arg10[%get3A_980, %get3A_981, %get3A_982] {strides = array<i32>} : memref<2x40x512xf32, #tpu.memory_space<vmem>>, vector<1x1x16xf32>,
        %get3A_984 = vector.shape_cast %get3A_983 : vector<1x1x16xf32> to vector<16xf32>
        %add3A_985 = arith.addf %add3A_976, %get3A_984 : vector<16xf32>
        %swap3A_986 = arith.constant 1 : i32
        %swap3A_987 = arith.index_cast %swap3A_986 : i32 to index
        %swap3A_988 = arith.index_cast %scan3A_161 : i32 to index
        %swap3A_989 = arith.constant 256 : index
        %swap3A_990 = tpu.vector_load %arg10[%swap3A_987, %swap3A_988, %swap3A_989] {strides = array<i32>} : memref<2x40x512xf32, #tpu.memory_space<vmem>>, vector<1x1x16xf32>,
        %swap3A_991 = vector.shape_cast %swap3A_990 : vector<1x1x16xf32> to vector<16xf32>
        %swap3A_992 = vector.shape_cast %add3A_985 : vector<16xf32> to vector<1x1x16xf32>
        tpu.vector_store %arg10[%swap3A_987, %swap3A_988, %swap3A_989], %swap3A_992 {strides = array<i32>} : memref<2x40x512xf32, #tpu.memory_space<vmem>>, vector<1x1x16xf32>,
        %get3A_993 = arith.constant 1 : i32
        %get3A_994 = arith.index_cast %get3A_993 : i32 to index
        %get3A_995 = arith.index_cast %scan3A_161 : i32 to index
        %get3A_996 = arith.constant 272 : index
        %get3A_997 = tpu.vector_load %arg10[%get3A_994, %get3A_995, %get3A_996] {strides = array<i32>} : memref<2x40x512xf32, #tpu.memory_space<vmem>>, vector<1x1x16xf32>,
        %get3A_998 = vector.shape_cast %get3A_997 : vector<1x1x16xf32> to vector<16xf32>
        %add3A_999 = arith.constant 8 : i32
        %add3A_1000 = arith.addi %add3A_999, %scan3A_161 : i32
        %get3A_1001 = arith.constant 1 : i32
        %get3A_1002 = arith.index_cast %get3A_1001 : i32 to index
        %get3A_1003 = arith.index_cast %add3A_1000 : i32 to index
        %get3A_1004 = arith.constant 272 : index
        %get3A_1005 = tpu.vector_load %arg10[%get3A_1002, %get3A_1003, %get3A_1004] {strides = array<i32>} : memref<2x40x512xf32, #tpu.memory_space<vmem>>, vector<1x1x16xf32>,
        %get3A_1006 = vector.shape_cast %get3A_1005 : vector<1x1x16xf32> to vector<16xf32>
        %add3A_1007 = arith.addf %get3A_998, %get3A_1006 : vector<16xf32>
        %add3A_1008 = arith.constant 16 : i32
        %add3A_1009 = arith.addi %add3A_1008, %scan3A_161 : i32
        %get3A_1010 = arith.constant 1 : i32
        %get3A_1011 = arith.index_cast %get3A_1010 : i32 to index
        %get3A_1012 = arith.index_cast %add3A_1009 : i32 to index
        %get3A_1013 = arith.constant 272 : index
        %get3A_1014 = tpu.vector_load %arg10[%get3A_1011, %get3A_1012, %get3A_1013] {strides = array<i32>} : memref<2x40x512xf32, #tpu.memory_space<vmem>>, vector<1x1x16xf32>,
        %get3A_1015 = vector.shape_cast %get3A_1014 : vector<1x1x16xf32> to vector<16xf32>
        %add3A_1016 = arith.addf %add3A_1007, %get3A_1015 : vector<16xf32>
        %add3A_1017 = arith.constant 24 : i32
        %add3A_1018 = arith.addi %add3A_1017, %scan3A_161 : i32
        %get3A_1019 = arith.constant 1 : i32
        %get3A_1020 = arith.index_cast %get3A_1019 : i32 to index
        %get3A_1021 = arith.index_cast %add3A_1018 : i32 to index
        %get3A_1022 = arith.constant 272 : index
        %get3A_1023 = tpu.vector_load %arg10[%get3A_1020, %get3A_1021, %get3A_1022] {strides = array<i32>} : memref<2x40x512xf32, #tpu.memory_space<vmem>>, vector<1x1x16xf32>,
        %get3A_1024 = vector.shape_cast %get3A_1023 : vector<1x1x16xf32> to vector<16xf32>
        %add3A_1025 = arith.addf %add3A_1016, %get3A_1024 : vector<16xf32>
        %add3A_1026 = arith.constant 32 : i32
        %add3A_1027 = arith.addi %add3A_1026, %scan3A_161 : i32
        %get3A_1028 = arith.constant 1 : i32
        %get3A_1029 = arith.index_cast %get3A_1028 : i32 to index
        %get3A_1030 = arith.index_cast %add3A_1027 : i32 to index
        %get3A_1031 = arith.constant 272 : index
        %get3A_1032 = tpu.vector_load %arg10[%get3A_1029, %get3A_1030, %get3A_1031] {strides = array<i32>} : memref<2x40x512xf32, #tpu.memory_space<vmem>>, vector<1x1x16xf32>,
        %get3A_1033 = vector.shape_cast %get3A_1032 : vector<1x1x16xf32> to vector<16xf32>
        %add3A_1034 = arith.addf %add3A_1025, %get3A_1033 : vector<16xf32>
        %swap3A_1035 = arith.constant 1 : i32
        %swap3A_1036 = arith.index_cast %swap3A_1035 : i32 to index
        %swap3A_1037 = arith.index_cast %scan3A_161 : i32 to index
        %swap3A_1038 = arith.constant 272 : index
        %swap3A_1039 = tpu.vector_load %arg10[%swap3A_1036, %swap3A_1037, %swap3A_1038] {strides = array<i32>} : memref<2x40x512xf32, #tpu.memory_space<vmem>>, vector<1x1x16xf32>,
        %swap3A_1040 = vector.shape_cast %swap3A_1039 : vector<1x1x16xf32> to vector<16xf32>
        %swap3A_1041 = vector.shape_cast %add3A_1034 : vector<16xf32> to vector<1x1x16xf32>
        tpu.vector_store %arg10[%swap3A_1036, %swap3A_1037, %swap3A_1038], %swap3A_1041 {strides = array<i32>} : memref<2x40x512xf32, #tpu.memory_space<vmem>>, vector<1x1x16xf32>,
        %get3A_1042 = arith.constant 1 : i32
        %get3A_1043 = arith.index_cast %get3A_1042 : i32 to index
        %get3A_1044 = arith.index_cast %scan3A_161 : i32 to index
        %get3A_1045 = arith.constant 288 : index
        %get3A_1046 = tpu.vector_load %arg10[%get3A_1043, %get3A_1044, %get3A_1045] {strides = array<i32>} : memref<2x40x512xf32, #tpu.memory_space<vmem>>, vector<1x1x16xf32>,
        %get3A_1047 = vector.shape_cast %get3A_1046 : vector<1x1x16xf32> to vector<16xf32>
        %add3A_1048 = arith.constant 8 : i32
        %add3A_1049 = arith.addi %add3A_1048, %scan3A_161 : i32
        %get3A_1050 = arith.constant 1 : i32
        %get3A_1051 = arith.index_cast %get3A_1050 : i32 to index
        %get3A_1052 = arith.index_cast %add3A_1049 : i32 to index
        %get3A_1053 = arith.constant 288 : index
        %get3A_1054 = tpu.vector_load %arg10[%get3A_1051, %get3A_1052, %get3A_1053] {strides = array<i32>} : memref<2x40x512xf32, #tpu.memory_space<vmem>>, vector<1x1x16xf32>,
        %get3A_1055 = vector.shape_cast %get3A_1054 : vector<1x1x16xf32> to vector<16xf32>
        %add3A_1056 = arith.addf %get3A_1047, %get3A_1055 : vector<16xf32>
        %add3A_1057 = arith.constant 16 : i32
        %add3A_1058 = arith.addi %add3A_1057, %scan3A_161 : i32
        %get3A_1059 = arith.constant 1 : i32
        %get3A_1060 = arith.index_cast %get3A_1059 : i32 to index
        %get3A_1061 = arith.index_cast %add3A_1058 : i32 to index
        %get3A_1062 = arith.constant 288 : index
        %get3A_1063 = tpu.vector_load %arg10[%get3A_1060, %get3A_1061, %get3A_1062] {strides = array<i32>} : memref<2x40x512xf32, #tpu.memory_space<vmem>>, vector<1x1x16xf32>,
        %get3A_1064 = vector.shape_cast %get3A_1063 : vector<1x1x16xf32> to vector<16xf32>
        %add3A_1065 = arith.addf %add3A_1056, %get3A_1064 : vector<16xf32>
        %add3A_1066 = arith.constant 24 : i32
        %add3A_1067 = arith.addi %add3A_1066, %scan3A_161 : i32
        %get3A_1068 = arith.constant 1 : i32
        %get3A_1069 = arith.index_cast %get3A_1068 : i32 to index
        %get3A_1070 = arith.index_cast %add3A_1067 : i32 to index
        %get3A_1071 = arith.constant 288 : index
        %get3A_1072 = tpu.vector_load %arg10[%get3A_1069, %get3A_1070, %get3A_1071] {strides = array<i32>} : memref<2x40x512xf32, #tpu.memory_space<vmem>>, vector<1x1x16xf32>,
        %get3A_1073 = vector.shape_cast %get3A_1072 : vector<1x1x16xf32> to vector<16xf32>
        %add3A_1074 = arith.addf %add3A_1065, %get3A_1073 : vector<16xf32>
        %add3A_1075 = arith.constant 32 : i32
        %add3A_1076 = arith.addi %add3A_1075, %scan3A_161 : i32
        %get3A_1077 = arith.constant 1 : i32
        %get3A_1078 = arith.index_cast %get3A_1077 : i32 to index
        %get3A_1079 = arith.index_cast %add3A_1076 : i32 to index
        %get3A_1080 = arith.constant 288 : index
        %get3A_1081 = tpu.vector_load %arg10[%get3A_1078, %get3A_1079, %get3A_1080] {strides = array<i32>} : memref<2x40x512xf32, #tpu.memory_space<vmem>>, vector<1x1x16xf32>,
        %get3A_1082 = vector.shape_cast %get3A_1081 : vector<1x1x16xf32> to vector<16xf32>
        %add3A_1083 = arith.addf %add3A_1074, %get3A_1082 : vector<16xf32>
        %swap3A_1084 = arith.constant 1 : i32
        %swap3A_1085 = arith.index_cast %swap3A_1084 : i32 to index
        %swap3A_1086 = arith.index_cast %scan3A_161 : i32 to index
        %swap3A_1087 = arith.constant 288 : index
        %swap3A_1088 = tpu.vector_load %arg10[%swap3A_1085, %swap3A_1086, %swap3A_1087] {strides = array<i32>} : memref<2x40x512xf32, #tpu.memory_space<vmem>>, vector<1x1x16xf32>,
        %swap3A_1089 = vector.shape_cast %swap3A_1088 : vector<1x1x16xf32> to vector<16xf32>
        %swap3A_1090 = vector.shape_cast %add3A_1083 : vector<16xf32> to vector<1x1x16xf32>
        tpu.vector_store %arg10[%swap3A_1085, %swap3A_1086, %swap3A_1087], %swap3A_1090 {strides = array<i32>} : memref<2x40x512xf32, #tpu.memory_space<vmem>>, vector<1x1x16xf32>,
        %get3A_1091 = arith.constant 1 : i32
        %get3A_1092 = arith.index_cast %get3A_1091 : i32 to index
        %get3A_1093 = arith.index_cast %scan3A_161 : i32 to index
        %get3A_1094 = arith.constant 304 : index
        %get3A_1095 = tpu.vector_load %arg10[%get3A_1092, %get3A_1093, %get3A_1094] {strides = array<i32>} : memref<2x40x512xf32, #tpu.memory_space<vmem>>, vector<1x1x16xf32>,
        %get3A_1096 = vector.shape_cast %get3A_1095 : vector<1x1x16xf32> to vector<16xf32>
        %add3A_1097 = arith.constant 8 : i32
        %add3A_1098 = arith.addi %add3A_1097, %scan3A_161 : i32
        %get3A_1099 = arith.constant 1 : i32
        %get3A_1100 = arith.index_cast %get3A_1099 : i32 to index
        %get3A_1101 = arith.index_cast %add3A_1098 : i32 to index
        %get3A_1102 = arith.constant 304 : index
        %get3A_1103 = tpu.vector_load %arg10[%get3A_1100, %get3A_1101, %get3A_1102] {strides = array<i32>} : memref<2x40x512xf32, #tpu.memory_space<vmem>>, vector<1x1x16xf32>,
        %get3A_1104 = vector.shape_cast %get3A_1103 : vector<1x1x16xf32> to vector<16xf32>
        %add3A_1105 = arith.addf %get3A_1096, %get3A_1104 : vector<16xf32>
        %add3A_1106 = arith.constant 16 : i32
        %add3A_1107 = arith.addi %add3A_1106, %scan3A_161 : i32
        %get3A_1108 = arith.constant 1 : i32
        %get3A_1109 = arith.index_cast %get3A_1108 : i32 to index
        %get3A_1110 = arith.index_cast %add3A_1107 : i32 to index
        %get3A_1111 = arith.constant 304 : index
        %get3A_1112 = tpu.vector_load %arg10[%get3A_1109, %get3A_1110, %get3A_1111] {strides = array<i32>} : memref<2x40x512xf32, #tpu.memory_space<vmem>>, vector<1x1x16xf32>,
        %get3A_1113 = vector.shape_cast %get3A_1112 : vector<1x1x16xf32> to vector<16xf32>
        %add3A_1114 = arith.addf %add3A_1105, %get3A_1113 : vector<16xf32>
        %add3A_1115 = arith.constant 24 : i32
        %add3A_1116 = arith.addi %add3A_1115, %scan3A_161 : i32
        %get3A_1117 = arith.constant 1 : i32
        %get3A_1118 = arith.index_cast %get3A_1117 : i32 to index
        %get3A_1119 = arith.index_cast %add3A_1116 : i32 to index
        %get3A_1120 = arith.constant 304 : index
        %get3A_1121 = tpu.vector_load %arg10[%get3A_1118, %get3A_1119, %get3A_1120] {strides = array<i32>} : memref<2x40x512xf32, #tpu.memory_space<vmem>>, vector<1x1x16xf32>,
        %get3A_1122 = vector.shape_cast %get3A_1121 : vector<1x1x16xf32> to vector<16xf32>
        %add3A_1123 = arith.addf %add3A_1114, %get3A_1122 : vector<16xf32>
        %add3A_1124 = arith.constant 32 : i32
        %add3A_1125 = arith.addi %add3A_1124, %scan3A_161 : i32
        %get3A_1126 = arith.constant 1 : i32
        %get3A_1127 = arith.index_cast %get3A_1126 : i32 to index
        %get3A_1128 = arith.index_cast %add3A_1125 : i32 to index
        %get3A_1129 = arith.constant 304 : index
        %get3A_1130 = tpu.vector_load %arg10[%get3A_1127, %get3A_1128, %get3A_1129] {strides = array<i32>} : memref<2x40x512xf32, #tpu.memory_space<vmem>>, vector<1x1x16xf32>,
        %get3A_1131 = vector.shape_cast %get3A_1130 : vector<1x1x16xf32> to vector<16xf32>
        %add3A_1132 = arith.addf %add3A_1123, %get3A_1131 : vector<16xf32>
        %swap3A_1133 = arith.constant 1 : i32
        %swap3A_1134 = arith.index_cast %swap3A_1133 : i32 to index
        %swap3A_1135 = arith.index_cast %scan3A_161 : i32 to index
        %swap3A_1136 = arith.constant 304 : index
        %swap3A_1137 = tpu.vector_load %arg10[%swap3A_1134, %swap3A_1135, %swap3A_1136] {strides = array<i32>} : memref<2x40x512xf32, #tpu.memory_space<vmem>>, vector<1x1x16xf32>,
        %swap3A_1138 = vector.shape_cast %swap3A_1137 : vector<1x1x16xf32> to vector<16xf32>
        %swap3A_1139 = vector.shape_cast %add3A_1132 : vector<16xf32> to vector<1x1x16xf32>
        tpu.vector_store %arg10[%swap3A_1134, %swap3A_1135, %swap3A_1136], %swap3A_1139 {strides = array<i32>} : memref<2x40x512xf32, #tpu.memory_space<vmem>>, vector<1x1x16xf32>,
        %get3A_1140 = arith.constant 1 : i32
        %get3A_1141 = arith.index_cast %get3A_1140 : i32 to index
        %get3A_1142 = arith.index_cast %scan3A_161 : i32 to index
        %get3A_1143 = arith.constant 320 : index
        %get3A_1144 = tpu.vector_load %arg10[%get3A_1141, %get3A_1142, %get3A_1143] {strides = array<i32>} : memref<2x40x512xf32, #tpu.memory_space<vmem>>, vector<1x1x16xf32>,
        %get3A_1145 = vector.shape_cast %get3A_1144 : vector<1x1x16xf32> to vector<16xf32>
        %add3A_1146 = arith.constant 8 : i32
        %add3A_1147 = arith.addi %add3A_1146, %scan3A_161 : i32
        %get3A_1148 = arith.constant 1 : i32
        %get3A_1149 = arith.index_cast %get3A_1148 : i32 to index
        %get3A_1150 = arith.index_cast %add3A_1147 : i32 to index
        %get3A_1151 = arith.constant 320 : index
        %get3A_1152 = tpu.vector_load %arg10[%get3A_1149, %get3A_1150, %get3A_1151] {strides = array<i32>} : memref<2x40x512xf32, #tpu.memory_space<vmem>>, vector<1x1x16xf32>,
        %get3A_1153 = vector.shape_cast %get3A_1152 : vector<1x1x16xf32> to vector<16xf32>
        %add3A_1154 = arith.addf %get3A_1145, %get3A_1153 : vector<16xf32>
        %add3A_1155 = arith.constant 16 : i32
        %add3A_1156 = arith.addi %add3A_1155, %scan3A_161 : i32
        %get3A_1157 = arith.constant 1 : i32
        %get3A_1158 = arith.index_cast %get3A_1157 : i32 to index
        %get3A_1159 = arith.index_cast %add3A_1156 : i32 to index
        %get3A_1160 = arith.constant 320 : index
        %get3A_1161 = tpu.vector_load %arg10[%get3A_1158, %get3A_1159, %get3A_1160] {strides = array<i32>} : memref<2x40x512xf32, #tpu.memory_space<vmem>>, vector<1x1x16xf32>,
        %get3A_1162 = vector.shape_cast %get3A_1161 : vector<1x1x16xf32> to vector<16xf32>
        %add3A_1163 = arith.addf %add3A_1154, %get3A_1162 : vector<16xf32>
        %add3A_1164 = arith.constant 24 : i32
        %add3A_1165 = arith.addi %add3A_1164, %scan3A_161 : i32
        %get3A_1166 = arith.constant 1 : i32
        %get3A_1167 = arith.index_cast %get3A_1166 : i32 to index
        %get3A_1168 = arith.index_cast %add3A_1165 : i32 to index
        %get3A_1169 = arith.constant 320 : index
        %get3A_1170 = tpu.vector_load %arg10[%get3A_1167, %get3A_1168, %get3A_1169] {strides = array<i32>} : memref<2x40x512xf32, #tpu.memory_space<vmem>>, vector<1x1x16xf32>,
        %get3A_1171 = vector.shape_cast %get3A_1170 : vector<1x1x16xf32> to vector<16xf32>
        %add3A_1172 = arith.addf %add3A_1163, %get3A_1171 : vector<16xf32>
        %add3A_1173 = arith.constant 32 : i32
        %add3A_1174 = arith.addi %add3A_1173, %scan3A_161 : i32
        %get3A_1175 = arith.constant 1 : i32
        %get3A_1176 = arith.index_cast %get3A_1175 : i32 to index
        %get3A_1177 = arith.index_cast %add3A_1174 : i32 to index
        %get3A_1178 = arith.constant 320 : index
        %get3A_1179 = tpu.vector_load %arg10[%get3A_1176, %get3A_1177, %get3A_1178] {strides = array<i32>} : memref<2x40x512xf32, #tpu.memory_space<vmem>>, vector<1x1x16xf32>,
        %get3A_1180 = vector.shape_cast %get3A_1179 : vector<1x1x16xf32> to vector<16xf32>
        %add3A_1181 = arith.addf %add3A_1172, %get3A_1180 : vector<16xf32>
        %swap3A_1182 = arith.constant 1 : i32
        %swap3A_1183 = arith.index_cast %swap3A_1182 : i32 to index
        %swap3A_1184 = arith.index_cast %scan3A_161 : i32 to index
        %swap3A_1185 = arith.constant 320 : index
        %swap3A_1186 = tpu.vector_load %arg10[%swap3A_1183, %swap3A_1184, %swap3A_1185] {strides = array<i32>} : memref<2x40x512xf32, #tpu.memory_space<vmem>>, vector<1x1x16xf32>,
        %swap3A_1187 = vector.shape_cast %swap3A_1186 : vector<1x1x16xf32> to vector<16xf32>
        %swap3A_1188 = vector.shape_cast %add3A_1181 : vector<16xf32> to vector<1x1x16xf32>
        tpu.vector_store %arg10[%swap3A_1183, %swap3A_1184, %swap3A_1185], %swap3A_1188 {strides = array<i32>} : memref<2x40x512xf32, #tpu.memory_space<vmem>>, vector<1x1x16xf32>,
        %get3A_1189 = arith.constant 1 : i32
        %get3A_1190 = arith.index_cast %get3A_1189 : i32 to index
        %get3A_1191 = arith.index_cast %scan3A_161 : i32 to index
        %get3A_1192 = arith.constant 336 : index
        %get3A_1193 = tpu.vector_load %arg10[%get3A_1190, %get3A_1191, %get3A_1192] {strides = array<i32>} : memref<2x40x512xf32, #tpu.memory_space<vmem>>, vector<1x1x16xf32>,
        %get3A_1194 = vector.shape_cast %get3A_1193 : vector<1x1x16xf32> to vector<16xf32>
        %add3A_1195 = arith.constant 8 : i32
        %add3A_1196 = arith.addi %add3A_1195, %scan3A_161 : i32
        %get3A_1197 = arith.constant 1 : i32
        %get3A_1198 = arith.index_cast %get3A_1197 : i32 to index
        %get3A_1199 = arith.index_cast %add3A_1196 : i32 to index
        %get3A_1200 = arith.constant 336 : index
        %get3A_1201 = tpu.vector_load %arg10[%get3A_1198, %get3A_1199, %get3A_1200] {strides = array<i32>} : memref<2x40x512xf32, #tpu.memory_space<vmem>>, vector<1x1x16xf32>,
        %get3A_1202 = vector.shape_cast %get3A_1201 : vector<1x1x16xf32> to vector<16xf32>
        %add3A_1203 = arith.addf %get3A_1194, %get3A_1202 : vector<16xf32>
        %add3A_1204 = arith.constant 16 : i32
        %add3A_1205 = arith.addi %add3A_1204, %scan3A_161 : i32
        %get3A_1206 = arith.constant 1 : i32
        %get3A_1207 = arith.index_cast %get3A_1206 : i32 to index
        %get3A_1208 = arith.index_cast %add3A_1205 : i32 to index
        %get3A_1209 = arith.constant 336 : index
        %get3A_1210 = tpu.vector_load %arg10[%get3A_1207, %get3A_1208, %get3A_1209] {strides = array<i32>} : memref<2x40x512xf32, #tpu.memory_space<vmem>>, vector<1x1x16xf32>,
        %get3A_1211 = vector.shape_cast %get3A_1210 : vector<1x1x16xf32> to vector<16xf32>
        %add3A_1212 = arith.addf %add3A_1203, %get3A_1211 : vector<16xf32>
        %add3A_1213 = arith.constant 24 : i32
        %add3A_1214 = arith.addi %add3A_1213, %scan3A_161 : i32
        %get3A_1215 = arith.constant 1 : i32
        %get3A_1216 = arith.index_cast %get3A_1215 : i32 to index
        %get3A_1217 = arith.index_cast %add3A_1214 : i32 to index
        %get3A_1218 = arith.constant 336 : index
        %get3A_1219 = tpu.vector_load %arg10[%get3A_1216, %get3A_1217, %get3A_1218] {strides = array<i32>} : memref<2x40x512xf32, #tpu.memory_space<vmem>>, vector<1x1x16xf32>,
        %get3A_1220 = vector.shape_cast %get3A_1219 : vector<1x1x16xf32> to vector<16xf32>
        %add3A_1221 = arith.addf %add3A_1212, %get3A_1220 : vector<16xf32>
        %add3A_1222 = arith.constant 32 : i32
        %add3A_1223 = arith.addi %add3A_1222, %scan3A_161 : i32
        %get3A_1224 = arith.constant 1 : i32
        %get3A_1225 = arith.index_cast %get3A_1224 : i32 to index
        %get3A_1226 = arith.index_cast %add3A_1223 : i32 to index
        %get3A_1227 = arith.constant 336 : index
        %get3A_1228 = tpu.vector_load %arg10[%get3A_1225, %get3A_1226, %get3A_1227] {strides = array<i32>} : memref<2x40x512xf32, #tpu.memory_space<vmem>>, vector<1x1x16xf32>,
        %get3A_1229 = vector.shape_cast %get3A_1228 : vector<1x1x16xf32> to vector<16xf32>
        %add3A_1230 = arith.addf %add3A_1221, %get3A_1229 : vector<16xf32>
        %swap3A_1231 = arith.constant 1 : i32
        %swap3A_1232 = arith.index_cast %swap3A_1231 : i32 to index
        %swap3A_1233 = arith.index_cast %scan3A_161 : i32 to index
        %swap3A_1234 = arith.constant 336 : index
        %swap3A_1235 = tpu.vector_load %arg10[%swap3A_1232, %swap3A_1233, %swap3A_1234] {strides = array<i32>} : memref<2x40x512xf32, #tpu.memory_space<vmem>>, vector<1x1x16xf32>,
        %swap3A_1236 = vector.shape_cast %swap3A_1235 : vector<1x1x16xf32> to vector<16xf32>
        %swap3A_1237 = vector.shape_cast %add3A_1230 : vector<16xf32> to vector<1x1x16xf32>
        tpu.vector_store %arg10[%swap3A_1232, %swap3A_1233, %swap3A_1234], %swap3A_1237 {strides = array<i32>} : memref<2x40x512xf32, #tpu.memory_space<vmem>>, vector<1x1x16xf32>,
        %get3A_1238 = arith.constant 1 : i32
        %get3A_1239 = arith.index_cast %get3A_1238 : i32 to index
        %get3A_1240 = arith.index_cast %scan3A_161 : i32 to index
        %get3A_1241 = arith.constant 352 : index
        %get3A_1242 = tpu.vector_load %arg10[%get3A_1239, %get3A_1240, %get3A_1241] {strides = array<i32>} : memref<2x40x512xf32, #tpu.memory_space<vmem>>, vector<1x1x16xf32>,
        %get3A_1243 = vector.shape_cast %get3A_1242 : vector<1x1x16xf32> to vector<16xf32>
        %add3A_1244 = arith.constant 8 : i32
        %add3A_1245 = arith.addi %add3A_1244, %scan3A_161 : i32
        %get3A_1246 = arith.constant 1 : i32
        %get3A_1247 = arith.index_cast %get3A_1246 : i32 to index
        %get3A_1248 = arith.index_cast %add3A_1245 : i32 to index
        %get3A_1249 = arith.constant 352 : index
        %get3A_1250 = tpu.vector_load %arg10[%get3A_1247, %get3A_1248, %get3A_1249] {strides = array<i32>} : memref<2x40x512xf32, #tpu.memory_space<vmem>>, vector<1x1x16xf32>,
        %get3A_1251 = vector.shape_cast %get3A_1250 : vector<1x1x16xf32> to vector<16xf32>
        %add3A_1252 = arith.addf %get3A_1243, %get3A_1251 : vector<16xf32>
        %add3A_1253 = arith.constant 16 : i32
        %add3A_1254 = arith.addi %add3A_1253, %scan3A_161 : i32
        %get3A_1255 = arith.constant 1 : i32
        %get3A_1256 = arith.index_cast %get3A_1255 : i32 to index
        %get3A_1257 = arith.index_cast %add3A_1254 : i32 to index
        %get3A_1258 = arith.constant 352 : index
        %get3A_1259 = tpu.vector_load %arg10[%get3A_1256, %get3A_1257, %get3A_1258] {strides = array<i32>} : memref<2x40x512xf32, #tpu.memory_space<vmem>>, vector<1x1x16xf32>,
        %get3A_1260 = vector.shape_cast %get3A_1259 : vector<1x1x16xf32> to vector<16xf32>
        %add3A_1261 = arith.addf %add3A_1252, %get3A_1260 : vector<16xf32>
        %add3A_1262 = arith.constant 24 : i32
        %add3A_1263 = arith.addi %add3A_1262, %scan3A_161 : i32
        %get3A_1264 = arith.constant 1 : i32
        %get3A_1265 = arith.index_cast %get3A_1264 : i32 to index
        %get3A_1266 = arith.index_cast %add3A_1263 : i32 to index
        %get3A_1267 = arith.constant 352 : index
        %get3A_1268 = tpu.vector_load %arg10[%get3A_1265, %get3A_1266, %get3A_1267] {strides = array<i32>} : memref<2x40x512xf32, #tpu.memory_space<vmem>>, vector<1x1x16xf32>,
        %get3A_1269 = vector.shape_cast %get3A_1268 : vector<1x1x16xf32> to vector<16xf32>
        %add3A_1270 = arith.addf %add3A_1261, %get3A_1269 : vector<16xf32>
        %add3A_1271 = arith.constant 32 : i32
        %add3A_1272 = arith.addi %add3A_1271, %scan3A_161 : i32
        %get3A_1273 = arith.constant 1 : i32
        %get3A_1274 = arith.index_cast %get3A_1273 : i32 to index
        %get3A_1275 = arith.index_cast %add3A_1272 : i32 to index
        %get3A_1276 = arith.constant 352 : index
        %get3A_1277 = tpu.vector_load %arg10[%get3A_1274, %get3A_1275, %get3A_1276] {strides = array<i32>} : memref<2x40x512xf32, #tpu.memory_space<vmem>>, vector<1x1x16xf32>,
        %get3A_1278 = vector.shape_cast %get3A_1277 : vector<1x1x16xf32> to vector<16xf32>
        %add3A_1279 = arith.addf %add3A_1270, %get3A_1278 : vector<16xf32>
        %swap3A_1280 = arith.constant 1 : i32
        %swap3A_1281 = arith.index_cast %swap3A_1280 : i32 to index
        %swap3A_1282 = arith.index_cast %scan3A_161 : i32 to index
        %swap3A_1283 = arith.constant 352 : index
        %swap3A_1284 = tpu.vector_load %arg10[%swap3A_1281, %swap3A_1282, %swap3A_1283] {strides = array<i32>} : memref<2x40x512xf32, #tpu.memory_space<vmem>>, vector<1x1x16xf32>,
        %swap3A_1285 = vector.shape_cast %swap3A_1284 : vector<1x1x16xf32> to vector<16xf32>
        %swap3A_1286 = vector.shape_cast %add3A_1279 : vector<16xf32> to vector<1x1x16xf32>
        tpu.vector_store %arg10[%swap3A_1281, %swap3A_1282, %swap3A_1283], %swap3A_1286 {strides = array<i32>} : memref<2x40x512xf32, #tpu.memory_space<vmem>>, vector<1x1x16xf32>,
        %get3A_1287 = arith.constant 1 : i32
        %get3A_1288 = arith.index_cast %get3A_1287 : i32 to index
        %get3A_1289 = arith.index_cast %scan3A_161 : i32 to index
        %get3A_1290 = arith.constant 368 : index
        %get3A_1291 = tpu.vector_load %arg10[%get3A_1288, %get3A_1289, %get3A_1290] {strides = array<i32>} : memref<2x40x512xf32, #tpu.memory_space<vmem>>, vector<1x1x16xf32>,
        %get3A_1292 = vector.shape_cast %get3A_1291 : vector<1x1x16xf32> to vector<16xf32>
        %add3A_1293 = arith.constant 8 : i32
        %add3A_1294 = arith.addi %add3A_1293, %scan3A_161 : i32
        %get3A_1295 = arith.constant 1 : i32
        %get3A_1296 = arith.index_cast %get3A_1295 : i32 to index
        %get3A_1297 = arith.index_cast %add3A_1294 : i32 to index
        %get3A_1298 = arith.constant 368 : index
        %get3A_1299 = tpu.vector_load %arg10[%get3A_1296, %get3A_1297, %get3A_1298] {strides = array<i32>} : memref<2x40x512xf32, #tpu.memory_space<vmem>>, vector<1x1x16xf32>,
        %get3A_1300 = vector.shape_cast %get3A_1299 : vector<1x1x16xf32> to vector<16xf32>
        %add3A_1301 = arith.addf %get3A_1292, %get3A_1300 : vector<16xf32>
        %add3A_1302 = arith.constant 16 : i32
        %add3A_1303 = arith.addi %add3A_1302, %scan3A_161 : i32
        %get3A_1304 = arith.constant 1 : i32
        %get3A_1305 = arith.index_cast %get3A_1304 : i32 to index
        %get3A_1306 = arith.index_cast %add3A_1303 : i32 to index
        %get3A_1307 = arith.constant 368 : index
        %get3A_1308 = tpu.vector_load %arg10[%get3A_1305, %get3A_1306, %get3A_1307] {strides = array<i32>} : memref<2x40x512xf32, #tpu.memory_space<vmem>>, vector<1x1x16xf32>,
        %get3A_1309 = vector.shape_cast %get3A_1308 : vector<1x1x16xf32> to vector<16xf32>
        %add3A_1310 = arith.addf %add3A_1301, %get3A_1309 : vector<16xf32>
        %add3A_1311 = arith.constant 24 : i32
        %add3A_1312 = arith.addi %add3A_1311, %scan3A_161 : i32
        %get3A_1313 = arith.constant 1 : i32
        %get3A_1314 = arith.index_cast %get3A_1313 : i32 to index
        %get3A_1315 = arith.index_cast %add3A_1312 : i32 to index
        %get3A_1316 = arith.constant 368 : index
        %get3A_1317 = tpu.vector_load %arg10[%get3A_1314, %get3A_1315, %get3A_1316] {strides = array<i32>} : memref<2x40x512xf32, #tpu.memory_space<vmem>>, vector<1x1x16xf32>,
        %get3A_1318 = vector.shape_cast %get3A_1317 : vector<1x1x16xf32> to vector<16xf32>
        %add3A_1319 = arith.addf %add3A_1310, %get3A_1318 : vector<16xf32>
        %add3A_1320 = arith.constant 32 : i32
        %add3A_1321 = arith.addi %add3A_1320, %scan3A_161 : i32
        %get3A_1322 = arith.constant 1 : i32
        %get3A_1323 = arith.index_cast %get3A_1322 : i32 to index
        %get3A_1324 = arith.index_cast %add3A_1321 : i32 to index
        %get3A_1325 = arith.constant 368 : index
        %get3A_1326 = tpu.vector_load %arg10[%get3A_1323, %get3A_1324, %get3A_1325] {strides = array<i32>} : memref<2x40x512xf32, #tpu.memory_space<vmem>>, vector<1x1x16xf32>,
        %get3A_1327 = vector.shape_cast %get3A_1326 : vector<1x1x16xf32> to vector<16xf32>
        %add3A_1328 = arith.addf %add3A_1319, %get3A_1327 : vector<16xf32>
        %swap3A_1329 = arith.constant 1 : i32
        %swap3A_1330 = arith.index_cast %swap3A_1329 : i32 to index
        %swap3A_1331 = arith.index_cast %scan3A_161 : i32 to index
        %swap3A_1332 = arith.constant 368 : index
        %swap3A_1333 = tpu.vector_load %arg10[%swap3A_1330, %swap3A_1331, %swap3A_1332] {strides = array<i32>} : memref<2x40x512xf32, #tpu.memory_space<vmem>>, vector<1x1x16xf32>,
        %swap3A_1334 = vector.shape_cast %swap3A_1333 : vector<1x1x16xf32> to vector<16xf32>
        %swap3A_1335 = vector.shape_cast %add3A_1328 : vector<16xf32> to vector<1x1x16xf32>
        tpu.vector_store %arg10[%swap3A_1330, %swap3A_1331, %swap3A_1332], %swap3A_1335 {strides = array<i32>} : memref<2x40x512xf32, #tpu.memory_space<vmem>>, vector<1x1x16xf32>,
        %get3A_1336 = arith.constant 1 : i32
        %get3A_1337 = arith.index_cast %get3A_1336 : i32 to index
        %get3A_1338 = arith.index_cast %scan3A_161 : i32 to index
        %get3A_1339 = arith.constant 384 : index
        %get3A_1340 = tpu.vector_load %arg10[%get3A_1337, %get3A_1338, %get3A_1339] {strides = array<i32>} : memref<2x40x512xf32, #tpu.memory_space<vmem>>, vector<1x1x16xf32>,
        %get3A_1341 = vector.shape_cast %get3A_1340 : vector<1x1x16xf32> to vector<16xf32>
        %add3A_1342 = arith.constant 8 : i32
        %add3A_1343 = arith.addi %add3A_1342, %scan3A_161 : i32
        %get3A_1344 = arith.constant 1 : i32
        %get3A_1345 = arith.index_cast %get3A_1344 : i32 to index
        %get3A_1346 = arith.index_cast %add3A_1343 : i32 to index
        %get3A_1347 = arith.constant 384 : index
        %get3A_1348 = tpu.vector_load %arg10[%get3A_1345, %get3A_1346, %get3A_1347] {strides = array<i32>} : memref<2x40x512xf32, #tpu.memory_space<vmem>>, vector<1x1x16xf32>,
        %get3A_1349 = vector.shape_cast %get3A_1348 : vector<1x1x16xf32> to vector<16xf32>
        %add3A_1350 = arith.addf %get3A_1341, %get3A_1349 : vector<16xf32>
        %add3A_1351 = arith.constant 16 : i32
        %add3A_1352 = arith.addi %add3A_1351, %scan3A_161 : i32
        %get3A_1353 = arith.constant 1 : i32
        %get3A_1354 = arith.index_cast %get3A_1353 : i32 to index
        %get3A_1355 = arith.index_cast %add3A_1352 : i32 to index
        %get3A_1356 = arith.constant 384 : index
        %get3A_1357 = tpu.vector_load %arg10[%get3A_1354, %get3A_1355, %get3A_1356] {strides = array<i32>} : memref<2x40x512xf32, #tpu.memory_space<vmem>>, vector<1x1x16xf32>,
        %get3A_1358 = vector.shape_cast %get3A_1357 : vector<1x1x16xf32> to vector<16xf32>
        %add3A_1359 = arith.addf %add3A_1350, %get3A_1358 : vector<16xf32>
        %add3A_1360 = arith.constant 24 : i32
        %add3A_1361 = arith.addi %add3A_1360, %scan3A_161 : i32
        %get3A_1362 = arith.constant 1 : i32
        %get3A_1363 = arith.index_cast %get3A_1362 : i32 to index
        %get3A_1364 = arith.index_cast %add3A_1361 : i32 to index
        %get3A_1365 = arith.constant 384 : index
        %get3A_1366 = tpu.vector_load %arg10[%get3A_1363, %get3A_1364, %get3A_1365] {strides = array<i32>} : memref<2x40x512xf32, #tpu.memory_space<vmem>>, vector<1x1x16xf32>,
        %get3A_1367 = vector.shape_cast %get3A_1366 : vector<1x1x16xf32> to vector<16xf32>
        %add3A_1368 = arith.addf %add3A_1359, %get3A_1367 : vector<16xf32>
        %add3A_1369 = arith.constant 32 : i32
        %add3A_1370 = arith.addi %add3A_1369, %scan3A_161 : i32
        %get3A_1371 = arith.constant 1 : i32
        %get3A_1372 = arith.index_cast %get3A_1371 : i32 to index
        %get3A_1373 = arith.index_cast %add3A_1370 : i32 to index
        %get3A_1374 = arith.constant 384 : index
        %get3A_1375 = tpu.vector_load %arg10[%get3A_1372, %get3A_1373, %get3A_1374] {strides = array<i32>} : memref<2x40x512xf32, #tpu.memory_space<vmem>>, vector<1x1x16xf32>,
        %get3A_1376 = vector.shape_cast %get3A_1375 : vector<1x1x16xf32> to vector<16xf32>
        %add3A_1377 = arith.addf %add3A_1368, %get3A_1376 : vector<16xf32>
        %swap3A_1378 = arith.constant 1 : i32
        %swap3A_1379 = arith.index_cast %swap3A_1378 : i32 to index
        %swap3A_1380 = arith.index_cast %scan3A_161 : i32 to index
        %swap3A_1381 = arith.constant 384 : index
        %swap3A_1382 = tpu.vector_load %arg10[%swap3A_1379, %swap3A_1380, %swap3A_1381] {strides = array<i32>} : memref<2x40x512xf32, #tpu.memory_space<vmem>>, vector<1x1x16xf32>,
        %swap3A_1383 = vector.shape_cast %swap3A_1382 : vector<1x1x16xf32> to vector<16xf32>
        %swap3A_1384 = vector.shape_cast %add3A_1377 : vector<16xf32> to vector<1x1x16xf32>
        tpu.vector_store %arg10[%swap3A_1379, %swap3A_1380, %swap3A_1381], %swap3A_1384 {strides = array<i32>} : memref<2x40x512xf32, #tpu.memory_space<vmem>>, vector<1x1x16xf32>,
        %get3A_1385 = arith.constant 1 : i32
        %get3A_1386 = arith.index_cast %get3A_1385 : i32 to index
        %get3A_1387 = arith.index_cast %scan3A_161 : i32 to index
        %get3A_1388 = arith.constant 400 : index
        %get3A_1389 = tpu.vector_load %arg10[%get3A_1386, %get3A_1387, %get3A_1388] {strides = array<i32>} : memref<2x40x512xf32, #tpu.memory_space<vmem>>, vector<1x1x16xf32>,
        %get3A_1390 = vector.shape_cast %get3A_1389 : vector<1x1x16xf32> to vector<16xf32>
        %add3A_1391 = arith.constant 8 : i32
        %add3A_1392 = arith.addi %add3A_1391, %scan3A_161 : i32
        %get3A_1393 = arith.constant 1 : i32
        %get3A_1394 = arith.index_cast %get3A_1393 : i32 to index
        %get3A_1395 = arith.index_cast %add3A_1392 : i32 to index
        %get3A_1396 = arith.constant 400 : index
        %get3A_1397 = tpu.vector_load %arg10[%get3A_1394, %get3A_1395, %get3A_1396] {strides = array<i32>} : memref<2x40x512xf32, #tpu.memory_space<vmem>>, vector<1x1x16xf32>,
        %get3A_1398 = vector.shape_cast %get3A_1397 : vector<1x1x16xf32> to vector<16xf32>
        %add3A_1399 = arith.addf %get3A_1390, %get3A_1398 : vector<16xf32>
        %add3A_1400 = arith.constant 16 : i32
        %add3A_1401 = arith.addi %add3A_1400, %scan3A_161 : i32
        %get3A_1402 = arith.constant 1 : i32
        %get3A_1403 = arith.index_cast %get3A_1402 : i32 to index
        %get3A_1404 = arith.index_cast %add3A_1401 : i32 to index
        %get3A_1405 = arith.constant 400 : index
        %get3A_1406 = tpu.vector_load %arg10[%get3A_1403, %get3A_1404, %get3A_1405] {strides = array<i32>} : memref<2x40x512xf32, #tpu.memory_space<vmem>>, vector<1x1x16xf32>,
        %get3A_1407 = vector.shape_cast %get3A_1406 : vector<1x1x16xf32> to vector<16xf32>
        %add3A_1408 = arith.addf %add3A_1399, %get3A_1407 : vector<16xf32>
        %add3A_1409 = arith.constant 24 : i32
        %add3A_1410 = arith.addi %add3A_1409, %scan3A_161 : i32
        %get3A_1411 = arith.constant 1 : i32
        %get3A_1412 = arith.index_cast %get3A_1411 : i32 to index
        %get3A_1413 = arith.index_cast %add3A_1410 : i32 to index
        %get3A_1414 = arith.constant 400 : index
        %get3A_1415 = tpu.vector_load %arg10[%get3A_1412, %get3A_1413, %get3A_1414] {strides = array<i32>} : memref<2x40x512xf32, #tpu.memory_space<vmem>>, vector<1x1x16xf32>,
        %get3A_1416 = vector.shape_cast %get3A_1415 : vector<1x1x16xf32> to vector<16xf32>
        %add3A_1417 = arith.addf %add3A_1408, %get3A_1416 : vector<16xf32>
        %add3A_1418 = arith.constant 32 : i32
        %add3A_1419 = arith.addi %add3A_1418, %scan3A_161 : i32
        %get3A_1420 = arith.constant 1 : i32
        %get3A_1421 = arith.index_cast %get3A_1420 : i32 to index
        %get3A_1422 = arith.index_cast %add3A_1419 : i32 to index
        %get3A_1423 = arith.constant 400 : index
        %get3A_1424 = tpu.vector_load %arg10[%get3A_1421, %get3A_1422, %get3A_1423] {strides = array<i32>} : memref<2x40x512xf32, #tpu.memory_space<vmem>>, vector<1x1x16xf32>,
        %get3A_1425 = vector.shape_cast %get3A_1424 : vector<1x1x16xf32> to vector<16xf32>
        %add3A_1426 = arith.addf %add3A_1417, %get3A_1425 : vector<16xf32>
        %swap3A_1427 = arith.constant 1 : i32
        %swap3A_1428 = arith.index_cast %swap3A_1427 : i32 to index
        %swap3A_1429 = arith.index_cast %scan3A_161 : i32 to index
        %swap3A_1430 = arith.constant 400 : index
        %swap3A_1431 = tpu.vector_load %arg10[%swap3A_1428, %swap3A_1429, %swap3A_1430] {strides = array<i32>} : memref<2x40x512xf32, #tpu.memory_space<vmem>>, vector<1x1x16xf32>,
        %swap3A_1432 = vector.shape_cast %swap3A_1431 : vector<1x1x16xf32> to vector<16xf32>
        %swap3A_1433 = vector.shape_cast %add3A_1426 : vector<16xf32> to vector<1x1x16xf32>
        tpu.vector_store %arg10[%swap3A_1428, %swap3A_1429, %swap3A_1430], %swap3A_1433 {strides = array<i32>} : memref<2x40x512xf32, #tpu.memory_space<vmem>>, vector<1x1x16xf32>,
        %get3A_1434 = arith.constant 1 : i32
        %get3A_1435 = arith.index_cast %get3A_1434 : i32 to index
        %get3A_1436 = arith.index_cast %scan3A_161 : i32 to index
        %get3A_1437 = arith.constant 416 : index
        %get3A_1438 = tpu.vector_load %arg10[%get3A_1435, %get3A_1436, %get3A_1437] {strides = array<i32>} : memref<2x40x512xf32, #tpu.memory_space<vmem>>, vector<1x1x16xf32>,
        %get3A_1439 = vector.shape_cast %get3A_1438 : vector<1x1x16xf32> to vector<16xf32>
        %add3A_1440 = arith.constant 8 : i32
        %add3A_1441 = arith.addi %add3A_1440, %scan3A_161 : i32
        %get3A_1442 = arith.constant 1 : i32
        %get3A_1443 = arith.index_cast %get3A_1442 : i32 to index
        %get3A_1444 = arith.index_cast %add3A_1441 : i32 to index
        %get3A_1445 = arith.constant 416 : index
        %get3A_1446 = tpu.vector_load %arg10[%get3A_1443, %get3A_1444, %get3A_1445] {strides = array<i32>} : memref<2x40x512xf32, #tpu.memory_space<vmem>>, vector<1x1x16xf32>,
        %get3A_1447 = vector.shape_cast %get3A_1446 : vector<1x1x16xf32> to vector<16xf32>
        %add3A_1448 = arith.addf %get3A_1439, %get3A_1447 : vector<16xf32>
        %add3A_1449 = arith.constant 16 : i32
        %add3A_1450 = arith.addi %add3A_1449, %scan3A_161 : i32
        %get3A_1451 = arith.constant 1 : i32
        %get3A_1452 = arith.index_cast %get3A_1451 : i32 to index
        %get3A_1453 = arith.index_cast %add3A_1450 : i32 to index
        %get3A_1454 = arith.constant 416 : index
        %get3A_1455 = tpu.vector_load %arg10[%get3A_1452, %get3A_1453, %get3A_1454] {strides = array<i32>} : memref<2x40x512xf32, #tpu.memory_space<vmem>>, vector<1x1x16xf32>,
        %get3A_1456 = vector.shape_cast %get3A_1455 : vector<1x1x16xf32> to vector<16xf32>
        %add3A_1457 = arith.addf %add3A_1448, %get3A_1456 : vector<16xf32>
        %add3A_1458 = arith.constant 24 : i32
        %add3A_1459 = arith.addi %add3A_1458, %scan3A_161 : i32
        %get3A_1460 = arith.constant 1 : i32
        %get3A_1461 = arith.index_cast %get3A_1460 : i32 to index
        %get3A_1462 = arith.index_cast %add3A_1459 : i32 to index
        %get3A_1463 = arith.constant 416 : index
        %get3A_1464 = tpu.vector_load %arg10[%get3A_1461, %get3A_1462, %get3A_1463] {strides = array<i32>} : memref<2x40x512xf32, #tpu.memory_space<vmem>>, vector<1x1x16xf32>,
        %get3A_1465 = vector.shape_cast %get3A_1464 : vector<1x1x16xf32> to vector<16xf32>
        %add3A_1466 = arith.addf %add3A_1457, %get3A_1465 : vector<16xf32>
        %add3A_1467 = arith.constant 32 : i32
        %add3A_1468 = arith.addi %add3A_1467, %scan3A_161 : i32
        %get3A_1469 = arith.constant 1 : i32
        %get3A_1470 = arith.index_cast %get3A_1469 : i32 to index
        %get3A_1471 = arith.index_cast %add3A_1468 : i32 to index
        %get3A_1472 = arith.constant 416 : index
        %get3A_1473 = tpu.vector_load %arg10[%get3A_1470, %get3A_1471, %get3A_1472] {strides = array<i32>} : memref<2x40x512xf32, #tpu.memory_space<vmem>>, vector<1x1x16xf32>,
        %get3A_1474 = vector.shape_cast %get3A_1473 : vector<1x1x16xf32> to vector<16xf32>
        %add3A_1475 = arith.addf %add3A_1466, %get3A_1474 : vector<16xf32>
        %swap3A_1476 = arith.constant 1 : i32
        %swap3A_1477 = arith.index_cast %swap3A_1476 : i32 to index
        %swap3A_1478 = arith.index_cast %scan3A_161 : i32 to index
        %swap3A_1479 = arith.constant 416 : index
        %swap3A_1480 = tpu.vector_load %arg10[%swap3A_1477, %swap3A_1478, %swap3A_1479] {strides = array<i32>} : memref<2x40x512xf32, #tpu.memory_space<vmem>>, vector<1x1x16xf32>,
        %swap3A_1481 = vector.shape_cast %swap3A_1480 : vector<1x1x16xf32> to vector<16xf32>
        %swap3A_1482 = vector.shape_cast %add3A_1475 : vector<16xf32> to vector<1x1x16xf32>
        tpu.vector_store %arg10[%swap3A_1477, %swap3A_1478, %swap3A_1479], %swap3A_1482 {strides = array<i32>} : memref<2x40x512xf32, #tpu.memory_space<vmem>>, vector<1x1x16xf32>,
        %get3A_1483 = arith.constant 1 : i32
        %get3A_1484 = arith.index_cast %get3A_1483 : i32 to index
        %get3A_1485 = arith.index_cast %scan3A_161 : i32 to index
        %get3A_1486 = arith.constant 432 : index
        %get3A_1487 = tpu.vector_load %arg10[%get3A_1484, %get3A_1485, %get3A_1486] {strides = array<i32>} : memref<2x40x512xf32, #tpu.memory_space<vmem>>, vector<1x1x16xf32>,
        %get3A_1488 = vector.shape_cast %get3A_1487 : vector<1x1x16xf32> to vector<16xf32>
        %add3A_1489 = arith.constant 8 : i32
        %add3A_1490 = arith.addi %add3A_1489, %scan3A_161 : i32
        %get3A_1491 = arith.constant 1 : i32
        %get3A_1492 = arith.index_cast %get3A_1491 : i32 to index
        %get3A_1493 = arith.index_cast %add3A_1490 : i32 to index
        %get3A_1494 = arith.constant 432 : index
        %get3A_1495 = tpu.vector_load %arg10[%get3A_1492, %get3A_1493, %get3A_1494] {strides = array<i32>} : memref<2x40x512xf32, #tpu.memory_space<vmem>>, vector<1x1x16xf32>,
        %get3A_1496 = vector.shape_cast %get3A_1495 : vector<1x1x16xf32> to vector<16xf32>
        %add3A_1497 = arith.addf %get3A_1488, %get3A_1496 : vector<16xf32>
        %add3A_1498 = arith.constant 16 : i32
        %add3A_1499 = arith.addi %add3A_1498, %scan3A_161 : i32
        %get3A_1500 = arith.constant 1 : i32
        %get3A_1501 = arith.index_cast %get3A_1500 : i32 to index
        %get3A_1502 = arith.index_cast %add3A_1499 : i32 to index
        %get3A_1503 = arith.constant 432 : index
        %get3A_1504 = tpu.vector_load %arg10[%get3A_1501, %get3A_1502, %get3A_1503] {strides = array<i32>} : memref<2x40x512xf32, #tpu.memory_space<vmem>>, vector<1x1x16xf32>,
        %get3A_1505 = vector.shape_cast %get3A_1504 : vector<1x1x16xf32> to vector<16xf32>
        %add3A_1506 = arith.addf %add3A_1497, %get3A_1505 : vector<16xf32>
        %add3A_1507 = arith.constant 24 : i32
        %add3A_1508 = arith.addi %add3A_1507, %scan3A_161 : i32
        %get3A_1509 = arith.constant 1 : i32
        %get3A_1510 = arith.index_cast %get3A_1509 : i32 to index
        %get3A_1511 = arith.index_cast %add3A_1508 : i32 to index
        %get3A_1512 = arith.constant 432 : index
        %get3A_1513 = tpu.vector_load %arg10[%get3A_1510, %get3A_1511, %get3A_1512] {strides = array<i32>} : memref<2x40x512xf32, #tpu.memory_space<vmem>>, vector<1x1x16xf32>,
        %get3A_1514 = vector.shape_cast %get3A_1513 : vector<1x1x16xf32> to vector<16xf32>
        %add3A_1515 = arith.addf %add3A_1506, %get3A_1514 : vector<16xf32>
        %add3A_1516 = arith.constant 32 : i32
        %add3A_1517 = arith.addi %add3A_1516, %scan3A_161 : i32
        %get3A_1518 = arith.constant 1 : i32
        %get3A_1519 = arith.index_cast %get3A_1518 : i32 to index
        %get3A_1520 = arith.index_cast %add3A_1517 : i32 to index
        %get3A_1521 = arith.constant 432 : index
        %get3A_1522 = tpu.vector_load %arg10[%get3A_1519, %get3A_1520, %get3A_1521] {strides = array<i32>} : memref<2x40x512xf32, #tpu.memory_space<vmem>>, vector<1x1x16xf32>,
        %get3A_1523 = vector.shape_cast %get3A_1522 : vector<1x1x16xf32> to vector<16xf32>
        %add3A_1524 = arith.addf %add3A_1515, %get3A_1523 : vector<16xf32>
        %swap3A_1525 = arith.constant 1 : i32
        %swap3A_1526 = arith.index_cast %swap3A_1525 : i32 to index
        %swap3A_1527 = arith.index_cast %scan3A_161 : i32 to index
        %swap3A_1528 = arith.constant 432 : index
        %swap3A_1529 = tpu.vector_load %arg10[%swap3A_1526, %swap3A_1527, %swap3A_1528] {strides = array<i32>} : memref<2x40x512xf32, #tpu.memory_space<vmem>>, vector<1x1x16xf32>,
        %swap3A_1530 = vector.shape_cast %swap3A_1529 : vector<1x1x16xf32> to vector<16xf32>
        %swap3A_1531 = vector.shape_cast %add3A_1524 : vector<16xf32> to vector<1x1x16xf32>
        tpu.vector_store %arg10[%swap3A_1526, %swap3A_1527, %swap3A_1528], %swap3A_1531 {strides = array<i32>} : memref<2x40x512xf32, #tpu.memory_space<vmem>>, vector<1x1x16xf32>,
        %get3A_1532 = arith.constant 1 : i32
        %get3A_1533 = arith.index_cast %get3A_1532 : i32 to index
        %get3A_1534 = arith.index_cast %scan3A_161 : i32 to index
        %get3A_1535 = arith.constant 448 : index
        %get3A_1536 = tpu.vector_load %arg10[%get3A_1533, %get3A_1534, %get3A_1535] {strides = array<i32>} : memref<2x40x512xf32, #tpu.memory_space<vmem>>, vector<1x1x16xf32>,
        %get3A_1537 = vector.shape_cast %get3A_1536 : vector<1x1x16xf32> to vector<16xf32>
        %add3A_1538 = arith.constant 8 : i32
        %add3A_1539 = arith.addi %add3A_1538, %scan3A_161 : i32
        %get3A_1540 = arith.constant 1 : i32
        %get3A_1541 = arith.index_cast %get3A_1540 : i32 to index
        %get3A_1542 = arith.index_cast %add3A_1539 : i32 to index
        %get3A_1543 = arith.constant 448 : index
        %get3A_1544 = tpu.vector_load %arg10[%get3A_1541, %get3A_1542, %get3A_1543] {strides = array<i32>} : memref<2x40x512xf32, #tpu.memory_space<vmem>>, vector<1x1x16xf32>,
        %get3A_1545 = vector.shape_cast %get3A_1544 : vector<1x1x16xf32> to vector<16xf32>
        %add3A_1546 = arith.addf %get3A_1537, %get3A_1545 : vector<16xf32>
        %add3A_1547 = arith.constant 16 : i32
        %add3A_1548 = arith.addi %add3A_1547, %scan3A_161 : i32
        %get3A_1549 = arith.constant 1 : i32
        %get3A_1550 = arith.index_cast %get3A_1549 : i32 to index
        %get3A_1551 = arith.index_cast %add3A_1548 : i32 to index
        %get3A_1552 = arith.constant 448 : index
        %get3A_1553 = tpu.vector_load %arg10[%get3A_1550, %get3A_1551, %get3A_1552] {strides = array<i32>} : memref<2x40x512xf32, #tpu.memory_space<vmem>>, vector<1x1x16xf32>,
        %get3A_1554 = vector.shape_cast %get3A_1553 : vector<1x1x16xf32> to vector<16xf32>
        %add3A_1555 = arith.addf %add3A_1546, %get3A_1554 : vector<16xf32>
        %add3A_1556 = arith.constant 24 : i32
        %add3A_1557 = arith.addi %add3A_1556, %scan3A_161 : i32
        %get3A_1558 = arith.constant 1 : i32
        %get3A_1559 = arith.index_cast %get3A_1558 : i32 to index
        %get3A_1560 = arith.index_cast %add3A_1557 : i32 to index
        %get3A_1561 = arith.constant 448 : index
        %get3A_1562 = tpu.vector_load %arg10[%get3A_1559, %get3A_1560, %get3A_1561] {strides = array<i32>} : memref<2x40x512xf32, #tpu.memory_space<vmem>>, vector<1x1x16xf32>,
        %get3A_1563 = vector.shape_cast %get3A_1562 : vector<1x1x16xf32> to vector<16xf32>
        %add3A_1564 = arith.addf %add3A_1555, %get3A_1563 : vector<16xf32>
        %add3A_1565 = arith.constant 32 : i32
        %add3A_1566 = arith.addi %add3A_1565, %scan3A_161 : i32
        %get3A_1567 = arith.constant 1 : i32
        %get3A_1568 = arith.index_cast %get3A_1567 : i32 to index
        %get3A_1569 = arith.index_cast %add3A_1566 : i32 to index
        %get3A_1570 = arith.constant 448 : index
        %get3A_1571 = tpu.vector_load %arg10[%get3A_1568, %get3A_1569, %get3A_1570] {strides = array<i32>} : memref<2x40x512xf32, #tpu.memory_space<vmem>>, vector<1x1x16xf32>,
        %get3A_1572 = vector.shape_cast %get3A_1571 : vector<1x1x16xf32> to vector<16xf32>
        %add3A_1573 = arith.addf %add3A_1564, %get3A_1572 : vector<16xf32>
        %swap3A_1574 = arith.constant 1 : i32
        %swap3A_1575 = arith.index_cast %swap3A_1574 : i32 to index
        %swap3A_1576 = arith.index_cast %scan3A_161 : i32 to index
        %swap3A_1577 = arith.constant 448 : index
        %swap3A_1578 = tpu.vector_load %arg10[%swap3A_1575, %swap3A_1576, %swap3A_1577] {strides = array<i32>} : memref<2x40x512xf32, #tpu.memory_space<vmem>>, vector<1x1x16xf32>,
        %swap3A_1579 = vector.shape_cast %swap3A_1578 : vector<1x1x16xf32> to vector<16xf32>
        %swap3A_1580 = vector.shape_cast %add3A_1573 : vector<16xf32> to vector<1x1x16xf32>
        tpu.vector_store %arg10[%swap3A_1575, %swap3A_1576, %swap3A_1577], %swap3A_1580 {strides = array<i32>} : memref<2x40x512xf32, #tpu.memory_space<vmem>>, vector<1x1x16xf32>,
        %get3A_1581 = arith.constant 1 : i32
        %get3A_1582 = arith.index_cast %get3A_1581 : i32 to index
        %get3A_1583 = arith.index_cast %scan3A_161 : i32 to index
        %get3A_1584 = arith.constant 464 : index
        %get3A_1585 = tpu.vector_load %arg10[%get3A_1582, %get3A_1583, %get3A_1584] {strides = array<i32>} : memref<2x40x512xf32, #tpu.memory_space<vmem>>, vector<1x1x16xf32>,
        %get3A_1586 = vector.shape_cast %get3A_1585 : vector<1x1x16xf32> to vector<16xf32>
        %add3A_1587 = arith.constant 8 : i32
        %add3A_1588 = arith.addi %add3A_1587, %scan3A_161 : i32
        %get3A_1589 = arith.constant 1 : i32
        %get3A_1590 = arith.index_cast %get3A_1589 : i32 to index
        %get3A_1591 = arith.index_cast %add3A_1588 : i32 to index
        %get3A_1592 = arith.constant 464 : index
        %get3A_1593 = tpu.vector_load %arg10[%get3A_1590, %get3A_1591, %get3A_1592] {strides = array<i32>} : memref<2x40x512xf32, #tpu.memory_space<vmem>>, vector<1x1x16xf32>,
        %get3A_1594 = vector.shape_cast %get3A_1593 : vector<1x1x16xf32> to vector<16xf32>
        %add3A_1595 = arith.addf %get3A_1586, %get3A_1594 : vector<16xf32>
        %add3A_1596 = arith.constant 16 : i32
        %add3A_1597 = arith.addi %add3A_1596, %scan3A_161 : i32
        %get3A_1598 = arith.constant 1 : i32
        %get3A_1599 = arith.index_cast %get3A_1598 : i32 to index
        %get3A_1600 = arith.index_cast %add3A_1597 : i32 to index
        %get3A_1601 = arith.constant 464 : index
        %get3A_1602 = tpu.vector_load %arg10[%get3A_1599, %get3A_1600, %get3A_1601] {strides = array<i32>} : memref<2x40x512xf32, #tpu.memory_space<vmem>>, vector<1x1x16xf32>,
        %get3A_1603 = vector.shape_cast %get3A_1602 : vector<1x1x16xf32> to vector<16xf32>
        %add3A_1604 = arith.addf %add3A_1595, %get3A_1603 : vector<16xf32>
        %add3A_1605 = arith.constant 24 : i32
        %add3A_1606 = arith.addi %add3A_1605, %scan3A_161 : i32
        %get3A_1607 = arith.constant 1 : i32
        %get3A_1608 = arith.index_cast %get3A_1607 : i32 to index
        %get3A_1609 = arith.index_cast %add3A_1606 : i32 to index
        %get3A_1610 = arith.constant 464 : index
        %get3A_1611 = tpu.vector_load %arg10[%get3A_1608, %get3A_1609, %get3A_1610] {strides = array<i32>} : memref<2x40x512xf32, #tpu.memory_space<vmem>>, vector<1x1x16xf32>,
        %get3A_1612 = vector.shape_cast %get3A_1611 : vector<1x1x16xf32> to vector<16xf32>
        %add3A_1613 = arith.addf %add3A_1604, %get3A_1612 : vector<16xf32>
        %add3A_1614 = arith.constant 32 : i32
        %add3A_1615 = arith.addi %add3A_1614, %scan3A_161 : i32
        %get3A_1616 = arith.constant 1 : i32
        %get3A_1617 = arith.index_cast %get3A_1616 : i32 to index
        %get3A_1618 = arith.index_cast %add3A_1615 : i32 to index
        %get3A_1619 = arith.constant 464 : index
        %get3A_1620 = tpu.vector_load %arg10[%get3A_1617, %get3A_1618, %get3A_1619] {strides = array<i32>} : memref<2x40x512xf32, #tpu.memory_space<vmem>>, vector<1x1x16xf32>,
        %get3A_1621 = vector.shape_cast %get3A_1620 : vector<1x1x16xf32> to vector<16xf32>
        %add3A_1622 = arith.addf %add3A_1613, %get3A_1621 : vector<16xf32>
        %swap3A_1623 = arith.constant 1 : i32
        %swap3A_1624 = arith.index_cast %swap3A_1623 : i32 to index
        %swap3A_1625 = arith.index_cast %scan3A_161 : i32 to index
        %swap3A_1626 = arith.constant 464 : index
        %swap3A_1627 = tpu.vector_load %arg10[%swap3A_1624, %swap3A_1625, %swap3A_1626] {strides = array<i32>} : memref<2x40x512xf32, #tpu.memory_space<vmem>>, vector<1x1x16xf32>,
        %swap3A_1628 = vector.shape_cast %swap3A_1627 : vector<1x1x16xf32> to vector<16xf32>
        %swap3A_1629 = vector.shape_cast %add3A_1622 : vector<16xf32> to vector<1x1x16xf32>
        tpu.vector_store %arg10[%swap3A_1624, %swap3A_1625, %swap3A_1626], %swap3A_1629 {strides = array<i32>} : memref<2x40x512xf32, #tpu.memory_space<vmem>>, vector<1x1x16xf32>,
        %get3A_1630 = arith.constant 1 : i32
        %get3A_1631 = arith.index_cast %get3A_1630 : i32 to index
        %get3A_1632 = arith.index_cast %scan3A_161 : i32 to index
        %get3A_1633 = arith.constant 480 : index
        %get3A_1634 = tpu.vector_load %arg10[%get3A_1631, %get3A_1632, %get3A_1633] {strides = array<i32>} : memref<2x40x512xf32, #tpu.memory_space<vmem>>, vector<1x1x16xf32>,
        %get3A_1635 = vector.shape_cast %get3A_1634 : vector<1x1x16xf32> to vector<16xf32>
        %add3A_1636 = arith.constant 8 : i32
        %add3A_1637 = arith.addi %add3A_1636, %scan3A_161 : i32
        %get3A_1638 = arith.constant 1 : i32
        %get3A_1639 = arith.index_cast %get3A_1638 : i32 to index
        %get3A_1640 = arith.index_cast %add3A_1637 : i32 to index
        %get3A_1641 = arith.constant 480 : index
        %get3A_1642 = tpu.vector_load %arg10[%get3A_1639, %get3A_1640, %get3A_1641] {strides = array<i32>} : memref<2x40x512xf32, #tpu.memory_space<vmem>>, vector<1x1x16xf32>,
        %get3A_1643 = vector.shape_cast %get3A_1642 : vector<1x1x16xf32> to vector<16xf32>
        %add3A_1644 = arith.addf %get3A_1635, %get3A_1643 : vector<16xf32>
        %add3A_1645 = arith.constant 16 : i32
        %add3A_1646 = arith.addi %add3A_1645, %scan3A_161 : i32
        %get3A_1647 = arith.constant 1 : i32
        %get3A_1648 = arith.index_cast %get3A_1647 : i32 to index
        %get3A_1649 = arith.index_cast %add3A_1646 : i32 to index
        %get3A_1650 = arith.constant 480 : index
        %get3A_1651 = tpu.vector_load %arg10[%get3A_1648, %get3A_1649, %get3A_1650] {strides = array<i32>} : memref<2x40x512xf32, #tpu.memory_space<vmem>>, vector<1x1x16xf32>,
        %get3A_1652 = vector.shape_cast %get3A_1651 : vector<1x1x16xf32> to vector<16xf32>
        %add3A_1653 = arith.addf %add3A_1644, %get3A_1652 : vector<16xf32>
        %add3A_1654 = arith.constant 24 : i32
        %add3A_1655 = arith.addi %add3A_1654, %scan3A_161 : i32
        %get3A_1656 = arith.constant 1 : i32
        %get3A_1657 = arith.index_cast %get3A_1656 : i32 to index
        %get3A_1658 = arith.index_cast %add3A_1655 : i32 to index
        %get3A_1659 = arith.constant 480 : index
        %get3A_1660 = tpu.vector_load %arg10[%get3A_1657, %get3A_1658, %get3A_1659] {strides = array<i32>} : memref<2x40x512xf32, #tpu.memory_space<vmem>>, vector<1x1x16xf32>,
        %get3A_1661 = vector.shape_cast %get3A_1660 : vector<1x1x16xf32> to vector<16xf32>
        %add3A_1662 = arith.addf %add3A_1653, %get3A_1661 : vector<16xf32>
        %add3A_1663 = arith.constant 32 : i32
        %add3A_1664 = arith.addi %add3A_1663, %scan3A_161 : i32
        %get3A_1665 = arith.constant 1 : i32
        %get3A_1666 = arith.index_cast %get3A_1665 : i32 to index
        %get3A_1667 = arith.index_cast %add3A_1664 : i32 to index
        %get3A_1668 = arith.constant 480 : index
        %get3A_1669 = tpu.vector_load %arg10[%get3A_1666, %get3A_1667, %get3A_1668] {strides = array<i32>} : memref<2x40x512xf32, #tpu.memory_space<vmem>>, vector<1x1x16xf32>,
        %get3A_1670 = vector.shape_cast %get3A_1669 : vector<1x1x16xf32> to vector<16xf32>
        %add3A_1671 = arith.addf %add3A_1662, %get3A_1670 : vector<16xf32>
        %swap3A_1672 = arith.constant 1 : i32
        %swap3A_1673 = arith.index_cast %swap3A_1672 : i32 to index
        %swap3A_1674 = arith.index_cast %scan3A_161 : i32 to index
        %swap3A_1675 = arith.constant 480 : index
        %swap3A_1676 = tpu.vector_load %arg10[%swap3A_1673, %swap3A_1674, %swap3A_1675] {strides = array<i32>} : memref<2x40x512xf32, #tpu.memory_space<vmem>>, vector<1x1x16xf32>,
        %swap3A_1677 = vector.shape_cast %swap3A_1676 : vector<1x1x16xf32> to vector<16xf32>
        %swap3A_1678 = vector.shape_cast %add3A_1671 : vector<16xf32> to vector<1x1x16xf32>
        tpu.vector_store %arg10[%swap3A_1673, %swap3A_1674, %swap3A_1675], %swap3A_1678 {strides = array<i32>} : memref<2x40x512xf32, #tpu.memory_space<vmem>>, vector<1x1x16xf32>,
        %get3A_1679 = arith.constant 1 : i32
        %get3A_1680 = arith.index_cast %get3A_1679 : i32 to index
        %get3A_1681 = arith.index_cast %scan3A_161 : i32 to index
        %get3A_1682 = arith.constant 496 : index
        %get3A_1683 = tpu.vector_load %arg10[%get3A_1680, %get3A_1681, %get3A_1682] {strides = array<i32>} : memref<2x40x512xf32, #tpu.memory_space<vmem>>, vector<1x1x16xf32>,
        %get3A_1684 = vector.shape_cast %get3A_1683 : vector<1x1x16xf32> to vector<16xf32>
        %add3A_1685 = arith.constant 8 : i32
        %add3A_1686 = arith.addi %add3A_1685, %scan3A_161 : i32
        %get3A_1687 = arith.constant 1 : i32
        %get3A_1688 = arith.index_cast %get3A_1687 : i32 to index
        %get3A_1689 = arith.index_cast %add3A_1686 : i32 to index
        %get3A_1690 = arith.constant 496 : index
        %get3A_1691 = tpu.vector_load %arg10[%get3A_1688, %get3A_1689, %get3A_1690] {strides = array<i32>} : memref<2x40x512xf32, #tpu.memory_space<vmem>>, vector<1x1x16xf32>,
        %get3A_1692 = vector.shape_cast %get3A_1691 : vector<1x1x16xf32> to vector<16xf32>
        %add3A_1693 = arith.addf %get3A_1684, %get3A_1692 : vector<16xf32>
        %add3A_1694 = arith.constant 16 : i32
        %add3A_1695 = arith.addi %add3A_1694, %scan3A_161 : i32
        %get3A_1696 = arith.constant 1 : i32
        %get3A_1697 = arith.index_cast %get3A_1696 : i32 to index
        %get3A_1698 = arith.index_cast %add3A_1695 : i32 to index
        %get3A_1699 = arith.constant 496 : index
        %get3A_1700 = tpu.vector_load %arg10[%get3A_1697, %get3A_1698, %get3A_1699] {strides = array<i32>} : memref<2x40x512xf32, #tpu.memory_space<vmem>>, vector<1x1x16xf32>,
        %get3A_1701 = vector.shape_cast %get3A_1700 : vector<1x1x16xf32> to vector<16xf32>
        %add3A_1702 = arith.addf %add3A_1693, %get3A_1701 : vector<16xf32>
        %add3A_1703 = arith.constant 24 : i32
        %add3A_1704 = arith.addi %add3A_1703, %scan3A_161 : i32
        %get3A_1705 = arith.constant 1 : i32
        %get3A_1706 = arith.index_cast %get3A_1705 : i32 to index
        %get3A_1707 = arith.index_cast %add3A_1704 : i32 to index
        %get3A_1708 = arith.constant 496 : index
        %get3A_1709 = tpu.vector_load %arg10[%get3A_1706, %get3A_1707, %get3A_1708] {strides = array<i32>} : memref<2x40x512xf32, #tpu.memory_space<vmem>>, vector<1x1x16xf32>,
        %get3A_1710 = vector.shape_cast %get3A_1709 : vector<1x1x16xf32> to vector<16xf32>
        %add3A_1711 = arith.addf %add3A_1702, %get3A_1710 : vector<16xf32>
        %add3A_1712 = arith.constant 32 : i32
        %add3A_1713 = arith.addi %add3A_1712, %scan3A_161 : i32
        %get3A_1714 = arith.constant 1 : i32
        %get3A_1715 = arith.index_cast %get3A_1714 : i32 to index
        %get3A_1716 = arith.index_cast %add3A_1713 : i32 to index
        %get3A_1717 = arith.constant 496 : index
        %get3A_1718 = tpu.vector_load %arg10[%get3A_1715, %get3A_1716, %get3A_1717] {strides = array<i32>} : memref<2x40x512xf32, #tpu.memory_space<vmem>>, vector<1x1x16xf32>,
        %get3A_1719 = vector.shape_cast %get3A_1718 : vector<1x1x16xf32> to vector<16xf32>
        %add3A_1720 = arith.addf %add3A_1711, %get3A_1719 : vector<16xf32>
        %swap3A_1721 = arith.constant 1 : i32
        %swap3A_1722 = arith.index_cast %swap3A_1721 : i32 to index
        %swap3A_1723 = arith.index_cast %scan3A_161 : i32 to index
        %swap3A_1724 = arith.constant 496 : index
        %swap3A_1725 = tpu.vector_load %arg10[%swap3A_1722, %swap3A_1723, %swap3A_1724] {strides = array<i32>} : memref<2x40x512xf32, #tpu.memory_space<vmem>>, vector<1x1x16xf32>,
        %swap3A_1726 = vector.shape_cast %swap3A_1725 : vector<1x1x16xf32> to vector<16xf32>
        %swap3A_1727 = vector.shape_cast %add3A_1720 : vector<16xf32> to vector<1x1x16xf32>
        tpu.vector_store %arg10[%swap3A_1722, %swap3A_1723, %swap3A_1724], %swap3A_1727 {strides = array<i32>} : memref<2x40x512xf32, #tpu.memory_space<vmem>>, vector<1x1x16xf32>,
      }
      %scan3A_156 = arith.constant 8 : i32
      %add3A_157 = arith.addi %mul3A_2, %add3A_132 : i32
      %mul3A_158 = arith.constant 8 : i32
      %mul3A_159 = arith.muli %add3A_157, %mul3A_158 : i32
      %run_scoped3A_160 = arith.constant 1 : i32
      "tpu.region"() ({
        %run_scoped3A_161 = tpu.sem_alloc : memref<!tpu.dma_semaphore, #tpu.memory_space<semaphore_mem>>
        %dma_start3A_162 = arith.constant 0 : i32
        %dma_start3A_163 = arith.constant 0 : i32
        %dma_start3A_164 = tpu.memref_slice %arg10[%run_scoped3A_160, %dma_start3A_162, %dma_start3A_163] : memref<2x40x512xf32, #tpu.memory_space<vmem>> -> memref<1x8x512xf32, #tpu.memory_space<vmem>>
        %dma_start3A_165 = tpu.memref_squeeze %dma_start3A_164 : memref<1x8x512xf32, #tpu.memory_space<vmem>> -> memref<8x512xf32, #tpu.memory_space<vmem>>
        %dma_start3A_166 = arith.constant 0 : i32
        %dma_start3A_167 = tpu.memref_slice %arg7[%mul3A_159, %dma_start3A_166] : memref<10240x512xf32, #tpu.memory_space<hbm>> -> memref<8x512xf32, #tpu.memory_space<hbm>>
        %dma_start3A_168 = arith.constant 0 : i32
        %dma_start3A_169 = tpu.memref_slice %arg7[%mul3A_159, %dma_start3A_168] : memref<10240x512xf32, #tpu.memory_space<hbm>> -> memref<8x512xf32, #tpu.memory_space<hbm>>
        %dma_start3A_170 = arith.constant 0 : i32
        %dma_start3A_171 = arith.constant 0 : i32
        %dma_start3A_172 = tpu.memref_slice %arg10[%run_scoped3A_160, %dma_start3A_170, %dma_start3A_171] : memref<2x40x512xf32, #tpu.memory_space<vmem>> -> memref<1x8x512xf32, #tpu.memory_space<vmem>>
        %dma_start3A_173 = tpu.memref_squeeze %dma_start3A_172 : memref<1x8x512xf32, #tpu.memory_space<vmem>> -> memref<8x512xf32, #tpu.memory_space<vmem>>
        tpu.enqueue_dma source(%dma_start3A_173 : memref<8x512xf32, #tpu.memory_space<vmem>>) target(%dma_start3A_169 : memref<8x512xf32, #tpu.memory_space<hbm>>) target_semaphore(%run_scoped3A_161 : memref<!tpu.dma_semaphore, #tpu.memory_space<semaphore_mem>>)
        %dma_wait3A_174 = arith.constant 0 : i32
        %dma_wait3A_175 = arith.constant 0 : i32
        %dma_wait3A_176 = tpu.memref_slice %arg10[%run_scoped3A_160, %dma_wait3A_174, %dma_wait3A_175] : memref<2x40x512xf32, #tpu.memory_space<vmem>> -> memref<1x8x512xf32, #tpu.memory_space<vmem>>
        %dma_wait3A_177 = tpu.memref_squeeze %dma_wait3A_176 : memref<1x8x512xf32, #tpu.memory_space<vmem>> -> memref<8x512xf32, #tpu.memory_space<vmem>>
        %dma_wait3A_178 = arith.constant 0 : i32
        %dma_wait3A_179 = tpu.memref_slice %arg7[%mul3A_159, %dma_wait3A_178] : memref<10240x512xf32, #tpu.memory_space<hbm>> -> memref<8x512xf32, #tpu.memory_space<hbm>>
        %dma_wait3A_180 = arith.constant 0 : i32
        %dma_wait3A_181 = tpu.memref_slice %arg7[%mul3A_159, %dma_wait3A_180] : memref<10240x512xf32, #tpu.memory_space<hbm>> -> memref<8x512xf32, #tpu.memory_space<hbm>>
        %dma_wait3A_182 = arith.constant 0 : i32
        %dma_wait3A_183 = arith.constant 0 : i32
        %dma_wait3A_184 = tpu.memref_slice %arg10[%run_scoped3A_160, %dma_wait3A_182, %dma_wait3A_183] : memref<2x40x512xf32, #tpu.memory_space<vmem>> -> memref<1x8x512xf32, #tpu.memory_space<vmem>>
        %dma_wait3A_185 = tpu.memref_squeeze %dma_wait3A_184 : memref<1x8x512xf32, #tpu.memory_space<vmem>> -> memref<8x512xf32, #tpu.memory_space<vmem>>
        tpu.wait_dma2 semaphore(%run_scoped3A_161 : memref<!tpu.dma_semaphore, #tpu.memory_space<semaphore_mem>>) src(%dma_wait3A_185 : memref<8x512xf32, #tpu.memory_space<vmem>>) dst(%dma_wait3A_181 : memref<8x512xf32, #tpu.memory_space<hbm>>)
        tpu.yield
      }) : () -> ()
    }
    %scan3A_21 = arith.constant 20 : i32
    %mul3A_22 = arith.constant 10000 : i32
    %mul3A_23 = arith.muli %add3A, %mul3A_22 : i32
    %add3A_24 = arith.constant 0 : i32
    %add3A_25 = arith.addi %mul3A_23, %add3A_24 : i32
    %run_scoped3A_26 = arith.constant 0 : i32
    %run_scoped3A_27 = arith.constant 0 : i32
    "tpu.region"() ({
      %run_scoped3A_99 = tpu.sem_alloc : memref<!tpu.dma_semaphore, #tpu.memory_space<semaphore_mem>>
      %dma_start3A_100 = arith.constant 0 : i32
      %dma_start3A_101 = tpu.memref_slice %arg11[%run_scoped3A_26, %run_scoped3A_27, %dma_start3A_100] : memref<2x2x80xi32, #tpu.memory_space<vmem>> -> memref<1x1x80xi32, #tpu.memory_space<vmem>>
      %dma_start3A_102 = tpu.memref_squeeze %dma_start3A_101 : memref<1x1x80xi32, #tpu.memory_space<vmem>> -> memref<80xi32, #tpu.memory_space<vmem>>
      %dma_start3A_103 = tpu.memref_slice %arg3[%add3A_25] : memref<320000xi32, #tpu.memory_space<hbm>> -> memref<80xi32, #tpu.memory_space<hbm>>
      %dma_start3A_104 = arith.constant 0 : i32
      %dma_start3A_105 = tpu.memref_slice %arg11[%run_scoped3A_26, %run_scoped3A_27, %dma_start3A_104] : memref<2x2x80xi32, #tpu.memory_space<vmem>> -> memref<1x1x80xi32, #tpu.memory_space<vmem>>
      %dma_start3A_106 = tpu.memref_squeeze %dma_start3A_105 : memref<1x1x80xi32, #tpu.memory_space<vmem>> -> memref<80xi32, #tpu.memory_space<vmem>>
      %dma_start3A_107 = tpu.memref_slice %arg3[%add3A_25] : memref<320000xi32, #tpu.memory_space<hbm>> -> memref<80xi32, #tpu.memory_space<hbm>>
      tpu.enqueue_dma source(%dma_start3A_107 : memref<80xi32, #tpu.memory_space<hbm>>) target(%dma_start3A_106 : memref<80xi32, #tpu.memory_space<vmem>>) target_semaphore(%run_scoped3A_99 : memref<!tpu.dma_semaphore, #tpu.memory_space<semaphore_mem>>)
      %dma_wait3A_108 = arith.constant 0 : i32
      %dma_wait3A_109 = tpu.memref_slice %arg11[%run_scoped3A_26, %run_scoped3A_27, %dma_wait3A_108] : memref<2x2x80xi32, #tpu.memory_space<vmem>> -> memref<1x1x80xi32, #tpu.memory_space<vmem>>
      %dma_wait3A_110 = tpu.memref_squeeze %dma_wait3A_109 : memref<1x1x80xi32, #tpu.memory_space<vmem>> -> memref<80xi32, #tpu.memory_space<vmem>>
      %dma_wait3A_111 = tpu.memref_slice %arg3[%add3A_25] : memref<320000xi32, #tpu.memory_space<hbm>> -> memref<80xi32, #tpu.memory_space<hbm>>
      %dma_wait3A_112 = arith.constant 0 : i32
      %dma_wait3A_113 = tpu.memref_slice %arg11[%run_scoped3A_26, %run_scoped3A_27, %dma_wait3A_112] : memref<2x2x80xi32, #tpu.memory_space<vmem>> -> memref<1x1x80xi32, #tpu.memory_space<vmem>>
      %dma_wait3A_114 = tpu.memref_squeeze %dma_wait3A_113 : memref<1x1x80xi32, #tpu.memory_space<vmem>> -> memref<80xi32, #tpu.memory_space<vmem>>
      %dma_wait3A_115 = tpu.memref_slice %arg3[%add3A_25] : memref<320000xi32, #tpu.memory_space<hbm>> -> memref<80xi32, #tpu.memory_space<hbm>>
      tpu.wait_dma2 semaphore(%run_scoped3A_99 : memref<!tpu.dma_semaphore, #tpu.memory_space<semaphore_mem>>) src(%dma_wait3A_115 : memref<80xi32, #tpu.memory_space<hbm>>) dst(%dma_wait3A_114 : memref<80xi32, #tpu.memory_space<vmem>>)
      tpu.yield
    }) : () -> ()
    %run_scoped3A_28 = arith.constant 0 : i32
    %run_scoped3A_29 = arith.constant 1 : i32
    "tpu.region"() ({
      %run_scoped3A_99 = tpu.sem_alloc : memref<!tpu.dma_semaphore, #tpu.memory_space<semaphore_mem>>
      %dma_start3A_100 = arith.constant 0 : i32
      %dma_start3A_101 = tpu.memref_slice %arg11[%run_scoped3A_28, %run_scoped3A_29, %dma_start3A_100] : memref<2x2x80xi32, #tpu.memory_space<vmem>> -> memref<1x1x80xi32, #tpu.memory_space<vmem>>
      %dma_start3A_102 = tpu.memref_squeeze %dma_start3A_101 : memref<1x1x80xi32, #tpu.memory_space<vmem>> -> memref<80xi32, #tpu.memory_space<vmem>>
      %dma_start3A_103 = tpu.memref_slice %arg4[%add3A_25] : memref<320000xi32, #tpu.memory_space<hbm>> -> memref<80xi32, #tpu.memory_space<hbm>>
      %dma_start3A_104 = arith.constant 0 : i32
      %dma_start3A_105 = tpu.memref_slice %arg11[%run_scoped3A_28, %run_scoped3A_29, %dma_start3A_104] : memref<2x2x80xi32, #tpu.memory_space<vmem>> -> memref<1x1x80xi32, #tpu.memory_space<vmem>>
      %dma_start3A_106 = tpu.memref_squeeze %dma_start3A_105 : memref<1x1x80xi32, #tpu.memory_space<vmem>> -> memref<80xi32, #tpu.memory_space<vmem>>
      %dma_start3A_107 = tpu.memref_slice %arg4[%add3A_25] : memref<320000xi32, #tpu.memory_space<hbm>> -> memref<80xi32, #tpu.memory_space<hbm>>
      tpu.enqueue_dma source(%dma_start3A_107 : memref<80xi32, #tpu.memory_space<hbm>>) target(%dma_start3A_106 : memref<80xi32, #tpu.memory_space<vmem>>) target_semaphore(%run_scoped3A_99 : memref<!tpu.dma_semaphore, #tpu.memory_space<semaphore_mem>>)
      %dma_wait3A_108 = arith.constant 0 : i32
      %dma_wait3A_109 = tpu.memref_slice %arg11[%run_scoped3A_28, %run_scoped3A_29, %dma_wait3A_108] : memref<2x2x80xi32, #tpu.memory_space<vmem>> -> memref<1x1x80xi32, #tpu.memory_space<vmem>>
      %dma_wait3A_110 = tpu.memref_squeeze %dma_wait3A_109 : memref<1x1x80xi32, #tpu.memory_space<vmem>> -> memref<80xi32, #tpu.memory_space<vmem>>
      %dma_wait3A_111 = tpu.memref_slice %arg4[%add3A_25] : memref<320000xi32, #tpu.memory_space<hbm>> -> memref<80xi32, #tpu.memory_space<hbm>>
      %dma_wait3A_112 = arith.constant 0 : i32
      %dma_wait3A_113 = tpu.memref_slice %arg11[%run_scoped3A_28, %run_scoped3A_29, %dma_wait3A_112] : memref<2x2x80xi32, #tpu.memory_space<vmem>> -> memref<1x1x80xi32, #tpu.memory_space<vmem>>
      %dma_wait3A_114 = tpu.memref_squeeze %dma_wait3A_113 : memref<1x1x80xi32, #tpu.memory_space<vmem>> -> memref<80xi32, #tpu.memory_space<vmem>>
      %dma_wait3A_115 = tpu.memref_slice %arg4[%add3A_25] : memref<320000xi32, #tpu.memory_space<hbm>> -> memref<80xi32, #tpu.memory_space<hbm>>
      tpu.wait_dma2 semaphore(%run_scoped3A_99 : memref<!tpu.dma_semaphore, #tpu.memory_space<semaphore_mem>>) src(%dma_wait3A_115 : memref<80xi32, #tpu.memory_space<hbm>>) dst(%dma_wait3A_114 : memref<80xi32, #tpu.memory_space<vmem>>)
      tpu.yield
    }) : () -> ()
    %dma_start3A_30 = arith.constant 0 : i32
    %dma_start3A_31 = arith.constant 0 : i32
    %dma_start3A_32 = arith.constant 0 : i32
    %dma_start3A_33 = arith.constant 0 : i32
    %dma_start3A_34 = arith.constant 0 : i32
    %dma_start3A_35 = arith.constant 0 : i32
    %dma_start3A_36 = tpu.memref_slice %arg12[%dma_start3A_32, %dma_start3A_33, %dma_start3A_34, %dma_start3A_35] : memref<2x2x80x128xf32, #tpu.memory_space<vmem>> -> memref<1x1x80x128xf32, #tpu.memory_space<vmem>>
    %dma_start3A_37 = tpu.memref_squeeze %dma_start3A_36 : memref<1x1x80x128xf32, #tpu.memory_space<vmem>> -> memref<80x128xf32, #tpu.memory_space<vmem>>
    %dma_start3A_38 = arith.constant 0 : i32
    %dma_start3A_39 = tpu.memref_slice %arg11[%dma_start3A_30, %dma_start3A_31, %dma_start3A_38] : memref<2x2x80xi32, #tpu.memory_space<vmem>> -> memref<1x1x80xi32, #tpu.memory_space<vmem>>
    %dma_start3A_40 = tpu.memref_squeeze %dma_start3A_39 : memref<1x1x80xi32, #tpu.memory_space<vmem>> -> memref<80xi32, #tpu.memory_space<vmem>>
    %dma_start3A_41 = arith.constant 0 : i32
    %dma_start3A_42 = arith.constant 0 : i32
    %dma_start3A_43 = tpu.memref_slice %arg6[%dma_start3A_41, %dma_start3A_42] : memref<218x128xf32, #tpu.memory_space<hbm>> -> memref<218x128xf32, #tpu.memory_space<hbm>>
    tpu.enqueue_indirect_dma source(%dma_start3A_43 : memref<218x128xf32, #tpu.memory_space<hbm>>) target(%dma_start3A_37 : memref<80x128xf32, #tpu.memory_space<vmem>>) offsets(%dma_start3A_40 : memref<80xi32, #tpu.memory_space<vmem>>) semaphore(%arg13 : memref<!tpu.dma_semaphore, #tpu.memory_space<semaphore_mem>>)
    %dma_start3A_44 = arith.constant 0 : i32
    %dma_start3A_45 = arith.constant 1 : i32
    %dma_start3A_46 = arith.constant 0 : i32
    %dma_start3A_47 = arith.constant 1 : i32
    %dma_start3A_48 = arith.constant 0 : i32
    %dma_start3A_49 = arith.constant 0 : i32
    %dma_start3A_50 = tpu.memref_slice %arg12[%dma_start3A_46, %dma_start3A_47, %dma_start3A_48, %dma_start3A_49] : memref<2x2x80x128xf32, #tpu.memory_space<vmem>> -> memref<1x1x80x128xf32, #tpu.memory_space<vmem>>
    %dma_start3A_51 = tpu.memref_squeeze %dma_start3A_50 : memref<1x1x80x128xf32, #tpu.memory_space<vmem>> -> memref<80x128xf32, #tpu.memory_space<vmem>>
    %dma_start3A_52 = arith.constant 0 : i32
    %dma_start3A_53 = tpu.memref_slice %arg11[%dma_start3A_44, %dma_start3A_45, %dma_start3A_52] : memref<2x2x80xi32, #tpu.memory_space<vmem>> -> memref<1x1x80xi32, #tpu.memory_space<vmem>>
    %dma_start3A_54 = tpu.memref_squeeze %dma_start3A_53 : memref<1x1x80xi32, #tpu.memory_space<vmem>> -> memref<80xi32, #tpu.memory_space<vmem>>
    %dma_start3A_55 = arith.constant 0 : i32
    %dma_start3A_56 = arith.constant 0 : i32
    %dma_start3A_57 = tpu.memref_slice %arg6[%dma_start3A_55, %dma_start3A_56] : memref<218x128xf32, #tpu.memory_space<hbm>> -> memref<218x128xf32, #tpu.memory_space<hbm>>
    tpu.enqueue_indirect_dma source(%dma_start3A_57 : memref<218x128xf32, #tpu.memory_space<hbm>>) target(%dma_start3A_51 : memref<80x128xf32, #tpu.memory_space<vmem>>) offsets(%dma_start3A_54 : memref<80xi32, #tpu.memory_space<vmem>>) semaphore(%arg13 : memref<!tpu.dma_semaphore, #tpu.memory_space<semaphore_mem>>)
    %scan3A_58 = arith.constant 0 : i32
    %scan3A_59 = arith.constant 62 : i32
    %scan3A_60 = arith.addi %scan3A_58, %scan3A_59 : i32
    %scan3A_61 = arith.constant 1 : i32
    scf.for %scan3A_99 = %scan3A_58 to %scan3A_60 step %scan3A_61  : i32 {
      %mul3A_100 = arith.constant 2 : i32
      %mul3A_101 = arith.muli %scan3A_99, %mul3A_100 : i32
      %add3A_102 = arith.constant 0 : i32
      %add3A_103 = arith.addi %mul3A_101, %add3A_102 : i32
      %add3A_104 = arith.constant 1 : i32
      %add3A_105 = arith.addi %add3A_103, %add3A_104 : i32
      %mul3A_106 = arith.constant 80 : i32
      %mul3A_107 = arith.muli %add3A_105, %mul3A_106 : i32
      %add3A_108 = arith.addi %mul3A_23, %mul3A_107 : i32
      %run_scoped3A_109 = arith.constant 1 : i32
      %run_scoped3A_110 = arith.constant 0 : i32
      "tpu.region"() ({
        %run_scoped3A_258 = tpu.sem_alloc : memref<!tpu.dma_semaphore, #tpu.memory_space<semaphore_mem>>
        %dma_start3A_259 = arith.constant 0 : i32
        %dma_start3A_260 = tpu.memref_slice %arg11[%run_scoped3A_109, %run_scoped3A_110, %dma_start3A_259] : memref<2x2x80xi32, #tpu.memory_space<vmem>> -> memref<1x1x80xi32, #tpu.memory_space<vmem>>
        %dma_start3A_261 = tpu.memref_squeeze %dma_start3A_260 : memref<1x1x80xi32, #tpu.memory_space<vmem>> -> memref<80xi32, #tpu.memory_space<vmem>>
        %dma_start3A_262 = tpu.memref_slice %arg3[%add3A_108] : memref<320000xi32, #tpu.memory_space<hbm>> -> memref<80xi32, #tpu.memory_space<hbm>>
        %dma_start3A_263 = arith.constant 0 : i32
        %dma_start3A_264 = tpu.memref_slice %arg11[%run_scoped3A_109, %run_scoped3A_110, %dma_start3A_263] : memref<2x2x80xi32, #tpu.memory_space<vmem>> -> memref<1x1x80xi32, #tpu.memory_space<vmem>>
        %dma_start3A_265 = tpu.memref_squeeze %dma_start3A_264 : memref<1x1x80xi32, #tpu.memory_space<vmem>> -> memref<80xi32, #tpu.memory_space<vmem>>
        %dma_start3A_266 = tpu.memref_slice %arg3[%add3A_108] : memref<320000xi32, #tpu.memory_space<hbm>> -> memref<80xi32, #tpu.memory_space<hbm>>
        tpu.enqueue_dma source(%dma_start3A_266 : memref<80xi32, #tpu.memory_space<hbm>>) target(%dma_start3A_265 : memref<80xi32, #tpu.memory_space<vmem>>) target_semaphore(%run_scoped3A_258 : memref<!tpu.dma_semaphore, #tpu.memory_space<semaphore_mem>>)
        %dma_wait3A_267 = arith.constant 0 : i32
        %dma_wait3A_268 = tpu.memref_slice %arg11[%run_scoped3A_109, %run_scoped3A_110, %dma_wait3A_267] : memref<2x2x80xi32, #tpu.memory_space<vmem>> -> memref<1x1x80xi32, #tpu.memory_space<vmem>>
        %dma_wait3A_269 = tpu.memref_squeeze %dma_wait3A_268 : memref<1x1x80xi32, #tpu.memory_space<vmem>> -> memref<80xi32, #tpu.memory_space<vmem>>
        %dma_wait3A_270 = tpu.memref_slice %arg3[%add3A_108] : memref<320000xi32, #tpu.memory_space<hbm>> -> memref<80xi32, #tpu.memory_space<hbm>>
        %dma_wait3A_271 = arith.constant 0 : i32
        %dma_wait3A_272 = tpu.memref_slice %arg11[%run_scoped3A_109, %run_scoped3A_110, %dma_wait3A_271] : memref<2x2x80xi32, #tpu.memory_space<vmem>> -> memref<1x1x80xi32, #tpu.memory_space<vmem>>
        %dma_wait3A_273 = tpu.memref_squeeze %dma_wait3A_272 : memref<1x1x80xi32, #tpu.memory_space<vmem>> -> memref<80xi32, #tpu.memory_space<vmem>>
        %dma_wait3A_274 = tpu.memref_slice %arg3[%add3A_108] : memref<320000xi32, #tpu.memory_space<hbm>> -> memref<80xi32, #tpu.memory_space<hbm>>
        tpu.wait_dma2 semaphore(%run_scoped3A_258 : memref<!tpu.dma_semaphore, #tpu.memory_space<semaphore_mem>>) src(%dma_wait3A_274 : memref<80xi32, #tpu.memory_space<hbm>>) dst(%dma_wait3A_273 : memref<80xi32, #tpu.memory_space<vmem>>)
        tpu.yield
      }) : () -> ()
      %run_scoped3A_111 = arith.constant 1 : i32
      %run_scoped3A_112 = arith.constant 1 : i32
      "tpu.region"() ({
        %run_scoped3A_258 = tpu.sem_alloc : memref<!tpu.dma_semaphore, #tpu.memory_space<semaphore_mem>>
        %dma_start3A_259 = arith.constant 0 : i32
        %dma_start3A_260 = tpu.memref_slice %arg11[%run_scoped3A_111, %run_scoped3A_112, %dma_start3A_259] : memref<2x2x80xi32, #tpu.memory_space<vmem>> -> memref<1x1x80xi32, #tpu.memory_space<vmem>>
        %dma_start3A_261 = tpu.memref_squeeze %dma_start3A_260 : memref<1x1x80xi32, #tpu.memory_space<vmem>> -> memref<80xi32, #tpu.memory_space<vmem>>
        %dma_start3A_262 = tpu.memref_slice %arg4[%add3A_108] : memref<320000xi32, #tpu.memory_space<hbm>> -> memref<80xi32, #tpu.memory_space<hbm>>
        %dma_start3A_263 = arith.constant 0 : i32
        %dma_start3A_264 = tpu.memref_slice %arg11[%run_scoped3A_111, %run_scoped3A_112, %dma_start3A_263] : memref<2x2x80xi32, #tpu.memory_space<vmem>> -> memref<1x1x80xi32, #tpu.memory_space<vmem>>
        %dma_start3A_265 = tpu.memref_squeeze %dma_start3A_264 : memref<1x1x80xi32, #tpu.memory_space<vmem>> -> memref<80xi32, #tpu.memory_space<vmem>>
        %dma_start3A_266 = tpu.memref_slice %arg4[%add3A_108] : memref<320000xi32, #tpu.memory_space<hbm>> -> memref<80xi32, #tpu.memory_space<hbm>>
        tpu.enqueue_dma source(%dma_start3A_266 : memref<80xi32, #tpu.memory_space<hbm>>) target(%dma_start3A_265 : memref<80xi32, #tpu.memory_space<vmem>>) target_semaphore(%run_scoped3A_258 : memref<!tpu.dma_semaphore, #tpu.memory_space<semaphore_mem>>)
        %dma_wait3A_267 = arith.constant 0 : i32
        %dma_wait3A_268 = tpu.memref_slice %arg11[%run_scoped3A_111, %run_scoped3A_112, %dma_wait3A_267] : memref<2x2x80xi32, #tpu.memory_space<vmem>> -> memref<1x1x80xi32, #tpu.memory_space<vmem>>
        %dma_wait3A_269 = tpu.memref_squeeze %dma_wait3A_268 : memref<1x1x80xi32, #tpu.memory_space<vmem>> -> memref<80xi32, #tpu.memory_space<vmem>>
        %dma_wait3A_270 = tpu.memref_slice %arg4[%add3A_108] : memref<320000xi32, #tpu.memory_space<hbm>> -> memref<80xi32, #tpu.memory_space<hbm>>
        %dma_wait3A_271 = arith.constant 0 : i32
        %dma_wait3A_272 = tpu.memref_slice %arg11[%run_scoped3A_111, %run_scoped3A_112, %dma_wait3A_271] : memref<2x2x80xi32, #tpu.memory_space<vmem>> -> memref<1x1x80xi32, #tpu.memory_space<vmem>>
        %dma_wait3A_273 = tpu.memref_squeeze %dma_wait3A_272 : memref<1x1x80xi32, #tpu.memory_space<vmem>> -> memref<80xi32, #tpu.memory_space<vmem>>
        %dma_wait3A_274 = tpu.memref_slice %arg4[%add3A_108] : memref<320000xi32, #tpu.memory_space<hbm>> -> memref<80xi32, #tpu.memory_space<hbm>>
        tpu.wait_dma2 semaphore(%run_scoped3A_258 : memref<!tpu.dma_semaphore, #tpu.memory_space<semaphore_mem>>) src(%dma_wait3A_274 : memref<80xi32, #tpu.memory_space<hbm>>) dst(%dma_wait3A_273 : memref<80xi32, #tpu.memory_space<vmem>>)
        tpu.yield
      }) : () -> ()
      %dma_start3A_113 = arith.constant 1 : i32
      %dma_start3A_114 = arith.constant 0 : i32
      %dma_start3A_115 = arith.constant 1 : i32
      %dma_start3A_116 = arith.constant 0 : i32
      %dma_start3A_117 = arith.constant 0 : i32
      %dma_start3A_118 = arith.constant 0 : i32
      %dma_start3A_119 = tpu.memref_slice %arg12[%dma_start3A_115, %dma_start3A_116, %dma_start3A_117, %dma_start3A_118] : memref<2x2x80x128xf32, #tpu.memory_space<vmem>> -> memref<1x1x80x128xf32, #tpu.memory_space<vmem>>
      %dma_start3A_120 = tpu.memref_squeeze %dma_start3A_119 : memref<1x1x80x128xf32, #tpu.memory_space<vmem>> -> memref<80x128xf32, #tpu.memory_space<vmem>>
      %dma_start3A_121 = arith.constant 0 : i32
      %dma_start3A_122 = tpu.memref_slice %arg11[%dma_start3A_113, %dma_start3A_114, %dma_start3A_121] : memref<2x2x80xi32, #tpu.memory_space<vmem>> -> memref<1x1x80xi32, #tpu.memory_space<vmem>>
      %dma_start3A_123 = tpu.memref_squeeze %dma_start3A_122 : memref<1x1x80xi32, #tpu.memory_space<vmem>> -> memref<80xi32, #tpu.memory_space<vmem>>
      %dma_start3A_124 = arith.constant 0 : i32
      %dma_start3A_125 = arith.constant 0 : i32
      %dma_start3A_126 = tpu.memref_slice %arg6[%dma_start3A_124, %dma_start3A_125] : memref<218x128xf32, #tpu.memory_space<hbm>> -> memref<218x128xf32, #tpu.memory_space<hbm>>
      tpu.enqueue_indirect_dma source(%dma_start3A_126 : memref<218x128xf32, #tpu.memory_space<hbm>>) target(%dma_start3A_120 : memref<80x128xf32, #tpu.memory_space<vmem>>) offsets(%dma_start3A_123 : memref<80xi32, #tpu.memory_space<vmem>>) semaphore(%arg14 : memref<!tpu.dma_semaphore, #tpu.memory_space<semaphore_mem>>)
      %dma_start3A_127 = arith.constant 1 : i32
      %dma_start3A_128 = arith.constant 1 : i32
      %dma_start3A_129 = arith.constant 1 : i32
      %dma_start3A_130 = arith.constant 1 : i32
      %dma_start3A_131 = arith.constant 0 : i32
      %dma_start3A_132 = arith.constant 0 : i32
      %dma_start3A_133 = tpu.memref_slice %arg12[%dma_start3A_129, %dma_start3A_130, %dma_start3A_131, %dma_start3A_132] : memref<2x2x80x128xf32, #tpu.memory_space<vmem>> -> memref<1x1x80x128xf32, #tpu.memory_space<vmem>>
      %dma_start3A_134 = tpu.memref_squeeze %dma_start3A_133 : memref<1x1x80x128xf32, #tpu.memory_space<vmem>> -> memref<80x128xf32, #tpu.memory_space<vmem>>
      %dma_start3A_135 = arith.constant 0 : i32
      %dma_start3A_136 = tpu.memref_slice %arg11[%dma_start3A_127, %dma_start3A_128, %dma_start3A_135] : memref<2x2x80xi32, #tpu.memory_space<vmem>> -> memref<1x1x80xi32, #tpu.memory_space<vmem>>
      %dma_start3A_137 = tpu.memref_squeeze %dma_start3A_136 : memref<1x1x80xi32, #tpu.memory_space<vmem>> -> memref<80xi32, #tpu.memory_space<vmem>>
      %dma_start3A_138 = arith.constant 0 : i32
      %dma_start3A_139 = arith.constant 0 : i32
      %dma_start3A_140 = tpu.memref_slice %arg6[%dma_start3A_138, %dma_start3A_139] : memref<218x128xf32, #tpu.memory_space<hbm>> -> memref<218x128xf32, #tpu.memory_space<hbm>>
      tpu.enqueue_indirect_dma source(%dma_start3A_140 : memref<218x128xf32, #tpu.memory_space<hbm>>) target(%dma_start3A_134 : memref<80x128xf32, #tpu.memory_space<vmem>>) offsets(%dma_start3A_137 : memref<80xi32, #tpu.memory_space<vmem>>) semaphore(%arg14 : memref<!tpu.dma_semaphore, #tpu.memory_space<semaphore_mem>>)
      %dma_wait3A_141 = arith.constant 0 : i32
      %dma_wait3A_142 = arith.constant 0 : i32
      %dma_wait3A_143 = arith.constant 0 : i32
      %dma_wait3A_144 = arith.constant 0 : i32
      %dma_wait3A_145 = arith.constant 0 : i32
      %dma_wait3A_146 = arith.constant 0 : i32
      %dma_wait3A_147 = tpu.memref_slice %arg12[%dma_wait3A_143, %dma_wait3A_144, %dma_wait3A_145, %dma_wait3A_146] : memref<2x2x80x128xf32, #tpu.memory_space<vmem>> -> memref<1x1x80x128xf32, #tpu.memory_space<vmem>>
      %dma_wait3A_148 = tpu.memref_squeeze %dma_wait3A_147 : memref<1x1x80x128xf32, #tpu.memory_space<vmem>> -> memref<80x128xf32, #tpu.memory_space<vmem>>
      %dma_wait3A_149 = arith.constant 0 : i32
      %dma_wait3A_150 = tpu.memref_slice %arg11[%dma_wait3A_141, %dma_wait3A_142, %dma_wait3A_149] : memref<2x2x80xi32, #tpu.memory_space<vmem>> -> memref<1x1x80xi32, #tpu.memory_space<vmem>>
      %dma_wait3A_151 = tpu.memref_squeeze %dma_wait3A_150 : memref<1x1x80xi32, #tpu.memory_space<vmem>> -> memref<80xi32, #tpu.memory_space<vmem>>
      %dma_wait3A_152 = arith.constant 0 : i32
      %dma_wait3A_153 = arith.constant 0 : i32
      %dma_wait3A_154 = tpu.memref_slice %arg6[%dma_wait3A_152, %dma_wait3A_153] : memref<218x128xf32, #tpu.memory_space<hbm>> -> memref<218x128xf32, #tpu.memory_space<hbm>>
      tpu.wait_indirect_dma semaphore(%arg13 : memref<!tpu.dma_semaphore, #tpu.memory_space<semaphore_mem>>) src(%dma_wait3A_154 : memref<218x128xf32, #tpu.memory_space<hbm>>) dst(%dma_wait3A_148 : memref<80x128xf32, #tpu.memory_space<vmem>>)
      %dma_wait3A_155 = arith.constant 0 : i32
      %dma_wait3A_156 = arith.constant 1 : i32
      %dma_wait3A_157 = arith.constant 0 : i32
      %dma_wait3A_158 = arith.constant 1 : i32
      %dma_wait3A_159 = arith.constant 0 : i32
      %dma_wait3A_160 = arith.constant 0 : i32
      %dma_wait3A_161 = tpu.memref_slice %arg12[%dma_wait3A_157, %dma_wait3A_158, %dma_wait3A_159, %dma_wait3A_160] : memref<2x2x80x128xf32, #tpu.memory_space<vmem>> -> memref<1x1x80x128xf32, #tpu.memory_space<vmem>>
      %dma_wait3A_162 = tpu.memref_squeeze %dma_wait3A_161 : memref<1x1x80x128xf32, #tpu.memory_space<vmem>> -> memref<80x128xf32, #tpu.memory_space<vmem>>
      %dma_wait3A_163 = arith.constant 0 : i32
      %dma_wait3A_164 = tpu.memref_slice %arg11[%dma_wait3A_155, %dma_wait3A_156, %dma_wait3A_163] : memref<2x2x80xi32, #tpu.memory_space<vmem>> -> memref<1x1x80xi32, #tpu.memory_space<vmem>>
      %dma_wait3A_165 = tpu.memref_squeeze %dma_wait3A_164 : memref<1x1x80xi32, #tpu.memory_space<vmem>> -> memref<80xi32, #tpu.memory_space<vmem>>
      %dma_wait3A_166 = arith.constant 0 : i32
      %dma_wait3A_167 = arith.constant 0 : i32
      %dma_wait3A_168 = tpu.memref_slice %arg6[%dma_wait3A_166, %dma_wait3A_167] : memref<218x128xf32, #tpu.memory_space<hbm>> -> memref<218x128xf32, #tpu.memory_space<hbm>>
      tpu.wait_indirect_dma semaphore(%arg13 : memref<!tpu.dma_semaphore, #tpu.memory_space<semaphore_mem>>) src(%dma_wait3A_168 : memref<218x128xf32, #tpu.memory_space<hbm>>) dst(%dma_wait3A_162 : memref<80x128xf32, #tpu.memory_space<vmem>>)
      %scan3A_169 = arith.constant 0 : i32
      %scan3A_170 = arith.constant 80 : i32
      %scan3A_171 = arith.addi %scan3A_169, %scan3A_170 : i32
      %scan3A_172 = arith.constant 1 : i32
      scf.for %scan3A_258 = %scan3A_169 to %scan3A_171 step %scan3A_172  : i32 {
        %get3A = arith.constant 0 : i32
        %get3A_259 = arith.constant 0 : i32
        %get3A_260 = arith.index_cast %get3A : i32 to index
        %get3A_261 = arith.index_cast %get3A_259 : i32 to index
        %get3A_262 = arith.index_cast %scan3A_258 : i32 to index
        %get3A_263 = arith.constant 0 : index
        %get3A_264 = tpu.vector_load %arg12[%get3A_260, %get3A_261, %get3A_262, %get3A_263] {strides = array<i32>} : memref<2x2x80x128xf32, #tpu.memory_space<vmem>>, vector<1x1x1x16xf32>,
        %get3A_265 = vector.shape_cast %get3A_264 : vector<1x1x1x16xf32> to vector<16xf32>
        %get3A_266 = arith.constant 0 : i32
        %get3A_267 = arith.constant 1 : i32
        %get3A_268 = arith.index_cast %get3A_266 : i32 to index
        %get3A_269 = arith.index_cast %get3A_267 : i32 to index
        %get3A_270 = arith.index_cast %scan3A_258 : i32 to index
        %get3A_271 = arith.constant 0 : index
        %get3A_272 = tpu.vector_load %arg12[%get3A_268, %get3A_269, %get3A_270, %get3A_271] {strides = array<i32>} : memref<2x2x80x128xf32, #tpu.memory_space<vmem>>, vector<1x1x1x16xf32>,
        %get3A_273 = vector.shape_cast %get3A_272 : vector<1x1x1x16xf32> to vector<16xf32>
        %add3A_274 = arith.addf %get3A_265, %get3A_273 : vector<16xf32>
        %swap3A = arith.constant 0 : i32
        %swap3A_275 = arith.constant 0 : i32
        %swap3A_276 = arith.index_cast %swap3A : i32 to index
        %swap3A_277 = arith.index_cast %swap3A_275 : i32 to index
        %swap3A_278 = arith.index_cast %scan3A_258 : i32 to index
        %swap3A_279 = arith.constant 0 : index
        %swap3A_280 = tpu.vector_load %arg12[%swap3A_276, %swap3A_277, %swap3A_278, %swap3A_279] {strides = array<i32>} : memref<2x2x80x128xf32, #tpu.memory_space<vmem>>, vector<1x1x1x16xf32>,
        %swap3A_281 = vector.shape_cast %swap3A_280 : vector<1x1x1x16xf32> to vector<16xf32>
        %swap3A_282 = vector.shape_cast %add3A_274 : vector<16xf32> to vector<1x1x1x16xf32>
        tpu.vector_store %arg12[%swap3A_276, %swap3A_277, %swap3A_278, %swap3A_279], %swap3A_282 {strides = array<i32>} : memref<2x2x80x128xf32, #tpu.memory_space<vmem>>, vector<1x1x1x16xf32>,
        %get3A_283 = arith.constant 0 : i32
        %get3A_284 = arith.constant 0 : i32
        %get3A_285 = arith.index_cast %get3A_283 : i32 to index
        %get3A_286 = arith.index_cast %get3A_284 : i32 to index
        %get3A_287 = arith.index_cast %scan3A_258 : i32 to index
        %get3A_288 = arith.constant 16 : index
        %get3A_289 = tpu.vector_load %arg12[%get3A_285, %get3A_286, %get3A_287, %get3A_288] {strides = array<i32>} : memref<2x2x80x128xf32, #tpu.memory_space<vmem>>, vector<1x1x1x16xf32>,
        %get3A_290 = vector.shape_cast %get3A_289 : vector<1x1x1x16xf32> to vector<16xf32>
        %get3A_291 = arith.constant 0 : i32
        %get3A_292 = arith.constant 1 : i32
        %get3A_293 = arith.index_cast %get3A_291 : i32 to index
        %get3A_294 = arith.index_cast %get3A_292 : i32 to index
        %get3A_295 = arith.index_cast %scan3A_258 : i32 to index
        %get3A_296 = arith.constant 16 : index
        %get3A_297 = tpu.vector_load %arg12[%get3A_293, %get3A_294, %get3A_295, %get3A_296] {strides = array<i32>} : memref<2x2x80x128xf32, #tpu.memory_space<vmem>>, vector<1x1x1x16xf32>,
        %get3A_298 = vector.shape_cast %get3A_297 : vector<1x1x1x16xf32> to vector<16xf32>
        %add3A_299 = arith.addf %get3A_290, %get3A_298 : vector<16xf32>
        %swap3A_300 = arith.constant 0 : i32
        %swap3A_301 = arith.constant 0 : i32
        %swap3A_302 = arith.index_cast %swap3A_300 : i32 to index
        %swap3A_303 = arith.index_cast %swap3A_301 : i32 to index
        %swap3A_304 = arith.index_cast %scan3A_258 : i32 to index
        %swap3A_305 = arith.constant 16 : index
        %swap3A_306 = tpu.vector_load %arg12[%swap3A_302, %swap3A_303, %swap3A_304, %swap3A_305] {strides = array<i32>} : memref<2x2x80x128xf32, #tpu.memory_space<vmem>>, vector<1x1x1x16xf32>,
        %swap3A_307 = vector.shape_cast %swap3A_306 : vector<1x1x1x16xf32> to vector<16xf32>
        %swap3A_308 = vector.shape_cast %add3A_299 : vector<16xf32> to vector<1x1x1x16xf32>
        tpu.vector_store %arg12[%swap3A_302, %swap3A_303, %swap3A_304, %swap3A_305], %swap3A_308 {strides = array<i32>} : memref<2x2x80x128xf32, #tpu.memory_space<vmem>>, vector<1x1x1x16xf32>,
        %get3A_309 = arith.constant 0 : i32
        %get3A_310 = arith.constant 0 : i32
        %get3A_311 = arith.index_cast %get3A_309 : i32 to index
        %get3A_312 = arith.index_cast %get3A_310 : i32 to index
        %get3A_313 = arith.index_cast %scan3A_258 : i32 to index
        %get3A_314 = arith.constant 32 : index
        %get3A_315 = tpu.vector_load %arg12[%get3A_311, %get3A_312, %get3A_313, %get3A_314] {strides = array<i32>} : memref<2x2x80x128xf32, #tpu.memory_space<vmem>>, vector<1x1x1x16xf32>,
        %get3A_316 = vector.shape_cast %get3A_315 : vector<1x1x1x16xf32> to vector<16xf32>
        %get3A_317 = arith.constant 0 : i32
        %get3A_318 = arith.constant 1 : i32
        %get3A_319 = arith.index_cast %get3A_317 : i32 to index
        %get3A_320 = arith.index_cast %get3A_318 : i32 to index
        %get3A_321 = arith.index_cast %scan3A_258 : i32 to index
        %get3A_322 = arith.constant 32 : index
        %get3A_323 = tpu.vector_load %arg12[%get3A_319, %get3A_320, %get3A_321, %get3A_322] {strides = array<i32>} : memref<2x2x80x128xf32, #tpu.memory_space<vmem>>, vector<1x1x1x16xf32>,
        %get3A_324 = vector.shape_cast %get3A_323 : vector<1x1x1x16xf32> to vector<16xf32>
        %add3A_325 = arith.addf %get3A_316, %get3A_324 : vector<16xf32>
        %swap3A_326 = arith.constant 0 : i32
        %swap3A_327 = arith.constant 0 : i32
        %swap3A_328 = arith.index_cast %swap3A_326 : i32 to index
        %swap3A_329 = arith.index_cast %swap3A_327 : i32 to index
        %swap3A_330 = arith.index_cast %scan3A_258 : i32 to index
        %swap3A_331 = arith.constant 32 : index
        %swap3A_332 = tpu.vector_load %arg12[%swap3A_328, %swap3A_329, %swap3A_330, %swap3A_331] {strides = array<i32>} : memref<2x2x80x128xf32, #tpu.memory_space<vmem>>, vector<1x1x1x16xf32>,
        %swap3A_333 = vector.shape_cast %swap3A_332 : vector<1x1x1x16xf32> to vector<16xf32>
        %swap3A_334 = vector.shape_cast %add3A_325 : vector<16xf32> to vector<1x1x1x16xf32>
        tpu.vector_store %arg12[%swap3A_328, %swap3A_329, %swap3A_330, %swap3A_331], %swap3A_334 {strides = array<i32>} : memref<2x2x80x128xf32, #tpu.memory_space<vmem>>, vector<1x1x1x16xf32>,
        %get3A_335 = arith.constant 0 : i32
        %get3A_336 = arith.constant 0 : i32
        %get3A_337 = arith.index_cast %get3A_335 : i32 to index
        %get3A_338 = arith.index_cast %get3A_336 : i32 to index
        %get3A_339 = arith.index_cast %scan3A_258 : i32 to index
        %get3A_340 = arith.constant 48 : index
        %get3A_341 = tpu.vector_load %arg12[%get3A_337, %get3A_338, %get3A_339, %get3A_340] {strides = array<i32>} : memref<2x2x80x128xf32, #tpu.memory_space<vmem>>, vector<1x1x1x16xf32>,
        %get3A_342 = vector.shape_cast %get3A_341 : vector<1x1x1x16xf32> to vector<16xf32>
        %get3A_343 = arith.constant 0 : i32
        %get3A_344 = arith.constant 1 : i32
        %get3A_345 = arith.index_cast %get3A_343 : i32 to index
        %get3A_346 = arith.index_cast %get3A_344 : i32 to index
        %get3A_347 = arith.index_cast %scan3A_258 : i32 to index
        %get3A_348 = arith.constant 48 : index
        %get3A_349 = tpu.vector_load %arg12[%get3A_345, %get3A_346, %get3A_347, %get3A_348] {strides = array<i32>} : memref<2x2x80x128xf32, #tpu.memory_space<vmem>>, vector<1x1x1x16xf32>,
        %get3A_350 = vector.shape_cast %get3A_349 : vector<1x1x1x16xf32> to vector<16xf32>
        %add3A_351 = arith.addf %get3A_342, %get3A_350 : vector<16xf32>
        %swap3A_352 = arith.constant 0 : i32
        %swap3A_353 = arith.constant 0 : i32
        %swap3A_354 = arith.index_cast %swap3A_352 : i32 to index
        %swap3A_355 = arith.index_cast %swap3A_353 : i32 to index
        %swap3A_356 = arith.index_cast %scan3A_258 : i32 to index
        %swap3A_357 = arith.constant 48 : index
        %swap3A_358 = tpu.vector_load %arg12[%swap3A_354, %swap3A_355, %swap3A_356, %swap3A_357] {strides = array<i32>} : memref<2x2x80x128xf32, #tpu.memory_space<vmem>>, vector<1x1x1x16xf32>,
        %swap3A_359 = vector.shape_cast %swap3A_358 : vector<1x1x1x16xf32> to vector<16xf32>
        %swap3A_360 = vector.shape_cast %add3A_351 : vector<16xf32> to vector<1x1x1x16xf32>
        tpu.vector_store %arg12[%swap3A_354, %swap3A_355, %swap3A_356, %swap3A_357], %swap3A_360 {strides = array<i32>} : memref<2x2x80x128xf32, #tpu.memory_space<vmem>>, vector<1x1x1x16xf32>,
        %get3A_361 = arith.constant 0 : i32
        %get3A_362 = arith.constant 0 : i32
        %get3A_363 = arith.index_cast %get3A_361 : i32 to index
        %get3A_364 = arith.index_cast %get3A_362 : i32 to index
        %get3A_365 = arith.index_cast %scan3A_258 : i32 to index
        %get3A_366 = arith.constant 64 : index
        %get3A_367 = tpu.vector_load %arg12[%get3A_363, %get3A_364, %get3A_365, %get3A_366] {strides = array<i32>} : memref<2x2x80x128xf32, #tpu.memory_space<vmem>>, vector<1x1x1x16xf32>,
        %get3A_368 = vector.shape_cast %get3A_367 : vector<1x1x1x16xf32> to vector<16xf32>
        %get3A_369 = arith.constant 0 : i32
        %get3A_370 = arith.constant 1 : i32
        %get3A_371 = arith.index_cast %get3A_369 : i32 to index
        %get3A_372 = arith.index_cast %get3A_370 : i32 to index
        %get3A_373 = arith.index_cast %scan3A_258 : i32 to index
        %get3A_374 = arith.constant 64 : index
        %get3A_375 = tpu.vector_load %arg12[%get3A_371, %get3A_372, %get3A_373, %get3A_374] {strides = array<i32>} : memref<2x2x80x128xf32, #tpu.memory_space<vmem>>, vector<1x1x1x16xf32>,
        %get3A_376 = vector.shape_cast %get3A_375 : vector<1x1x1x16xf32> to vector<16xf32>
        %add3A_377 = arith.addf %get3A_368, %get3A_376 : vector<16xf32>
        %swap3A_378 = arith.constant 0 : i32
        %swap3A_379 = arith.constant 0 : i32
        %swap3A_380 = arith.index_cast %swap3A_378 : i32 to index
        %swap3A_381 = arith.index_cast %swap3A_379 : i32 to index
        %swap3A_382 = arith.index_cast %scan3A_258 : i32 to index
        %swap3A_383 = arith.constant 64 : index
        %swap3A_384 = tpu.vector_load %arg12[%swap3A_380, %swap3A_381, %swap3A_382, %swap3A_383] {strides = array<i32>} : memref<2x2x80x128xf32, #tpu.memory_space<vmem>>, vector<1x1x1x16xf32>,
        %swap3A_385 = vector.shape_cast %swap3A_384 : vector<1x1x1x16xf32> to vector<16xf32>
        %swap3A_386 = vector.shape_cast %add3A_377 : vector<16xf32> to vector<1x1x1x16xf32>
        tpu.vector_store %arg12[%swap3A_380, %swap3A_381, %swap3A_382, %swap3A_383], %swap3A_386 {strides = array<i32>} : memref<2x2x80x128xf32, #tpu.memory_space<vmem>>, vector<1x1x1x16xf32>,
        %get3A_387 = arith.constant 0 : i32
        %get3A_388 = arith.constant 0 : i32
        %get3A_389 = arith.index_cast %get3A_387 : i32 to index
        %get3A_390 = arith.index_cast %get3A_388 : i32 to index
        %get3A_391 = arith.index_cast %scan3A_258 : i32 to index
        %get3A_392 = arith.constant 80 : index
        %get3A_393 = tpu.vector_load %arg12[%get3A_389, %get3A_390, %get3A_391, %get3A_392] {strides = array<i32>} : memref<2x2x80x128xf32, #tpu.memory_space<vmem>>, vector<1x1x1x16xf32>,
        %get3A_394 = vector.shape_cast %get3A_393 : vector<1x1x1x16xf32> to vector<16xf32>
        %get3A_395 = arith.constant 0 : i32
        %get3A_396 = arith.constant 1 : i32
        %get3A_397 = arith.index_cast %get3A_395 : i32 to index
        %get3A_398 = arith.index_cast %get3A_396 : i32 to index
        %get3A_399 = arith.index_cast %scan3A_258 : i32 to index
        %get3A_400 = arith.constant 80 : index
        %get3A_401 = tpu.vector_load %arg12[%get3A_397, %get3A_398, %get3A_399, %get3A_400] {strides = array<i32>} : memref<2x2x80x128xf32, #tpu.memory_space<vmem>>, vector<1x1x1x16xf32>,
        %get3A_402 = vector.shape_cast %get3A_401 : vector<1x1x1x16xf32> to vector<16xf32>
        %add3A_403 = arith.addf %get3A_394, %get3A_402 : vector<16xf32>
        %swap3A_404 = arith.constant 0 : i32
        %swap3A_405 = arith.constant 0 : i32
        %swap3A_406 = arith.index_cast %swap3A_404 : i32 to index
        %swap3A_407 = arith.index_cast %swap3A_405 : i32 to index
        %swap3A_408 = arith.index_cast %scan3A_258 : i32 to index
        %swap3A_409 = arith.constant 80 : index
        %swap3A_410 = tpu.vector_load %arg12[%swap3A_406, %swap3A_407, %swap3A_408, %swap3A_409] {strides = array<i32>} : memref<2x2x80x128xf32, #tpu.memory_space<vmem>>, vector<1x1x1x16xf32>,
        %swap3A_411 = vector.shape_cast %swap3A_410 : vector<1x1x1x16xf32> to vector<16xf32>
        %swap3A_412 = vector.shape_cast %add3A_403 : vector<16xf32> to vector<1x1x1x16xf32>
        tpu.vector_store %arg12[%swap3A_406, %swap3A_407, %swap3A_408, %swap3A_409], %swap3A_412 {strides = array<i32>} : memref<2x2x80x128xf32, #tpu.memory_space<vmem>>, vector<1x1x1x16xf32>,
        %get3A_413 = arith.constant 0 : i32
        %get3A_414 = arith.constant 0 : i32
        %get3A_415 = arith.index_cast %get3A_413 : i32 to index
        %get3A_416 = arith.index_cast %get3A_414 : i32 to index
        %get3A_417 = arith.index_cast %scan3A_258 : i32 to index
        %get3A_418 = arith.constant 96 : index
        %get3A_419 = tpu.vector_load %arg12[%get3A_415, %get3A_416, %get3A_417, %get3A_418] {strides = array<i32>} : memref<2x2x80x128xf32, #tpu.memory_space<vmem>>, vector<1x1x1x16xf32>,
        %get3A_420 = vector.shape_cast %get3A_419 : vector<1x1x1x16xf32> to vector<16xf32>
        %get3A_421 = arith.constant 0 : i32
        %get3A_422 = arith.constant 1 : i32
        %get3A_423 = arith.index_cast %get3A_421 : i32 to index
        %get3A_424 = arith.index_cast %get3A_422 : i32 to index
        %get3A_425 = arith.index_cast %scan3A_258 : i32 to index
        %get3A_426 = arith.constant 96 : index
        %get3A_427 = tpu.vector_load %arg12[%get3A_423, %get3A_424, %get3A_425, %get3A_426] {strides = array<i32>} : memref<2x2x80x128xf32, #tpu.memory_space<vmem>>, vector<1x1x1x16xf32>,
        %get3A_428 = vector.shape_cast %get3A_427 : vector<1x1x1x16xf32> to vector<16xf32>
        %add3A_429 = arith.addf %get3A_420, %get3A_428 : vector<16xf32>
        %swap3A_430 = arith.constant 0 : i32
        %swap3A_431 = arith.constant 0 : i32
        %swap3A_432 = arith.index_cast %swap3A_430 : i32 to index
        %swap3A_433 = arith.index_cast %swap3A_431 : i32 to index
        %swap3A_434 = arith.index_cast %scan3A_258 : i32 to index
        %swap3A_435 = arith.constant 96 : index
        %swap3A_436 = tpu.vector_load %arg12[%swap3A_432, %swap3A_433, %swap3A_434, %swap3A_435] {strides = array<i32>} : memref<2x2x80x128xf32, #tpu.memory_space<vmem>>, vector<1x1x1x16xf32>,
        %swap3A_437 = vector.shape_cast %swap3A_436 : vector<1x1x1x16xf32> to vector<16xf32>
        %swap3A_438 = vector.shape_cast %add3A_429 : vector<16xf32> to vector<1x1x1x16xf32>
        tpu.vector_store %arg12[%swap3A_432, %swap3A_433, %swap3A_434, %swap3A_435], %swap3A_438 {strides = array<i32>} : memref<2x2x80x128xf32, #tpu.memory_space<vmem>>, vector<1x1x1x16xf32>,
        %get3A_439 = arith.constant 0 : i32
        %get3A_440 = arith.constant 0 : i32
        %get3A_441 = arith.index_cast %get3A_439 : i32 to index
        %get3A_442 = arith.index_cast %get3A_440 : i32 to index
        %get3A_443 = arith.index_cast %scan3A_258 : i32 to index
        %get3A_444 = arith.constant 112 : index
        %get3A_445 = tpu.vector_load %arg12[%get3A_441, %get3A_442, %get3A_443, %get3A_444] {strides = array<i32>} : memref<2x2x80x128xf32, #tpu.memory_space<vmem>>, vector<1x1x1x16xf32>,
        %get3A_446 = vector.shape_cast %get3A_445 : vector<1x1x1x16xf32> to vector<16xf32>
        %get3A_447 = arith.constant 0 : i32
        %get3A_448 = arith.constant 1 : i32
        %get3A_449 = arith.index_cast %get3A_447 : i32 to index
        %get3A_450 = arith.index_cast %get3A_448 : i32 to index
        %get3A_451 = arith.index_cast %scan3A_258 : i32 to index
        %get3A_452 = arith.constant 112 : index
        %get3A_453 = tpu.vector_load %arg12[%get3A_449, %get3A_450, %get3A_451, %get3A_452] {strides = array<i32>} : memref<2x2x80x128xf32, #tpu.memory_space<vmem>>, vector<1x1x1x16xf32>,
        %get3A_454 = vector.shape_cast %get3A_453 : vector<1x1x1x16xf32> to vector<16xf32>
        %add3A_455 = arith.addf %get3A_446, %get3A_454 : vector<16xf32>
        %swap3A_456 = arith.constant 0 : i32
        %swap3A_457 = arith.constant 0 : i32
        %swap3A_458 = arith.index_cast %swap3A_456 : i32 to index
        %swap3A_459 = arith.index_cast %swap3A_457 : i32 to index
        %swap3A_460 = arith.index_cast %scan3A_258 : i32 to index
        %swap3A_461 = arith.constant 112 : index
        %swap3A_462 = tpu.vector_load %arg12[%swap3A_458, %swap3A_459, %swap3A_460, %swap3A_461] {strides = array<i32>} : memref<2x2x80x128xf32, #tpu.memory_space<vmem>>, vector<1x1x1x16xf32>,
        %swap3A_463 = vector.shape_cast %swap3A_462 : vector<1x1x1x16xf32> to vector<16xf32>
        %swap3A_464 = vector.shape_cast %add3A_455 : vector<16xf32> to vector<1x1x1x16xf32>
        tpu.vector_store %arg12[%swap3A_458, %swap3A_459, %swap3A_460, %swap3A_461], %swap3A_464 {strides = array<i32>} : memref<2x2x80x128xf32, #tpu.memory_space<vmem>>, vector<1x1x1x16xf32>,
      }
      %scan3A_173 = arith.constant 80 : i32
      %mul3A_174 = arith.constant 80 : i32
      %mul3A_175 = arith.muli %add3A_103, %mul3A_174 : i32
      %add3A_176 = arith.addi %mul3A_23, %mul3A_175 : i32
      %run_scoped3A_177 = arith.constant 0 : i32
      %run_scoped3A_178 = arith.constant 0 : i32
      "tpu.region"() ({
        %run_scoped3A_258 = tpu.sem_alloc : memref<!tpu.dma_semaphore, #tpu.memory_space<semaphore_mem>>
        %dma_start3A_259 = arith.constant 0 : i32
        %dma_start3A_260 = arith.constant 0 : i32
        %dma_start3A_261 = tpu.memref_slice %arg12[%run_scoped3A_177, %run_scoped3A_178, %dma_start3A_259, %dma_start3A_260] : memref<2x2x80x128xf32, #tpu.memory_space<vmem>> -> memref<1x1x80x128xf32, #tpu.memory_space<vmem>>
        %dma_start3A_262 = tpu.memref_squeeze %dma_start3A_261 : memref<1x1x80x128xf32, #tpu.memory_space<vmem>> -> memref<80x128xf32, #tpu.memory_space<vmem>>
        %dma_start3A_263 = arith.constant 0 : i32
        %dma_start3A_264 = tpu.memref_slice %arg8[%add3A_176, %dma_start3A_263] : memref<320000x128xf32, #tpu.memory_space<hbm>> -> memref<80x128xf32, #tpu.memory_space<hbm>>
        %dma_start3A_265 = arith.constant 0 : i32
        %dma_start3A_266 = tpu.memref_slice %arg8[%add3A_176, %dma_start3A_265] : memref<320000x128xf32, #tpu.memory_space<hbm>> -> memref<80x128xf32, #tpu.memory_space<hbm>>
        %dma_start3A_267 = arith.constant 0 : i32
        %dma_start3A_268 = arith.constant 0 : i32
        %dma_start3A_269 = tpu.memref_slice %arg12[%run_scoped3A_177, %run_scoped3A_178, %dma_start3A_267, %dma_start3A_268] : memref<2x2x80x128xf32, #tpu.memory_space<vmem>> -> memref<1x1x80x128xf32, #tpu.memory_space<vmem>>
        %dma_start3A_270 = tpu.memref_squeeze %dma_start3A_269 : memref<1x1x80x128xf32, #tpu.memory_space<vmem>> -> memref<80x128xf32, #tpu.memory_space<vmem>>
        tpu.enqueue_dma source(%dma_start3A_270 : memref<80x128xf32, #tpu.memory_space<vmem>>) target(%dma_start3A_266 : memref<80x128xf32, #tpu.memory_space<hbm>>) target_semaphore(%run_scoped3A_258 : memref<!tpu.dma_semaphore, #tpu.memory_space<semaphore_mem>>)
        %dma_wait3A_271 = arith.constant 0 : i32
        %dma_wait3A_272 = arith.constant 0 : i32
        %dma_wait3A_273 = tpu.memref_slice %arg12[%run_scoped3A_177, %run_scoped3A_178, %dma_wait3A_271, %dma_wait3A_272] : memref<2x2x80x128xf32, #tpu.memory_space<vmem>> -> memref<1x1x80x128xf32, #tpu.memory_space<vmem>>
        %dma_wait3A_274 = tpu.memref_squeeze %dma_wait3A_273 : memref<1x1x80x128xf32, #tpu.memory_space<vmem>> -> memref<80x128xf32, #tpu.memory_space<vmem>>
        %dma_wait3A_275 = arith.constant 0 : i32
        %dma_wait3A_276 = tpu.memref_slice %arg8[%add3A_176, %dma_wait3A_275] : memref<320000x128xf32, #tpu.memory_space<hbm>> -> memref<80x128xf32, #tpu.memory_space<hbm>>
        %dma_wait3A_277 = arith.constant 0 : i32
        %dma_wait3A_278 = tpu.memref_slice %arg8[%add3A_176, %dma_wait3A_277] : memref<320000x128xf32, #tpu.memory_space<hbm>> -> memref<80x128xf32, #tpu.memory_space<hbm>>
        %dma_wait3A_279 = arith.constant 0 : i32
        %dma_wait3A_280 = arith.constant 0 : i32
        %dma_wait3A_281 = tpu.memref_slice %arg12[%run_scoped3A_177, %run_scoped3A_178, %dma_wait3A_279, %dma_wait3A_280] : memref<2x2x80x128xf32, #tpu.memory_space<vmem>> -> memref<1x1x80x128xf32, #tpu.memory_space<vmem>>
        %dma_wait3A_282 = tpu.memref_squeeze %dma_wait3A_281 : memref<1x1x80x128xf32, #tpu.memory_space<vmem>> -> memref<80x128xf32, #tpu.memory_space<vmem>>
        tpu.wait_dma2 semaphore(%run_scoped3A_258 : memref<!tpu.dma_semaphore, #tpu.memory_space<semaphore_mem>>) src(%dma_wait3A_282 : memref<80x128xf32, #tpu.memory_space<vmem>>) dst(%dma_wait3A_278 : memref<80x128xf32, #tpu.memory_space<hbm>>)
        tpu.yield
      }) : () -> ()
      %mul3A_179 = arith.constant 2 : i32
      %mul3A_180 = arith.muli %scan3A_99, %mul3A_179 : i32
      %add3A_181 = arith.constant 1 : i32
      %add3A_182 = arith.addi %mul3A_180, %add3A_181 : i32
      %add3A_183 = arith.constant 1 : i32
      %add3A_184 = arith.addi %add3A_182, %add3A_183 : i32
      %mul3A_185 = arith.constant 80 : i32
      %mul3A_186 = arith.muli %add3A_184, %mul3A_185 : i32
      %add3A_187 = arith.addi %mul3A_23, %mul3A_186 : i32
      %run_scoped3A_188 = arith.constant 0 : i32
      %run_scoped3A_189 = arith.constant 0 : i32
      "tpu.region"() ({
        %run_scoped3A_258 = tpu.sem_alloc : memref<!tpu.dma_semaphore, #tpu.memory_space<semaphore_mem>>
        %dma_start3A_259 = arith.constant 0 : i32
        %dma_start3A_260 = tpu.memref_slice %arg11[%run_scoped3A_188, %run_scoped3A_189, %dma_start3A_259] : memref<2x2x80xi32, #tpu.memory_space<vmem>> -> memref<1x1x80xi32, #tpu.memory_space<vmem>>
        %dma_start3A_261 = tpu.memref_squeeze %dma_start3A_260 : memref<1x1x80xi32, #tpu.memory_space<vmem>> -> memref<80xi32, #tpu.memory_space<vmem>>
        %dma_start3A_262 = tpu.memref_slice %arg3[%add3A_187] : memref<320000xi32, #tpu.memory_space<hbm>> -> memref<80xi32, #tpu.memory_space<hbm>>
        %dma_start3A_263 = arith.constant 0 : i32
        %dma_start3A_264 = tpu.memref_slice %arg11[%run_scoped3A_188, %run_scoped3A_189, %dma_start3A_263] : memref<2x2x80xi32, #tpu.memory_space<vmem>> -> memref<1x1x80xi32, #tpu.memory_space<vmem>>
        %dma_start3A_265 = tpu.memref_squeeze %dma_start3A_264 : memref<1x1x80xi32, #tpu.memory_space<vmem>> -> memref<80xi32, #tpu.memory_space<vmem>>
        %dma_start3A_266 = tpu.memref_slice %arg3[%add3A_187] : memref<320000xi32, #tpu.memory_space<hbm>> -> memref<80xi32, #tpu.memory_space<hbm>>
        tpu.enqueue_dma source(%dma_start3A_266 : memref<80xi32, #tpu.memory_space<hbm>>) target(%dma_start3A_265 : memref<80xi32, #tpu.memory_space<vmem>>) target_semaphore(%run_scoped3A_258 : memref<!tpu.dma_semaphore, #tpu.memory_space<semaphore_mem>>)
        %dma_wait3A_267 = arith.constant 0 : i32
        %dma_wait3A_268 = tpu.memref_slice %arg11[%run_scoped3A_188, %run_scoped3A_189, %dma_wait3A_267] : memref<2x2x80xi32, #tpu.memory_space<vmem>> -> memref<1x1x80xi32, #tpu.memory_space<vmem>>
        %dma_wait3A_269 = tpu.memref_squeeze %dma_wait3A_268 : memref<1x1x80xi32, #tpu.memory_space<vmem>> -> memref<80xi32, #tpu.memory_space<vmem>>
        %dma_wait3A_270 = tpu.memref_slice %arg3[%add3A_187] : memref<320000xi32, #tpu.memory_space<hbm>> -> memref<80xi32, #tpu.memory_space<hbm>>
        %dma_wait3A_271 = arith.constant 0 : i32
        %dma_wait3A_272 = tpu.memref_slice %arg11[%run_scoped3A_188, %run_scoped3A_189, %dma_wait3A_271] : memref<2x2x80xi32, #tpu.memory_space<vmem>> -> memref<1x1x80xi32, #tpu.memory_space<vmem>>
        %dma_wait3A_273 = tpu.memref_squeeze %dma_wait3A_272 : memref<1x1x80xi32, #tpu.memory_space<vmem>> -> memref<80xi32, #tpu.memory_space<vmem>>
        %dma_wait3A_274 = tpu.memref_slice %arg3[%add3A_187] : memref<320000xi32, #tpu.memory_space<hbm>> -> memref<80xi32, #tpu.memory_space<hbm>>
        tpu.wait_dma2 semaphore(%run_scoped3A_258 : memref<!tpu.dma_semaphore, #tpu.memory_space<semaphore_mem>>) src(%dma_wait3A_274 : memref<80xi32, #tpu.memory_space<hbm>>) dst(%dma_wait3A_273 : memref<80xi32, #tpu.memory_space<vmem>>)
        tpu.yield
      }) : () -> ()
      %run_scoped3A_190 = arith.constant 0 : i32
      %run_scoped3A_191 = arith.constant 1 : i32
      "tpu.region"() ({
        %run_scoped3A_258 = tpu.sem_alloc : memref<!tpu.dma_semaphore, #tpu.memory_space<semaphore_mem>>
        %dma_start3A_259 = arith.constant 0 : i32
        %dma_start3A_260 = tpu.memref_slice %arg11[%run_scoped3A_190, %run_scoped3A_191, %dma_start3A_259] : memref<2x2x80xi32, #tpu.memory_space<vmem>> -> memref<1x1x80xi32, #tpu.memory_space<vmem>>
        %dma_start3A_261 = tpu.memref_squeeze %dma_start3A_260 : memref<1x1x80xi32, #tpu.memory_space<vmem>> -> memref<80xi32, #tpu.memory_space<vmem>>
        %dma_start3A_262 = tpu.memref_slice %arg4[%add3A_187] : memref<320000xi32, #tpu.memory_space<hbm>> -> memref<80xi32, #tpu.memory_space<hbm>>
        %dma_start3A_263 = arith.constant 0 : i32
        %dma_start3A_264 = tpu.memref_slice %arg11[%run_scoped3A_190, %run_scoped3A_191, %dma_start3A_263] : memref<2x2x80xi32, #tpu.memory_space<vmem>> -> memref<1x1x80xi32, #tpu.memory_space<vmem>>
        %dma_start3A_265 = tpu.memref_squeeze %dma_start3A_264 : memref<1x1x80xi32, #tpu.memory_space<vmem>> -> memref<80xi32, #tpu.memory_space<vmem>>
        %dma_start3A_266 = tpu.memref_slice %arg4[%add3A_187] : memref<320000xi32, #tpu.memory_space<hbm>> -> memref<80xi32, #tpu.memory_space<hbm>>
        tpu.enqueue_dma source(%dma_start3A_266 : memref<80xi32, #tpu.memory_space<hbm>>) target(%dma_start3A_265 : memref<80xi32, #tpu.memory_space<vmem>>) target_semaphore(%run_scoped3A_258 : memref<!tpu.dma_semaphore, #tpu.memory_space<semaphore_mem>>)
        %dma_wait3A_267 = arith.constant 0 : i32
        %dma_wait3A_268 = tpu.memref_slice %arg11[%run_scoped3A_190, %run_scoped3A_191, %dma_wait3A_267] : memref<2x2x80xi32, #tpu.memory_space<vmem>> -> memref<1x1x80xi32, #tpu.memory_space<vmem>>
        %dma_wait3A_269 = tpu.memref_squeeze %dma_wait3A_268 : memref<1x1x80xi32, #tpu.memory_space<vmem>> -> memref<80xi32, #tpu.memory_space<vmem>>
        %dma_wait3A_270 = tpu.memref_slice %arg4[%add3A_187] : memref<320000xi32, #tpu.memory_space<hbm>> -> memref<80xi32, #tpu.memory_space<hbm>>
        %dma_wait3A_271 = arith.constant 0 : i32
        %dma_wait3A_272 = tpu.memref_slice %arg11[%run_scoped3A_190, %run_scoped3A_191, %dma_wait3A_271] : memref<2x2x80xi32, #tpu.memory_space<vmem>> -> memref<1x1x80xi32, #tpu.memory_space<vmem>>
        %dma_wait3A_273 = tpu.memref_squeeze %dma_wait3A_272 : memref<1x1x80xi32, #tpu.memory_space<vmem>> -> memref<80xi32, #tpu.memory_space<vmem>>
        %dma_wait3A_274 = tpu.memref_slice %arg4[%add3A_187] : memref<320000xi32, #tpu.memory_space<hbm>> -> memref<80xi32, #tpu.memory_space<hbm>>
        tpu.wait_dma2 semaphore(%run_scoped3A_258 : memref<!tpu.dma_semaphore, #tpu.memory_space<semaphore_mem>>) src(%dma_wait3A_274 : memref<80xi32, #tpu.memory_space<hbm>>) dst(%dma_wait3A_273 : memref<80xi32, #tpu.memory_space<vmem>>)
        tpu.yield
      }) : () -> ()
      %dma_start3A_192 = arith.constant 0 : i32
      %dma_start3A_193 = arith.constant 0 : i32
      %dma_start3A_194 = arith.constant 0 : i32
      %dma_start3A_195 = arith.constant 0 : i32
      %dma_start3A_196 = arith.constant 0 : i32
      %dma_start3A_197 = arith.constant 0 : i32
      %dma_start3A_198 = tpu.memref_slice %arg12[%dma_start3A_194, %dma_start3A_195, %dma_start3A_196, %dma_start3A_197] : memref<2x2x80x128xf32, #tpu.memory_space<vmem>> -> memref<1x1x80x128xf32, #tpu.memory_space<vmem>>
      %dma_start3A_199 = tpu.memref_squeeze %dma_start3A_198 : memref<1x1x80x128xf32, #tpu.memory_space<vmem>> -> memref<80x128xf32, #tpu.memory_space<vmem>>
      %dma_start3A_200 = arith.constant 0 : i32
      %dma_start3A_201 = tpu.memref_slice %arg11[%dma_start3A_192, %dma_start3A_193, %dma_start3A_200] : memref<2x2x80xi32, #tpu.memory_space<vmem>> -> memref<1x1x80xi32, #tpu.memory_space<vmem>>
      %dma_start3A_202 = tpu.memref_squeeze %dma_start3A_201 : memref<1x1x80xi32, #tpu.memory_space<vmem>> -> memref<80xi32, #tpu.memory_space<vmem>>
      %dma_start3A_203 = arith.constant 0 : i32
      %dma_start3A_204 = arith.constant 0 : i32
      %dma_start3A_205 = tpu.memref_slice %arg6[%dma_start3A_203, %dma_start3A_204] : memref<218x128xf32, #tpu.memory_space<hbm>> -> memref<218x128xf32, #tpu.memory_space<hbm>>
      tpu.enqueue_indirect_dma source(%dma_start3A_205 : memref<218x128xf32, #tpu.memory_space<hbm>>) target(%dma_start3A_199 : memref<80x128xf32, #tpu.memory_space<vmem>>) offsets(%dma_start3A_202 : memref<80xi32, #tpu.memory_space<vmem>>) semaphore(%arg13 : memref<!tpu.dma_semaphore, #tpu.memory_space<semaphore_mem>>)
      %dma_start3A_206 = arith.constant 0 : i32
      %dma_start3A_207 = arith.constant 1 : i32
      %dma_start3A_208 = arith.constant 0 : i32
      %dma_start3A_209 = arith.constant 1 : i32
      %dma_start3A_210 = arith.constant 0 : i32
      %dma_start3A_211 = arith.constant 0 : i32
      %dma_start3A_212 = tpu.memref_slice %arg12[%dma_start3A_208, %dma_start3A_209, %dma_start3A_210, %dma_start3A_211] : memref<2x2x80x128xf32, #tpu.memory_space<vmem>> -> memref<1x1x80x128xf32, #tpu.memory_space<vmem>>
      %dma_start3A_213 = tpu.memref_squeeze %dma_start3A_212 : memref<1x1x80x128xf32, #tpu.memory_space<vmem>> -> memref<80x128xf32, #tpu.memory_space<vmem>>
      %dma_start3A_214 = arith.constant 0 : i32
      %dma_start3A_215 = tpu.memref_slice %arg11[%dma_start3A_206, %dma_start3A_207, %dma_start3A_214] : memref<2x2x80xi32, #tpu.memory_space<vmem>> -> memref<1x1x80xi32, #tpu.memory_space<vmem>>
      %dma_start3A_216 = tpu.memref_squeeze %dma_start3A_215 : memref<1x1x80xi32, #tpu.memory_space<vmem>> -> memref<80xi32, #tpu.memory_space<vmem>>
      %dma_start3A_217 = arith.constant 0 : i32
      %dma_start3A_218 = arith.constant 0 : i32
      %dma_start3A_219 = tpu.memref_slice %arg6[%dma_start3A_217, %dma_start3A_218] : memref<218x128xf32, #tpu.memory_space<hbm>> -> memref<218x128xf32, #tpu.memory_space<hbm>>
      tpu.enqueue_indirect_dma source(%dma_start3A_219 : memref<218x128xf32, #tpu.memory_space<hbm>>) target(%dma_start3A_213 : memref<80x128xf32, #tpu.memory_space<vmem>>) offsets(%dma_start3A_216 : memref<80xi32, #tpu.memory_space<vmem>>) semaphore(%arg13 : memref<!tpu.dma_semaphore, #tpu.memory_space<semaphore_mem>>)
      %dma_wait3A_220 = arith.constant 1 : i32
      %dma_wait3A_221 = arith.constant 0 : i32
      %dma_wait3A_222 = arith.constant 1 : i32
      %dma_wait3A_223 = arith.constant 0 : i32
      %dma_wait3A_224 = arith.constant 0 : i32
      %dma_wait3A_225 = arith.constant 0 : i32
      %dma_wait3A_226 = tpu.memref_slice %arg12[%dma_wait3A_222, %dma_wait3A_223, %dma_wait3A_224, %dma_wait3A_225] : memref<2x2x80x128xf32, #tpu.memory_space<vmem>> -> memref<1x1x80x128xf32, #tpu.memory_space<vmem>>
      %dma_wait3A_227 = tpu.memref_squeeze %dma_wait3A_226 : memref<1x1x80x128xf32, #tpu.memory_space<vmem>> -> memref<80x128xf32, #tpu.memory_space<vmem>>
      %dma_wait3A_228 = arith.constant 0 : i32
      %dma_wait3A_229 = tpu.memref_slice %arg11[%dma_wait3A_220, %dma_wait3A_221, %dma_wait3A_228] : memref<2x2x80xi32, #tpu.memory_space<vmem>> -> memref<1x1x80xi32, #tpu.memory_space<vmem>>
      %dma_wait3A_230 = tpu.memref_squeeze %dma_wait3A_229 : memref<1x1x80xi32, #tpu.memory_space<vmem>> -> memref<80xi32, #tpu.memory_space<vmem>>
      %dma_wait3A_231 = arith.constant 0 : i32
      %dma_wait3A_232 = arith.constant 0 : i32
      %dma_wait3A_233 = tpu.memref_slice %arg6[%dma_wait3A_231, %dma_wait3A_232] : memref<218x128xf32, #tpu.memory_space<hbm>> -> memref<218x128xf32, #tpu.memory_space<hbm>>
      tpu.wait_indirect_dma semaphore(%arg14 : memref<!tpu.dma_semaphore, #tpu.memory_space<semaphore_mem>>) src(%dma_wait3A_233 : memref<218x128xf32, #tpu.memory_space<hbm>>) dst(%dma_wait3A_227 : memref<80x128xf32, #tpu.memory_space<vmem>>)
      %dma_wait3A_234 = arith.constant 1 : i32
      %dma_wait3A_235 = arith.constant 1 : i32
      %dma_wait3A_236 = arith.constant 1 : i32
      %dma_wait3A_237 = arith.constant 1 : i32
      %dma_wait3A_238 = arith.constant 0 : i32
      %dma_wait3A_239 = arith.constant 0 : i32
      %dma_wait3A_240 = tpu.memref_slice %arg12[%dma_wait3A_236, %dma_wait3A_237, %dma_wait3A_238, %dma_wait3A_239] : memref<2x2x80x128xf32, #tpu.memory_space<vmem>> -> memref<1x1x80x128xf32, #tpu.memory_space<vmem>>
      %dma_wait3A_241 = tpu.memref_squeeze %dma_wait3A_240 : memref<1x1x80x128xf32, #tpu.memory_space<vmem>> -> memref<80x128xf32, #tpu.memory_space<vmem>>
      %dma_wait3A_242 = arith.constant 0 : i32
      %dma_wait3A_243 = tpu.memref_slice %arg11[%dma_wait3A_234, %dma_wait3A_235, %dma_wait3A_242] : memref<2x2x80xi32, #tpu.memory_space<vmem>> -> memref<1x1x80xi32, #tpu.memory_space<vmem>>
      %dma_wait3A_244 = tpu.memref_squeeze %dma_wait3A_243 : memref<1x1x80xi32, #tpu.memory_space<vmem>> -> memref<80xi32, #tpu.memory_space<vmem>>
      %dma_wait3A_245 = arith.constant 0 : i32
      %dma_wait3A_246 = arith.constant 0 : i32
      %dma_wait3A_247 = tpu.memref_slice %arg6[%dma_wait3A_245, %dma_wait3A_246] : memref<218x128xf32, #tpu.memory_space<hbm>> -> memref<218x128xf32, #tpu.memory_space<hbm>>
      tpu.wait_indirect_dma semaphore(%arg14 : memref<!tpu.dma_semaphore, #tpu.memory_space<semaphore_mem>>) src(%dma_wait3A_247 : memref<218x128xf32, #tpu.memory_space<hbm>>) dst(%dma_wait3A_241 : memref<80x128xf32, #tpu.memory_space<vmem>>)
      %scan3A_248 = arith.constant 0 : i32
      %scan3A_249 = arith.constant 80 : i32
      %scan3A_250 = arith.addi %scan3A_248, %scan3A_249 : i32
      %scan3A_251 = arith.constant 1 : i32
      scf.for %scan3A_258 = %scan3A_248 to %scan3A_250 step %scan3A_251  : i32 {
        %get3A = arith.constant 1 : i32
        %get3A_259 = arith.constant 0 : i32
        %get3A_260 = arith.index_cast %get3A : i32 to index
        %get3A_261 = arith.index_cast %get3A_259 : i32 to index
        %get3A_262 = arith.index_cast %scan3A_258 : i32 to index
        %get3A_263 = arith.constant 0 : index
        %get3A_264 = tpu.vector_load %arg12[%get3A_260, %get3A_261, %get3A_262, %get3A_263] {strides = array<i32>} : memref<2x2x80x128xf32, #tpu.memory_space<vmem>>, vector<1x1x1x16xf32>,
        %get3A_265 = vector.shape_cast %get3A_264 : vector<1x1x1x16xf32> to vector<16xf32>
        %get3A_266 = arith.constant 1 : i32
        %get3A_267 = arith.constant 1 : i32
        %get3A_268 = arith.index_cast %get3A_266 : i32 to index
        %get3A_269 = arith.index_cast %get3A_267 : i32 to index
        %get3A_270 = arith.index_cast %scan3A_258 : i32 to index
        %get3A_271 = arith.constant 0 : index
        %get3A_272 = tpu.vector_load %arg12[%get3A_268, %get3A_269, %get3A_270, %get3A_271] {strides = array<i32>} : memref<2x2x80x128xf32, #tpu.memory_space<vmem>>, vector<1x1x1x16xf32>,
        %get3A_273 = vector.shape_cast %get3A_272 : vector<1x1x1x16xf32> to vector<16xf32>
        %add3A_274 = arith.addf %get3A_265, %get3A_273 : vector<16xf32>
        %swap3A = arith.constant 1 : i32
        %swap3A_275 = arith.constant 0 : i32
        %swap3A_276 = arith.index_cast %swap3A : i32 to index
        %swap3A_277 = arith.index_cast %swap3A_275 : i32 to index
        %swap3A_278 = arith.index_cast %scan3A_258 : i32 to index
        %swap3A_279 = arith.constant 0 : index
        %swap3A_280 = tpu.vector_load %arg12[%swap3A_276, %swap3A_277, %swap3A_278, %swap3A_279] {strides = array<i32>} : memref<2x2x80x128xf32, #tpu.memory_space<vmem>>, vector<1x1x1x16xf32>,
        %swap3A_281 = vector.shape_cast %swap3A_280 : vector<1x1x1x16xf32> to vector<16xf32>
        %swap3A_282 = vector.shape_cast %add3A_274 : vector<16xf32> to vector<1x1x1x16xf32>
        tpu.vector_store %arg12[%swap3A_276, %swap3A_277, %swap3A_278, %swap3A_279], %swap3A_282 {strides = array<i32>} : memref<2x2x80x128xf32, #tpu.memory_space<vmem>>, vector<1x1x1x16xf32>,
        %get3A_283 = arith.constant 1 : i32
        %get3A_284 = arith.constant 0 : i32
        %get3A_285 = arith.index_cast %get3A_283 : i32 to index
        %get3A_286 = arith.index_cast %get3A_284 : i32 to index
        %get3A_287 = arith.index_cast %scan3A_258 : i32 to index
        %get3A_288 = arith.constant 16 : index
        %get3A_289 = tpu.vector_load %arg12[%get3A_285, %get3A_286, %get3A_287, %get3A_288] {strides = array<i32>} : memref<2x2x80x128xf32, #tpu.memory_space<vmem>>, vector<1x1x1x16xf32>,
        %get3A_290 = vector.shape_cast %get3A_289 : vector<1x1x1x16xf32> to vector<16xf32>
        %get3A_291 = arith.constant 1 : i32
        %get3A_292 = arith.constant 1 : i32
        %get3A_293 = arith.index_cast %get3A_291 : i32 to index
        %get3A_294 = arith.index_cast %get3A_292 : i32 to index
        %get3A_295 = arith.index_cast %scan3A_258 : i32 to index
        %get3A_296 = arith.constant 16 : index
        %get3A_297 = tpu.vector_load %arg12[%get3A_293, %get3A_294, %get3A_295, %get3A_296] {strides = array<i32>} : memref<2x2x80x128xf32, #tpu.memory_space<vmem>>, vector<1x1x1x16xf32>,
        %get3A_298 = vector.shape_cast %get3A_297 : vector<1x1x1x16xf32> to vector<16xf32>
        %add3A_299 = arith.addf %get3A_290, %get3A_298 : vector<16xf32>
        %swap3A_300 = arith.constant 1 : i32
        %swap3A_301 = arith.constant 0 : i32
        %swap3A_302 = arith.index_cast %swap3A_300 : i32 to index
        %swap3A_303 = arith.index_cast %swap3A_301 : i32 to index
        %swap3A_304 = arith.index_cast %scan3A_258 : i32 to index
        %swap3A_305 = arith.constant 16 : index
        %swap3A_306 = tpu.vector_load %arg12[%swap3A_302, %swap3A_303, %swap3A_304, %swap3A_305] {strides = array<i32>} : memref<2x2x80x128xf32, #tpu.memory_space<vmem>>, vector<1x1x1x16xf32>,
        %swap3A_307 = vector.shape_cast %swap3A_306 : vector<1x1x1x16xf32> to vector<16xf32>
        %swap3A_308 = vector.shape_cast %add3A_299 : vector<16xf32> to vector<1x1x1x16xf32>
        tpu.vector_store %arg12[%swap3A_302, %swap3A_303, %swap3A_304, %swap3A_305], %swap3A_308 {strides = array<i32>} : memref<2x2x80x128xf32, #tpu.memory_space<vmem>>, vector<1x1x1x16xf32>,
        %get3A_309 = arith.constant 1 : i32
        %get3A_310 = arith.constant 0 : i32
        %get3A_311 = arith.index_cast %get3A_309 : i32 to index
        %get3A_312 = arith.index_cast %get3A_310 : i32 to index
        %get3A_313 = arith.index_cast %scan3A_258 : i32 to index
        %get3A_314 = arith.constant 32 : index
        %get3A_315 = tpu.vector_load %arg12[%get3A_311, %get3A_312, %get3A_313, %get3A_314] {strides = array<i32>} : memref<2x2x80x128xf32, #tpu.memory_space<vmem>>, vector<1x1x1x16xf32>,
        %get3A_316 = vector.shape_cast %get3A_315 : vector<1x1x1x16xf32> to vector<16xf32>
        %get3A_317 = arith.constant 1 : i32
        %get3A_318 = arith.constant 1 : i32
        %get3A_319 = arith.index_cast %get3A_317 : i32 to index
        %get3A_320 = arith.index_cast %get3A_318 : i32 to index
        %get3A_321 = arith.index_cast %scan3A_258 : i32 to index
        %get3A_322 = arith.constant 32 : index
        %get3A_323 = tpu.vector_load %arg12[%get3A_319, %get3A_320, %get3A_321, %get3A_322] {strides = array<i32>} : memref<2x2x80x128xf32, #tpu.memory_space<vmem>>, vector<1x1x1x16xf32>,
        %get3A_324 = vector.shape_cast %get3A_323 : vector<1x1x1x16xf32> to vector<16xf32>
        %add3A_325 = arith.addf %get3A_316, %get3A_324 : vector<16xf32>
        %swap3A_326 = arith.constant 1 : i32
        %swap3A_327 = arith.constant 0 : i32
        %swap3A_328 = arith.index_cast %swap3A_326 : i32 to index
        %swap3A_329 = arith.index_cast %swap3A_327 : i32 to index
        %swap3A_330 = arith.index_cast %scan3A_258 : i32 to index
        %swap3A_331 = arith.constant 32 : index
        %swap3A_332 = tpu.vector_load %arg12[%swap3A_328, %swap3A_329, %swap3A_330, %swap3A_331] {strides = array<i32>} : memref<2x2x80x128xf32, #tpu.memory_space<vmem>>, vector<1x1x1x16xf32>,
        %swap3A_333 = vector.shape_cast %swap3A_332 : vector<1x1x1x16xf32> to vector<16xf32>
        %swap3A_334 = vector.shape_cast %add3A_325 : vector<16xf32> to vector<1x1x1x16xf32>
        tpu.vector_store %arg12[%swap3A_328, %swap3A_329, %swap3A_330, %swap3A_331], %swap3A_334 {strides = array<i32>} : memref<2x2x80x128xf32, #tpu.memory_space<vmem>>, vector<1x1x1x16xf32>,
        %get3A_335 = arith.constant 1 : i32
        %get3A_336 = arith.constant 0 : i32
        %get3A_337 = arith.index_cast %get3A_335 : i32 to index
        %get3A_338 = arith.index_cast %get3A_336 : i32 to index
        %get3A_339 = arith.index_cast %scan3A_258 : i32 to index
        %get3A_340 = arith.constant 48 : index
        %get3A_341 = tpu.vector_load %arg12[%get3A_337, %get3A_338, %get3A_339, %get3A_340] {strides = array<i32>} : memref<2x2x80x128xf32, #tpu.memory_space<vmem>>, vector<1x1x1x16xf32>,
        %get3A_342 = vector.shape_cast %get3A_341 : vector<1x1x1x16xf32> to vector<16xf32>
        %get3A_343 = arith.constant 1 : i32
        %get3A_344 = arith.constant 1 : i32
        %get3A_345 = arith.index_cast %get3A_343 : i32 to index
        %get3A_346 = arith.index_cast %get3A_344 : i32 to index
        %get3A_347 = arith.index_cast %scan3A_258 : i32 to index
        %get3A_348 = arith.constant 48 : index
        %get3A_349 = tpu.vector_load %arg12[%get3A_345, %get3A_346, %get3A_347, %get3A_348] {strides = array<i32>} : memref<2x2x80x128xf32, #tpu.memory_space<vmem>>, vector<1x1x1x16xf32>,
        %get3A_350 = vector.shape_cast %get3A_349 : vector<1x1x1x16xf32> to vector<16xf32>
        %add3A_351 = arith.addf %get3A_342, %get3A_350 : vector<16xf32>
        %swap3A_352 = arith.constant 1 : i32
        %swap3A_353 = arith.constant 0 : i32
        %swap3A_354 = arith.index_cast %swap3A_352 : i32 to index
        %swap3A_355 = arith.index_cast %swap3A_353 : i32 to index
        %swap3A_356 = arith.index_cast %scan3A_258 : i32 to index
        %swap3A_357 = arith.constant 48 : index
        %swap3A_358 = tpu.vector_load %arg12[%swap3A_354, %swap3A_355, %swap3A_356, %swap3A_357] {strides = array<i32>} : memref<2x2x80x128xf32, #tpu.memory_space<vmem>>, vector<1x1x1x16xf32>,
        %swap3A_359 = vector.shape_cast %swap3A_358 : vector<1x1x1x16xf32> to vector<16xf32>
        %swap3A_360 = vector.shape_cast %add3A_351 : vector<16xf32> to vector<1x1x1x16xf32>
        tpu.vector_store %arg12[%swap3A_354, %swap3A_355, %swap3A_356, %swap3A_357], %swap3A_360 {strides = array<i32>} : memref<2x2x80x128xf32, #tpu.memory_space<vmem>>, vector<1x1x1x16xf32>,
        %get3A_361 = arith.constant 1 : i32
        %get3A_362 = arith.constant 0 : i32
        %get3A_363 = arith.index_cast %get3A_361 : i32 to index
        %get3A_364 = arith.index_cast %get3A_362 : i32 to index
        %get3A_365 = arith.index_cast %scan3A_258 : i32 to index
        %get3A_366 = arith.constant 64 : index
        %get3A_367 = tpu.vector_load %arg12[%get3A_363, %get3A_364, %get3A_365, %get3A_366] {strides = array<i32>} : memref<2x2x80x128xf32, #tpu.memory_space<vmem>>, vector<1x1x1x16xf32>,
        %get3A_368 = vector.shape_cast %get3A_367 : vector<1x1x1x16xf32> to vector<16xf32>
        %get3A_369 = arith.constant 1 : i32
        %get3A_370 = arith.constant 1 : i32
        %get3A_371 = arith.index_cast %get3A_369 : i32 to index
        %get3A_372 = arith.index_cast %get3A_370 : i32 to index
        %get3A_373 = arith.index_cast %scan3A_258 : i32 to index
        %get3A_374 = arith.constant 64 : index
        %get3A_375 = tpu.vector_load %arg12[%get3A_371, %get3A_372, %get3A_373, %get3A_374] {strides = array<i32>} : memref<2x2x80x128xf32, #tpu.memory_space<vmem>>, vector<1x1x1x16xf32>,
        %get3A_376 = vector.shape_cast %get3A_375 : vector<1x1x1x16xf32> to vector<16xf32>
        %add3A_377 = arith.addf %get3A_368, %get3A_376 : vector<16xf32>
        %swap3A_378 = arith.constant 1 : i32
        %swap3A_379 = arith.constant 0 : i32
        %swap3A_380 = arith.index_cast %swap3A_378 : i32 to index
        %swap3A_381 = arith.index_cast %swap3A_379 : i32 to index
        %swap3A_382 = arith.index_cast %scan3A_258 : i32 to index
        %swap3A_383 = arith.constant 64 : index
        %swap3A_384 = tpu.vector_load %arg12[%swap3A_380, %swap3A_381, %swap3A_382, %swap3A_383] {strides = array<i32>} : memref<2x2x80x128xf32, #tpu.memory_space<vmem>>, vector<1x1x1x16xf32>,
        %swap3A_385 = vector.shape_cast %swap3A_384 : vector<1x1x1x16xf32> to vector<16xf32>
        %swap3A_386 = vector.shape_cast %add3A_377 : vector<16xf32> to vector<1x1x1x16xf32>
        tpu.vector_store %arg12[%swap3A_380, %swap3A_381, %swap3A_382, %swap3A_383], %swap3A_386 {strides = array<i32>} : memref<2x2x80x128xf32, #tpu.memory_space<vmem>>, vector<1x1x1x16xf32>,
        %get3A_387 = arith.constant 1 : i32
        %get3A_388 = arith.constant 0 : i32
        %get3A_389 = arith.index_cast %get3A_387 : i32 to index
        %get3A_390 = arith.index_cast %get3A_388 : i32 to index
        %get3A_391 = arith.index_cast %scan3A_258 : i32 to index
        %get3A_392 = arith.constant 80 : index
        %get3A_393 = tpu.vector_load %arg12[%get3A_389, %get3A_390, %get3A_391, %get3A_392] {strides = array<i32>} : memref<2x2x80x128xf32, #tpu.memory_space<vmem>>, vector<1x1x1x16xf32>,
        %get3A_394 = vector.shape_cast %get3A_393 : vector<1x1x1x16xf32> to vector<16xf32>
        %get3A_395 = arith.constant 1 : i32
        %get3A_396 = arith.constant 1 : i32
        %get3A_397 = arith.index_cast %get3A_395 : i32 to index
        %get3A_398 = arith.index_cast %get3A_396 : i32 to index
        %get3A_399 = arith.index_cast %scan3A_258 : i32 to index
        %get3A_400 = arith.constant 80 : index
        %get3A_401 = tpu.vector_load %arg12[%get3A_397, %get3A_398, %get3A_399, %get3A_400] {strides = array<i32>} : memref<2x2x80x128xf32, #tpu.memory_space<vmem>>, vector<1x1x1x16xf32>,
        %get3A_402 = vector.shape_cast %get3A_401 : vector<1x1x1x16xf32> to vector<16xf32>
        %add3A_403 = arith.addf %get3A_394, %get3A_402 : vector<16xf32>
        %swap3A_404 = arith.constant 1 : i32
        %swap3A_405 = arith.constant 0 : i32
        %swap3A_406 = arith.index_cast %swap3A_404 : i32 to index
        %swap3A_407 = arith.index_cast %swap3A_405 : i32 to index
        %swap3A_408 = arith.index_cast %scan3A_258 : i32 to index
        %swap3A_409 = arith.constant 80 : index
        %swap3A_410 = tpu.vector_load %arg12[%swap3A_406, %swap3A_407, %swap3A_408, %swap3A_409] {strides = array<i32>} : memref<2x2x80x128xf32, #tpu.memory_space<vmem>>, vector<1x1x1x16xf32>,
        %swap3A_411 = vector.shape_cast %swap3A_410 : vector<1x1x1x16xf32> to vector<16xf32>
        %swap3A_412 = vector.shape_cast %add3A_403 : vector<16xf32> to vector<1x1x1x16xf32>
        tpu.vector_store %arg12[%swap3A_406, %swap3A_407, %swap3A_408, %swap3A_409], %swap3A_412 {strides = array<i32>} : memref<2x2x80x128xf32, #tpu.memory_space<vmem>>, vector<1x1x1x16xf32>,
        %get3A_413 = arith.constant 1 : i32
        %get3A_414 = arith.constant 0 : i32
        %get3A_415 = arith.index_cast %get3A_413 : i32 to index
        %get3A_416 = arith.index_cast %get3A_414 : i32 to index
        %get3A_417 = arith.index_cast %scan3A_258 : i32 to index
        %get3A_418 = arith.constant 96 : index
        %get3A_419 = tpu.vector_load %arg12[%get3A_415, %get3A_416, %get3A_417, %get3A_418] {strides = array<i32>} : memref<2x2x80x128xf32, #tpu.memory_space<vmem>>, vector<1x1x1x16xf32>,
        %get3A_420 = vector.shape_cast %get3A_419 : vector<1x1x1x16xf32> to vector<16xf32>
        %get3A_421 = arith.constant 1 : i32
        %get3A_422 = arith.constant 1 : i32
        %get3A_423 = arith.index_cast %get3A_421 : i32 to index
        %get3A_424 = arith.index_cast %get3A_422 : i32 to index
        %get3A_425 = arith.index_cast %scan3A_258 : i32 to index
        %get3A_426 = arith.constant 96 : index
        %get3A_427 = tpu.vector_load %arg12[%get3A_423, %get3A_424, %get3A_425, %get3A_426] {strides = array<i32>} : memref<2x2x80x128xf32, #tpu.memory_space<vmem>>, vector<1x1x1x16xf32>,
        %get3A_428 = vector.shape_cast %get3A_427 : vector<1x1x1x16xf32> to vector<16xf32>
        %add3A_429 = arith.addf %get3A_420, %get3A_428 : vector<16xf32>
        %swap3A_430 = arith.constant 1 : i32
        %swap3A_431 = arith.constant 0 : i32
        %swap3A_432 = arith.index_cast %swap3A_430 : i32 to index
        %swap3A_433 = arith.index_cast %swap3A_431 : i32 to index
        %swap3A_434 = arith.index_cast %scan3A_258 : i32 to index
        %swap3A_435 = arith.constant 96 : index
        %swap3A_436 = tpu.vector_load %arg12[%swap3A_432, %swap3A_433, %swap3A_434, %swap3A_435] {strides = array<i32>} : memref<2x2x80x128xf32, #tpu.memory_space<vmem>>, vector<1x1x1x16xf32>,
        %swap3A_437 = vector.shape_cast %swap3A_436 : vector<1x1x1x16xf32> to vector<16xf32>
        %swap3A_438 = vector.shape_cast %add3A_429 : vector<16xf32> to vector<1x1x1x16xf32>
        tpu.vector_store %arg12[%swap3A_432, %swap3A_433, %swap3A_434, %swap3A_435], %swap3A_438 {strides = array<i32>} : memref<2x2x80x128xf32, #tpu.memory_space<vmem>>, vector<1x1x1x16xf32>,
        %get3A_439 = arith.constant 1 : i32
        %get3A_440 = arith.constant 0 : i32
        %get3A_441 = arith.index_cast %get3A_439 : i32 to index
        %get3A_442 = arith.index_cast %get3A_440 : i32 to index
        %get3A_443 = arith.index_cast %scan3A_258 : i32 to index
        %get3A_444 = arith.constant 112 : index
        %get3A_445 = tpu.vector_load %arg12[%get3A_441, %get3A_442, %get3A_443, %get3A_444] {strides = array<i32>} : memref<2x2x80x128xf32, #tpu.memory_space<vmem>>, vector<1x1x1x16xf32>,
        %get3A_446 = vector.shape_cast %get3A_445 : vector<1x1x1x16xf32> to vector<16xf32>
        %get3A_447 = arith.constant 1 : i32
        %get3A_448 = arith.constant 1 : i32
        %get3A_449 = arith.index_cast %get3A_447 : i32 to index
        %get3A_450 = arith.index_cast %get3A_448 : i32 to index
        %get3A_451 = arith.index_cast %scan3A_258 : i32 to index
        %get3A_452 = arith.constant 112 : index
        %get3A_453 = tpu.vector_load %arg12[%get3A_449, %get3A_450, %get3A_451, %get3A_452] {strides = array<i32>} : memref<2x2x80x128xf32, #tpu.memory_space<vmem>>, vector<1x1x1x16xf32>,
        %get3A_454 = vector.shape_cast %get3A_453 : vector<1x1x1x16xf32> to vector<16xf32>
        %add3A_455 = arith.addf %get3A_446, %get3A_454 : vector<16xf32>
        %swap3A_456 = arith.constant 1 : i32
        %swap3A_457 = arith.constant 0 : i32
        %swap3A_458 = arith.index_cast %swap3A_456 : i32 to index
        %swap3A_459 = arith.index_cast %swap3A_457 : i32 to index
        %swap3A_460 = arith.index_cast %scan3A_258 : i32 to index
        %swap3A_461 = arith.constant 112 : index
        %swap3A_462 = tpu.vector_load %arg12[%swap3A_458, %swap3A_459, %swap3A_460, %swap3A_461] {strides = array<i32>} : memref<2x2x80x128xf32, #tpu.memory_space<vmem>>, vector<1x1x1x16xf32>,
        %swap3A_463 = vector.shape_cast %swap3A_462 : vector<1x1x1x16xf32> to vector<16xf32>
        %swap3A_464 = vector.shape_cast %add3A_455 : vector<16xf32> to vector<1x1x1x16xf32>
        tpu.vector_store %arg12[%swap3A_458, %swap3A_459, %swap3A_460, %swap3A_461], %swap3A_464 {strides = array<i32>} : memref<2x2x80x128xf32, #tpu.memory_space<vmem>>, vector<1x1x1x16xf32>,
      }
      %scan3A_252 = arith.constant 80 : i32
      %mul3A_253 = arith.constant 80 : i32
      %mul3A_254 = arith.muli %add3A_182, %mul3A_253 : i32
      %add3A_255 = arith.addi %mul3A_23, %mul3A_254 : i32
      %run_scoped3A_256 = arith.constant 1 : i32
      %run_scoped3A_257 = arith.constant 0 : i32
      "tpu.region"() ({
        %run_scoped3A_258 = tpu.sem_alloc : memref<!tpu.dma_semaphore, #tpu.memory_space<semaphore_mem>>
        %dma_start3A_259 = arith.constant 0 : i32
        %dma_start3A_260 = arith.constant 0 : i32
        %dma_start3A_261 = tpu.memref_slice %arg12[%run_scoped3A_256, %run_scoped3A_257, %dma_start3A_259, %dma_start3A_260] : memref<2x2x80x128xf32, #tpu.memory_space<vmem>> -> memref<1x1x80x128xf32, #tpu.memory_space<vmem>>
        %dma_start3A_262 = tpu.memref_squeeze %dma_start3A_261 : memref<1x1x80x128xf32, #tpu.memory_space<vmem>> -> memref<80x128xf32, #tpu.memory_space<vmem>>
        %dma_start3A_263 = arith.constant 0 : i32
        %dma_start3A_264 = tpu.memref_slice %arg8[%add3A_255, %dma_start3A_263] : memref<320000x128xf32, #tpu.memory_space<hbm>> -> memref<80x128xf32, #tpu.memory_space<hbm>>
        %dma_start3A_265 = arith.constant 0 : i32
        %dma_start3A_266 = tpu.memref_slice %arg8[%add3A_255, %dma_start3A_265] : memref<320000x128xf32, #tpu.memory_space<hbm>> -> memref<80x128xf32, #tpu.memory_space<hbm>>
        %dma_start3A_267 = arith.constant 0 : i32
        %dma_start3A_268 = arith.constant 0 : i32
        %dma_start3A_269 = tpu.memref_slice %arg12[%run_scoped3A_256, %run_scoped3A_257, %dma_start3A_267, %dma_start3A_268] : memref<2x2x80x128xf32, #tpu.memory_space<vmem>> -> memref<1x1x80x128xf32, #tpu.memory_space<vmem>>
        %dma_start3A_270 = tpu.memref_squeeze %dma_start3A_269 : memref<1x1x80x128xf32, #tpu.memory_space<vmem>> -> memref<80x128xf32, #tpu.memory_space<vmem>>
        tpu.enqueue_dma source(%dma_start3A_270 : memref<80x128xf32, #tpu.memory_space<vmem>>) target(%dma_start3A_266 : memref<80x128xf32, #tpu.memory_space<hbm>>) target_semaphore(%run_scoped3A_258 : memref<!tpu.dma_semaphore, #tpu.memory_space<semaphore_mem>>)
        %dma_wait3A_271 = arith.constant 0 : i32
        %dma_wait3A_272 = arith.constant 0 : i32
        %dma_wait3A_273 = tpu.memref_slice %arg12[%run_scoped3A_256, %run_scoped3A_257, %dma_wait3A_271, %dma_wait3A_272] : memref<2x2x80x128xf32, #tpu.memory_space<vmem>> -> memref<1x1x80x128xf32, #tpu.memory_space<vmem>>
        %dma_wait3A_274 = tpu.memref_squeeze %dma_wait3A_273 : memref<1x1x80x128xf32, #tpu.memory_space<vmem>> -> memref<80x128xf32, #tpu.memory_space<vmem>>
        %dma_wait3A_275 = arith.constant 0 : i32
        %dma_wait3A_276 = tpu.memref_slice %arg8[%add3A_255, %dma_wait3A_275] : memref<320000x128xf32, #tpu.memory_space<hbm>> -> memref<80x128xf32, #tpu.memory_space<hbm>>
        %dma_wait3A_277 = arith.constant 0 : i32
        %dma_wait3A_278 = tpu.memref_slice %arg8[%add3A_255, %dma_wait3A_277] : memref<320000x128xf32, #tpu.memory_space<hbm>> -> memref<80x128xf32, #tpu.memory_space<hbm>>
        %dma_wait3A_279 = arith.constant 0 : i32
        %dma_wait3A_280 = arith.constant 0 : i32
        %dma_wait3A_281 = tpu.memref_slice %arg12[%run_scoped3A_256, %run_scoped3A_257, %dma_wait3A_279, %dma_wait3A_280] : memref<2x2x80x128xf32, #tpu.memory_space<vmem>> -> memref<1x1x80x128xf32, #tpu.memory_space<vmem>>
        %dma_wait3A_282 = tpu.memref_squeeze %dma_wait3A_281 : memref<1x1x80x128xf32, #tpu.memory_space<vmem>> -> memref<80x128xf32, #tpu.memory_space<vmem>>
        tpu.wait_dma2 semaphore(%run_scoped3A_258 : memref<!tpu.dma_semaphore, #tpu.memory_space<semaphore_mem>>) src(%dma_wait3A_282 : memref<80x128xf32, #tpu.memory_space<vmem>>) dst(%dma_wait3A_278 : memref<80x128xf32, #tpu.memory_space<hbm>>)
        tpu.yield
      }) : () -> ()
    }
    %scan3A_62 = arith.constant 62 : i32
    %dma_wait3A = arith.constant 0 : i32
    %dma_wait3A_63 = arith.constant 0 : i32
    %dma_wait3A_64 = arith.constant 0 : i32
    %dma_wait3A_65 = arith.constant 0 : i32
    %dma_wait3A_66 = arith.constant 0 : i32
    %dma_wait3A_67 = arith.constant 0 : i32
    %dma_wait3A_68 = tpu.memref_slice %arg12[%dma_wait3A_64, %dma_wait3A_65, %dma_wait3A_66, %dma_wait3A_67] : memref<2x2x80x128xf32, #tpu.memory_space<vmem>> -> memref<1x1x80x128xf32, #tpu.memory_space<vmem>>
    %dma_wait3A_69 = tpu.memref_squeeze %dma_wait3A_68 : memref<1x1x80x128xf32, #tpu.memory_space<vmem>> -> memref<80x128xf32, #tpu.memory_space<vmem>>
    %dma_wait3A_70 = arith.constant 0 : i32
    %dma_wait3A_71 = tpu.memref_slice %arg11[%dma_wait3A, %dma_wait3A_63, %dma_wait3A_70] : memref<2x2x80xi32, #tpu.memory_space<vmem>> -> memref<1x1x80xi32, #tpu.memory_space<vmem>>
    %dma_wait3A_72 = tpu.memref_squeeze %dma_wait3A_71 : memref<1x1x80xi32, #tpu.memory_space<vmem>> -> memref<80xi32, #tpu.memory_space<vmem>>
    %dma_wait3A_73 = arith.constant 0 : i32
    %dma_wait3A_74 = arith.constant 0 : i32
    %dma_wait3A_75 = tpu.memref_slice %arg6[%dma_wait3A_73, %dma_wait3A_74] : memref<218x128xf32, #tpu.memory_space<hbm>> -> memref<218x128xf32, #tpu.memory_space<hbm>>
    tpu.wait_indirect_dma semaphore(%arg13 : memref<!tpu.dma_semaphore, #tpu.memory_space<semaphore_mem>>) src(%dma_wait3A_75 : memref<218x128xf32, #tpu.memory_space<hbm>>) dst(%dma_wait3A_69 : memref<80x128xf32, #tpu.memory_space<vmem>>)
    %dma_wait3A_76 = arith.constant 0 : i32
    %dma_wait3A_77 = arith.constant 1 : i32
    %dma_wait3A_78 = arith.constant 0 : i32
    %dma_wait3A_79 = arith.constant 1 : i32
    %dma_wait3A_80 = arith.constant 0 : i32
    %dma_wait3A_81 = arith.constant 0 : i32
    %dma_wait3A_82 = tpu.memref_slice %arg12[%dma_wait3A_78, %dma_wait3A_79, %dma_wait3A_80, %dma_wait3A_81] : memref<2x2x80x128xf32, #tpu.memory_space<vmem>> -> memref<1x1x80x128xf32, #tpu.memory_space<vmem>>
    %dma_wait3A_83 = tpu.memref_squeeze %dma_wait3A_82 : memref<1x1x80x128xf32, #tpu.memory_space<vmem>> -> memref<80x128xf32, #tpu.memory_space<vmem>>
    %dma_wait3A_84 = arith.constant 0 : i32
    %dma_wait3A_85 = tpu.memref_slice %arg11[%dma_wait3A_76, %dma_wait3A_77, %dma_wait3A_84] : memref<2x2x80xi32, #tpu.memory_space<vmem>> -> memref<1x1x80xi32, #tpu.memory_space<vmem>>
    %dma_wait3A_86 = tpu.memref_squeeze %dma_wait3A_85 : memref<1x1x80xi32, #tpu.memory_space<vmem>> -> memref<80xi32, #tpu.memory_space<vmem>>
    %dma_wait3A_87 = arith.constant 0 : i32
    %dma_wait3A_88 = arith.constant 0 : i32
    %dma_wait3A_89 = tpu.memref_slice %arg6[%dma_wait3A_87, %dma_wait3A_88] : memref<218x128xf32, #tpu.memory_space<hbm>> -> memref<218x128xf32, #tpu.memory_space<hbm>>
    tpu.wait_indirect_dma semaphore(%arg13 : memref<!tpu.dma_semaphore, #tpu.memory_space<semaphore_mem>>) src(%dma_wait3A_89 : memref<218x128xf32, #tpu.memory_space<hbm>>) dst(%dma_wait3A_83 : memref<80x128xf32, #tpu.memory_space<vmem>>)
    %scan3A_90 = arith.constant 0 : i32
    %scan3A_91 = arith.constant 80 : i32
    %scan3A_92 = arith.addi %scan3A_90, %scan3A_91 : i32
    %scan3A_93 = arith.constant 1 : i32
    scf.for %scan3A_99 = %scan3A_90 to %scan3A_92 step %scan3A_93  : i32 {
      %get3A = arith.constant 0 : i32
      %get3A_100 = arith.constant 0 : i32
      %get3A_101 = arith.index_cast %get3A : i32 to index
      %get3A_102 = arith.index_cast %get3A_100 : i32 to index
      %get3A_103 = arith.index_cast %scan3A_99 : i32 to index
      %get3A_104 = arith.constant 0 : index
      %get3A_105 = tpu.vector_load %arg12[%get3A_101, %get3A_102, %get3A_103, %get3A_104] {strides = array<i32>} : memref<2x2x80x128xf32, #tpu.memory_space<vmem>>, vector<1x1x1x16xf32>,
      %get3A_106 = vector.shape_cast %get3A_105 : vector<1x1x1x16xf32> to vector<16xf32>
      %get3A_107 = arith.constant 0 : i32
      %get3A_108 = arith.constant 1 : i32
      %get3A_109 = arith.index_cast %get3A_107 : i32 to index
      %get3A_110 = arith.index_cast %get3A_108 : i32 to index
      %get3A_111 = arith.index_cast %scan3A_99 : i32 to index
      %get3A_112 = arith.constant 0 : index
      %get3A_113 = tpu.vector_load %arg12[%get3A_109, %get3A_110, %get3A_111, %get3A_112] {strides = array<i32>} : memref<2x2x80x128xf32, #tpu.memory_space<vmem>>, vector<1x1x1x16xf32>,
      %get3A_114 = vector.shape_cast %get3A_113 : vector<1x1x1x16xf32> to vector<16xf32>
      %add3A_115 = arith.addf %get3A_106, %get3A_114 : vector<16xf32>
      %swap3A = arith.constant 0 : i32
      %swap3A_116 = arith.constant 0 : i32
      %swap3A_117 = arith.index_cast %swap3A : i32 to index
      %swap3A_118 = arith.index_cast %swap3A_116 : i32 to index
      %swap3A_119 = arith.index_cast %scan3A_99 : i32 to index
      %swap3A_120 = arith.constant 0 : index
      %swap3A_121 = tpu.vector_load %arg12[%swap3A_117, %swap3A_118, %swap3A_119, %swap3A_120] {strides = array<i32>} : memref<2x2x80x128xf32, #tpu.memory_space<vmem>>, vector<1x1x1x16xf32>,
      %swap3A_122 = vector.shape_cast %swap3A_121 : vector<1x1x1x16xf32> to vector<16xf32>
      %swap3A_123 = vector.shape_cast %add3A_115 : vector<16xf32> to vector<1x1x1x16xf32>
      tpu.vector_store %arg12[%swap3A_117, %swap3A_118, %swap3A_119, %swap3A_120], %swap3A_123 {strides = array<i32>} : memref<2x2x80x128xf32, #tpu.memory_space<vmem>>, vector<1x1x1x16xf32>,
      %get3A_124 = arith.constant 0 : i32
      %get3A_125 = arith.constant 0 : i32
      %get3A_126 = arith.index_cast %get3A_124 : i32 to index
      %get3A_127 = arith.index_cast %get3A_125 : i32 to index
      %get3A_128 = arith.index_cast %scan3A_99 : i32 to index
      %get3A_129 = arith.constant 16 : index
      %get3A_130 = tpu.vector_load %arg12[%get3A_126, %get3A_127, %get3A_128, %get3A_129] {strides = array<i32>} : memref<2x2x80x128xf32, #tpu.memory_space<vmem>>, vector<1x1x1x16xf32>,
      %get3A_131 = vector.shape_cast %get3A_130 : vector<1x1x1x16xf32> to vector<16xf32>
      %get3A_132 = arith.constant 0 : i32
      %get3A_133 = arith.constant 1 : i32
      %get3A_134 = arith.index_cast %get3A_132 : i32 to index
      %get3A_135 = arith.index_cast %get3A_133 : i32 to index
      %get3A_136 = arith.index_cast %scan3A_99 : i32 to index
      %get3A_137 = arith.constant 16 : index
      %get3A_138 = tpu.vector_load %arg12[%get3A_134, %get3A_135, %get3A_136, %get3A_137] {strides = array<i32>} : memref<2x2x80x128xf32, #tpu.memory_space<vmem>>, vector<1x1x1x16xf32>,
      %get3A_139 = vector.shape_cast %get3A_138 : vector<1x1x1x16xf32> to vector<16xf32>
      %add3A_140 = arith.addf %get3A_131, %get3A_139 : vector<16xf32>
      %swap3A_141 = arith.constant 0 : i32
      %swap3A_142 = arith.constant 0 : i32
      %swap3A_143 = arith.index_cast %swap3A_141 : i32 to index
      %swap3A_144 = arith.index_cast %swap3A_142 : i32 to index
      %swap3A_145 = arith.index_cast %scan3A_99 : i32 to index
      %swap3A_146 = arith.constant 16 : index
      %swap3A_147 = tpu.vector_load %arg12[%swap3A_143, %swap3A_144, %swap3A_145, %swap3A_146] {strides = array<i32>} : memref<2x2x80x128xf32, #tpu.memory_space<vmem>>, vector<1x1x1x16xf32>,
      %swap3A_148 = vector.shape_cast %swap3A_147 : vector<1x1x1x16xf32> to vector<16xf32>
      %swap3A_149 = vector.shape_cast %add3A_140 : vector<16xf32> to vector<1x1x1x16xf32>
      tpu.vector_store %arg12[%swap3A_143, %swap3A_144, %swap3A_145, %swap3A_146], %swap3A_149 {strides = array<i32>} : memref<2x2x80x128xf32, #tpu.memory_space<vmem>>, vector<1x1x1x16xf32>,
      %get3A_150 = arith.constant 0 : i32
      %get3A_151 = arith.constant 0 : i32
      %get3A_152 = arith.index_cast %get3A_150 : i32 to index
      %get3A_153 = arith.index_cast %get3A_151 : i32 to index
      %get3A_154 = arith.index_cast %scan3A_99 : i32 to index
      %get3A_155 = arith.constant 32 : index
      %get3A_156 = tpu.vector_load %arg12[%get3A_152, %get3A_153, %get3A_154, %get3A_155] {strides = array<i32>} : memref<2x2x80x128xf32, #tpu.memory_space<vmem>>, vector<1x1x1x16xf32>,
      %get3A_157 = vector.shape_cast %get3A_156 : vector<1x1x1x16xf32> to vector<16xf32>
      %get3A_158 = arith.constant 0 : i32
      %get3A_159 = arith.constant 1 : i32
      %get3A_160 = arith.index_cast %get3A_158 : i32 to index
      %get3A_161 = arith.index_cast %get3A_159 : i32 to index
      %get3A_162 = arith.index_cast %scan3A_99 : i32 to index
      %get3A_163 = arith.constant 32 : index
      %get3A_164 = tpu.vector_load %arg12[%get3A_160, %get3A_161, %get3A_162, %get3A_163] {strides = array<i32>} : memref<2x2x80x128xf32, #tpu.memory_space<vmem>>, vector<1x1x1x16xf32>,
      %get3A_165 = vector.shape_cast %get3A_164 : vector<1x1x1x16xf32> to vector<16xf32>
      %add3A_166 = arith.addf %get3A_157, %get3A_165 : vector<16xf32>
      %swap3A_167 = arith.constant 0 : i32
      %swap3A_168 = arith.constant 0 : i32
      %swap3A_169 = arith.index_cast %swap3A_167 : i32 to index
      %swap3A_170 = arith.index_cast %swap3A_168 : i32 to index
      %swap3A_171 = arith.index_cast %scan3A_99 : i32 to index
      %swap3A_172 = arith.constant 32 : index
      %swap3A_173 = tpu.vector_load %arg12[%swap3A_169, %swap3A_170, %swap3A_171, %swap3A_172] {strides = array<i32>} : memref<2x2x80x128xf32, #tpu.memory_space<vmem>>, vector<1x1x1x16xf32>,
      %swap3A_174 = vector.shape_cast %swap3A_173 : vector<1x1x1x16xf32> to vector<16xf32>
      %swap3A_175 = vector.shape_cast %add3A_166 : vector<16xf32> to vector<1x1x1x16xf32>
      tpu.vector_store %arg12[%swap3A_169, %swap3A_170, %swap3A_171, %swap3A_172], %swap3A_175 {strides = array<i32>} : memref<2x2x80x128xf32, #tpu.memory_space<vmem>>, vector<1x1x1x16xf32>,
      %get3A_176 = arith.constant 0 : i32
      %get3A_177 = arith.constant 0 : i32
      %get3A_178 = arith.index_cast %get3A_176 : i32 to index
      %get3A_179 = arith.index_cast %get3A_177 : i32 to index
      %get3A_180 = arith.index_cast %scan3A_99 : i32 to index
      %get3A_181 = arith.constant 48 : index
      %get3A_182 = tpu.vector_load %arg12[%get3A_178, %get3A_179, %get3A_180, %get3A_181] {strides = array<i32>} : memref<2x2x80x128xf32, #tpu.memory_space<vmem>>, vector<1x1x1x16xf32>,
      %get3A_183 = vector.shape_cast %get3A_182 : vector<1x1x1x16xf32> to vector<16xf32>
      %get3A_184 = arith.constant 0 : i32
      %get3A_185 = arith.constant 1 : i32
      %get3A_186 = arith.index_cast %get3A_184 : i32 to index
      %get3A_187 = arith.index_cast %get3A_185 : i32 to index
      %get3A_188 = arith.index_cast %scan3A_99 : i32 to index
      %get3A_189 = arith.constant 48 : index
      %get3A_190 = tpu.vector_load %arg12[%get3A_186, %get3A_187, %get3A_188, %get3A_189] {strides = array<i32>} : memref<2x2x80x128xf32, #tpu.memory_space<vmem>>, vector<1x1x1x16xf32>,
      %get3A_191 = vector.shape_cast %get3A_190 : vector<1x1x1x16xf32> to vector<16xf32>
      %add3A_192 = arith.addf %get3A_183, %get3A_191 : vector<16xf32>
      %swap3A_193 = arith.constant 0 : i32
      %swap3A_194 = arith.constant 0 : i32
      %swap3A_195 = arith.index_cast %swap3A_193 : i32 to index
      %swap3A_196 = arith.index_cast %swap3A_194 : i32 to index
      %swap3A_197 = arith.index_cast %scan3A_99 : i32 to index
      %swap3A_198 = arith.constant 48 : index
      %swap3A_199 = tpu.vector_load %arg12[%swap3A_195, %swap3A_196, %swap3A_197, %swap3A_198] {strides = array<i32>} : memref<2x2x80x128xf32, #tpu.memory_space<vmem>>, vector<1x1x1x16xf32>,
      %swap3A_200 = vector.shape_cast %swap3A_199 : vector<1x1x1x16xf32> to vector<16xf32>
      %swap3A_201 = vector.shape_cast %add3A_192 : vector<16xf32> to vector<1x1x1x16xf32>
      tpu.vector_store %arg12[%swap3A_195, %swap3A_196, %swap3A_197, %swap3A_198], %swap3A_201 {strides = array<i32>} : memref<2x2x80x128xf32, #tpu.memory_space<vmem>>, vector<1x1x1x16xf32>,
      %get3A_202 = arith.constant 0 : i32
      %get3A_203 = arith.constant 0 : i32
      %get3A_204 = arith.index_cast %get3A_202 : i32 to index
      %get3A_205 = arith.index_cast %get3A_203 : i32 to index
      %get3A_206 = arith.index_cast %scan3A_99 : i32 to index
      %get3A_207 = arith.constant 64 : index
      %get3A_208 = tpu.vector_load %arg12[%get3A_204, %get3A_205, %get3A_206, %get3A_207] {strides = array<i32>} : memref<2x2x80x128xf32, #tpu.memory_space<vmem>>, vector<1x1x1x16xf32>,
      %get3A_209 = vector.shape_cast %get3A_208 : vector<1x1x1x16xf32> to vector<16xf32>
      %get3A_210 = arith.constant 0 : i32
      %get3A_211 = arith.constant 1 : i32
      %get3A_212 = arith.index_cast %get3A_210 : i32 to index
      %get3A_213 = arith.index_cast %get3A_211 : i32 to index
      %get3A_214 = arith.index_cast %scan3A_99 : i32 to index
      %get3A_215 = arith.constant 64 : index
      %get3A_216 = tpu.vector_load %arg12[%get3A_212, %get3A_213, %get3A_214, %get3A_215] {strides = array<i32>} : memref<2x2x80x128xf32, #tpu.memory_space<vmem>>, vector<1x1x1x16xf32>,
      %get3A_217 = vector.shape_cast %get3A_216 : vector<1x1x1x16xf32> to vector<16xf32>
      %add3A_218 = arith.addf %get3A_209, %get3A_217 : vector<16xf32>
      %swap3A_219 = arith.constant 0 : i32
      %swap3A_220 = arith.constant 0 : i32
      %swap3A_221 = arith.index_cast %swap3A_219 : i32 to index
      %swap3A_222 = arith.index_cast %swap3A_220 : i32 to index
      %swap3A_223 = arith.index_cast %scan3A_99 : i32 to index
      %swap3A_224 = arith.constant 64 : index
      %swap3A_225 = tpu.vector_load %arg12[%swap3A_221, %swap3A_222, %swap3A_223, %swap3A_224] {strides = array<i32>} : memref<2x2x80x128xf32, #tpu.memory_space<vmem>>, vector<1x1x1x16xf32>,
      %swap3A_226 = vector.shape_cast %swap3A_225 : vector<1x1x1x16xf32> to vector<16xf32>
      %swap3A_227 = vector.shape_cast %add3A_218 : vector<16xf32> to vector<1x1x1x16xf32>
      tpu.vector_store %arg12[%swap3A_221, %swap3A_222, %swap3A_223, %swap3A_224], %swap3A_227 {strides = array<i32>} : memref<2x2x80x128xf32, #tpu.memory_space<vmem>>, vector<1x1x1x16xf32>,
      %get3A_228 = arith.constant 0 : i32
      %get3A_229 = arith.constant 0 : i32
      %get3A_230 = arith.index_cast %get3A_228 : i32 to index
      %get3A_231 = arith.index_cast %get3A_229 : i32 to index
      %get3A_232 = arith.index_cast %scan3A_99 : i32 to index
      %get3A_233 = arith.constant 80 : index
      %get3A_234 = tpu.vector_load %arg12[%get3A_230, %get3A_231, %get3A_232, %get3A_233] {strides = array<i32>} : memref<2x2x80x128xf32, #tpu.memory_space<vmem>>, vector<1x1x1x16xf32>,
      %get3A_235 = vector.shape_cast %get3A_234 : vector<1x1x1x16xf32> to vector<16xf32>
      %get3A_236 = arith.constant 0 : i32
      %get3A_237 = arith.constant 1 : i32
      %get3A_238 = arith.index_cast %get3A_236 : i32 to index
      %get3A_239 = arith.index_cast %get3A_237 : i32 to index
      %get3A_240 = arith.index_cast %scan3A_99 : i32 to index
      %get3A_241 = arith.constant 80 : index
      %get3A_242 = tpu.vector_load %arg12[%get3A_238, %get3A_239, %get3A_240, %get3A_241] {strides = array<i32>} : memref<2x2x80x128xf32, #tpu.memory_space<vmem>>, vector<1x1x1x16xf32>,
      %get3A_243 = vector.shape_cast %get3A_242 : vector<1x1x1x16xf32> to vector<16xf32>
      %add3A_244 = arith.addf %get3A_235, %get3A_243 : vector<16xf32>
      %swap3A_245 = arith.constant 0 : i32
      %swap3A_246 = arith.constant 0 : i32
      %swap3A_247 = arith.index_cast %swap3A_245 : i32 to index
      %swap3A_248 = arith.index_cast %swap3A_246 : i32 to index
      %swap3A_249 = arith.index_cast %scan3A_99 : i32 to index
      %swap3A_250 = arith.constant 80 : index
      %swap3A_251 = tpu.vector_load %arg12[%swap3A_247, %swap3A_248, %swap3A_249, %swap3A_250] {strides = array<i32>} : memref<2x2x80x128xf32, #tpu.memory_space<vmem>>, vector<1x1x1x16xf32>,
      %swap3A_252 = vector.shape_cast %swap3A_251 : vector<1x1x1x16xf32> to vector<16xf32>
      %swap3A_253 = vector.shape_cast %add3A_244 : vector<16xf32> to vector<1x1x1x16xf32>
      tpu.vector_store %arg12[%swap3A_247, %swap3A_248, %swap3A_249, %swap3A_250], %swap3A_253 {strides = array<i32>} : memref<2x2x80x128xf32, #tpu.memory_space<vmem>>, vector<1x1x1x16xf32>,
      %get3A_254 = arith.constant 0 : i32
      %get3A_255 = arith.constant 0 : i32
      %get3A_256 = arith.index_cast %get3A_254 : i32 to index
      %get3A_257 = arith.index_cast %get3A_255 : i32 to index
      %get3A_258 = arith.index_cast %scan3A_99 : i32 to index
      %get3A_259 = arith.constant 96 : index
      %get3A_260 = tpu.vector_load %arg12[%get3A_256, %get3A_257, %get3A_258, %get3A_259] {strides = array<i32>} : memref<2x2x80x128xf32, #tpu.memory_space<vmem>>, vector<1x1x1x16xf32>,
      %get3A_261 = vector.shape_cast %get3A_260 : vector<1x1x1x16xf32> to vector<16xf32>
      %get3A_262 = arith.constant 0 : i32
      %get3A_263 = arith.constant 1 : i32
      %get3A_264 = arith.index_cast %get3A_262 : i32 to index
      %get3A_265 = arith.index_cast %get3A_263 : i32 to index
      %get3A_266 = arith.index_cast %scan3A_99 : i32 to index
      %get3A_267 = arith.constant 96 : index
      %get3A_268 = tpu.vector_load %arg12[%get3A_264, %get3A_265, %get3A_266, %get3A_267] {strides = array<i32>} : memref<2x2x80x128xf32, #tpu.memory_space<vmem>>, vector<1x1x1x16xf32>,
      %get3A_269 = vector.shape_cast %get3A_268 : vector<1x1x1x16xf32> to vector<16xf32>
      %add3A_270 = arith.addf %get3A_261, %get3A_269 : vector<16xf32>
      %swap3A_271 = arith.constant 0 : i32
      %swap3A_272 = arith.constant 0 : i32
      %swap3A_273 = arith.index_cast %swap3A_271 : i32 to index
      %swap3A_274 = arith.index_cast %swap3A_272 : i32 to index
      %swap3A_275 = arith.index_cast %scan3A_99 : i32 to index
      %swap3A_276 = arith.constant 96 : index
      %swap3A_277 = tpu.vector_load %arg12[%swap3A_273, %swap3A_274, %swap3A_275, %swap3A_276] {strides = array<i32>} : memref<2x2x80x128xf32, #tpu.memory_space<vmem>>, vector<1x1x1x16xf32>,
      %swap3A_278 = vector.shape_cast %swap3A_277 : vector<1x1x1x16xf32> to vector<16xf32>
      %swap3A_279 = vector.shape_cast %add3A_270 : vector<16xf32> to vector<1x1x1x16xf32>
      tpu.vector_store %arg12[%swap3A_273, %swap3A_274, %swap3A_275, %swap3A_276], %swap3A_279 {strides = array<i32>} : memref<2x2x80x128xf32, #tpu.memory_space<vmem>>, vector<1x1x1x16xf32>,
      %get3A_280 = arith.constant 0 : i32
      %get3A_281 = arith.constant 0 : i32
      %get3A_282 = arith.index_cast %get3A_280 : i32 to index
      %get3A_283 = arith.index_cast %get3A_281 : i32 to index
      %get3A_284 = arith.index_cast %scan3A_99 : i32 to index
      %get3A_285 = arith.constant 112 : index
      %get3A_286 = tpu.vector_load %arg12[%get3A_282, %get3A_283, %get3A_284, %get3A_285] {strides = array<i32>} : memref<2x2x80x128xf32, #tpu.memory_space<vmem>>, vector<1x1x1x16xf32>,
      %get3A_287 = vector.shape_cast %get3A_286 : vector<1x1x1x16xf32> to vector<16xf32>
      %get3A_288 = arith.constant 0 : i32
      %get3A_289 = arith.constant 1 : i32
      %get3A_290 = arith.index_cast %get3A_288 : i32 to index
      %get3A_291 = arith.index_cast %get3A_289 : i32 to index
      %get3A_292 = arith.index_cast %scan3A_99 : i32 to index
      %get3A_293 = arith.constant 112 : index
      %get3A_294 = tpu.vector_load %arg12[%get3A_290, %get3A_291, %get3A_292, %get3A_293] {strides = array<i32>} : memref<2x2x80x128xf32, #tpu.memory_space<vmem>>, vector<1x1x1x16xf32>,
      %get3A_295 = vector.shape_cast %get3A_294 : vector<1x1x1x16xf32> to vector<16xf32>
      %add3A_296 = arith.addf %get3A_287, %get3A_295 : vector<16xf32>
      %swap3A_297 = arith.constant 0 : i32
      %swap3A_298 = arith.constant 0 : i32
      %swap3A_299 = arith.index_cast %swap3A_297 : i32 to index
      %swap3A_300 = arith.index_cast %swap3A_298 : i32 to index
      %swap3A_301 = arith.index_cast %scan3A_99 : i32 to index
      %swap3A_302 = arith.constant 112 : index
      %swap3A_303 = tpu.vector_load %arg12[%swap3A_299, %swap3A_300, %swap3A_301, %swap3A_302] {strides = array<i32>} : memref<2x2x80x128xf32, #tpu.memory_space<vmem>>, vector<1x1x1x16xf32>,
      %swap3A_304 = vector.shape_cast %swap3A_303 : vector<1x1x1x16xf32> to vector<16xf32>
      %swap3A_305 = vector.shape_cast %add3A_296 : vector<16xf32> to vector<1x1x1x16xf32>
      tpu.vector_store %arg12[%swap3A_299, %swap3A_300, %swap3A_301, %swap3A_302], %swap3A_305 {strides = array<i32>} : memref<2x2x80x128xf32, #tpu.memory_space<vmem>>, vector<1x1x1x16xf32>,
    }
    %scan3A_94 = arith.constant 80 : i32
    %add3A_95 = arith.constant 9920 : i32
    %add3A_96 = arith.addi %mul3A_23, %add3A_95 : i32
    %run_scoped3A_97 = arith.constant 0 : i32
    %run_scoped3A_98 = arith.constant 0 : i32
    "tpu.region"() ({
      %run_scoped3A_99 = tpu.sem_alloc : memref<!tpu.dma_semaphore, #tpu.memory_space<semaphore_mem>>
      %dma_start3A_100 = arith.constant 0 : i32
      %dma_start3A_101 = arith.constant 0 : i32
      %dma_start3A_102 = tpu.memref_slice %arg12[%run_scoped3A_97, %run_scoped3A_98, %dma_start3A_100, %dma_start3A_101] : memref<2x2x80x128xf32, #tpu.memory_space<vmem>> -> memref<1x1x80x128xf32, #tpu.memory_space<vmem>>
      %dma_start3A_103 = tpu.memref_squeeze %dma_start3A_102 : memref<1x1x80x128xf32, #tpu.memory_space<vmem>> -> memref<80x128xf32, #tpu.memory_space<vmem>>
      %dma_start3A_104 = arith.constant 0 : i32
      %dma_start3A_105 = tpu.memref_slice %arg8[%add3A_96, %dma_start3A_104] : memref<320000x128xf32, #tpu.memory_space<hbm>> -> memref<80x128xf32, #tpu.memory_space<hbm>>
      %dma_start3A_106 = arith.constant 0 : i32
      %dma_start3A_107 = tpu.memref_slice %arg8[%add3A_96, %dma_start3A_106] : memref<320000x128xf32, #tpu.memory_space<hbm>> -> memref<80x128xf32, #tpu.memory_space<hbm>>
      %dma_start3A_108 = arith.constant 0 : i32
      %dma_start3A_109 = arith.constant 0 : i32
      %dma_start3A_110 = tpu.memref_slice %arg12[%run_scoped3A_97, %run_scoped3A_98, %dma_start3A_108, %dma_start3A_109] : memref<2x2x80x128xf32, #tpu.memory_space<vmem>> -> memref<1x1x80x128xf32, #tpu.memory_space<vmem>>
      %dma_start3A_111 = tpu.memref_squeeze %dma_start3A_110 : memref<1x1x80x128xf32, #tpu.memory_space<vmem>> -> memref<80x128xf32, #tpu.memory_space<vmem>>
      tpu.enqueue_dma source(%dma_start3A_111 : memref<80x128xf32, #tpu.memory_space<vmem>>) target(%dma_start3A_107 : memref<80x128xf32, #tpu.memory_space<hbm>>) target_semaphore(%run_scoped3A_99 : memref<!tpu.dma_semaphore, #tpu.memory_space<semaphore_mem>>)
      %dma_wait3A_112 = arith.constant 0 : i32
      %dma_wait3A_113 = arith.constant 0 : i32
      %dma_wait3A_114 = tpu.memref_slice %arg12[%run_scoped3A_97, %run_scoped3A_98, %dma_wait3A_112, %dma_wait3A_113] : memref<2x2x80x128xf32, #tpu.memory_space<vmem>> -> memref<1x1x80x128xf32, #tpu.memory_space<vmem>>
      %dma_wait3A_115 = tpu.memref_squeeze %dma_wait3A_114 : memref<1x1x80x128xf32, #tpu.memory_space<vmem>> -> memref<80x128xf32, #tpu.memory_space<vmem>>
      %dma_wait3A_116 = arith.constant 0 : i32
      %dma_wait3A_117 = tpu.memref_slice %arg8[%add3A_96, %dma_wait3A_116] : memref<320000x128xf32, #tpu.memory_space<hbm>> -> memref<80x128xf32, #tpu.memory_space<hbm>>
      %dma_wait3A_118 = arith.constant 0 : i32
      %dma_wait3A_119 = tpu.memref_slice %arg8[%add3A_96, %dma_wait3A_118] : memref<320000x128xf32, #tpu.memory_space<hbm>> -> memref<80x128xf32, #tpu.memory_space<hbm>>
      %dma_wait3A_120 = arith.constant 0 : i32
      %dma_wait3A_121 = arith.constant 0 : i32
      %dma_wait3A_122 = tpu.memref_slice %arg12[%run_scoped3A_97, %run_scoped3A_98, %dma_wait3A_120, %dma_wait3A_121] : memref<2x2x80x128xf32, #tpu.memory_space<vmem>> -> memref<1x1x80x128xf32, #tpu.memory_space<vmem>>
      %dma_wait3A_123 = tpu.memref_squeeze %dma_wait3A_122 : memref<1x1x80x128xf32, #tpu.memory_space<vmem>> -> memref<80x128xf32, #tpu.memory_space<vmem>>
      tpu.wait_dma2 semaphore(%run_scoped3A_99 : memref<!tpu.dma_semaphore, #tpu.memory_space<semaphore_mem>>) src(%dma_wait3A_123 : memref<80x128xf32, #tpu.memory_space<vmem>>) dst(%dma_wait3A_119 : memref<80x128xf32, #tpu.memory_space<hbm>>)
      tpu.yield
    }) : () -> ()
    return
  }
}

</mosaic_0001>

<sc_bundles>
// kernel: _run.3.cloned.1.call-start
scs
__scs_entry_jumppad:
0x0: {  	(pc) =	sbr.rel $0x88, $3  }
0x1: {  	(tag) =	ssettag $0x0;
	lr =	simm.s32 $0x1  }
0x2: {  	[smem:$0x3F9C] =	sst lr;
	_ =	strace $0xD0000000  }
0x3: {  	_ = 	snop  }
0x4: {  	_ = 	snop  }
0x5: {  	_ = 	snop  }
0x6: {  	_ = 	snop  }
0x7: {  	_ = 	snop  }
__scs_overlays_trampoline_lowered:
0x8: {  	[smem:$0x3FAB] =	sst s0  }
0x9: {  	[smem:$0x3FAC] =	sst s1  }
0xa: {  	[smem:$0x3FAD] =	sst s2  }
0xb: {  	[smem:$0x3FAE] =	sst s3  }
0xc: {  	[smem:$0x3FAF] =	sst s4  }
0xd: {  	[smem:$0x3FB0] =	sst s5  }
0xe: {  	[smem:$0x3FB1] =	sst s6  }
0xf: {  	[smem:$0x3FB2] =	sst s7  }
0x10: {  	[smem:$0x3FB3] =	sst s8  }
0x11: {  	[smem:$0x3FB4] =	sst s9;
	s0 =	simm.s32 @!p0 $0x0  }
0x12: {  	s1 =	sld [smem:$0x3F9A];
	s0 =	simm.s32 @p0 $0x1  }
0x13: {  	[smem:$0x3FB5] =	sst s0;
	s0 =	simm.s32 @!p1 $0x0  }
0x14: {  	s2 =	sld [smem:$0x3F99];
	s0 =	simm.s32 @p1 $0x1  }
0x15: {  	[smem:$0x3FB6] =	sst s0;
	s0 =	simm.s32 @!p2 $0x0  }
0x16: {  	s3 =	sld [smem:$0x3FDB];
	s0 =	simm.s32 @p2 $0x1  }
0x17: {  	s4 =	simm.s32 $0x1BF5;
	[smem:$0x3FB8] =	sst s0  }
0x18: {  	s0 =	sld [smem:$0x3F9B];
	_ =	swait.ge [sflag:s4], $0x0  }
0x19: {  	s7 =	sld [smem:$0x3F9C]  }
0x1a: {  	s8 =	sadd.s32 $0xFFFFE003, lr  }
0x1b: {  	s9 =	sadd.s32 $0xFFFFFEF7, lr;
	s5 =	simm.s32 $0xFFFFFFFF;
	p2 =	slt.u32 s8, $0xFFFFF086  }
0x1c: {  	p1 =	slt.u32 s9, $0xF7A;
	s5 =	simm.s32 @!p2 $0x0  }
0x1d: {  	s5 =	simm.s32 @p1 $0x1;
	p0 =	seq.s32 s7, s2  }
0x1e: {  	s7 =	smul.u32 @!p0 $0xF7A, s2;
	p2 =	seq.s32 @!p0 s5, $0x0  }
0x1f: {  	s9 =	smul.u32 $0xF7A, s1;
	s8 =	simm.s32 @!p0 $0x1BF5;
	p2 =	por !p2, p0  }
0x20: {  	[sflag:s8] =	ssyncset.s32 @!p0 $0xFFFFF086;
	s6 =	sadd.s32 @!p0 s3, s7;
	s7 =	simm.s32 @!p0 $0x108  }
0x21: {  	s3 =	sadd.s32 s3, s9;
	s6 =	sadd.s32 @!p0 $0x88, s6;
	s7 =	simm.s32 @p2 $0x1082  }
0x22: {  	[simem:s7], [sflag:s8] =	dma.local @!p0 [hbm:s6], $0xF7A  }
0x23: {  	s9 =	sor.u32 $0xD0000000, s2;
	s6 =	simm.s32 $0x108;
	_ =	swait.ge @!p0 [sflag:s8], $0x0  }
0x24: {  	s3 =	sadd.s32 $0x88, s3;
	s6 =	simm.s32 @!p1 $0x1082;
	[sflag:s4] =	ssyncset.s32 $0xFFFFF086  }
0x25: {  	[simem:s6], [sflag:s4] =	dma.local [hbm:s3], $0xF7A  }
0x26: {  	[smem:$0x3F9C] =	sst s1;
	(tag) =	ssettag s2;
	_ =	strace s9  }
0x27: {  	s1 =	sld [smem:$0x3FAC]  }
0x28: {  	s2 =	sld [smem:$0x3FAD]  }
0x29: {  	s4 =	sld [smem:$0x3FAF]  }
0x2a: {  	p0 =	seq.s32 s5, $0x0;
	s5 =	sld [smem:$0x3FB0]  }
0x2b: {  	s6 =	sld [smem:$0x3FB1]  }
0x2c: {  	s7 =	sld [smem:$0x3FB2]  }
0x2d: {  	s3 =	simm.s32 $0x108;
	s8 =	sld [smem:$0x3FB3]  }
0x2e: {  	s3 =	simm.s32 @!p0 $0x1082;
	s9 =	sld [smem:$0x3FB4]  }
0x2f: {  	lr =	sadd.s32 s0, s3;
	s0 =	sld [smem:$0x3FAB]  }
0x30: {  	s3 =	sld [smem:$0x3FAE]  }
0x31: {  	[smem:$0x3FB7] =	sst s10  }
0x32: {  	s10 =	sld [smem:$0x3FB5];
	_ =	sdelay $0x3  }
0x33: {  	p0 =	seq.s32 s10, $0x1;
	s10 =	sld [smem:$0x3FB7];
	_ =	sdelay $0x3  }
0x34: {  	[smem:$0x3FB7] =	sst s10  }
0x35: {  	s10 =	sld [smem:$0x3FB6];
	_ =	sdelay $0x3  }
0x36: {  	p1 =	seq.s32 s10, $0x1;
	s10 =	sld [smem:$0x3FB7];
	_ =	sdelay $0x3  }
0x37: {  	[smem:$0x3FB7] =	sst s10  }
0x38: {  	s10 =	sld [smem:$0x3FB8]  }
0x39: {  	_ = 	snop;
	(pc) =	sbr.ind lr, $3  }
0x3a: {  	_ = 	snop  }
0x3b: {  	_ = 	snop  }
0x3c: {  	p2 =	seq.s32 s10, $0x1;
	s10 =	sld [smem:$0x3FB7]  }
0x3d: {  	_ =	shalt  }
0x3e: {  	_ =	shalt  }
0x3f: {  	_ =	shalt  }
0x40: {  	_ =	shalt  }
0x41: {  	_ =	shalt  }
0x42: {  	_ =	shalt  }
0x43: {  	_ =	shalt  }
0x44: {  	_ =	shalt  }
0x45: {  	_ =	shalt  }
0x46: {  	_ =	shalt  }
0x47: {  	_ =	shalt  }
0x48: {  	_ =	shalt  }
0x49: {  	_ =	shalt  }
0x4a: {  	_ =	shalt  }
0x4b: {  	_ =	shalt  }
0x4c: {  	_ =	shalt  }
0x4d: {  	_ =	shalt  }
0x4e: {  	_ =	shalt  }
0x4f: {  	_ =	shalt  }
0x50: {  	_ =	shalt  }
0x51: {  	_ =	shalt  }
0x52: {  	_ =	shalt  }
0x53: {  	_ =	shalt  }
0x54: {  	_ =	shalt  }
0x55: {  	_ =	shalt  }
0x56: {  	_ =	shalt  }
0x57: {  	_ =	shalt  }
0x58: {  	_ =	shalt  }
0x59: {  	_ =	shalt  }
0x5a: {  	_ =	shalt  }
0x5b: {  	_ =	shalt  }
0x5c: {  	_ =	shalt  }
0x5d: {  	_ =	shalt  }
0x5e: {  	_ =	shalt  }
0x5f: {  	_ =	shalt  }
0x60: {  	_ =	shalt  }
0x61: {  	_ =	shalt  }
0x62: {  	_ =	shalt  }
0x63: {  	_ =	shalt  }
0x64: {  	_ =	shalt  }
0x65: {  	_ =	shalt  }
0x66: {  	_ =	shalt  }
0x67: {  	_ =	shalt  }
0x68: {  	_ =	shalt  }
0x69: {  	_ =	shalt  }
0x6a: {  	_ =	shalt  }
0x6b: {  	_ =	shalt  }
0x6c: {  	_ =	shalt  }
0x6d: {  	_ =	shalt  }
0x6e: {  	_ =	shalt  }
0x6f: {  	_ =	shalt  }
0x70: {  	_ =	shalt  }
0x71: {  	_ =	shalt  }
0x72: {  	_ =	shalt  }
0x73: {  	_ =	shalt  }
0x74: {  	_ =	shalt  }
0x75: {  	_ =	shalt  }
0x76: {  	_ =	shalt  }
0x77: {  	_ =	shalt  }
0x78: {  	_ =	shalt  }
0x79: {  	_ =	shalt  }
0x7a: {  	_ =	shalt  }
0x7b: {  	_ =	shalt  }
0x7c: {  	_ =	shalt  }
0x7d: {  	_ =	shalt  }
0x7e: {  	_ =	shalt  }
0x7f: {  	_ =	shalt  }
0x80: {  	_ =	shalt  }
0x81: {  	_ =	shalt  }
0x82: {  	_ =	shalt  }
0x83: {  	_ =	shalt  }
0x84: {  	_ =	shalt  }
0x85: {  	_ =	shalt  }
0x86: {  	_ =	shalt  }
0x87: {  	_ =	shalt  }
.Lfunc_end0:
.L_simem_size_0:
called_computation_lowered:
.L_overlay_start_0:
0x88: {  	s2 =	sld [smem:$0x3FD9]  }
0x89: {  	s3 =	sld [smem:$0x3FFE];
	_ =	sdelay $0x1  }
0x8a: {  	s1 =	srdreg.scid  }
0x8b: {  	s0 =	sand.u32 $0x1, s1  }
0x8c: {  	s15 =	sshll.u32 s0, $0xA;
	s2 =	sadd.s32 s3, s2  }
0x8d: {  	s2 =	sadd.s32 s2, s15  }
0x8e: {  	[smem:$0x3FC3] =	sst s2  }
0x8f: {  	_ = 	snop  }
0x90: {  	s2 =	sld [smem:$0x3FC9]  }
0x91: {  	s16 =	sld [smem:$0x3FC8]  }
0x92: {  	s4 =	sld [smem:$0x3FD0]  }
0x93: {  	s5 =	sld [smem:$0x3FC7]  }
0x94: {  	s6 =	sld [smem:$0x3FC6]  }
0x95: {  	s8 =	simm.s32 $0xA;
	s9 =	simm.s32 $0x10;
	s7 =	sld [smem:$0x3FC5]  }
0x96: {  	[smem:s9], [sflag:s8] =	dma.local [hbm:s4], $0x1  }
0x97: {  	_ =	swait.eq [sflag:s8], $0x1  }
0x98: {  	[sflag:s8] =	ssyncset.done $0x0  }
0x99: {  	s17 =	sld [smem:$0x10];
	[sflag:s8] =	ssyncadd.s32 $0xFFFFFFFF  }
0x9a: {  	s18 =	sld [smem:$0x11];
	(tm) =	ssettm $0x1  }
0x9b: {  	s19 =	sld [smem:$0x3FFB];
	_ =	sdelay $0x3  }
0x9c: {  	_ =	strace s19  }
0x9d: {  	s9 =	sld [smem:$0x3FFC];
	_ =	sdelay $0x3  }
0x9e: {  	_ =	strace s9  }
0x9f: {  	s9 =	sld [smem:$0x3FFD];
	_ =	sdelay $0x3  }
0xa0: {  	_ =	strace s9  }
0xa1: {  	_ =	strace $0x8FFFFFFF  }
0xa2: {  	s20 =	sld [smem:$0x3FDB];
	_ =	sdelay $0x1  }
0xa3: {  	s10 =	simm.s32 $_scs_section_size  }
0xa4: {  	s11 =	simm.s32 $_size__tile_overlayer_lowered;
	s12 =	simm.s32 $_tile_overlayer_lowered  }
0xa5: {  	s23 =	simm.s32 $0x1BFF;
	s22 =	sshll.u32 s12, $0x1;
	s9 =	sadd.s32 s10, s20  }
0xa6: {  	s13 =	simm.s32 $0x0;
	s21 =	sshll.u32 s11, $0x1;
	s11 =	sadd.s32 s22, s9  }
0xa7: {  	[timem:s13], [sflag:s23] =	dma.local [hbm:s11], s21  }
0xa8: {  	_ =	swait.ge [sflag:s23], s21  }
0xa9: {  	s10 =	ssub.s32 $0x0, s21;
	[sflag:s23] =	ssyncset.done $0x0  }
0xaa: {  	[sflag:s23] =	ssyncadd.s32 s10;
	_ =	sdelay $0x1  }
0xab: {  	s24 =	simm.s32 $0x1B8B  }
0xac: {  	_ =	swait.ge [sflag:s24], $0x1  }
0xad: {  	[sflag:s24] =	ssyncset.done $0x0  }
0xae: {  	s25 =	simm.s32 $0x1B8E;
	[sflag:s24] =	ssyncadd.s32 $0xFFFFFFFF  }
0xaf: {  	s26 =	simm.s32 $execute0_lowered;
	[smem:$0x3FD2] =	sst s25  }
0xb0: {  	s10 =	sshll.u32 s26, $0x1;
	_ =	strace $0x80000046;
	[dreg:$0x1] =	wrdreg $0xFFFFFFFF  }
0xb1: {  	s28 =	simm.s32 $_size_execute0_lowered;
	s9 =	sadd.s32 s9, s10;
	[dreg:$0x0] =	wrdreg $0x0  }
0xb2: {  	s10 =	sshll.u32 s28, $0x1;
	[dreg:$0x2] =	wrdreg s9  }
0xb3: {  	[dreg:$0x3] =	wrdreg s10  }
0xb4: {  	[dreg:$0x4] =	wrdreg $0xC0  }
0xb5: {  	_ =	task [dreg:s13], $0x5FFFF  }
0xb6: {  	[dreg:$0x1] =	wrdreg $0xFFFFFFFF  }
0xb7: {  	[dreg:$0x0] =	wrdreg $0x60  }
0xb8: {  	[dreg:$0x2] =	wrdreg s2  }
0xb9: {  	[dreg:$0x3] =	wrdreg s16  }
0xba: {  	[dreg:$0x4] =	wrdreg s5  }
0xbb: {  	[dreg:$0x5] =	wrdreg s6  }
0xbc: {  	[dreg:$0x6] =	wrdreg s7  }
0xbd: {  	[dreg:$0x7] =	wrdreg s17  }
0xbe: {  	[dreg:$0x8] =	wrdreg s18  }
0xbf: {  	[dreg:$0x9] =	wrdreg $0x9  }
0xc0: {  	_ =	task.clear_ibuf [dreg:s13], $0xAFFFF;
	_ =	strace $0x90000046  }
0xc1: {  	s29 =	simm.s32 $0x9;
	_ =	strace $0x80000048  }
0xc2: {  	_ =	swait.ge [sflag:s29], $0x1  }
0xc3: {  	[sflag:s29] =	ssyncadd.s32 $0xFFFFFFFF  }
0xc4: {  	_ =	strace $0x90000048  }
0xc5: {  	_ =	sfence  }
0xc6: {  	s30 =	sld [smem:$0x0];
	_ =	sdelay $0x2  }
0xc7: {  	s31 =	sshll.u32 s1, $0xD;
	s1 =	sshrl.u32 s1, $0x2  }
0xc8: {  	s3 =	sand.u32 $0x4000, s31;
	s1 =	sadd.s32 s1, s30  }
0xc9: {  	s0 =	sor.u32 s3, s0;
	s1 =	sshll.u32 s1, $0x11  }
0xca: {  	s0 =	sor.u32 s1, s0  }
0xcb: {  	s0 =	sadd.s32 $0x8F2B, s0  }
0xcc: {  	[sflag:s0] =	ssyncadd.remote.s32 $0x1  }
0xcd: {  	_ =	sfence.sel $0xFFFF  }
0xce: {  	[dreg:$0x0] =	wrdreg $0xFFFFFFFF;
	(pc) =	sbr.abs _section_cstart, $3  }
0xcf: {  	[dreg:$0x1] =	wrdreg $0xFFFFFFFF  }
0xd0: {  	_ =	task.clear_ibuf [dreg:s13], $0x2FFFF;
	_ =	strace $0x9FFFFFFF  }
0xd1: {  	(tm) =	ssettm $0x7FFFFFFF  }
tec
execute0_lowered:
.L_overlay_start_1:
0x0: {  	(tag) =	ssettag $0x1  }
0x1: {  	s0 =	rddreg [dreg:$0x0]  }
0x2: {  	s1 =	rddreg [dreg:$0x1]  }
0x3: {  	s3 =	rddreg [dreg:$0x2]  }
0x4: {  	s4 =	rddreg [dreg:$0x3]  }
0x5: {  	s5 =	rddreg [dreg:$0x4]  }
0x6: {  	s2 =	srdreg.scid;
	s7 =	rddreg [dreg:$0x5]  }
0x7: {  	s6 =	stileid.u32;
	s8 =	rddreg [dreg:$0x6]  }
0x8: {  	s9 =	simm.s32 $0x0;
	s21 =	simm.s32 $0x3;
	s23 =	simm.s32 $0x5100  }
0x9: {  	s16 =	simm.s32 $0x2;
	s2 =	sand.u32 $0x1, s2;
	s6 =	sshll.u32 s6, $0x1  }
0xa: {  	s19 =	simm.s32 $0xA100;
	s20 =	simm.s32 $0xA180;
	s6 =	sor.u32 s2, s6  }
0xb: {  	s24 =	simm.s32 $0xA300;
	s26 =	simm.s32 $0xA200;
	s10 =	smul.u32 $0x28, s6  }
0xc: {  	s28 =	simm.s32 $0xA280;
	s29 =	simm.s32 $0xF300;
	s12 =	smul.u32 $0xC8, s6  }
0xd: {  	[smem:$0x7FF] =	sst s9;
	s2 =	ssub.s32 $0x2, s2;
	s11 =	smul.u32 $0x2710, s6  }
0xe: {  	_ =	strace $0x80000047;
	s13 =	sshrl.u32 s2, $0x1;
	s6 =	smul.u32 $0x138800, s6  }
0xf: {  	s2 =	ssub.s32 s2, s13;
	s13 =	sadd.s32 $0x100, s4;
	s12 =	sadd.s32 s0, s12  }
0x10: {  	s14 =	sor.u32 $0x2, s10;
	s31 =	sshrl.u32 s11, $0x3;
	s6 =	sshrl.u32 s6, $0x3  }
0x11: {  	v0 =	vlaneseq.u32;
	s17 =	sadd.s32 $0x50, s11;
	s2 =	smax.u32 s2, $0x1;
	[dreg:$0x8] =	wrdreg s12  }
0x12: {  	v1 =	vand.u32 $0x7, v0;
	v63 =	vshrl.u32 v0, $0x3;
	s18 =	sadd.s32 $0xA0, s11;
	s15 =	sadd.s32 s1, s31;
	[dreg:$0xc] =	wrdreg s2  }
0x13: {  	v0 =	vor.u32 $0x8, v0;
	[tilespmem:$0x1FFD0] =	vst v1;
	v1 =	vmul.u32 $0x8, v63;
	s12 =	sadd.s32 s3, s31;
	s6 =	sadd.s32 s8, s6;
	[dreg:$0x9] =	wrdreg s15  }
0x14: {  	[tilespmem:$0x1FFF0] =	vst v0;
	s2 =	simm.s32 $0x50;
	[dreg:$0xa] =	wrdreg s12;
	s6 =	sadd.s32 $0x26C00, s6  }
0x15: {  	vm0 =	vmmov $0xffff;
	[tilespmem:$0x1FFE0] =	vst v1;
	s15 =	simm.s32 $0x1;
	s12 =	simm.s32 $0x0;
	[dreg:$0xb] =	wrdreg s6  }
.LBB2_1:
0x16: {  	[dreg:$0xd] =	wrdreg s12  }
0x17: {  	s6 =	rddreg [dreg:$0x8]  }
0x18: {  	[tilespmem:s9], [sflag:$0x3] =	stream.linear.gather [hbm4b:s6+s9], $0x28, $0x38;
	[tilespmem:$0x14300] =	vst v63  }
0x19: {  	_ =	swait.ge [sflag:s21], $0x28  }
0x1a: {  	[sflag:s21] =	ssyncset.done $0x0  }
0x1b: {  	[sflag:s21] =	ssyncadd.s32 $0xFFFFFFD8  }
0x1c: {  	v0 =	vld [tilespmem:$0x0];
	_ =	sdelay $0x2  }
0x1d: {  	v2 =	vld [tilespmem:$0x1FFD0];
	_ =	sdelay $0x1  }
0x1e: {  	v3 =	vld [tilespmem:$0x1FFE0];
	v1 =	vshll.u32 v0, $0x2  }
0x1f: {  	v0 =	vand.u32 $0x7, v0;
	v1 =	vand.u32 $0xFFFFFFE0, v1  }
0x20: {  	v4 =	vld [tilespmem:$0x1FFF0];
	v0 =	vor.u32 v0, v1  }
0x21: {  	v1 =	vperm.xlane v0, v2;
	_ =	sdelay $0x1  }
0x22: {  	v1 =	vadd.s32 v3, v1;
	_ =	sdelay $0x1  }
0x23: {  	v0 =	vperm.xlane v0, v4;
	_ =	sdelay $0x1  }
0x24: {  	s25 =	simm.s32 $0x100;
	v0 =	vadd.s32 v3, v0  }
0x25: {  	[tilespmem:s25], [sflag:$0x1] =	stream.indirect_vreg.gather [hbm4b:s4+s9], $0x80, v1, vm0, $0xb8;
	[tilespmem:$0x14300] =	vst v63  }
0x26: {  	s30 =	simm.s32 $0x900  }
0x27: {  	[tilespmem:s30], [sflag:$0x1] =	stream.indirect_vreg.gather [hbm4b:s13+s9], $0x80, v1, vm0, $0xb8;
	[tilespmem:$0x14300] =	vst v63  }
0x28: {  	s12 =	simm.s32 $0x1100  }
0x29: {  	[tilespmem:s12], [sflag:$0x1] =	stream.indirect_vreg.gather [hbm4b:s4+s9], $0x80, v0, vm0, $0xb8;
	[tilespmem:$0x14300] =	vst v63  }
0x2a: {  	s22 =	simm.s32 $0x1900  }
0x2b: {  	[tilespmem:s22], [sflag:$0x1] =	stream.indirect_vreg.gather [hbm4b:s13+s9], $0x80, v0, vm0, $0xb8;
	[tilespmem:$0x14300] =	vst v63  }
0x2c: {  	v0 =	vld [tilespmem:$0x10];
	_ =	sdelay $0x4  }
0x2d: {  	v62 =	vshll.u32 v0, $0x2  }
0x2e: {  	v0 =	vand.u32 $0x7, v0;
	v1 =	vand.u32 $0xFFFFFFE0, v62  }
0x2f: {  	v0 =	vor.u32 v0, v1  }
0x30: {  	v1 =	vperm.xlane v0, v2;
	_ =	sdelay $0x1  }
0x31: {  	v1 =	vadd.s32 v3, v1;
	_ =	sdelay $0x1  }
0x32: {  	v0 =	vperm.xlane v0, v4;
	_ =	sdelay $0x1  }
0x33: {  	s25 =	simm.s32 $0x2100;
	v0 =	vadd.s32 v3, v0  }
0x34: {  	[tilespmem:s25], [sflag:$0x1] =	stream.indirect_vreg.gather [hbm4b:s4+s9], $0x80, v1, vm0, $0xb8;
	[tilespmem:$0x14300] =	vst v63  }
0x35: {  	s30 =	simm.s32 $0x2900  }
0x36: {  	[tilespmem:s30], [sflag:$0x1] =	stream.indirect_vreg.gather [hbm4b:s13+s9], $0x80, v1, vm0, $0xb8;
	[tilespmem:$0x14300] =	vst v63  }
0x37: {  	s12 =	simm.s32 $0x3100  }
0x38: {  	[tilespmem:s12], [sflag:$0x1] =	stream.indirect_vreg.gather [hbm4b:s4+s9], $0x80, v0, vm0, $0xb8;
	[tilespmem:$0x14300] =	vst v63  }
0x39: {  	s22 =	simm.s32 $0x3900  }
0x3a: {  	[tilespmem:s22], [sflag:$0x1] =	stream.indirect_vreg.gather [hbm4b:s13+s9], $0x80, v0, vm0, $0xb8;
	[tilespmem:$0x14300] =	vst v63  }
0x3b: {  	v0 =	vld.msk [tilespmem:$0x20], $0xff;
	_ =	sdelay $0x4  }
0x3c: {  	v63 =	vshll.u32 v0, $0x2  }
0x3d: {  	v0 =	vand.u32 $0x7, v0;
	v1 =	vand.u32 $0xFFFFFFE0, v63  }
0x3e: {  	v0 =	vor.u32 v0, v1  }
0x3f: {  	v0 =	vperm.xlane v0, v2;
	_ =	sdelay $0x1  }
0x40: {  	v0 =	vadd.s32 v3, v0;
	_ =	sdelay $0x3  }
0x41: {  	s25 =	simm.s32 $0x4100  }
0x42: {  	[tilespmem:s25], [sflag:$0x1] =	stream.indirect_vreg.gather [hbm4b:s4+s9], $0x80, v0, vm0, $0xb8;
	[tilespmem:$0x14300] =	vst v63  }
0x43: {  	s31 =	simm.s32 $0x0;
	s30 =	simm.s32 $0x4900  }
0x44: {  	[tilespmem:s30], [sflag:$0x1] =	stream.indirect_vreg.gather [hbm4b:s13+s9], $0x80, v0, vm0, $0xb8;
	[tilespmem:$0x14300] =	vst v63  }
.LBB2_2:
0x45: {  	s12 =	sshll.u32 s31, $0x1  }
0x46: {  	s6 =	sadd.s32 s12, s10  }
0x47: {  	s6 =	sadd.s32 $0x1, s6  }
0x48: {  	s22 =	smul.u32 $0x5, s6;
	_ =	sdelay $0x1  }
0x49: {  	s30 =	simm.s32 $0x0;
	s25 =	simm.s32 $0x80;
	s22 =	sadd.s32 s0, s22  }
0x4a: {  	[tilespmem:s25], [sflag:$0x3] =	stream.linear.gather [hbm4b:s22+s30], $0x28, $0x38;
	[tilespmem:$0x14300] =	vst v63  }
0x4b: {  	_ =	swait.ge [sflag:s21], $0x28  }
0x4c: {  	[sflag:s21] =	ssyncset.done $0x0  }
0x4d: {  	[sflag:s21] =	ssyncadd.s32 $0xFFFFFFD8  }
0x4e: {  	v0 =	vld [tilespmem:$0x80];
	_ =	sdelay $0x2  }
0x4f: {  	v2 =	vld [tilespmem:$0x1FFD0];
	_ =	sdelay $0x1  }
0x50: {  	v3 =	vld [tilespmem:$0x1FFE0];
	v1 =	vshll.u32 v0, $0x2  }
0x51: {  	v0 =	vand.u32 $0x7, v0;
	v1 =	vand.u32 $0xFFFFFFE0, v1  }
0x52: {  	v4 =	vld [tilespmem:$0x1FFF0];
	v0 =	vor.u32 v0, v1  }
0x53: {  	v1 =	vperm.xlane v0, v2;
	_ =	sdelay $0x1  }
0x54: {  	v1 =	vadd.s32 v3, v1;
	_ =	sdelay $0x1  }
0x55: {  	v0 =	vperm.xlane v0, v4;
	_ =	sdelay $0x1  }
0x56: {  	v0 =	vadd.s32 v3, v0  }
0x57: {  	[tilespmem:s23], [sflag:$0x2] =	stream.indirect_vreg.gather [hbm4b:s4+s30], $0x80, v1, vm0, $0xb8;
	[tilespmem:$0x14300] =	vst v63  }
0x58: {  	s25 =	simm.s32 $0x5900  }
0x59: {  	[tilespmem:s25], [sflag:$0x2] =	stream.indirect_vreg.gather [hbm4b:s13+s30], $0x80, v1, vm0, $0xb8;
	[tilespmem:$0x14300] =	vst v63  }
0x5a: {  	s25 =	simm.s32 $0x6100  }
0x5b: {  	[tilespmem:s25], [sflag:$0x2] =	stream.indirect_vreg.gather [hbm4b:s4+s30], $0x80, v0, vm0, $0xb8;
	[tilespmem:$0x14300] =	vst v63  }
0x5c: {  	s25 =	simm.s32 $0x6900  }
0x5d: {  	[tilespmem:s25], [sflag:$0x2] =	stream.indirect_vreg.gather [hbm4b:s13+s30], $0x80, v0, vm0, $0xb8;
	[tilespmem:$0x14300] =	vst v63  }
0x5e: {  	v0 =	vld [tilespmem:$0x90];
	_ =	sdelay $0x4  }
0x5f: {  	v1 =	vshll.u32 v0, $0x2  }
0x60: {  	v0 =	vand.u32 $0x7, v0;
	v1 =	vand.u32 $0xFFFFFFE0, v1  }
0x61: {  	v0 =	vor.u32 v0, v1  }
0x62: {  	v1 =	vperm.xlane v0, v2;
	_ =	sdelay $0x1  }
0x63: {  	v1 =	vadd.s32 v3, v1;
	_ =	sdelay $0x1  }
0x64: {  	v0 =	vperm.xlane v0, v4;
	_ =	sdelay $0x1  }
0x65: {  	s25 =	simm.s32 $0x7100;
	v0 =	vadd.s32 v3, v0  }
0x66: {  	[tilespmem:s25], [sflag:$0x2] =	stream.indirect_vreg.gather [hbm4b:s4+s30], $0x80, v1, vm0, $0xb8;
	[tilespmem:$0x14300] =	vst v63  }
0x67: {  	s25 =	simm.s32 $0x7900  }
0x68: {  	[tilespmem:s25], [sflag:$0x2] =	stream.indirect_vreg.gather [hbm4b:s13+s30], $0x80, v1, vm0, $0xb8;
	[tilespmem:$0x14300] =	vst v63  }
0x69: {  	s25 =	simm.s32 $0x8100  }
0x6a: {  	[tilespmem:s25], [sflag:$0x2] =	stream.indirect_vreg.gather [hbm4b:s4+s30], $0x80, v0, vm0, $0xb8;
	[tilespmem:$0x14300] =	vst v63  }
0x6b: {  	s25 =	simm.s32 $0x8900  }
0x6c: {  	[tilespmem:s25], [sflag:$0x2] =	stream.indirect_vreg.gather [hbm4b:s13+s30], $0x80, v0, vm0, $0xb8;
	[tilespmem:$0x14300] =	vst v63  }
0x6d: {  	v0 =	vld.msk [tilespmem:$0xA0], $0xff;
	_ =	sdelay $0x4  }
0x6e: {  	v1 =	vshll.u32 v0, $0x2  }
0x6f: {  	v0 =	vand.u32 $0x7, v0;
	v1 =	vand.u32 $0xFFFFFFE0, v1  }
0x70: {  	v0 =	vor.u32 v0, v1  }
0x71: {  	v0 =	vperm.xlane v0, v2;
	_ =	sdelay $0x1  }
0x72: {  	v0 =	vadd.s32 v3, v0;
	_ =	sdelay $0x3  }
0x73: {  	s25 =	simm.s32 $0x9100  }
0x74: {  	[tilespmem:s25], [sflag:$0x2] =	stream.indirect_vreg.gather [hbm4b:s4+s30], $0x80, v0, vm0, $0xb8;
	[tilespmem:$0x14300] =	vst v63  }
0x75: {  	s25 =	simm.s32 $0x9900  }
0x76: {  	[tilespmem:s25], [sflag:$0x2] =	stream.indirect_vreg.gather [hbm4b:s13+s30], $0x80, v0, vm0, $0xb8;
	[tilespmem:$0x14300] =	vst v63  }
0x77: {  	_ =	swait.ge [sflag:s15], $0x5000  }
0x78: {  	[sflag:s15] =	ssyncset.done $0x0  }
0x79: {  	s30 =	simm.s32 $0x0;
	[sflag:s15] =	ssyncadd.s32 $0xFFFFB000  }
0x7a: {  	v0 =	vld [tilespmem:s30+$0x4140];
	_ =	sdelay $0x4  }
0x7b: {  	[tilespmem:$0x1FCE0] =	vst v0;
	v0 =	vld [tilespmem:s30+$0x4150];
	_ =	sdelay $0x4  }
0x7c: {  	[tilespmem:$0x1FCF0] =	vst v0;
	v0 =	vld [tilespmem:s30+$0x4160];
	_ =	sdelay $0x4  }
0x7d: {  	[tilespmem:$0x1FD00] =	vst v0;
	v0 =	vld [tilespmem:s30+$0x4170];
	_ =	sdelay $0x4  }
0x7e: {  	[tilespmem:$0x1FD10] =	vst v0;
	v0 =	vld [tilespmem:s30+$0x4500];
	_ =	sdelay $0x4  }
0x7f: {  	[tilespmem:$0x1FD20] =	vst v0;
	v0 =	vld [tilespmem:s30+$0x4510];
	_ =	sdelay $0x4  }
0x80: {  	[tilespmem:$0x1FD40] =	vst v0;
	v0 =	vld [tilespmem:s30+$0x4520];
	_ =	sdelay $0x4  }
0x81: {  	[tilespmem:$0x1FD60] =	vst v0;
	v0 =	vld [tilespmem:s30+$0x4530];
	_ =	sdelay $0x4  }
0x82: {  	[tilespmem:$0x1FD70] =	vst v0;
	v0 =	vld [tilespmem:s30+$0x4540];
	_ =	sdelay $0x4  }
0x83: {  	[tilespmem:$0x1FDA0] =	vst v0;
	v0 =	vld [tilespmem:s30+$0x4550];
	_ =	sdelay $0x4  }
0x84: {  	[tilespmem:$0x1FDC0] =	vst v0;
	v0 =	vld [tilespmem:s30+$0x4560];
	_ =	sdelay $0x4  }
0x85: {  	[tilespmem:$0x1FDE0] =	vst v0;
	v0 =	vld [tilespmem:s30+$0x4570];
	_ =	sdelay $0x4  }
0x86: {  	[tilespmem:$0x1FDF0] =	vst v0;
	v0 =	vld [tilespmem:s30+$0x4900];
	_ =	sdelay $0x4  }
0x87: {  	[tilespmem:$0x1FE50] =	vst v0;
	v0 =	vld [tilespmem:s30+$0x4910];
	_ =	sdelay $0x4  }
0x88: {  	[tilespmem:$0x1FE70] =	vst v0;
	v0 =	vld [tilespmem:s30+$0x4920];
	_ =	sdelay $0x4  }
0x89: {  	[tilespmem:$0x1FE90] =	vst v0;
	v0 =	vld [tilespmem:s30+$0x4930];
	_ =	sdelay $0x4  }
0x8a: {  	[tilespmem:$0x1FEA0] =	vst v0;
	v0 =	vld [tilespmem:s30+$0x4940];
	_ =	sdelay $0x4  }
0x8b: {  	[tilespmem:$0x1FF10] =	vst v0;
	v0 =	vld [tilespmem:s30+$0x4950];
	_ =	sdelay $0x4  }
0x8c: {  	[tilespmem:$0x1FF30] =	vst v0;
	v0 =	vld [tilespmem:s30+$0x4960];
	_ =	sdelay $0x4  }
0x8d: {  	[tilespmem:$0x1FF50] =	vst v0;
	v0 =	vld [tilespmem:s30+$0x4970];
	_ =	sdelay $0x4  }
0x8e: {  	[tilespmem:$0x1FF60] =	vst v0;
	v0 =	vld [tilespmem:s30+$0x4D00];
	_ =	sdelay $0x4  }
0x8f: {  	[tilespmem:$0x1FC80] =	vst v0;
	v0 =	vld [tilespmem:s30+$0x4D10];
	_ =	sdelay $0x4  }
0x90: {  	[tilespmem:$0x1FC90] =	vst v0;
	v0 =	vld [tilespmem:s30+$0x3520];
	_ =	sdelay $0x4  }
0x91: {  	[tilespmem:$0x1FD30] =	vst v0;
	v0 =	vld [tilespmem:s30+$0x3530];
	_ =	sdelay $0x4  }
0x92: {  	[tilespmem:$0x1FD50] =	vst v0;
	v0 =	vld [tilespmem:s30+$0x3540];
	_ =	sdelay $0x4  }
0x93: {  	[tilespmem:$0x1FD80] =	vst v0;
	v0 =	vld [tilespmem:s30+$0x3550];
	_ =	sdelay $0x4  }
0x94: {  	[tilespmem:$0x1FD90] =	vst v0;
	v0 =	vld [tilespmem:s30+$0x3560];
	_ =	sdelay $0x4  }
0x95: {  	[tilespmem:$0x1FDB0] =	vst v0;
	v0 =	vld [tilespmem:s30+$0x3570];
	_ =	sdelay $0x4  }
0x96: {  	[tilespmem:$0x1FDD0] =	vst v0;
	v0 =	vld [tilespmem:s30+$0x3900];
	_ =	sdelay $0x4  }
0x97: {  	[tilespmem:$0x1FE10] =	vst v0;
	v0 =	vld [tilespmem:s30+$0x3910];
	_ =	sdelay $0x4  }
0x98: {  	[tilespmem:$0x1FE30] =	vst v0;
	v0 =	vld [tilespmem:s30+$0x3920];
	_ =	sdelay $0x4  }
0x99: {  	[tilespmem:$0x1FE60] =	vst v0;
	v0 =	vld [tilespmem:s30+$0x3930];
	_ =	sdelay $0x4  }
0x9a: {  	[tilespmem:$0x1FE80] =	vst v0;
	v0 =	vld [tilespmem:s30+$0x3940];
	_ =	sdelay $0x4  }
0x9b: {  	[tilespmem:$0x1FED0] =	vst v0;
	v0 =	vld [tilespmem:s30+$0x3950];
	_ =	sdelay $0x4  }
0x9c: {  	[tilespmem:$0x1FEF0] =	vst v0;
	v0 =	vld [tilespmem:s30+$0x3960];
	_ =	sdelay $0x4  }
0x9d: {  	[tilespmem:$0x1FF20] =	vst v0;
	v0 =	vld [tilespmem:s30+$0x3970];
	_ =	sdelay $0x4  }
0x9e: {  	[tilespmem:$0x1FF40] =	vst v0;
	v0 =	vld [tilespmem:s30+$0x3D00];
	_ =	sdelay $0x4  }
0x9f: {  	[tilespmem:$0x1FF90] =	vst v0;
	v0 =	vld [tilespmem:s30+$0x3D10];
	_ =	sdelay $0x4  }
0xa0: {  	[tilespmem:$0x1FFB0] =	vst v0;
	v0 =	vld [tilespmem:s30+$0x3D20];
	_ =	sdelay $0x4  }
0xa1: {  	[tilespmem:$0x1FCA0] =	vst v0;
	v0 =	vld [tilespmem:s30+$0x3D30];
	_ =	sdelay $0x4  }
0xa2: {  	[tilespmem:$0x1FCB0] =	vst v0;
	v0 =	vld [tilespmem:s30+$0x3D40];
	_ =	sdelay $0x4  }
0xa3: {  	[tilespmem:$0x1FCC0] =	vst v0;
	v0 =	vld [tilespmem:s30+$0x3D50];
	_ =	sdelay $0x4  }
0xa4: {  	[tilespmem:$0x1FCD0] =	vst v0;
	v0 =	vld [tilespmem:s30+$0x2910];
	_ =	sdelay $0x4  }
0xa5: {  	[tilespmem:$0x1FE00] =	vst v0;
	v0 =	vld [tilespmem:s30+$0x2920];
	_ =	sdelay $0x4  }
0xa6: {  	[tilespmem:$0x1FE20] =	vst v0;
	v0 =	vld [tilespmem:s30+$0x2930];
	_ =	sdelay $0x4  }
0xa7: {  	[tilespmem:$0x1FE40] =	vst v0;
	v0 =	vld [tilespmem:s30+$0x2940];
	_ =	sdelay $0x4  }
0xa8: {  	[tilespmem:$0x1FEB0] =	vst v0;
	v0 =	vld [tilespmem:s30+$0x2950];
	_ =	sdelay $0x3  }
0xa9: {  	v59 =	vld [tilespmem:s30+$0x4100]  }
0xaa: {  	[tilespmem:$0x1FEC0] =	vst v0;
	v0 =	vld [tilespmem:s30+$0x2960]  }
0xab: {  	v58 =	vld [tilespmem:s30+$0x4110]  }
0xac: {  	v53 =	vld [tilespmem:s30+$0x4120]  }
0xad: {  	v55 =	vld [tilespmem:s30+$0x4130]  }
0xae: {  	v60 =	vld [tilespmem:s30+$0x3100]  }
0xaf: {  	[tilespmem:$0x1FEE0] =	vst v0;
	v0 =	vld [tilespmem:s30+$0x2970]  }
0xb0: {  	v61 =	vld [tilespmem:s30+$0x3110]  }
0xb1: {  	v62 =	vld [tilespmem:s30+$0x3120]  }
0xb2: {  	v63 =	vld [tilespmem:s30+$0x3130]  }
0xb3: {  	v45 =	vld [tilespmem:s30+$0x3140]  }
0xb4: {  	[tilespmem:$0x1FF00] =	vst v0;
	v0 =	vld [tilespmem:s30+$0x2D00]  }
0xb5: {  	v46 =	vld [tilespmem:s30+$0x3150]  }
0xb6: {  	v56 =	vld [tilespmem:s30+$0x3510]  }
0xb7: {  	v27 =	vld [tilespmem:s30+$0x2100]  }
0xb8: {  	v10 =	vld [tilespmem:s30+$0x2110]  }
0xb9: {  	[tilespmem:$0x1FF70] =	vst v0;
	v0 =	vld [tilespmem:s30+$0x2D10]  }
0xba: {  	v29 =	vld [tilespmem:s30+$0x2120]  }
0xbb: {  	v30 =	vld [tilespmem:s30+$0x2130]  }
0xbc: {  	v12 =	vld [tilespmem:s30+$0x2140]  }
0xbd: {  	v13 =	vld [tilespmem:s30+$0x2150]  }
0xbe: {  	[tilespmem:$0x1FF80] =	vst v0;
	v0 =	vld [tilespmem:s30+$0x2D20]  }
0xbf: {  	v40 =	vld [tilespmem:s30+$0x2510]  }
0xc0: {  	v44 =	vld [tilespmem:s30+$0x2530]  }
0xc1: {  	v3 =	vld [tilespmem:s30+$0x1100]  }
0xc2: {  	v6 =	vld [tilespmem:s30+$0x1120]  }
0xc3: {  	[tilespmem:$0x1FFA0] =	vst v0;
	v0 =	vld [tilespmem:s30+$0x2D30]  }
0xc4: {  	v7 =	vld [tilespmem:s30+$0x1130]  }
0xc5: {  	v2 =	vld [tilespmem:s30+$0x120]  }
0xc6: {  	v5 =	vld [tilespmem:s30+$0x130]  }
0xc7: {  	v15 =	vld [tilespmem:s30+$0x1140]  }
0xc8: {  	[tilespmem:$0x1FFC0] =	vst v0;
	v0 =	vld [tilespmem:s30+$0x100]  }
0xc9: {  	v17 =	vld [tilespmem:s30+$0x1150]  }
0xca: {  	v9 =	vld [tilespmem:s30+$0x150]  }
0xcb: {  	v8 =	vld [tilespmem:s30+$0x140]  }
0xcc: {  	v25 =	vld [tilespmem:s30+$0x1510];
	v2 =	vadd.f32 v6, v2  }
0xcd: {  	v22 =	vld [tilespmem:s30+$0x510];
	v0 =	vadd.f32 v3, v0  }
0xce: {  	v4 =	vld [tilespmem:s30+$0x1110];
	v5 =	vadd.f32 v7, v5;
	v2 =	vadd.f32 v29, v2  }
0xcf: {  	v1 =	vld [tilespmem:s30+$0x110];
	v9 =	vadd.f32 v17, v9;
	v0 =	vadd.f32 v27, v0  }
0xd0: {  	v47 =	vld [tilespmem:s30+$0x2540];
	v8 =	vadd.f32 v15, v8;
	v2 =	vadd.f32 v62, v2  }
0xd1: {  	v11 =	vld [tilespmem:s30+$0x1530];
	v9 =	vadd.f32 v13, v9;
	v0 =	vadd.f32 v60, v0  }
0xd2: {  	v26 =	vld [tilespmem:s30+$0x530];
	v22 =	vadd.f32 v25, v22;
	v2 =	vadd.f32 v53, v2  }
0xd3: {  	v9 =	vadd.f32 v46, v9;
	v46 =	vld [tilespmem:$0x1FCE0];
	v0 =	vadd.f32 v59, v0  }
0xd4: {  	v1 =	vadd.f32 v4, v1;
	v8 =	vadd.f32 v12, v8;
	[tilespmem:s30+$0x120] =	vst v2;
	v2 =	vld [tilespmem:$0x1FD40]  }
0xd5: {  	v31 =	vld [tilespmem:s30+$0x1540];
	v5 =	vadd.f32 v30, v5;
	[tilespmem:s30+$0x100] =	vst v0;
	v0 =	vadd.f32 v40, v22  }
0xd6: {  	v4 =	vld [tilespmem:s30+$0x540];
	v1 =	vadd.f32 v10, v1;
	v8 =	vadd.f32 v45, v8  }
0xd7: {  	v32 =	vld [tilespmem:s30+$0x1550];
	v5 =	vadd.f32 v63, v5;
	v0 =	vadd.f32 v56, v0  }
0xd8: {  	v6 =	vld [tilespmem:s30+$0x550];
	v1 =	vadd.f32 v61, v1;
	v8 =	vadd.f32 v46, v8  }
0xd9: {  	v5 =	vadd.f32 v55, v5;
	v0 =	vadd.f32 v2, v0;
	v2 =	vld [tilespmem:$0x1FD50]  }
0xda: {  	v1 =	vadd.f32 v58, v1;
	[tilespmem:s30+$0x140] =	vst v8;
	v8 =	vld [tilespmem:$0x1FD80];
	v22 =	vadd.f32 v11, v26  }
0xdb: {  	v4 =	vadd.f32 v31, v4;
	[tilespmem:s30+$0x130] =	vst v5;
	v5 =	vld [tilespmem:$0x1FD70]  }
0xdc: {  	[tilespmem:s30+$0x110] =	vst v1;
	v1 =	vadd.f32 v44, v22  }
0xdd: {  	v49 =	vld [tilespmem:s30+$0x2550];
	v4 =	vadd.f32 v47, v4  }
0xde: {  	v1 =	vadd.f32 v2, v1  }
0xdf: {  	v4 =	vadd.f32 v8, v4;
	v8 =	vld [tilespmem:$0x1FD90]  }
0xe0: {  	v34 =	vld [tilespmem:s30+$0x2160];
	v1 =	vadd.f32 v5, v1;
	v5 =	vadd.f32 v32, v6  }
0xe1: {  	v19 =	vld [tilespmem:s30+$0x1160]  }
0xe2: {  	v16 =	vld [tilespmem:s30+$0x160];
	v5 =	vadd.f32 v49, v5  }
0xe3: {  	v33 =	vld [tilespmem:s30+$0x1560]  }
0xe4: {  	v5 =	vadd.f32 v8, v5;
	v8 =	vld [tilespmem:$0x1FDA0]  }
0xe5: {  	v7 =	vld [tilespmem:s30+$0x560]  }
0xe6: {  	v48 =	vld [tilespmem:s30+$0x3160]  }
0xe7: {  	v51 =	vld [tilespmem:s30+$0x2560]  }
0xe8: {  	v16 =	vadd.f32 v19, v16  }
0xe9: {  	v8 =	vadd.f32 v8, v4;
	v4 =	vld [tilespmem:$0x1FDB0]  }
0xea: {  	v16 =	vadd.f32 v34, v16;
	v7 =	vadd.f32 v33, v7;
	_ =	sdelay $0x1  }
0xeb: {  	v16 =	vadd.f32 v48, v16;
	v48 =	vld [tilespmem:$0x1FCF0];
	v7 =	vadd.f32 v51, v7  }
0xec: {  	v3 =	vld [tilespmem:s30+$0x1570]  }
0xed: {  	v4 =	vadd.f32 v4, v7;
	v7 =	vld [tilespmem:$0x1FDC0]  }
0xee: {  	v27 =	vld [tilespmem:s30+$0x570];
	_ =	sdelay $0x1  }
0xef: {  	v52 =	vld [tilespmem:s30+$0x2570];
	v9 =	vadd.f32 v48, v9;
	_ =	sdelay $0x1  }
0xf0: {  	[tilespmem:s30+$0x150] =	vst v9;
	v9 =	vadd.f32 v7, v5;
	v5 =	vld [tilespmem:$0x1FDD0]  }
0xf1: {  	v41 =	vld [tilespmem:s30+$0x4D20];
	v3 =	vadd.f32 v3, v27  }
0xf2: {  	v57 =	vld [tilespmem:s30+$0x3500]  }
0xf3: {  	v55 =	vld [tilespmem:$0x1FD00];
	v3 =	vadd.f32 v52, v3  }
0xf4: {  	v38 =	vld [tilespmem:s30+$0x2500]  }
0xf5: {  	v3 =	vadd.f32 v5, v3;
	v5 =	vld [tilespmem:$0x1FDE0]  }
0xf6: {  	v17 =	vld [tilespmem:s30+$0x900]  }
0xf7: {  	v10 =	vld [tilespmem:s30+$0x1900]  }
0xf8: {  	v19 =	vld [tilespmem:s30+$0x910];
	v16 =	vadd.f32 v55, v16  }
0xf9: {  	v29 =	vld [tilespmem:s30+$0x1910]  }
0xfa: {  	[tilespmem:s30+$0x160] =	vst v16;
	v16 =	vadd.f32 v5, v4;
	v5 =	vld [tilespmem:$0x1FDF0]  }
0xfb: {  	v42 =	vld [tilespmem:s30+$0x2520]  }
0xfc: {  	v4 =	vadd.f32 v10, v17;
	v10 =	vld [tilespmem:$0x1FE00]  }
0xfd: {  	v20 =	vld [tilespmem:s30+$0x1170]  }
0xfe: {  	v18 =	vld [tilespmem:s30+$0x170]  }
0xff: {  	v54 =	vld [tilespmem:s30+$0x2900];
	v3 =	vadd.f32 v5, v3;
	v5 =	vadd.f32 v29, v19  }
0x100: {  	v23 =	vld [tilespmem:s30+$0x1500]  }
0x101: {  	v5 =	vadd.f32 v10, v5;
	v10 =	vld [tilespmem:$0x1FE10]  }
0x102: {  	v21 =	vld [tilespmem:s30+$0x500]  }
0x103: {  	v18 =	vadd.f32 v20, v18;
	v20 =	vld [tilespmem:s30+$0x920]  }
0x104: {  	v30 =	vld [tilespmem:s30+$0x1920];
	v4 =	vadd.f32 v54, v4  }
0x105: {  	v28 =	vld [tilespmem:s30+$0x1520]  }
0x106: {  	v4 =	vadd.f32 v10, v4;
	v10 =	vld [tilespmem:$0x1FE20]  }
0x107: {  	v15 =	vld [tilespmem:s30+$0x1930]  }
0x108: {  	v21 =	vadd.f32 v23, v21;
	v12 =	vld [tilespmem:s30+$0x930]  }
0x109: {  	v11 =	vld [tilespmem:$0x1FD20];
	v7 =	vadd.f32 v30, v20  }
0x10a: {  	v24 =	vld [tilespmem:s30+$0x520];
	v21 =	vadd.f32 v38, v21  }
0x10b: {  	v7 =	vadd.f32 v10, v7;
	v10 =	vld [tilespmem:$0x1FE50]  }
0x10c: {  	v13 =	vld [tilespmem:s30+$0x1940];
	v21 =	vadd.f32 v57, v21  }
0x10d: {  	[tilespmem:s30+$0x510] =	vst v0;
	v0 =	vld [tilespmem:$0x1FE30]  }
0x10e: {  	v15 =	vadd.f32 v15, v12;
	v12 =	vld [tilespmem:$0x1FEB0];
	v21 =	vadd.f32 v11, v21  }
0x10f: {  	v59 =	vld [tilespmem:s30+$0x940]  }
0x110: {  	[tilespmem:s30+$0x500] =	vst v21;
	v21 =	vadd.f32 v10, v4;
	v4 =	vld [tilespmem:$0x1FE60]  }
0x111: {  	v11 =	vld [tilespmem:$0x1FD30]  }
0x112: {  	v24 =	vadd.f32 v28, v24;
	v0 =	vadd.f32 v0, v5;
	v5 =	vld [tilespmem:$0x1FE40]  }
0x113: {  	v2 =	vld [tilespmem:$0x1FD60]  }
0x114: {  	v39 =	vld [tilespmem:s30+$0x4D30];
	v24 =	vadd.f32 v42, v24  }
0x115: {  	v37 =	vld [tilespmem:s30+$0x4D40];
	v4 =	vadd.f32 v4, v7;
	v7 =	vadd.f32 v13, v59  }
0x116: {  	v35 =	vld [tilespmem:s30+$0x4D50];
	v24 =	vadd.f32 v11, v24  }
0x117: {  	v5 =	vadd.f32 v5, v15;
	v15 =	vadd.f32 v12, v7;
	v12 =	vld [tilespmem:$0x1FED0]  }
0x118: {  	v53 =	vld [tilespmem:s30+$0x1960];
	v2 =	vadd.f32 v2, v24  }
0x119: {  	v22 =	vld [tilespmem:s30+$0x960]  }
0x11a: {  	[tilespmem:s30+$0x520] =	vst v2;
	v2 =	vld [tilespmem:$0x1FE70];
	_ =	sdelay $0x1  }
0x11b: {  	v15 =	vadd.f32 v12, v15;
	v12 =	vld [tilespmem:$0x1FEE0];
	_ =	sdelay $0x1  }
0x11c: {  	v50 =	vld [tilespmem:s30+$0x3170]  }
0x11d: {  	v17 =	vadd.f32 v53, v22;
	v0 =	vadd.f32 v2, v0;
	v2 =	vld [tilespmem:$0x1FE80]  }
0x11e: {  	v36 =	vld [tilespmem:s30+$0x2170]  }
0x11f: {  	v22 =	vadd.f32 v12, v17;
	v12 =	vld [tilespmem:$0x1FF10]  }
0x120: {  	v34 =	vld [tilespmem:s30+$0x1950]  }
0x121: {  	v60 =	vld [tilespmem:s30+$0x950]  }
0x122: {  	v5 =	vadd.f32 v2, v5;
	v2 =	vld [tilespmem:$0x1FE90]  }
0x123: {  	[tilespmem:s30+$0x530] =	vst v1;
	v1 =	vld [tilespmem:$0x1FEA0]  }
0x124: {  	v17 =	vadd.f32 v12, v15;
	v12 =	vld [tilespmem:$0x1FF20]  }
0x125: {  	v7 =	vld [tilespmem:$0x1FEC0];
	_ =	sdelay $0x1  }
0x126: {  	[tilespmem:s30+$0x550] =	vst v9;
	v9 =	vld [tilespmem:$0x1FEF0];
	v2 =	vadd.f32 v2, v4  }
0x127: {  	v58 =	vld [tilespmem:$0x1FD10];
	v4 =	vadd.f32 v1, v5;
	v1 =	vadd.f32 v34, v60  }
0x128: {  	v15 =	vadd.f32 v12, v22;
	v12 =	vld [tilespmem:$0x1FF30]  }
0x129: {  	v18 =	vadd.f32 v36, v18;
	v1 =	vadd.f32 v7, v1;
	_ =	sdelay $0x1  }
0x12a: {  	v23 =	vld [tilespmem:s30+$0x1970];
	v18 =	vadd.f32 v50, v18;
	v1 =	vadd.f32 v9, v1  }
0x12b: {  	v61 =	vld [tilespmem:s30+$0x970]  }
0x12c: {  	v18 =	vadd.f32 v58, v18;
	[tilespmem:s30+$0x560] =	vst v16;
	v16 =	vadd.f32 v12, v1;
	v12 =	vld [tilespmem:$0x1FF50]  }
0x12d: {  	v62 =	vld [tilespmem:s30+$0x1D10]  }
0x12e: {  	[tilespmem:s30+$0x170] =	vst v18;
	v18 =	vld [tilespmem:s30+$0xD00]  }
0x12f: {  	v6 =	vld [tilespmem:s30+$0x1D00]  }
0x130: {  	v9 =	vld [tilespmem:$0x1FF00]  }
0x131: {  	v15 =	vadd.f32 v12, v15;
	v12 =	vld [tilespmem:$0x1FF70]  }
0x132: {  	v1 =	vld [tilespmem:$0x1FF40]  }
0x133: {  	[tilespmem:s30+$0x540] =	vst v8;
	v8 =	vadd.f32 v23, v61;
	v19 =	vld [tilespmem:s30+$0xD10]  }
0x134: {  	v6 =	vadd.f32 v6, v18;
	[tilespmem:s30+$0x570] =	vst v3;
	v3 =	vld [tilespmem:$0x1FF60]  }
0x135: {  	v9 =	vadd.f32 v9, v8  }
0x136: {  	v6 =	vadd.f32 v12, v6;
	v12 =	vld [tilespmem:$0x1FF80]  }
0x137: {  	v1 =	vadd.f32 v1, v9;
	_ =	sdelay $0x1  }
0x138: {  	v3 =	vadd.f32 v3, v1;
	v1 =	vadd.f32 v62, v19  }
0x139: {  	v14 =	vld [tilespmem:s30+$0x2D40]  }
0x13a: {  	[tilespmem:s30+$0x900] =	vst v21;
	v21 =	vadd.f32 v12, v1;
	v1 =	vld [tilespmem:$0x1FF90]  }
0x13b: {  	v43 =	vld [tilespmem:s30+$0x2D50]  }
0x13c: {  	v63 =	vld [tilespmem:s30+$0x1D20]  }
0x13d: {  	v20 =	vld [tilespmem:s30+$0xD20]  }
0x13e: {  	[tilespmem:s30+$0x910] =	vst v0;
	v0 =	vld [tilespmem:$0x1FFB0]  }
0x13f: {  	v6 =	vadd.f32 v1, v6;
	v1 =	vld [tilespmem:$0x1FFA0]  }
0x140: {  	v11 =	vld [tilespmem:s30+$0x1D30]  }
0x141: {  	v18 =	vld [tilespmem:s30+$0xD40]  }
0x142: {  	v10 =	vld [tilespmem:s30+$0xD30];
	v19 =	vadd.f32 v63, v20  }
0x143: {  	v5 =	vld [tilespmem:s30+$0x1D40]  }
0x144: {  	v1 =	vadd.f32 v1, v19;
	v19 =	vadd.f32 v0, v21;
	v0 =	vld [tilespmem:$0x1FFC0]  }
0x145: {  	v7 =	vld [tilespmem:s30+$0x1D50]  }
0x146: {  	v8 =	vld [tilespmem:s30+$0x1D60]  }
0x147: {  	v22 =	vadd.f32 v11, v10;
	v9 =	vld [tilespmem:s30+$0x1D70]  }
0x148: {  	v20 =	vld [tilespmem:s30+$0xD50]  }
0x149: {  	s22 =	simm.s32 $0x200;
	v21 =	vadd.f32 v0, v22;
	v0 =	vld [tilespmem:s30+$0xD60]  }
.LBB2_3:
0x14a: {  	[tilespmem:s30+$0x920] =	vst v2;
	v2 =	vld [tilespmem:$0x1FC80];
	_ =	sdelay $0x1  }
0x14b: {  	[tilespmem:s30+$0x930] =	vst v4;
	v4 =	vld [tilespmem:$0x1FC90]  }
0x14c: {  	v10 =	vld [tilespmem:$0x1FCB0];
	[tilespmem:s30+$0x940] =	vst v17  }
0x14d: {  	v12 =	vld [tilespmem:s30+$0x2D60];
	[tilespmem:s30+$0x950] =	vst v16  }
0x14e: {  	v17 =	vld [tilespmem:s30+$0x2D70];
	[tilespmem:s30+$0x960] =	vst v15;
	v2 =	vadd.f32 v2, v6  }
0x14f: {  	[tilespmem:s30+$0x970] =	vst v3;
	v6 =	vld [tilespmem:$0x1FCA0]  }
0x150: {  	s25 =	sshra.s32 s22, $0x2;
	v4 =	vadd.f32 v4, v19;
	[tilespmem:s30+$0xD00] =	vst v2;
	v2 =	vld [tilespmem:$0x1FCC0]  }
0x151: {  	v49 =	vld [tilespmem:s25+$0x4100]  }
0x152: {  	v5 =	vadd.f32 v5, v18;
	v7 =	vadd.f32 v7, v20;
	[tilespmem:s30+$0xD10] =	vst v4;
	v4 =	vld [tilespmem:$0x1FCD0]  }
0x153: {  	v16 =	vld [tilespmem:s30+$0x3D60];
	v0 =	vadd.f32 v8, v0;
	v11 =	vadd.f32 v10, v21  }
0x154: {  	v5 =	vadd.f32 v14, v5;
	v1 =	vadd.f32 v6, v1;
	v6 =	vld [tilespmem:s30+$0xD70]  }
0x155: {  	v3 =	vadd.f32 v43, v7;
	v7 =	vld [tilespmem:s30+$0x4D60];
	v0 =	vadd.f32 v12, v0  }
0x156: {  	v8 =	vld [tilespmem:s30+$0x3D70];
	v1 =	vadd.f32 v41, v1;
	v2 =	vadd.f32 v2, v5  }
0x157: {  	v11 =	vadd.f32 v39, v11;
	v50 =	vld [tilespmem:s25+$0x4110];
	v3 =	vadd.f32 v4, v3  }
0x158: {  	v0 =	vadd.f32 v16, v0;
	v5 =	vld [tilespmem:s30+$0x4D70];
	[tilespmem:s30+$0xD20] =	vst v1;
	v1 =	vadd.f32 v37, v2  }
0x159: {  	v6 =	vadd.f32 v9, v6;
	v51 =	vld [tilespmem:s25+$0x4120];
	[tilespmem:s30+$0xD30] =	vst v11;
	v2 =	vadd.f32 v35, v3  }
0x15a: {  	v0 =	vadd.f32 v7, v0;
	v52 =	vld [tilespmem:s25+$0x4130];
	[tilespmem:s30+$0xD40] =	vst v1  }
0x15b: {  	v4 =	vadd.f32 v17, v6;
	v44 =	vld [tilespmem:s25+$0x4140];
	[tilespmem:s30+$0xD50] =	vst v2  }
0x15c: {  	v45 =	vld [tilespmem:s25+$0x4150];
	[tilespmem:s30+$0xD60] =	vst v0  }
0x15d: {  	v3 =	vadd.f32 v8, v4;
	v0 =	vld [tilespmem:s25+$0x4160];
	_ =	sdelay $0x1  }
0x15e: {  	v1 =	vadd.f32 v5, v3;
	_ =	sdelay $0x1  }
0x15f: {  	[tilespmem:s30+$0xD70] =	vst v1;
	s30 =	smov.u32 s25  }
0x160: {  	[tilespmem:$0x1FAB0] =	vst v0;
	v0 =	vld [tilespmem:s30+$0x4170];
	_ =	sdelay $0x4  }
0x161: {  	[tilespmem:$0x1FAC0] =	vst v0;
	v0 =	vld [tilespmem:s30+$0x4500];
	_ =	sdelay $0x4  }
0x162: {  	[tilespmem:$0x1FAD0] =	vst v0;
	v0 =	vld [tilespmem:s30+$0x4510];
	_ =	sdelay $0x4  }
0x163: {  	[tilespmem:$0x1FAE0] =	vst v0;
	v0 =	vld [tilespmem:s30+$0x4520];
	_ =	sdelay $0x4  }
0x164: {  	[tilespmem:$0x1FAF0] =	vst v0;
	v0 =	vld [tilespmem:s30+$0x4530];
	_ =	sdelay $0x4  }
0x165: {  	[tilespmem:$0x1FB00] =	vst v0;
	v0 =	vld [tilespmem:s30+$0x4540];
	_ =	sdelay $0x4  }
0x166: {  	[tilespmem:$0x1FB10] =	vst v0;
	v0 =	vld [tilespmem:s30+$0x4550];
	_ =	sdelay $0x4  }
0x167: {  	[tilespmem:$0x1FB20] =	vst v0;
	v0 =	vld [tilespmem:s30+$0x4560];
	_ =	sdelay $0x4  }
0x168: {  	[tilespmem:$0x1FB30] =	vst v0;
	v0 =	vld [tilespmem:s30+$0x4570];
	_ =	sdelay $0x1  }
0x169: {  	v42 =	vld [tilespmem:s30+$0x4D20]  }
0x16a: {  	v41 =	vld [tilespmem:s30+$0x4D30]  }
0x16b: {  	v40 =	vld [tilespmem:s30+$0x4D40]  }
0x16c: {  	[tilespmem:$0x1FB40] =	vst v0;
	v0 =	vld [tilespmem:s30+$0x4900]  }
0x16d: {  	v39 =	vld [tilespmem:s30+$0x4D50]  }
0x16e: {  	v23 =	vld [tilespmem:s30+$0x3100]  }
0x16f: {  	v7 =	vld [tilespmem:s30+$0x3110]  }
0x170: {  	v6 =	vld [tilespmem:s30+$0x3120]  }
0x171: {  	[tilespmem:$0x1FB60] =	vst v0;
	v0 =	vld [tilespmem:s30+$0x4910]  }
0x172: {  	v20 =	vld [tilespmem:s30+$0x3130]  }
0x173: {  	v4 =	vld [tilespmem:s30+$0x3140]  }
0x174: {  	v18 =	vld [tilespmem:s30+$0x3150]  }
0x175: {  	v16 =	vld [tilespmem:s30+$0x3160]  }
0x176: {  	[tilespmem:$0x1FB80] =	vst v0;
	v0 =	vld [tilespmem:s30+$0x4920]  }
0x177: {  	v3 =	vld [tilespmem:s30+$0x3170]  }
0x178: {  	v2 =	vld [tilespmem:s30+$0x3500]  }
0x179: {  	v63 =	vld [tilespmem:s30+$0x3510]  }
0x17a: {  	v62 =	vld [tilespmem:s30+$0x3520]  }
0x17b: {  	[tilespmem:$0x1FBA0] =	vst v0;
	v0 =	vld [tilespmem:s30+$0x4930]  }
0x17c: {  	v61 =	vld [tilespmem:s30+$0x3530]  }
0x17d: {  	v56 =	vld [tilespmem:s30+$0x3540]  }
0x17e: {  	v55 =	vld [tilespmem:s30+$0x3550]  }
0x17f: {  	v54 =	vld [tilespmem:s30+$0x3560]  }
0x180: {  	[tilespmem:$0x1FBB0] =	vst v0;
	v0 =	vld [tilespmem:s30+$0x4940]  }
0x181: {  	v53 =	vld [tilespmem:s30+$0x3570]  }
0x182: {  	v46 =	vld [tilespmem:s30+$0x3900]  }
0x183: {  	v26 =	vld [tilespmem:s30+$0x2100]  }
0x184: {  	v27 =	vld [tilespmem:s30+$0x2110]  }
0x185: {  	[tilespmem:$0x1FBE0] =	vst v0;
	v0 =	vld [tilespmem:s30+$0x4950]  }
0x186: {  	v28 =	vld [tilespmem:s30+$0x2120]  }
0x187: {  	v29 =	vld [tilespmem:s30+$0x2130]  }
0x188: {  	v10 =	vld [tilespmem:s30+$0x2140]  }
0x189: {  	v30 =	vld [tilespmem:s30+$0x2150]  }
0x18a: {  	[tilespmem:$0x1FC00] =	vst v0;
	v0 =	vld [tilespmem:s30+$0x4960]  }
0x18b: {  	v11 =	vld [tilespmem:s30+$0x2160]  }
0x18c: {  	v31 =	vld [tilespmem:s30+$0x2170]  }
0x18d: {  	v25 =	vld [tilespmem:s30+$0x2500]  }
0x18e: {  	v9 =	vld [tilespmem:s30+$0x2510]  }
0x18f: {  	[tilespmem:$0x1FC20] =	vst v0;
	v0 =	vld [tilespmem:s30+$0x4970]  }
0x190: {  	v24 =	vld [tilespmem:s30+$0x2520]  }
0x191: {  	v8 =	vld [tilespmem:s30+$0x2530]  }
0x192: {  	v22 =	vld [tilespmem:s30+$0x2540]  }
0x193: {  	v21 =	vld [tilespmem:s30+$0x2550]  }
0x194: {  	[tilespmem:$0x1FC30] =	vst v0;
	v0 =	vld [tilespmem:s30+$0x4D00]  }
0x195: {  	v19 =	vld [tilespmem:s30+$0x2560]  }
0x196: {  	v5 =	vld [tilespmem:s30+$0x2570]  }
0x197: {  	v17 =	vld [tilespmem:s30+$0x2900]  }
0x198: {  	v15 =	vld [tilespmem:s30+$0x2910]  }
0x199: {  	[tilespmem:$0x1FC80] =	vst v0;
	v0 =	vld [tilespmem:s30+$0x4D10]  }
0x19a: {  	v12 =	vld [tilespmem:s30+$0x2D20]  }
0x19b: {  	v32 =	vld [tilespmem:s30+$0x1100]  }
0x19c: {  	v33 =	vld [tilespmem:s30+$0x1110]  }
0x19d: {  	v36 =	vld [tilespmem:s30+$0x100]  }
0x19e: {  	[tilespmem:$0x1FC90] =	vst v0;
	v0 =	vld [tilespmem:s30+$0x3910]  }
0x19f: {  	v34 =	vld [tilespmem:s30+$0x1120]  }
0x1a0: {  	v13 =	vld [tilespmem:s30+$0x120]  }
0x1a1: {  	v35 =	vld [tilespmem:s30+$0x1130]  }
0x1a2: {  	[tilespmem:$0x1FC50] =	vst v12;
	v12 =	vld [tilespmem:s30+$0x2D30];
	v32 =	vadd.f32 v32, v36  }
0x1a3: {  	[tilespmem:$0x1FB50] =	vst v0;
	v0 =	vld [tilespmem:s30+$0x3920]  }
0x1a4: {  	v36 =	vld [tilespmem:s30+$0x1150];
	v26 =	vadd.f32 v26, v32  }
0x1a5: {  	v13 =	vadd.f32 v34, v13;
	v32 =	vld [tilespmem:s30+$0x1170]  }
0x1a6: {  	v23 =	vadd.f32 v23, v26;
	v26 =	vld [tilespmem:s30+$0x150]  }
0x1a7: {  	v13 =	vadd.f32 v28, v13;
	[tilespmem:$0x1FC70] =	vst v12;
	v12 =	vld [tilespmem:s30+$0x110]  }
0x1a8: {  	[tilespmem:$0x1FB70] =	vst v0;
	v0 =	vld [tilespmem:s30+$0x3930]  }
0x1a9: {  	v6 =	vadd.f32 v6, v13;
	v13 =	vld [tilespmem:s30+$0x170]  }
0x1aa: {  	v37 =	vld [tilespmem:s30+$0x130]  }
0x1ab: {  	v38 =	vld [tilespmem:s30+$0x1140]  }
0x1ac: {  	v23 =	vadd.f32 v49, v23;
	v49 =	vld [tilespmem:s30+$0x1520]  }
0x1ad: {  	v6 =	vadd.f32 v51, v6;
	v12 =	vadd.f32 v33, v12;
	[tilespmem:$0x1FB90] =	vst v0;
	v0 =	vld [tilespmem:s30+$0x3940]  }
0x1ae: {  	v51 =	vld [tilespmem:s30+$0x500];
	v26 =	vadd.f32 v36, v26;
	v13 =	vadd.f32 v32, v13  }
0x1af: {  	v33 =	vld [tilespmem:s30+$0x1160];
	v12 =	vadd.f32 v27, v12;
	v27 =	vadd.f32 v35, v37  }
0x1b0: {  	v26 =	vadd.f32 v30, v26;
	v13 =	vadd.f32 v31, v13;
	v35 =	vmovc v39;
	v39 =	vmovc v41;
	v41 =	vmov v42;
	v42 =	vld [tilespmem:s30+$0x140]  }
0x1b1: {  	v7 =	vadd.f32 v7, v12;
	v12 =	vadd.f32 v29, v27;
	v27 =	vld [tilespmem:s30+$0x160]  }
0x1b2: {  	v18 =	vadd.f32 v18, v26;
	[tilespmem:$0x1FBC0] =	vst v0;
	v0 =	vld [tilespmem:s30+$0x3950]  }
0x1b3: {  	v3 =	vadd.f32 v3, v13;
	v13 =	vld [tilespmem:s30+$0x1540]  }
0x1b4: {  	v18 =	vadd.f32 v45, v18;
	v45 =	vld [tilespmem:$0x1FAD0]  }
0x1b5: {  	v37 =	vmov v40;
	v12 =	vadd.f32 v20, v12;
	v20 =	vld [tilespmem:s30+$0x1500];
	v40 =	vadd.f32 v38, v42  }
0x1b6: {  	v7 =	vadd.f32 v50, v7;
	v50 =	vld [tilespmem:s30+$0x1530]  }
0x1b7: {  	v10 =	vadd.f32 v10, v40;
	v27 =	vadd.f32 v33, v27;
	[tilespmem:$0x1FBD0] =	vst v0;
	v0 =	vld [tilespmem:s30+$0x3960]  }
0x1b8: {  	v42 =	vld [tilespmem:s30+$0x1510]  }
0x1b9: {  	v4 =	vadd.f32 v4, v10;
	v10 =	vadd.f32 v11, v27;
	v11 =	vld [tilespmem:s30+$0x510]  }
0x1ba: {  	v12 =	vadd.f32 v52, v12;
	v52 =	vld [tilespmem:s30+$0x520]  }
0x1bb: {  	v10 =	vadd.f32 v16, v10;
	v16 =	vld [tilespmem:s30+$0x530]  }
0x1bc: {  	[tilespmem:$0x1FBF0] =	vst v0;
	v0 =	vld [tilespmem:s30+$0x3970]  }
0x1bd: {  	v38 =	vld [tilespmem:s30+$0x1560];
	v20 =	vadd.f32 v20, v51  }
0x1be: {  	v33 =	vld [tilespmem:s30+$0x1550];
	v11 =	vadd.f32 v42, v11  }
0x1bf: {  	v51 =	vld [tilespmem:$0x1FAF0];
	v20 =	vadd.f32 v25, v20;
	v40 =	vadd.f32 v49, v52  }
0x1c0: {  	v9 =	vadd.f32 v9, v11;
	v11 =	vadd.f32 v50, v16;
	v16 =	vld [tilespmem:s30+$0x540]  }
0x1c1: {  	v2 =	vadd.f32 v2, v20;
	v20 =	vadd.f32 v24, v40;
	[tilespmem:$0x1FC10] =	vst v0;
	v0 =	vld [tilespmem:s30+$0x3D00]  }
0x1c2: {  	v4 =	vadd.f32 v44, v4;
	v44 =	vld [tilespmem:s30+$0x550]  }
0x1c3: {  	v42 =	vld [tilespmem:s30+$0x1570];
	v25 =	vadd.f32 v45, v2;
	v2 =	vadd.f32 v62, v20  }
0x1c4: {  	v8 =	vadd.f32 v8, v11;
	v11 =	vld [tilespmem:s30+$0x560]  }
0x1c5: {  	v30 =	vadd.f32 v51, v2;
	v2 =	vadd.f32 v13, v16;
	v16 =	vld [tilespmem:$0x1FB00]  }
0x1c6: {  	[tilespmem:$0x1FC40] =	vst v0;
	v0 =	vld [tilespmem:s30+$0x3D10]  }
0x1c7: {  	v20 =	vld [tilespmem:s30+$0x570];
	v2 =	vadd.f32 v22, v2  }
0x1c8: {  	v50 =	vld [tilespmem:s30+$0x1900];
	v8 =	vadd.f32 v61, v8  }
0x1c9: {  	v62 =	vld [tilespmem:$0x1FB30];
	v2 =	vadd.f32 v56, v2  }
0x1ca: {  	v56 =	vld [tilespmem:$0x1FB10];
	v8 =	vadd.f32 v16, v8;
	v16 =	vadd.f32 v33, v44  }
0x1cb: {  	v11 =	vadd.f32 v38, v11;
	[tilespmem:$0x1FC60] =	vst v0;
	v0 =	vld [tilespmem:s30+$0x3D20]  }
0x1cc: {  	v16 =	vadd.f32 v21, v16;
	v21 =	vld [tilespmem:s30+$0x900]  }
0x1cd: {  	v1 =	vld [tilespmem:s30+$0x2920];
	v11 =	vadd.f32 v19, v11  }
0x1ce: {  	v60 =	vld [tilespmem:s30+$0x2940]  }
0x1cf: {  	v52 =	vld [tilespmem:s30+$0x1920];
	v26 =	vadd.f32 v56, v2;
	v2 =	vadd.f32 v54, v11  }
0x1d0: {  	v20 =	vadd.f32 v42, v20;
	[tilespmem:$0x1FCA0] =	vst v0;
	v0 =	vld [tilespmem:s30+$0x3D30]  }
0x1d1: {  	v13 =	vld [tilespmem:s30+$0x1910];
	v29 =	vadd.f32 v62, v2;
	v2 =	vadd.f32 v50, v21  }
0x1d2: {  	[tilespmem:s30+$0x120] =	vst v6;
	v6 =	vld [tilespmem:$0x1FB60]  }
0x1d3: {  	v5 =	vadd.f32 v5, v20;
	v20 =	vld [tilespmem:s30+$0x920];
	v2 =	vadd.f32 v17, v2  }
0x1d4: {  	v19 =	vld [tilespmem:s30+$0x910]  }
0x1d5: {  	v2 =	vadd.f32 v46, v2;
	[tilespmem:$0x1FCB0] =	vst v0;
	v0 =	vld [tilespmem:s30+$0x3D40]  }
0x1d6: {  	v9 =	vadd.f32 v63, v9;
	v63 =	vld [tilespmem:$0x1FB40]  }
0x1d7: {  	v6 =	vadd.f32 v6, v2;
	v2 =	vld [tilespmem:$0x1FB70]  }
0x1d8: {  	v61 =	vld [tilespmem:$0x1FB20];
	v17 =	vadd.f32 v52, v20  }
0x1d9: {  	[tilespmem:s30+$0x110] =	vst v7;
	v5 =	vadd.f32 v53, v5;
	v7 =	vld [tilespmem:$0x1FB50]  }
0x1da: {  	v1 =	vadd.f32 v1, v17;
	[tilespmem:$0x1FCC0] =	vst v0;
	v0 =	vld [tilespmem:s30+$0x3D50]  }
0x1db: {  	v22 =	vld [tilespmem:s30+$0x1930];
	v28 =	vadd.f32 v63, v5;
	v5 =	vadd.f32 v13, v19  }
0x1dc: {  	v1 =	vadd.f32 v2, v1;
	v2 =	vld [tilespmem:$0x1FB80]  }
0x1dd: {  	v11 =	vld [tilespmem:s30+$0x930];
	v5 =	vadd.f32 v15, v5  }
0x1de: {  	v36 =	vld [tilespmem:$0x1FAC0];
	v16 =	vadd.f32 v55, v16  }
0x1df: {  	v5 =	vadd.f32 v7, v5;
	[tilespmem:$0x1FCD0] =	vst v0;
	v0 =	vld [tilespmem:s30+$0x2930]  }
0x1e0: {  	v27 =	vadd.f32 v61, v16;
	v16 =	vld [tilespmem:s30+$0x1940]  }
0x1e1: {  	[tilespmem:s30+$0x130] =	vst v12;
	v12 =	vadd.f32 v2, v5;
	v2 =	vld [tilespmem:$0x1FB90]  }
0x1e2: {  	v13 =	vld [tilespmem:s30+$0x1960];
	v11 =	vadd.f32 v22, v11  }
0x1e3: {  	v19 =	vld [tilespmem:s30+$0x1970]  }
0x1e4: {  	v15 =	vld [tilespmem:s30+$0x940];
	v0 =	vadd.f32 v0, v11  }
0x1e5: {  	v11 =	vld [tilespmem:s30+$0x970]  }
0x1e6: {  	v0 =	vadd.f32 v2, v0;
	v2 =	vld [tilespmem:$0x1FBA0]  }
0x1e7: {  	v7 =	vld [tilespmem:s30+$0x960]  }
0x1e8: {  	v3 =	vadd.f32 v36, v3;
	v21 =	vld [tilespmem:s30+$0x1950]  }
0x1e9: {  	v17 =	vld [tilespmem:s30+$0x950]  }
0x1ea: {  	[tilespmem:s30+$0x170] =	vst v3;
	v3 =	vadd.f32 v19, v11;
	v11 =	vld [tilespmem:$0x1FBC0]  }
0x1eb: {  	[tilespmem:s30+$0x140] =	vst v4;
	v4 =	vld [tilespmem:$0x1FBB0];
	v2 =	vadd.f32 v2, v1;
	v1 =	vadd.f32 v16, v15  }
0x1ec: {  	v5 =	vadd.f32 v13, v7;
	v13 =	vld [tilespmem:$0x1FBE0]  }
0x1ed: {  	v49 =	vld [tilespmem:$0x1FAE0];
	v1 =	vadd.f32 v60, v1;
	_ =	sdelay $0x1  }
0x1ee: {  	v58 =	vld [tilespmem:s30+$0x2960];
	v1 =	vadd.f32 v11, v1  }
0x1ef: {  	v4 =	vadd.f32 v4, v0  }
0x1f0: {  	v0 =	vadd.f32 v21, v17;
	v17 =	vadd.f32 v13, v1;
	v1 =	vld [tilespmem:$0x1FBF0]  }
0x1f1: {  	v59 =	vld [tilespmem:s30+$0x2950];
	v9 =	vadd.f32 v49, v9;
	_ =	sdelay $0x1  }
0x1f2: {  	[tilespmem:s30+$0x510] =	vst v9;
	v5 =	vadd.f32 v58, v5;
	v9 =	vld [tilespmem:$0x1FBD0];
	_ =	sdelay $0x1  }
0x1f3: {  	v1 =	vadd.f32 v1, v5;
	v5 =	vld [tilespmem:$0x1FC00]  }
0x1f4: {  	v0 =	vadd.f32 v59, v0;
	_ =	sdelay $0x1  }
0x1f5: {  	v57 =	vld [tilespmem:s30+$0x2970];
	v0 =	vadd.f32 v9, v0;
	_ =	sdelay $0x1  }
0x1f6: {  	v16 =	vadd.f32 v5, v0;
	v0 =	vld [tilespmem:$0x1FC10];
	_ =	sdelay $0x2  }
0x1f7: {  	v20 =	vld [tilespmem:s30+$0x1D00];
	v3 =	vadd.f32 v57, v3  }
0x1f8: {  	v7 =	vld [tilespmem:s30+$0xD00]  }
0x1f9: {  	v0 =	vadd.f32 v0, v3;
	v3 =	vld [tilespmem:$0x1FC20]  }
0x1fa: {  	v48 =	vld [tilespmem:s30+$0x2D00]  }
0x1fb: {  	[tilespmem:s30+$0x150] =	vst v18;
	v18 =	vld [tilespmem:s30+$0x1D20]  }
0x1fc: {  	v22 =	vld [tilespmem:s30+$0x1D10]  }
0x1fd: {  	[tilespmem:s30+$0x900] =	vst v6;
	v6 =	vld [tilespmem:$0x1FC40]  }
0x1fe: {  	v9 =	vld [tilespmem:s30+$0xD20];
	v15 =	vadd.f32 v3, v1;
	v1 =	vadd.f32 v20, v7  }
0x1ff: {  	v3 =	vld [tilespmem:$0x1FC30]  }
0x200: {  	v11 =	vld [tilespmem:s30+$0xD10];
	v1 =	vadd.f32 v48, v1  }
0x201: {  	v32 =	vld [tilespmem:$0x1FAB0]  }
0x202: {  	v6 =	vadd.f32 v6, v1;
	v1 =	vld [tilespmem:$0x1FC50];
	_ =	sdelay $0x1  }
0x203: {  	v47 =	vld [tilespmem:s30+$0x2D10];
	v3 =	vadd.f32 v3, v0  }
0x204: {  	v14 =	vld [tilespmem:s30+$0x2D40];
	v0 =	vadd.f32 v22, v11;
	v11 =	vadd.f32 v18, v9  }
0x205: {  	v43 =	vld [tilespmem:s30+$0x2D50];
	v10 =	vadd.f32 v32, v10  }
0x206: {  	v1 =	vadd.f32 v1, v11;
	v11 =	vld [tilespmem:$0x1FC60]  }
0x207: {  	[tilespmem:s30+$0x160] =	vst v10;
	v10 =	vld [tilespmem:s30+$0x1D30]  }
0x208: {  	[tilespmem:s30+$0x530] =	vst v8;
	v8 =	vld [tilespmem:s30+$0x1D60]  }
0x209: {  	[tilespmem:s30+$0x100] =	vst v23;
	v13 =	vld [tilespmem:s30+$0xD30];
	v0 =	vadd.f32 v47, v0  }
0x20a: {  	[tilespmem:s30+$0x500] =	vst v25;
	v5 =	vld [tilespmem:s30+$0x1D40]  }
0x20b: {  	p0 =	sne.s32 s22, $0xE00;
	[tilespmem:s30+$0x520] =	vst v30;
	v19 =	vadd.f32 v11, v0;
	v0 =	vld [tilespmem:$0x1FC70]  }
.Ltmp0:
0x20c: {  	[tilespmem:s30+$0x540] =	vst v26;
	v7 =	vld [tilespmem:s30+$0x1D50];
	(pc) =	sbr.rel @p0 .LBB2_3-.Ltmp0, $4  }
0x20d: {  	[tilespmem:s30+$0x550] =	vst v27;
	v20 =	vld [tilespmem:s30+$0xD50]  }
0x20e: {  	[tilespmem:s30+$0x560] =	vst v29;
	v10 =	vadd.f32 v10, v13;
	v9 =	vld [tilespmem:s30+$0x1D70]  }
0x20f: {  	[tilespmem:s30+$0x570] =	vst v28;
	v18 =	vld [tilespmem:s30+$0xD40]  }
0x210: {  	s22 =	sadd.s32 $0x200, s22;
	[tilespmem:s30+$0x910] =	vst v12;
	v21 =	vadd.f32 v0, v10;
	v0 =	vld [tilespmem:s30+$0xD60]  }
0x211: {  	v11 =	vld [tilespmem:$0x1FC80];
	_ =	sdelay $0x1  }
0x212: {  	[tilespmem:s30+$0x920] =	vst v2;
	v2 =	vld [tilespmem:s30+$0xD70]  }
0x213: {  	[tilespmem:s30+$0x930] =	vst v4;
	v4 =	vld [tilespmem:s30+$0x2D60]  }
0x214: {  	v10 =	vld [tilespmem:s30+$0x2D70]  }
0x215: {  	v12 =	vld [tilespmem:$0x1FC90];
	v6 =	vadd.f32 v11, v6  }
0x216: {  	v11 =	vld [tilespmem:$0x1FCA0]  }
0x217: {  	[tilespmem:s30+$0xD00] =	vst v6;
	v6 =	vld [tilespmem:$0x1FCC0]  }
0x218: {  	v13 =	vld [tilespmem:$0x1FCB0];
	v5 =	vadd.f32 v5, v18;
	v0 =	vadd.f32 v8, v0  }
0x219: {  	[tilespmem:s30+$0x960] =	vst v15;
	v15 =	vld [tilespmem:s30+$0x3D70];
	v7 =	vadd.f32 v7, v20  }
0x21a: {  	[tilespmem:s30+$0x970] =	vst v3;
	v3 =	vadd.f32 v14, v5;
	v0 =	vadd.f32 v4, v0;
	v4 =	vld [tilespmem:s30+$0x4D70]  }
0x21b: {  	v2 =	vadd.f32 v9, v2;
	v1 =	vadd.f32 v11, v1;
	v11 =	vld [tilespmem:s30+$0x3D60]  }
0x21c: {  	v7 =	vadd.f32 v43, v7;
	v3 =	vadd.f32 v6, v3;
	v6 =	vld [tilespmem:$0x1FCD0]  }
0x21d: {  	[tilespmem:s30+$0x940] =	vst v17;
	v5 =	vld [tilespmem:s30+$0x4D60];
	v2 =	vadd.f32 v10, v2;
	v1 =	vadd.f32 v41, v1  }
0x21e: {  	[tilespmem:s30+$0x950] =	vst v16;
	v12 =	vadd.f32 v12, v19;
	v13 =	vadd.f32 v13, v21  }
0x21f: {  	v2 =	vadd.f32 v15, v2;
	[tilespmem:s30+$0xD20] =	vst v1;
	v1 =	vadd.f32 v37, v3  }
0x220: {  	v13 =	vadd.f32 v39, v13;
	[tilespmem:s30+$0xD10] =	vst v12;
	v0 =	vadd.f32 v11, v0  }
0x221: {  	[tilespmem:s30+$0xD40] =	vst v1;
	v1 =	vadd.f32 v4, v2;
	v6 =	vadd.f32 v6, v7  }
0x222: {  	[tilespmem:s30+$0xD30] =	vst v13;
	v0 =	vadd.f32 v5, v0  }
0x223: {  	s22 =	sadd.s32 s10, s12;
	[tilespmem:s30+$0xD70] =	vst v1;
	v3 =	vadd.f32 v35, v6  }
0x224: {  	p0 =	seq.s32 s31, $0x13;
	s22 =	sshll.u32 s22, $0x9;
	[tilespmem:s30+$0xD60] =	vst v0  }
0x225: {  	s25 =	simm.s32 $0x100;
	s12 =	sadd.s32 @!p0 s12, s14;
	s22 =	sadd.s32 s7, s22;
	[tilespmem:s30+$0xD50] =	vst v3  }
0x226: {  	[hbm4b:s22+s9] =	stream.linear.scatter [tilespmem:s25], [sflag:$0x3], $0x1000, $0x38;
	[tilespmem:$0x14300] =	vst v63  }
0x227: {  	s12 =	smul.u32 @!p0 $0x5, s12;
	_ =	swait.ge [sflag:s21], $0x1000  }
0x228: {  	[sflag:s21] =	ssyncset.done $0x0  }
0x229: {  	s12 =	sadd.s32 @!p0 s0, s12;
	s22 =	simm.s32 @!p0 $0x0;
	[sflag:s21] =	ssyncadd.s32 $0xFFFFF000  }
0x22a: {  	[tilespmem:s22], [sflag:$0x3] =	stream.linear.gather @!p0 [hbm4b:s12+s22], $0x28, $0x38;
	[tilespmem:$0x14300] =	vst v63  }
0x22b: {  	s12 =	simm.s32 @!p0 $0x3  }
0x22c: {  	_ =	swait.ge @!p0 [sflag:s12], $0x28  }
0x22d: {  	[sflag:s12] =	ssyncset.done @!p0 $0x0  }
0x22e: {  	[sflag:s12] =	ssyncadd.s32 @!p0 $0xFFFFFFD8  }
0x22f: {  	v0 =	vld @!p0 [tilespmem:$0x0];
	_ =	sdelay $0x4  }
0x230: {  	v1 =	vshll.u32 @!p0 v0, $0x2  }
0x231: {  	v2 =	vlaneseq.u32 @!p0;
	v0 =	vand.u32 @!p0 $0x7, v0;
	v1 =	vand.u32 @!p0 $0xFFFFFFE0, v1  }
0x232: {  	v3 =	vshrl.u32 @!p0 v2, $0x3;
	v0 =	vor.u32 @!p0 v0, v1;
	v1 =	vand.u32 @!p0 $0x7, v2  }
0x233: {  	v3 =	vmul.u32 @!p0 $0x8, v3;
	v4 =	vperm.xlane @!p0 v0, v1;
	_ =	sdelay $0x1  }
0x234: {  	v4 =	vadd.s32 @!p0 v3, v4  }
0x235: {  	v2 =	vor.u32 @!p0 $0x8, v2  }
0x236: {  	v0 =	vperm.xlane @!p0 v0, v2;
	_ =	sdelay $0x1  }
0x237: {  	vm1 =	vmmov @!p0 $0xffff;
	s12 =	simm.s32 @!p0 $0x100;
	v0 =	vadd.s32 @!p0 v3, v0  }
0x238: {  	[tilespmem:s12], [sflag:$0x1] =	stream.indirect_vreg.gather @!p0 [hbm4b:s4+s22], $0x80, v4, vm1, $0xb8;
	[tilespmem:$0x14300] =	vst v63  }
0x239: {  	s12 =	simm.s32 @!p0 $0x900  }
0x23a: {  	[tilespmem:s12], [sflag:$0x1] =	stream.indirect_vreg.gather @!p0 [hbm4b:s13+s22], $0x80, v4, vm1, $0xb8;
	[tilespmem:$0x14300] =	vst v63  }
0x23b: {  	s12 =	simm.s32 @!p0 $0x1100  }
0x23c: {  	[tilespmem:s12], [sflag:$0x1] =	stream.indirect_vreg.gather @!p0 [hbm4b:s4+s22], $0x80, v0, vm1, $0xb8;
	[tilespmem:$0x14300] =	vst v63  }
0x23d: {  	s12 =	simm.s32 @!p0 $0x1900  }
0x23e: {  	[tilespmem:s12], [sflag:$0x1] =	stream.indirect_vreg.gather @!p0 [hbm4b:s13+s22], $0x80, v0, vm1, $0xb8;
	[tilespmem:$0x14300] =	vst v63  }
0x23f: {  	v0 =	vld @!p0 [tilespmem:$0x10];
	_ =	sdelay $0x4  }
0x240: {  	v4 =	vshll.u32 @!p0 v0, $0x2  }
0x241: {  	v0 =	vand.u32 @!p0 $0x7, v0;
	v4 =	vand.u32 @!p0 $0xFFFFFFE0, v4  }
0x242: {  	v0 =	vor.u32 @!p0 v0, v4  }
0x243: {  	v4 =	vperm.xlane @!p0 v0, v1;
	_ =	sdelay $0x1  }
0x244: {  	v4 =	vadd.s32 @!p0 v3, v4;
	_ =	sdelay $0x1  }
0x245: {  	v0 =	vperm.xlane @!p0 v0, v2;
	_ =	sdelay $0x1  }
0x246: {  	s12 =	simm.s32 @!p0 $0x2100;
	v0 =	vadd.s32 @!p0 v3, v0  }
0x247: {  	[tilespmem:s12], [sflag:$0x1] =	stream.indirect_vreg.gather @!p0 [hbm4b:s4+s22], $0x80, v4, vm1, $0xb8;
	[tilespmem:$0x14300] =	vst v63  }
0x248: {  	s12 =	simm.s32 @!p0 $0x2900  }
0x249: {  	[tilespmem:s12], [sflag:$0x1] =	stream.indirect_vreg.gather @!p0 [hbm4b:s13+s22], $0x80, v4, vm1, $0xb8;
	[tilespmem:$0x14300] =	vst v63  }
0x24a: {  	s12 =	simm.s32 @!p0 $0x3100  }
0x24b: {  	[tilespmem:s12], [sflag:$0x1] =	stream.indirect_vreg.gather @!p0 [hbm4b:s4+s22], $0x80, v0, vm1, $0xb8;
	[tilespmem:$0x14300] =	vst v63  }
0x24c: {  	s12 =	simm.s32 @!p0 $0x3900  }
0x24d: {  	[tilespmem:s12], [sflag:$0x1] =	stream.indirect_vreg.gather @!p0 [hbm4b:s13+s22], $0x80, v0, vm1, $0xb8;
	[tilespmem:$0x14300] =	vst v63  }
0x24e: {  	v0 =	vld.msk @!p0 [tilespmem:$0x20], $0xff;
	_ =	sdelay $0x4  }
0x24f: {  	v2 =	vshll.u32 @!p0 v0, $0x2  }
0x250: {  	v0 =	vand.u32 @!p0 $0x7, v0;
	v2 =	vand.u32 @!p0 $0xFFFFFFE0, v2  }
0x251: {  	v0 =	vor.u32 @!p0 v0, v2  }
0x252: {  	v0 =	vperm.xlane @!p0 v0, v1;
	_ =	sdelay $0x1  }
0x253: {  	v0 =	vadd.s32 @!p0 v3, v0;
	_ =	sdelay $0x3  }
0x254: {  	s12 =	simm.s32 @!p0 $0x4100  }
0x255: {  	[tilespmem:s12], [sflag:$0x1] =	stream.indirect_vreg.gather @!p0 [hbm4b:s4+s22], $0x80, v0, vm1, $0xb8;
	[tilespmem:$0x14300] =	vst v63  }
0x256: {  	s12 =	simm.s32 @!p0 $0x4900  }
0x257: {  	[tilespmem:s12], [sflag:$0x1] =	stream.indirect_vreg.gather @!p0 [hbm4b:s13+s22], $0x80, v0, vm1, $0xb8;
	[tilespmem:$0x14300] =	vst v63  }
0x258: {  	_ =	swait.ge [sflag:s16], $0x5000  }
0x259: {  	[sflag:s16] =	ssyncset.done $0x0  }
0x25a: {  	s12 =	simm.s32 $0x0;
	[sflag:s16] =	ssyncadd.s32 $0xFFFFB000  }
0x25b: {  	v0 =	vld [tilespmem:s12+$0x9140];
	_ =	sdelay $0x4  }
0x25c: {  	[tilespmem:$0x1F7C0] =	vst v0;
	v0 =	vld [tilespmem:s12+$0x9150];
	_ =	sdelay $0x4  }
0x25d: {  	[tilespmem:$0x1F7D0] =	vst v0;
	v0 =	vld [tilespmem:s12+$0x9160];
	_ =	sdelay $0x4  }
0x25e: {  	[tilespmem:$0x1F7E0] =	vst v0;
	v0 =	vld [tilespmem:s12+$0x9170];
	_ =	sdelay $0x4  }
0x25f: {  	[tilespmem:$0x1F7F0] =	vst v0;
	v0 =	vld [tilespmem:s12+$0x9500];
	_ =	sdelay $0x4  }
0x260: {  	[tilespmem:$0x1F800] =	vst v0;
	v0 =	vld [tilespmem:s12+$0x9510];
	_ =	sdelay $0x4  }
0x261: {  	[tilespmem:$0x1F820] =	vst v0;
	v0 =	vld [tilespmem:s12+$0x9520];
	_ =	sdelay $0x4  }
0x262: {  	[tilespmem:$0x1F840] =	vst v0;
	v0 =	vld [tilespmem:s12+$0x9530];
	_ =	sdelay $0x4  }
0x263: {  	[tilespmem:$0x1F850] =	vst v0;
	v0 =	vld [tilespmem:s12+$0x9540];
	_ =	sdelay $0x4  }
0x264: {  	[tilespmem:$0x1F880] =	vst v0;
	v0 =	vld [tilespmem:s12+$0x9550];
	_ =	sdelay $0x4  }
0x265: {  	[tilespmem:$0x1F8A0] =	vst v0;
	v0 =	vld [tilespmem:s12+$0x9560];
	_ =	sdelay $0x4  }
0x266: {  	[tilespmem:$0x1F8C0] =	vst v0;
	v0 =	vld [tilespmem:s12+$0x9570];
	_ =	sdelay $0x4  }
0x267: {  	[tilespmem:$0x1F8D0] =	vst v0;
	v0 =	vld [tilespmem:s12+$0x9900];
	_ =	sdelay $0x4  }
0x268: {  	[tilespmem:$0x1F930] =	vst v0;
	v0 =	vld [tilespmem:s12+$0x9910];
	_ =	sdelay $0x4  }
0x269: {  	[tilespmem:$0x1F950] =	vst v0;
	v0 =	vld [tilespmem:s12+$0x9920];
	_ =	sdelay $0x4  }
0x26a: {  	[tilespmem:$0x1F970] =	vst v0;
	v0 =	vld [tilespmem:s12+$0x9930];
	_ =	sdelay $0x4  }
0x26b: {  	[tilespmem:$0x1F980] =	vst v0;
	v0 =	vld [tilespmem:s12+$0x9940];
	_ =	sdelay $0x4  }
0x26c: {  	[tilespmem:$0x1F9F0] =	vst v0;
	v0 =	vld [tilespmem:s12+$0x9950];
	_ =	sdelay $0x4  }
0x26d: {  	[tilespmem:$0x1FA10] =	vst v0;
	v0 =	vld [tilespmem:s12+$0x9960];
	_ =	sdelay $0x4  }
0x26e: {  	[tilespmem:$0x1FA30] =	vst v0;
	v0 =	vld [tilespmem:s12+$0x9970];
	_ =	sdelay $0x4  }
0x26f: {  	[tilespmem:$0x1FA40] =	vst v0;
	v0 =	vld [tilespmem:s12+$0x9D00];
	_ =	sdelay $0x4  }
0x270: {  	[tilespmem:$0x1F760] =	vst v0;
	v0 =	vld [tilespmem:s12+$0x9D10];
	_ =	sdelay $0x4  }
0x271: {  	[tilespmem:$0x1F770] =	vst v0;
	v0 =	vld [tilespmem:s12+$0x8520];
	_ =	sdelay $0x4  }
0x272: {  	[tilespmem:$0x1F810] =	vst v0;
	v0 =	vld [tilespmem:s12+$0x8530];
	_ =	sdelay $0x4  }
0x273: {  	[tilespmem:$0x1F830] =	vst v0;
	v0 =	vld [tilespmem:s12+$0x8540];
	_ =	sdelay $0x4  }
0x274: {  	[tilespmem:$0x1F860] =	vst v0;
	v0 =	vld [tilespmem:s12+$0x8550];
	_ =	sdelay $0x4  }
0x275: {  	[tilespmem:$0x1F870] =	vst v0;
	v0 =	vld [tilespmem:s12+$0x8560];
	_ =	sdelay $0x4  }
0x276: {  	[tilespmem:$0x1F890] =	vst v0;
	v0 =	vld [tilespmem:s12+$0x8570];
	_ =	sdelay $0x4  }
0x277: {  	[tilespmem:$0x1F8B0] =	vst v0;
	v0 =	vld [tilespmem:s12+$0x8900];
	_ =	sdelay $0x4  }
0x278: {  	[tilespmem:$0x1F8F0] =	vst v0;
	v0 =	vld [tilespmem:s12+$0x8910];
	_ =	sdelay $0x4  }
0x279: {  	[tilespmem:$0x1F910] =	vst v0;
	v0 =	vld [tilespmem:s12+$0x8920];
	_ =	sdelay $0x4  }
0x27a: {  	[tilespmem:$0x1F940] =	vst v0;
	v0 =	vld [tilespmem:s12+$0x8930];
	_ =	sdelay $0x4  }
0x27b: {  	[tilespmem:$0x1F960] =	vst v0;
	v0 =	vld [tilespmem:s12+$0x8940];
	_ =	sdelay $0x4  }
0x27c: {  	[tilespmem:$0x1F9B0] =	vst v0;
	v0 =	vld [tilespmem:s12+$0x8950];
	_ =	sdelay $0x4  }
0x27d: {  	[tilespmem:$0x1F9D0] =	vst v0;
	v0 =	vld [tilespmem:s12+$0x8960];
	_ =	sdelay $0x4  }
0x27e: {  	[tilespmem:$0x1FA00] =	vst v0;
	v0 =	vld [tilespmem:s12+$0x8970];
	_ =	sdelay $0x4  }
0x27f: {  	[tilespmem:$0x1FA20] =	vst v0;
	v0 =	vld [tilespmem:s12+$0x8D00];
	_ =	sdelay $0x4  }
0x280: {  	[tilespmem:$0x1FA70] =	vst v0;
	v0 =	vld [tilespmem:s12+$0x8D10];
	_ =	sdelay $0x4  }
0x281: {  	[tilespmem:$0x1FA90] =	vst v0;
	v0 =	vld [tilespmem:s12+$0x8D20];
	_ =	sdelay $0x4  }
0x282: {  	[tilespmem:$0x1F780] =	vst v0;
	v0 =	vld [tilespmem:s12+$0x8D30];
	_ =	sdelay $0x4  }
0x283: {  	[tilespmem:$0x1F790] =	vst v0;
	v0 =	vld [tilespmem:s12+$0x8D40];
	_ =	sdelay $0x4  }
0x284: {  	[tilespmem:$0x1F7A0] =	vst v0;
	v0 =	vld [tilespmem:s12+$0x8D50];
	_ =	sdelay $0x4  }
0x285: {  	[tilespmem:$0x1F7B0] =	vst v0;
	v0 =	vld [tilespmem:s12+$0x7910];
	_ =	sdelay $0x4  }
0x286: {  	[tilespmem:$0x1F8E0] =	vst v0;
	v0 =	vld [tilespmem:s12+$0x7920];
	_ =	sdelay $0x4  }
0x287: {  	[tilespmem:$0x1F900] =	vst v0;
	v0 =	vld [tilespmem:s12+$0x7930];
	_ =	sdelay $0x4  }
0x288: {  	[tilespmem:$0x1F920] =	vst v0;
	v0 =	vld [tilespmem:s12+$0x7940];
	_ =	sdelay $0x4  }
0x289: {  	[tilespmem:$0x1F990] =	vst v0;
	v0 =	vld [tilespmem:s12+$0x7950];
	_ =	sdelay $0x3  }
0x28a: {  	v59 =	vld [tilespmem:s12+$0x9100]  }
0x28b: {  	[tilespmem:$0x1F9A0] =	vst v0;
	v0 =	vld [tilespmem:s12+$0x7960]  }
0x28c: {  	v58 =	vld [tilespmem:s12+$0x9110]  }
0x28d: {  	v53 =	vld [tilespmem:s12+$0x9120]  }
0x28e: {  	v55 =	vld [tilespmem:s12+$0x9130]  }
0x28f: {  	v60 =	vld [tilespmem:s12+$0x8100]  }
0x290: {  	[tilespmem:$0x1F9C0] =	vst v0;
	v0 =	vld [tilespmem:s12+$0x7970]  }
0x291: {  	v61 =	vld [tilespmem:s12+$0x8110]  }
0x292: {  	v62 =	vld [tilespmem:s12+$0x8120]  }
0x293: {  	v63 =	vld [tilespmem:s12+$0x8130]  }
0x294: {  	v45 =	vld [tilespmem:s12+$0x8140]  }
0x295: {  	[tilespmem:$0x1F9E0] =	vst v0;
	v0 =	vld [tilespmem:s12+$0x7D00]  }
0x296: {  	v46 =	vld [tilespmem:s12+$0x8150]  }
0x297: {  	v56 =	vld [tilespmem:s12+$0x8510]  }
0x298: {  	v27 =	vld [tilespmem:s12+$0x7100]  }
0x299: {  	v10 =	vld [tilespmem:s12+$0x7110]  }
0x29a: {  	[tilespmem:$0x1FA50] =	vst v0;
	v0 =	vld [tilespmem:s12+$0x7D10]  }
0x29b: {  	v29 =	vld [tilespmem:s12+$0x7120]  }
0x29c: {  	v30 =	vld [tilespmem:s12+$0x7130]  }
0x29d: {  	v12 =	vld [tilespmem:s12+$0x7140]  }
0x29e: {  	v13 =	vld [tilespmem:s12+$0x7150]  }
0x29f: {  	[tilespmem:$0x1FA60] =	vst v0;
	v0 =	vld [tilespmem:s12+$0x7D20]  }
0x2a0: {  	v40 =	vld [tilespmem:s12+$0x7510]  }
0x2a1: {  	v44 =	vld [tilespmem:s12+$0x7530]  }
0x2a2: {  	v3 =	vld [tilespmem:s12+$0x6100]  }
0x2a3: {  	v6 =	vld [tilespmem:s12+$0x6120]  }
0x2a4: {  	[tilespmem:$0x1FA80] =	vst v0;
	v0 =	vld [tilespmem:s12+$0x7D30]  }
0x2a5: {  	v7 =	vld [tilespmem:s12+$0x6130]  }
0x2a6: {  	v2 =	vld [tilespmem:s12+$0x5120]  }
0x2a7: {  	v5 =	vld [tilespmem:s12+$0x5130]  }
0x2a8: {  	v15 =	vld [tilespmem:s12+$0x6140]  }
0x2a9: {  	[tilespmem:$0x1FAA0] =	vst v0;
	v0 =	vld [tilespmem:s12+$0x5100]  }
0x2aa: {  	v17 =	vld [tilespmem:s12+$0x6150]  }
0x2ab: {  	v9 =	vld [tilespmem:s12+$0x5150]  }
0x2ac: {  	v8 =	vld [tilespmem:s12+$0x5140]  }
0x2ad: {  	v25 =	vld [tilespmem:s12+$0x6510];
	v2 =	vadd.f32 v6, v2  }
0x2ae: {  	v22 =	vld [tilespmem:s12+$0x5510];
	v0 =	vadd.f32 v3, v0  }
0x2af: {  	v4 =	vld [tilespmem:s12+$0x6110];
	v5 =	vadd.f32 v7, v5;
	v2 =	vadd.f32 v29, v2  }
0x2b0: {  	v1 =	vld [tilespmem:s12+$0x5110];
	v9 =	vadd.f32 v17, v9;
	v0 =	vadd.f32 v27, v0  }
0x2b1: {  	v47 =	vld [tilespmem:s12+$0x7540];
	v8 =	vadd.f32 v15, v8;
	v2 =	vadd.f32 v62, v2  }
0x2b2: {  	v11 =	vld [tilespmem:s12+$0x6530];
	v9 =	vadd.f32 v13, v9;
	v0 =	vadd.f32 v60, v0  }
0x2b3: {  	v26 =	vld [tilespmem:s12+$0x5530];
	v22 =	vadd.f32 v25, v22;
	v2 =	vadd.f32 v53, v2  }
0x2b4: {  	v9 =	vadd.f32 v46, v9;
	v46 =	vld [tilespmem:$0x1F7C0];
	v0 =	vadd.f32 v59, v0  }
0x2b5: {  	v1 =	vadd.f32 v4, v1;
	v8 =	vadd.f32 v12, v8;
	[tilespmem:s12+$0x5120] =	vst v2;
	v2 =	vld [tilespmem:$0x1F820]  }
0x2b6: {  	v31 =	vld [tilespmem:s12+$0x6540];
	v5 =	vadd.f32 v30, v5;
	[tilespmem:s12+$0x5100] =	vst v0;
	v0 =	vadd.f32 v40, v22  }
0x2b7: {  	v4 =	vld [tilespmem:s12+$0x5540];
	v1 =	vadd.f32 v10, v1;
	v8 =	vadd.f32 v45, v8  }
0x2b8: {  	v32 =	vld [tilespmem:s12+$0x6550];
	v5 =	vadd.f32 v63, v5;
	v0 =	vadd.f32 v56, v0  }
0x2b9: {  	v6 =	vld [tilespmem:s12+$0x5550];
	v1 =	vadd.f32 v61, v1;
	v8 =	vadd.f32 v46, v8  }
0x2ba: {  	v5 =	vadd.f32 v55, v5;
	v0 =	vadd.f32 v2, v0;
	v2 =	vld [tilespmem:$0x1F830]  }
0x2bb: {  	v1 =	vadd.f32 v58, v1;
	[tilespmem:s12+$0x5140] =	vst v8;
	v8 =	vld [tilespmem:$0x1F860];
	v22 =	vadd.f32 v11, v26  }
0x2bc: {  	v4 =	vadd.f32 v31, v4;
	[tilespmem:s12+$0x5130] =	vst v5;
	v5 =	vld [tilespmem:$0x1F850]  }
0x2bd: {  	[tilespmem:s12+$0x5110] =	vst v1;
	v1 =	vadd.f32 v44, v22  }
0x2be: {  	v49 =	vld [tilespmem:s12+$0x7550];
	v4 =	vadd.f32 v47, v4  }
0x2bf: {  	v1 =	vadd.f32 v2, v1  }
0x2c0: {  	v4 =	vadd.f32 v8, v4;
	v8 =	vld [tilespmem:$0x1F870]  }
0x2c1: {  	v34 =	vld [tilespmem:s12+$0x7160];
	v1 =	vadd.f32 v5, v1;
	v5 =	vadd.f32 v32, v6  }
0x2c2: {  	v19 =	vld [tilespmem:s12+$0x6160]  }
0x2c3: {  	v16 =	vld [tilespmem:s12+$0x5160];
	v5 =	vadd.f32 v49, v5  }
0x2c4: {  	v33 =	vld [tilespmem:s12+$0x6560]  }
0x2c5: {  	v5 =	vadd.f32 v8, v5;
	v8 =	vld [tilespmem:$0x1F880]  }
0x2c6: {  	v7 =	vld [tilespmem:s12+$0x5560]  }
0x2c7: {  	v48 =	vld [tilespmem:s12+$0x8160]  }
0x2c8: {  	v51 =	vld [tilespmem:s12+$0x7560]  }
0x2c9: {  	v16 =	vadd.f32 v19, v16  }
0x2ca: {  	v8 =	vadd.f32 v8, v4;
	v4 =	vld [tilespmem:$0x1F890]  }
0x2cb: {  	v16 =	vadd.f32 v34, v16;
	v7 =	vadd.f32 v33, v7;
	_ =	sdelay $0x1  }
0x2cc: {  	v16 =	vadd.f32 v48, v16;
	v48 =	vld [tilespmem:$0x1F7D0];
	v7 =	vadd.f32 v51, v7  }
0x2cd: {  	v3 =	vld [tilespmem:s12+$0x6570]  }
0x2ce: {  	v4 =	vadd.f32 v4, v7;
	v7 =	vld [tilespmem:$0x1F8A0]  }
0x2cf: {  	v27 =	vld [tilespmem:s12+$0x5570];
	_ =	sdelay $0x1  }
0x2d0: {  	v52 =	vld [tilespmem:s12+$0x7570];
	v9 =	vadd.f32 v48, v9;
	_ =	sdelay $0x1  }
0x2d1: {  	[tilespmem:s12+$0x5150] =	vst v9;
	v9 =	vadd.f32 v7, v5;
	v5 =	vld [tilespmem:$0x1F8B0]  }
0x2d2: {  	v41 =	vld [tilespmem:s12+$0x9D20];
	v3 =	vadd.f32 v3, v27  }
0x2d3: {  	v57 =	vld [tilespmem:s12+$0x8500]  }
0x2d4: {  	v55 =	vld [tilespmem:$0x1F7E0];
	v3 =	vadd.f32 v52, v3  }
0x2d5: {  	v38 =	vld [tilespmem:s12+$0x7500]  }
0x2d6: {  	v3 =	vadd.f32 v5, v3;
	v5 =	vld [tilespmem:$0x1F8C0]  }
0x2d7: {  	v17 =	vld [tilespmem:s12+$0x5900]  }
0x2d8: {  	v10 =	vld [tilespmem:s12+$0x6900]  }
0x2d9: {  	v19 =	vld [tilespmem:s12+$0x5910];
	v16 =	vadd.f32 v55, v16  }
0x2da: {  	v29 =	vld [tilespmem:s12+$0x6910]  }
0x2db: {  	[tilespmem:s12+$0x5160] =	vst v16;
	v16 =	vadd.f32 v5, v4;
	v5 =	vld [tilespmem:$0x1F8D0]  }
0x2dc: {  	v42 =	vld [tilespmem:s12+$0x7520]  }
0x2dd: {  	v4 =	vadd.f32 v10, v17;
	v10 =	vld [tilespmem:$0x1F8E0]  }
0x2de: {  	v20 =	vld [tilespmem:s12+$0x6170]  }
0x2df: {  	v18 =	vld [tilespmem:s12+$0x5170]  }
0x2e0: {  	v54 =	vld [tilespmem:s12+$0x7900];
	v3 =	vadd.f32 v5, v3;
	v5 =	vadd.f32 v29, v19  }
0x2e1: {  	v23 =	vld [tilespmem:s12+$0x6500]  }
0x2e2: {  	v5 =	vadd.f32 v10, v5;
	v10 =	vld [tilespmem:$0x1F8F0]  }
0x2e3: {  	v21 =	vld [tilespmem:s12+$0x5500]  }
0x2e4: {  	v18 =	vadd.f32 v20, v18;
	v20 =	vld [tilespmem:s12+$0x5920]  }
0x2e5: {  	v30 =	vld [tilespmem:s12+$0x6920];
	v4 =	vadd.f32 v54, v4  }
0x2e6: {  	v28 =	vld [tilespmem:s12+$0x6520]  }
0x2e7: {  	v4 =	vadd.f32 v10, v4;
	v10 =	vld [tilespmem:$0x1F900]  }
0x2e8: {  	v15 =	vld [tilespmem:s12+$0x6930]  }
0x2e9: {  	v21 =	vadd.f32 v23, v21;
	v12 =	vld [tilespmem:s12+$0x5930]  }
0x2ea: {  	v11 =	vld [tilespmem:$0x1F800];
	v7 =	vadd.f32 v30, v20  }
0x2eb: {  	v24 =	vld [tilespmem:s12+$0x5520];
	v21 =	vadd.f32 v38, v21  }
0x2ec: {  	v7 =	vadd.f32 v10, v7;
	v10 =	vld [tilespmem:$0x1F930]  }
0x2ed: {  	v13 =	vld [tilespmem:s12+$0x6940];
	v21 =	vadd.f32 v57, v21  }
0x2ee: {  	[tilespmem:s12+$0x5510] =	vst v0;
	v0 =	vld [tilespmem:$0x1F910]  }
0x2ef: {  	v15 =	vadd.f32 v15, v12;
	v12 =	vld [tilespmem:$0x1F990];
	v21 =	vadd.f32 v11, v21  }
0x2f0: {  	v59 =	vld [tilespmem:s12+$0x5940]  }
0x2f1: {  	[tilespmem:s12+$0x5500] =	vst v21;
	v21 =	vadd.f32 v10, v4;
	v4 =	vld [tilespmem:$0x1F940]  }
0x2f2: {  	v11 =	vld [tilespmem:$0x1F810]  }
0x2f3: {  	v24 =	vadd.f32 v28, v24;
	v0 =	vadd.f32 v0, v5;
	v5 =	vld [tilespmem:$0x1F920]  }
0x2f4: {  	v2 =	vld [tilespmem:$0x1F840]  }
0x2f5: {  	v39 =	vld [tilespmem:s12+$0x9D30];
	v24 =	vadd.f32 v42, v24  }
0x2f6: {  	v37 =	vld [tilespmem:s12+$0x9D40];
	v4 =	vadd.f32 v4, v7;
	v7 =	vadd.f32 v13, v59  }
0x2f7: {  	v35 =	vld [tilespmem:s12+$0x9D50];
	v24 =	vadd.f32 v11, v24  }
0x2f8: {  	v5 =	vadd.f32 v5, v15;
	v15 =	vadd.f32 v12, v7;
	v12 =	vld [tilespmem:$0x1F9B0]  }
0x2f9: {  	v53 =	vld [tilespmem:s12+$0x6960];
	v2 =	vadd.f32 v2, v24  }
0x2fa: {  	v22 =	vld [tilespmem:s12+$0x5960]  }
0x2fb: {  	[tilespmem:s12+$0x5520] =	vst v2;
	v2 =	vld [tilespmem:$0x1F950];
	_ =	sdelay $0x1  }
0x2fc: {  	v15 =	vadd.f32 v12, v15;
	v12 =	vld [tilespmem:$0x1F9C0];
	_ =	sdelay $0x1  }
0x2fd: {  	v50 =	vld [tilespmem:s12+$0x8170]  }
0x2fe: {  	v17 =	vadd.f32 v53, v22;
	v0 =	vadd.f32 v2, v0;
	v2 =	vld [tilespmem:$0x1F960]  }
0x2ff: {  	v36 =	vld [tilespmem:s12+$0x7170]  }
0x300: {  	v22 =	vadd.f32 v12, v17;
	v12 =	vld [tilespmem:$0x1F9F0]  }
0x301: {  	v34 =	vld [tilespmem:s12+$0x6950]  }
0x302: {  	v60 =	vld [tilespmem:s12+$0x5950]  }
0x303: {  	v5 =	vadd.f32 v2, v5;
	v2 =	vld [tilespmem:$0x1F970]  }
0x304: {  	[tilespmem:s12+$0x5530] =	vst v1;
	v1 =	vld [tilespmem:$0x1F980]  }
0x305: {  	v17 =	vadd.f32 v12, v15;
	v12 =	vld [tilespmem:$0x1FA00]  }
0x306: {  	v7 =	vld [tilespmem:$0x1F9A0];
	_ =	sdelay $0x1  }
0x307: {  	[tilespmem:s12+$0x5550] =	vst v9;
	v9 =	vld [tilespmem:$0x1F9D0];
	v2 =	vadd.f32 v2, v4  }
0x308: {  	v58 =	vld [tilespmem:$0x1F7F0];
	v4 =	vadd.f32 v1, v5;
	v1 =	vadd.f32 v34, v60  }
0x309: {  	v15 =	vadd.f32 v12, v22;
	v12 =	vld [tilespmem:$0x1FA10]  }
0x30a: {  	v18 =	vadd.f32 v36, v18;
	v1 =	vadd.f32 v7, v1;
	_ =	sdelay $0x1  }
0x30b: {  	v23 =	vld [tilespmem:s12+$0x6970];
	v18 =	vadd.f32 v50, v18;
	v1 =	vadd.f32 v9, v1  }
0x30c: {  	v61 =	vld [tilespmem:s12+$0x5970]  }
0x30d: {  	v18 =	vadd.f32 v58, v18;
	[tilespmem:s12+$0x5560] =	vst v16;
	v16 =	vadd.f32 v12, v1;
	v12 =	vld [tilespmem:$0x1FA30]  }
0x30e: {  	v62 =	vld [tilespmem:s12+$0x6D10]  }
0x30f: {  	[tilespmem:s12+$0x5170] =	vst v18;
	v18 =	vld [tilespmem:s12+$0x5D00]  }
0x310: {  	v6 =	vld [tilespmem:s12+$0x6D00]  }
0x311: {  	v9 =	vld [tilespmem:$0x1F9E0]  }
0x312: {  	v15 =	vadd.f32 v12, v15;
	v12 =	vld [tilespmem:$0x1FA50]  }
0x313: {  	v1 =	vld [tilespmem:$0x1FA20]  }
0x314: {  	[tilespmem:s12+$0x5540] =	vst v8;
	v8 =	vadd.f32 v23, v61;
	v19 =	vld [tilespmem:s12+$0x5D10]  }
0x315: {  	v6 =	vadd.f32 v6, v18;
	[tilespmem:s12+$0x5570] =	vst v3;
	v3 =	vld [tilespmem:$0x1FA40]  }
0x316: {  	v9 =	vadd.f32 v9, v8  }
0x317: {  	v6 =	vadd.f32 v12, v6;
	v12 =	vld [tilespmem:$0x1FA60]  }
0x318: {  	v1 =	vadd.f32 v1, v9;
	_ =	sdelay $0x1  }
0x319: {  	v3 =	vadd.f32 v3, v1;
	v1 =	vadd.f32 v62, v19  }
0x31a: {  	v14 =	vld [tilespmem:s12+$0x7D40]  }
0x31b: {  	[tilespmem:s12+$0x5900] =	vst v21;
	v21 =	vadd.f32 v12, v1;
	v1 =	vld [tilespmem:$0x1FA70]  }
0x31c: {  	v43 =	vld [tilespmem:s12+$0x7D50]  }
0x31d: {  	v63 =	vld [tilespmem:s12+$0x6D20]  }
0x31e: {  	v20 =	vld [tilespmem:s12+$0x5D20]  }
0x31f: {  	[tilespmem:s12+$0x5910] =	vst v0;
	v0 =	vld [tilespmem:$0x1FA90]  }
0x320: {  	v6 =	vadd.f32 v1, v6;
	v1 =	vld [tilespmem:$0x1FA80]  }
0x321: {  	v11 =	vld [tilespmem:s12+$0x6D30]  }
0x322: {  	v18 =	vld [tilespmem:s12+$0x5D40]  }
0x323: {  	v10 =	vld [tilespmem:s12+$0x5D30];
	v19 =	vadd.f32 v63, v20  }
0x324: {  	v5 =	vld [tilespmem:s12+$0x6D40]  }
0x325: {  	v1 =	vadd.f32 v1, v19;
	v19 =	vadd.f32 v0, v21;
	v0 =	vld [tilespmem:$0x1FAA0]  }
0x326: {  	v7 =	vld [tilespmem:s12+$0x6D50]  }
0x327: {  	v8 =	vld [tilespmem:s12+$0x6D60]  }
0x328: {  	v22 =	vadd.f32 v11, v10;
	v9 =	vld [tilespmem:s12+$0x6D70]  }
0x329: {  	v20 =	vld [tilespmem:s12+$0x5D50]  }
0x32a: {  	s22 =	simm.s32 $0x200;
	v21 =	vadd.f32 v0, v22;
	v0 =	vld [tilespmem:s12+$0x5D60]  }
.LBB2_5:
0x32b: {  	[tilespmem:s12+$0x5920] =	vst v2;
	v2 =	vld [tilespmem:$0x1F760];
	_ =	sdelay $0x1  }
0x32c: {  	[tilespmem:s12+$0x5930] =	vst v4;
	v4 =	vld [tilespmem:$0x1F770]  }
0x32d: {  	v10 =	vld [tilespmem:$0x1F790];
	[tilespmem:s12+$0x5940] =	vst v17  }
0x32e: {  	v12 =	vld [tilespmem:s12+$0x7D60];
	[tilespmem:s12+$0x5950] =	vst v16  }
0x32f: {  	v17 =	vld [tilespmem:s12+$0x7D70];
	[tilespmem:s12+$0x5960] =	vst v15;
	v2 =	vadd.f32 v2, v6  }
0x330: {  	[tilespmem:s12+$0x5970] =	vst v3;
	v6 =	vld [tilespmem:$0x1F780]  }
0x331: {  	s25 =	sshra.s32 s22, $0x2;
	v4 =	vadd.f32 v4, v19;
	[tilespmem:s12+$0x5D00] =	vst v2;
	v2 =	vld [tilespmem:$0x1F7A0]  }
0x332: {  	v49 =	vld [tilespmem:s25+$0x9100]  }
0x333: {  	v5 =	vadd.f32 v5, v18;
	v7 =	vadd.f32 v7, v20;
	[tilespmem:s12+$0x5D10] =	vst v4;
	v4 =	vld [tilespmem:$0x1F7B0]  }
0x334: {  	v16 =	vld [tilespmem:s12+$0x8D60];
	v0 =	vadd.f32 v8, v0;
	v11 =	vadd.f32 v10, v21  }
0x335: {  	v5 =	vadd.f32 v14, v5;
	v1 =	vadd.f32 v6, v1;
	v6 =	vld [tilespmem:s12+$0x5D70]  }
0x336: {  	v3 =	vadd.f32 v43, v7;
	v7 =	vld [tilespmem:s12+$0x9D60];
	v0 =	vadd.f32 v12, v0  }
0x337: {  	v8 =	vld [tilespmem:s12+$0x8D70];
	v1 =	vadd.f32 v41, v1;
	v2 =	vadd.f32 v2, v5  }
0x338: {  	v11 =	vadd.f32 v39, v11;
	v50 =	vld [tilespmem:s25+$0x9110];
	v3 =	vadd.f32 v4, v3  }
0x339: {  	v0 =	vadd.f32 v16, v0;
	v5 =	vld [tilespmem:s12+$0x9D70];
	[tilespmem:s12+$0x5D20] =	vst v1;
	v1 =	vadd.f32 v37, v2  }
0x33a: {  	v6 =	vadd.f32 v9, v6;
	v51 =	vld [tilespmem:s25+$0x9120];
	[tilespmem:s12+$0x5D30] =	vst v11;
	v2 =	vadd.f32 v35, v3  }
0x33b: {  	v0 =	vadd.f32 v7, v0;
	v52 =	vld [tilespmem:s25+$0x9130];
	[tilespmem:s12+$0x5D40] =	vst v1  }
0x33c: {  	v4 =	vadd.f32 v17, v6;
	v44 =	vld [tilespmem:s25+$0x9140];
	[tilespmem:s12+$0x5D50] =	vst v2  }
0x33d: {  	v45 =	vld [tilespmem:s25+$0x9150];
	[tilespmem:s12+$0x5D60] =	vst v0  }
0x33e: {  	v3 =	vadd.f32 v8, v4;
	v0 =	vld [tilespmem:s25+$0x9160];
	_ =	sdelay $0x1  }
0x33f: {  	v1 =	vadd.f32 v5, v3;
	_ =	sdelay $0x1  }
0x340: {  	[tilespmem:s12+$0x5D70] =	vst v1;
	s12 =	smov.u32 s25  }
0x341: {  	[tilespmem:$0x1F590] =	vst v0;
	v0 =	vld [tilespmem:s12+$0x9170];
	_ =	sdelay $0x4  }
0x342: {  	[tilespmem:$0x1F5A0] =	vst v0;
	v0 =	vld [tilespmem:s12+$0x9500];
	_ =	sdelay $0x4  }
0x343: {  	[tilespmem:$0x1F5B0] =	vst v0;
	v0 =	vld [tilespmem:s12+$0x9510];
	_ =	sdelay $0x4  }
0x344: {  	[tilespmem:$0x1F5C0] =	vst v0;
	v0 =	vld [tilespmem:s12+$0x9520];
	_ =	sdelay $0x4  }
0x345: {  	[tilespmem:$0x1F5D0] =	vst v0;
	v0 =	vld [tilespmem:s12+$0x9530];
	_ =	sdelay $0x4  }
0x346: {  	[tilespmem:$0x1F5E0] =	vst v0;
	v0 =	vld [tilespmem:s12+$0x9540];
	_ =	sdelay $0x4  }
0x347: {  	[tilespmem:$0x1F5F0] =	vst v0;
	v0 =	vld [tilespmem:s12+$0x9550];
	_ =	sdelay $0x4  }
0x348: {  	[tilespmem:$0x1F600] =	vst v0;
	v0 =	vld [tilespmem:s12+$0x9560];
	_ =	sdelay $0x4  }
0x349: {  	[tilespmem:$0x1F610] =	vst v0;
	v0 =	vld [tilespmem:s12+$0x9570];
	_ =	sdelay $0x1  }
0x34a: {  	v42 =	vld [tilespmem:s12+$0x9D20]  }
0x34b: {  	v41 =	vld [tilespmem:s12+$0x9D30]  }
0x34c: {  	v40 =	vld [tilespmem:s12+$0x9D40]  }
0x34d: {  	[tilespmem:$0x1F620] =	vst v0;
	v0 =	vld [tilespmem:s12+$0x9900]  }
0x34e: {  	v39 =	vld [tilespmem:s12+$0x9D50]  }
0x34f: {  	v23 =	vld [tilespmem:s12+$0x8100]  }
0x350: {  	v7 =	vld [tilespmem:s12+$0x8110]  }
0x351: {  	v6 =	vld [tilespmem:s12+$0x8120]  }
0x352: {  	[tilespmem:$0x1F640] =	vst v0;
	v0 =	vld [tilespmem:s12+$0x9910]  }
0x353: {  	v20 =	vld [tilespmem:s12+$0x8130]  }
0x354: {  	v4 =	vld [tilespmem:s12+$0x8140]  }
0x355: {  	v18 =	vld [tilespmem:s12+$0x8150]  }
0x356: {  	v16 =	vld [tilespmem:s12+$0x8160]  }
0x357: {  	[tilespmem:$0x1F660] =	vst v0;
	v0 =	vld [tilespmem:s12+$0x9920]  }
0x358: {  	v3 =	vld [tilespmem:s12+$0x8170]  }
0x359: {  	v2 =	vld [tilespmem:s12+$0x8500]  }
0x35a: {  	v63 =	vld [tilespmem:s12+$0x8510]  }
0x35b: {  	v62 =	vld [tilespmem:s12+$0x8520]  }
0x35c: {  	[tilespmem:$0x1F680] =	vst v0;
	v0 =	vld [tilespmem:s12+$0x9930]  }
0x35d: {  	v61 =	vld [tilespmem:s12+$0x8530]  }
0x35e: {  	v56 =	vld [tilespmem:s12+$0x8540]  }
0x35f: {  	v55 =	vld [tilespmem:s12+$0x8550]  }
0x360: {  	v54 =	vld [tilespmem:s12+$0x8560]  }
0x361: {  	[tilespmem:$0x1F690] =	vst v0;
	v0 =	vld [tilespmem:s12+$0x9940]  }
0x362: {  	v53 =	vld [tilespmem:s12+$0x8570]  }
0x363: {  	v46 =	vld [tilespmem:s12+$0x8900]  }
0x364: {  	v26 =	vld [tilespmem:s12+$0x7100]  }
0x365: {  	v27 =	vld [tilespmem:s12+$0x7110]  }
0x366: {  	[tilespmem:$0x1F6C0] =	vst v0;
	v0 =	vld [tilespmem:s12+$0x9950]  }
0x367: {  	v28 =	vld [tilespmem:s12+$0x7120]  }
0x368: {  	v29 =	vld [tilespmem:s12+$0x7130]  }
0x369: {  	v10 =	vld [tilespmem:s12+$0x7140]  }
0x36a: {  	v30 =	vld [tilespmem:s12+$0x7150]  }
0x36b: {  	[tilespmem:$0x1F6E0] =	vst v0;
	v0 =	vld [tilespmem:s12+$0x9960]  }
0x36c: {  	v11 =	vld [tilespmem:s12+$0x7160]  }
0x36d: {  	v31 =	vld [tilespmem:s12+$0x7170]  }
0x36e: {  	v25 =	vld [tilespmem:s12+$0x7500]  }
0x36f: {  	v9 =	vld [tilespmem:s12+$0x7510]  }
0x370: {  	[tilespmem:$0x1F700] =	vst v0;
	v0 =	vld [tilespmem:s12+$0x9970]  }
0x371: {  	v24 =	vld [tilespmem:s12+$0x7520]  }
0x372: {  	v8 =	vld [tilespmem:s12+$0x7530]  }
0x373: {  	v22 =	vld [tilespmem:s12+$0x7540]  }
0x374: {  	v21 =	vld [tilespmem:s12+$0x7550]  }
0x375: {  	[tilespmem:$0x1F710] =	vst v0;
	v0 =	vld [tilespmem:s12+$0x9D00]  }
0x376: {  	v19 =	vld [tilespmem:s12+$0x7560]  }
0x377: {  	v5 =	vld [tilespmem:s12+$0x7570]  }
0x378: {  	v17 =	vld [tilespmem:s12+$0x7900]  }
0x379: {  	v15 =	vld [tilespmem:s12+$0x7910]  }
0x37a: {  	[tilespmem:$0x1F760] =	vst v0;
	v0 =	vld [tilespmem:s12+$0x9D10]  }
0x37b: {  	v12 =	vld [tilespmem:s12+$0x7D20]  }
0x37c: {  	v32 =	vld [tilespmem:s12+$0x6100]  }
0x37d: {  	v33 =	vld [tilespmem:s12+$0x6110]  }
0x37e: {  	v36 =	vld [tilespmem:s12+$0x5100]  }
0x37f: {  	[tilespmem:$0x1F770] =	vst v0;
	v0 =	vld [tilespmem:s12+$0x8910]  }
0x380: {  	v34 =	vld [tilespmem:s12+$0x6120]  }
0x381: {  	v13 =	vld [tilespmem:s12+$0x5120]  }
0x382: {  	v35 =	vld [tilespmem:s12+$0x6130]  }
0x383: {  	[tilespmem:$0x1F730] =	vst v12;
	v12 =	vld [tilespmem:s12+$0x7D30];
	v32 =	vadd.f32 v32, v36  }
0x384: {  	[tilespmem:$0x1F630] =	vst v0;
	v0 =	vld [tilespmem:s12+$0x8920]  }
0x385: {  	v36 =	vld [tilespmem:s12+$0x6150];
	v26 =	vadd.f32 v26, v32  }
0x386: {  	v13 =	vadd.f32 v34, v13;
	v32 =	vld [tilespmem:s12+$0x6170]  }
0x387: {  	v23 =	vadd.f32 v23, v26;
	v26 =	vld [tilespmem:s12+$0x5150]  }
0x388: {  	v13 =	vadd.f32 v28, v13;
	[tilespmem:$0x1F750] =	vst v12;
	v12 =	vld [tilespmem:s12+$0x5110]  }
0x389: {  	[tilespmem:$0x1F650] =	vst v0;
	v0 =	vld [tilespmem:s12+$0x8930]  }
0x38a: {  	v6 =	vadd.f32 v6, v13;
	v13 =	vld [tilespmem:s12+$0x5170]  }
0x38b: {  	v37 =	vld [tilespmem:s12+$0x5130]  }
0x38c: {  	v38 =	vld [tilespmem:s12+$0x6140]  }
0x38d: {  	v23 =	vadd.f32 v49, v23;
	v49 =	vld [tilespmem:s12+$0x6520]  }
0x38e: {  	v6 =	vadd.f32 v51, v6;
	v12 =	vadd.f32 v33, v12;
	[tilespmem:$0x1F670] =	vst v0;
	v0 =	vld [tilespmem:s12+$0x8940]  }
0x38f: {  	v51 =	vld [tilespmem:s12+$0x5500];
	v26 =	vadd.f32 v36, v26;
	v13 =	vadd.f32 v32, v13  }
0x390: {  	v33 =	vld [tilespmem:s12+$0x6160];
	v12 =	vadd.f32 v27, v12;
	v27 =	vadd.f32 v35, v37  }
0x391: {  	v26 =	vadd.f32 v30, v26;
	v13 =	vadd.f32 v31, v13;
	v35 =	vmovc v39;
	v39 =	vmovc v41;
	v41 =	vmov v42;
	v42 =	vld [tilespmem:s12+$0x5140]  }
0x392: {  	v7 =	vadd.f32 v7, v12;
	v12 =	vadd.f32 v29, v27;
	v27 =	vld [tilespmem:s12+$0x5160]  }
0x393: {  	v18 =	vadd.f32 v18, v26;
	[tilespmem:$0x1F6A0] =	vst v0;
	v0 =	vld [tilespmem:s12+$0x8950]  }
0x394: {  	v3 =	vadd.f32 v3, v13;
	v13 =	vld [tilespmem:s12+$0x6540]  }
0x395: {  	v18 =	vadd.f32 v45, v18;
	v45 =	vld [tilespmem:$0x1F5B0]  }
0x396: {  	v37 =	vmov v40;
	v12 =	vadd.f32 v20, v12;
	v20 =	vld [tilespmem:s12+$0x6500];
	v40 =	vadd.f32 v38, v42  }
0x397: {  	v7 =	vadd.f32 v50, v7;
	v50 =	vld [tilespmem:s12+$0x6530]  }
0x398: {  	v10 =	vadd.f32 v10, v40;
	v27 =	vadd.f32 v33, v27;
	[tilespmem:$0x1F6B0] =	vst v0;
	v0 =	vld [tilespmem:s12+$0x8960]  }
0x399: {  	v42 =	vld [tilespmem:s12+$0x6510]  }
0x39a: {  	v4 =	vadd.f32 v4, v10;
	v10 =	vadd.f32 v11, v27;
	v11 =	vld [tilespmem:s12+$0x5510]  }
0x39b: {  	v12 =	vadd.f32 v52, v12;
	v52 =	vld [tilespmem:s12+$0x5520]  }
0x39c: {  	v10 =	vadd.f32 v16, v10;
	v16 =	vld [tilespmem:s12+$0x5530]  }
0x39d: {  	[tilespmem:$0x1F6D0] =	vst v0;
	v0 =	vld [tilespmem:s12+$0x8970]  }
0x39e: {  	v38 =	vld [tilespmem:s12+$0x6560];
	v20 =	vadd.f32 v20, v51  }
0x39f: {  	v33 =	vld [tilespmem:s12+$0x6550];
	v11 =	vadd.f32 v42, v11  }
0x3a0: {  	v51 =	vld [tilespmem:$0x1F5D0];
	v20 =	vadd.f32 v25, v20;
	v40 =	vadd.f32 v49, v52  }
0x3a1: {  	v9 =	vadd.f32 v9, v11;
	v11 =	vadd.f32 v50, v16;
	v16 =	vld [tilespmem:s12+$0x5540]  }
0x3a2: {  	v2 =	vadd.f32 v2, v20;
	v20 =	vadd.f32 v24, v40;
	[tilespmem:$0x1F6F0] =	vst v0;
	v0 =	vld [tilespmem:s12+$0x8D00]  }
0x3a3: {  	v4 =	vadd.f32 v44, v4;
	v44 =	vld [tilespmem:s12+$0x5550]  }
0x3a4: {  	v42 =	vld [tilespmem:s12+$0x6570];
	v25 =	vadd.f32 v45, v2;
	v2 =	vadd.f32 v62, v20  }
0x3a5: {  	v8 =	vadd.f32 v8, v11;
	v11 =	vld [tilespmem:s12+$0x5560]  }
0x3a6: {  	v30 =	vadd.f32 v51, v2;
	v2 =	vadd.f32 v13, v16;
	v16 =	vld [tilespmem:$0x1F5E0]  }
0x3a7: {  	[tilespmem:$0x1F720] =	vst v0;
	v0 =	vld [tilespmem:s12+$0x8D10]  }
0x3a8: {  	v20 =	vld [tilespmem:s12+$0x5570];
	v2 =	vadd.f32 v22, v2  }
0x3a9: {  	v50 =	vld [tilespmem:s12+$0x6900];
	v8 =	vadd.f32 v61, v8  }
0x3aa: {  	v62 =	vld [tilespmem:$0x1F610];
	v2 =	vadd.f32 v56, v2  }
0x3ab: {  	v56 =	vld [tilespmem:$0x1F5F0];
	v8 =	vadd.f32 v16, v8;
	v16 =	vadd.f32 v33, v44  }
0x3ac: {  	v11 =	vadd.f32 v38, v11;
	[tilespmem:$0x1F740] =	vst v0;
	v0 =	vld [tilespmem:s12+$0x8D20]  }
0x3ad: {  	v16 =	vadd.f32 v21, v16;
	v21 =	vld [tilespmem:s12+$0x5900]  }
0x3ae: {  	v1 =	vld [tilespmem:s12+$0x7920];
	v11 =	vadd.f32 v19, v11  }
0x3af: {  	v60 =	vld [tilespmem:s12+$0x7940]  }
0x3b0: {  	v52 =	vld [tilespmem:s12+$0x6920];
	v26 =	vadd.f32 v56, v2;
	v2 =	vadd.f32 v54, v11  }
0x3b1: {  	v20 =	vadd.f32 v42, v20;
	[tilespmem:$0x1F780] =	vst v0;
	v0 =	vld [tilespmem:s12+$0x8D30]  }
0x3b2: {  	v13 =	vld [tilespmem:s12+$0x6910];
	v29 =	vadd.f32 v62, v2;
	v2 =	vadd.f32 v50, v21  }
0x3b3: {  	[tilespmem:s12+$0x5120] =	vst v6;
	v6 =	vld [tilespmem:$0x1F640]  }
0x3b4: {  	v5 =	vadd.f32 v5, v20;
	v20 =	vld [tilespmem:s12+$0x5920];
	v2 =	vadd.f32 v17, v2  }
0x3b5: {  	v19 =	vld [tilespmem:s12+$0x5910]  }
0x3b6: {  	v2 =	vadd.f32 v46, v2;
	[tilespmem:$0x1F790] =	vst v0;
	v0 =	vld [tilespmem:s12+$0x8D40]  }
0x3b7: {  	v9 =	vadd.f32 v63, v9;
	v63 =	vld [tilespmem:$0x1F620]  }
0x3b8: {  	v6 =	vadd.f32 v6, v2;
	v2 =	vld [tilespmem:$0x1F650]  }
0x3b9: {  	v61 =	vld [tilespmem:$0x1F600];
	v17 =	vadd.f32 v52, v20  }
0x3ba: {  	[tilespmem:s12+$0x5110] =	vst v7;
	v5 =	vadd.f32 v53, v5;
	v7 =	vld [tilespmem:$0x1F630]  }
0x3bb: {  	v1 =	vadd.f32 v1, v17;
	[tilespmem:$0x1F7A0] =	vst v0;
	v0 =	vld [tilespmem:s12+$0x8D50]  }
0x3bc: {  	v22 =	vld [tilespmem:s12+$0x6930];
	v28 =	vadd.f32 v63, v5;
	v5 =	vadd.f32 v13, v19  }
0x3bd: {  	v1 =	vadd.f32 v2, v1;
	v2 =	vld [tilespmem:$0x1F660]  }
0x3be: {  	v11 =	vld [tilespmem:s12+$0x5930];
	v5 =	vadd.f32 v15, v5  }
0x3bf: {  	v36 =	vld [tilespmem:$0x1F5A0];
	v16 =	vadd.f32 v55, v16  }
0x3c0: {  	v5 =	vadd.f32 v7, v5;
	[tilespmem:$0x1F7B0] =	vst v0;
	v0 =	vld [tilespmem:s12+$0x7930]  }
0x3c1: {  	v27 =	vadd.f32 v61, v16;
	v16 =	vld [tilespmem:s12+$0x6940]  }
0x3c2: {  	[tilespmem:s12+$0x5130] =	vst v12;
	v12 =	vadd.f32 v2, v5;
	v2 =	vld [tilespmem:$0x1F670]  }
0x3c3: {  	v13 =	vld [tilespmem:s12+$0x6960];
	v11 =	vadd.f32 v22, v11  }
0x3c4: {  	v19 =	vld [tilespmem:s12+$0x6970]  }
0x3c5: {  	v15 =	vld [tilespmem:s12+$0x5940];
	v0 =	vadd.f32 v0, v11  }
0x3c6: {  	v11 =	vld [tilespmem:s12+$0x5970]  }
0x3c7: {  	v0 =	vadd.f32 v2, v0;
	v2 =	vld [tilespmem:$0x1F680]  }
0x3c8: {  	v7 =	vld [tilespmem:s12+$0x5960]  }
0x3c9: {  	v3 =	vadd.f32 v36, v3;
	v21 =	vld [tilespmem:s12+$0x6950]  }
0x3ca: {  	v17 =	vld [tilespmem:s12+$0x5950]  }
0x3cb: {  	[tilespmem:s12+$0x5170] =	vst v3;
	v3 =	vadd.f32 v19, v11;
	v11 =	vld [tilespmem:$0x1F6A0]  }
0x3cc: {  	[tilespmem:s12+$0x5140] =	vst v4;
	v4 =	vld [tilespmem:$0x1F690];
	v2 =	vadd.f32 v2, v1;
	v1 =	vadd.f32 v16, v15  }
0x3cd: {  	v5 =	vadd.f32 v13, v7;
	v13 =	vld [tilespmem:$0x1F6C0]  }
0x3ce: {  	v49 =	vld [tilespmem:$0x1F5C0];
	v1 =	vadd.f32 v60, v1;
	_ =	sdelay $0x1  }
0x3cf: {  	v58 =	vld [tilespmem:s12+$0x7960];
	v1 =	vadd.f32 v11, v1  }
0x3d0: {  	v4 =	vadd.f32 v4, v0  }
0x3d1: {  	v0 =	vadd.f32 v21, v17;
	v17 =	vadd.f32 v13, v1;
	v1 =	vld [tilespmem:$0x1F6D0]  }
0x3d2: {  	v59 =	vld [tilespmem:s12+$0x7950];
	v9 =	vadd.f32 v49, v9;
	_ =	sdelay $0x1  }
0x3d3: {  	[tilespmem:s12+$0x5510] =	vst v9;
	v5 =	vadd.f32 v58, v5;
	v9 =	vld [tilespmem:$0x1F6B0];
	_ =	sdelay $0x1  }
0x3d4: {  	v1 =	vadd.f32 v1, v5;
	v5 =	vld [tilespmem:$0x1F6E0]  }
0x3d5: {  	v0 =	vadd.f32 v59, v0;
	_ =	sdelay $0x1  }
0x3d6: {  	v57 =	vld [tilespmem:s12+$0x7970];
	v0 =	vadd.f32 v9, v0;
	_ =	sdelay $0x1  }
0x3d7: {  	v16 =	vadd.f32 v5, v0;
	v0 =	vld [tilespmem:$0x1F6F0];
	_ =	sdelay $0x2  }
0x3d8: {  	v20 =	vld [tilespmem:s12+$0x6D00];
	v3 =	vadd.f32 v57, v3  }
0x3d9: {  	v7 =	vld [tilespmem:s12+$0x5D00]  }
0x3da: {  	v0 =	vadd.f32 v0, v3;
	v3 =	vld [tilespmem:$0x1F700]  }
0x3db: {  	v48 =	vld [tilespmem:s12+$0x7D00]  }
0x3dc: {  	[tilespmem:s12+$0x5150] =	vst v18;
	v18 =	vld [tilespmem:s12+$0x6D20]  }
0x3dd: {  	v22 =	vld [tilespmem:s12+$0x6D10]  }
0x3de: {  	[tilespmem:s12+$0x5900] =	vst v6;
	v6 =	vld [tilespmem:$0x1F720]  }
0x3df: {  	v9 =	vld [tilespmem:s12+$0x5D20];
	v15 =	vadd.f32 v3, v1;
	v1 =	vadd.f32 v20, v7  }
0x3e0: {  	v3 =	vld [tilespmem:$0x1F710]  }
0x3e1: {  	v11 =	vld [tilespmem:s12+$0x5D10];
	v1 =	vadd.f32 v48, v1  }
0x3e2: {  	v32 =	vld [tilespmem:$0x1F590]  }
0x3e3: {  	v6 =	vadd.f32 v6, v1;
	v1 =	vld [tilespmem:$0x1F730];
	_ =	sdelay $0x1  }
0x3e4: {  	v47 =	vld [tilespmem:s12+$0x7D10];
	v3 =	vadd.f32 v3, v0  }
0x3e5: {  	v14 =	vld [tilespmem:s12+$0x7D40];
	v0 =	vadd.f32 v22, v11;
	v11 =	vadd.f32 v18, v9  }
0x3e6: {  	v43 =	vld [tilespmem:s12+$0x7D50];
	v10 =	vadd.f32 v32, v10  }
0x3e7: {  	v1 =	vadd.f32 v1, v11;
	v11 =	vld [tilespmem:$0x1F740]  }
0x3e8: {  	[tilespmem:s12+$0x5160] =	vst v10;
	v10 =	vld [tilespmem:s12+$0x6D30]  }
0x3e9: {  	[tilespmem:s12+$0x5530] =	vst v8;
	v8 =	vld [tilespmem:s12+$0x6D60]  }
0x3ea: {  	[tilespmem:s12+$0x5100] =	vst v23;
	v13 =	vld [tilespmem:s12+$0x5D30];
	v0 =	vadd.f32 v47, v0  }
0x3eb: {  	[tilespmem:s12+$0x5500] =	vst v25;
	v5 =	vld [tilespmem:s12+$0x6D40]  }
0x3ec: {  	p0 =	sne.s32 s22, $0xE00;
	[tilespmem:s12+$0x5520] =	vst v30;
	v19 =	vadd.f32 v11, v0;
	v0 =	vld [tilespmem:$0x1F750]  }
.Ltmp1:
0x3ed: {  	[tilespmem:s12+$0x5540] =	vst v26;
	v7 =	vld [tilespmem:s12+$0x6D50];
	(pc) =	sbr.rel @p0 .LBB2_5-.Ltmp1, $4  }
0x3ee: {  	[tilespmem:s12+$0x5550] =	vst v27;
	v20 =	vld [tilespmem:s12+$0x5D50]  }
0x3ef: {  	[tilespmem:s12+$0x5560] =	vst v29;
	v10 =	vadd.f32 v10, v13;
	v9 =	vld [tilespmem:s12+$0x6D70]  }
0x3f0: {  	[tilespmem:s12+$0x5570] =	vst v28;
	v18 =	vld [tilespmem:s12+$0x5D40]  }
0x3f1: {  	s22 =	sadd.s32 $0x200, s22;
	[tilespmem:s12+$0x5910] =	vst v12;
	v21 =	vadd.f32 v0, v10;
	v0 =	vld [tilespmem:s12+$0x5D60]  }
0x3f2: {  	v51 =	vld [tilespmem:s12+$0x5D70]  }
0x3f3: {  	v11 =	vld [tilespmem:$0x1F760]  }
0x3f4: {  	v53 =	vld [tilespmem:$0x1F780]  }
0x3f5: {  	v12 =	vld [tilespmem:$0x1F770]  }
0x3f6: {  	v13 =	vld [tilespmem:$0x1F790]  }
0x3f7: {  	v52 =	vld [tilespmem:s12+$0x7D60];
	v7 =	vadd.f32 v7, v20  }
0x3f8: {  	[tilespmem:s12+$0x5920] =	vst v2;
	v10 =	vld [tilespmem:s12+$0x7D70];
	v5 =	vadd.f32 v5, v18  }
0x3f9: {  	[tilespmem:s12+$0x5930] =	vst v4;
	v58 =	vld [tilespmem:$0x1F7A0];
	v7 =	vadd.f32 v43, v7;
	v0 =	vadd.f32 v8, v0  }
0x3fa: {  	[tilespmem:s12+$0x5940] =	vst v17;
	v60 =	vld [tilespmem:$0x1F7B0];
	v6 =	vadd.f32 v11, v6;
	v1 =	vadd.f32 v53, v1  }
0x3fb: {  	[tilespmem:s12+$0x5950] =	vst v16;
	v54 =	vld [tilespmem:s12+$0x8D60];
	v12 =	vadd.f32 v12, v19;
	v13 =	vadd.f32 v13, v21  }
0x3fc: {  	[tilespmem:s12+$0x5960] =	vst v15;
	v55 =	vld [tilespmem:s12+$0x8D70];
	v56 =	vadd.f32 v14, v5;
	v2 =	vadd.f32 v9, v51  }
0x3fd: {  	[tilespmem:s12+$0x5970] =	vst v3;
	v57 =	vld [tilespmem:s12+$0x9D60];
	v0 =	vadd.f32 v52, v0;
	v1 =	vadd.f32 v41, v1  }
0x3fe: {  	v59 =	vld [tilespmem:s12+$0x9D70];
	v13 =	vadd.f32 v39, v13;
	[tilespmem:s12+$0x5D00] =	vst v6;
	v3 =	vadd.f32 v58, v56  }
0x3ff: {  	[tilespmem:s12+$0x5D10] =	vst v12;
	v6 =	vadd.f32 v60, v7;
	v2 =	vadd.f32 v10, v2  }
0x400: {  	v0 =	vadd.f32 v54, v0;
	[tilespmem:s12+$0x5D20] =	vst v1;
	v61 =	vadd.f32 v37, v3  }
0x401: {  	[tilespmem:s12+$0x5D30] =	vst v13;
	v62 =	vadd.f32 v35, v6;
	v2 =	vadd.f32 v55, v2  }
0x402: {  	v0 =	vadd.f32 v57, v0;
	[tilespmem:s12+$0x5D40] =	vst v61  }
0x403: {  	s6 =	sshll.u32 s6, $0x9;
	s31 =	sadd.s32 $0x1, s31;
	[tilespmem:s12+$0x5D50] =	vst v62;
	v63 =	vadd.f32 v59, v2  }
0x404: {  	s6 =	sand.u32 $0x1FFFFE00, s6;
	p0 =	sne.s32 s31, $0x14;
	[tilespmem:s12+$0x5D60] =	vst v0  }
.Ltmp2:
0x405: {  	s6 =	sadd.s32 s7, s6;
	[tilespmem:s12+$0x5D70] =	vst v63;
	(pc) =	sbr.rel @p0 .LBB2_2-.Ltmp2, $4  }
0x406: {  	[hbm4b:s6+s9] =	stream.linear.scatter [tilespmem:s23], [sflag:$0x3], $0x1000, $0x38;
	[tilespmem:$0x14300] =	vst v63  }
0x407: {  	_ =	swait.ge [sflag:s21], $0x1000  }
0x408: {  	[sflag:s21] =	ssyncset.done $0x0  }
0x409: {  	[sflag:s21] =	ssyncadd.s32 $0xFFFFF000  }
0x40a: {  	s6 =	simm.s32 $0x0;
	s12 =	rddreg [dreg:$0x9]  }
0x40b: {  	[tilespmem:s19], [sflag:$0x3] =	stream.linear.gather [hbm4b:s12+s6], $0x50, $0x38;
	[tilespmem:$0x14300] =	vst v63  }
0x40c: {  	_ =	swait.ge [sflag:s21], $0x50  }
0x40d: {  	[sflag:s21] =	ssyncset.done $0x0  }
0x40e: {  	s30 =	rddreg [dreg:$0xa];
	[sflag:s21] =	ssyncadd.s32 $0xFFFFFFB0  }
0x40f: {  	[tilespmem:s20], [sflag:$0x3] =	stream.linear.gather [hbm4b:s30+s6], $0x50, $0x38;
	[tilespmem:$0x14300] =	vst v63  }
0x410: {  	_ =	swait.ge [sflag:s21], $0x50  }
0x411: {  	[sflag:s21] =	ssyncset.done $0x0  }
0x412: {  	[sflag:s21] =	ssyncadd.s32 $0xFFFFFFB0  }
0x413: {  	[tilespmem:s24], [sflag:$0x1] =	stream.indirect.gather [hbm4b:s5+s2], $0x80, s19, s2, $0xb8;
	[tilespmem:$0x14300] =	vst v63  }
0x414: {  	s31 =	simm.s32 $0xCB00  }
0x415: {  	[tilespmem:s31], [sflag:$0x1] =	stream.indirect.gather [hbm4b:s5+s2], $0x80, s20, s2, $0xb8;
	[tilespmem:$0x14300] =	vst v63  }
.LBB2_8:
0x416: {  	s22 =	smul.u32 $0xA0, s6;
	_ =	sdelay $0x1  }
0x417: {  	s12 =	sadd.s32 s22, s17  }
0x418: {  	s25 =	sshrl.u32 s12, $0x3  }
0x419: {  	s30 =	sadd.s32 s1, s25  }
0x41a: {  	[tilespmem:s26], [sflag:$0x3] =	stream.linear.gather [hbm4b:s30+s9], $0x50, $0x38;
	[tilespmem:$0x14300] =	vst v63  }
0x41b: {  	_ =	swait.ge [sflag:s21], $0x50  }
0x41c: {  	[sflag:s21] =	ssyncset.done $0x0  }
0x41d: {  	s25 =	sadd.s32 s3, s25;
	[sflag:s21] =	ssyncadd.s32 $0xFFFFFFB0  }
0x41e: {  	[tilespmem:s28], [sflag:$0x3] =	stream.linear.gather [hbm4b:s25+s9], $0x50, $0x38;
	[tilespmem:$0x14300] =	vst v63  }
0x41f: {  	_ =	swait.ge [sflag:s21], $0x50  }
0x420: {  	[sflag:s21] =	ssyncset.done $0x0  }
0x421: {  	[sflag:s21] =	ssyncadd.s32 $0xFFFFFFB0  }
0x422: {  	[tilespmem:s29], [sflag:$0x2] =	stream.indirect.gather [hbm4b:s5+s2], $0x80, s26, s2, $0xb8;
	[tilespmem:$0x14300] =	vst v63  }
0x423: {  	s25 =	simm.s32 $0x11B00  }
0x424: {  	[tilespmem:s25], [sflag:$0x2] =	stream.indirect.gather [hbm4b:s5+s2], $0x80, s28, s2, $0xb8;
	[tilespmem:$0x14300] =	vst v63  }
0x425: {  	_ =	swait.ge [sflag:s15], $0x2800  }
0x426: {  	[sflag:s15] =	ssyncset.done $0x0  }
0x427: {  	[sflag:s15] =	ssyncadd.s32 $0xFFFFD800  }
0x428: {  	_ =	swait.ge [sflag:s15], $0x2800  }
0x429: {  	[sflag:s15] =	ssyncset.done $0x0  }
0x42a: {  	s30 =	simm.s32 $0x40;
	[sflag:s15] =	ssyncadd.s32 $0xFFFFD800  }
0x42b: {  	v7 =	vld [tilespmem:s30+$0xCAC0]  }
0x42c: {  	v11 =	vld [tilespmem:s30+$0xCAD0]  }
0x42d: {  	v5 =	vld [tilespmem:s30+$0xCAE0]  }
0x42e: {  	v4 =	vld [tilespmem:s30+$0xCAF0]  }
0x42f: {  	v3 =	vld [tilespmem:s30+$0xCB00]  }
0x430: {  	v2 =	vld [tilespmem:s30+$0xCB10]  }
0x431: {  	v1 =	vld [tilespmem:s30+$0xCB20]  }
0x432: {  	v0 =	vld [tilespmem:s30+$0xCB30]  }
0x433: {  	v12 =	vld [tilespmem:s30+$0xA2C0]  }
0x434: {  	v13 =	vld [tilespmem:s30+$0xA2D0]  }
0x435: {  	v10 =	vld [tilespmem:s30+$0xA2E0]  }
0x436: {  	v9 =	vld [tilespmem:s30+$0xA2F0]  }
0x437: {  	v8 =	vld [tilespmem:s30+$0xA300]  }
0x438: {  	v6 =	vld [tilespmem:s30+$0xA310];
	v12 =	vadd.f32 v7, v12  }
0x439: {  	s31 =	simm.s32 $0x300;
	v11 =	vadd.f32 v11, v13;
	v7 =	vld [tilespmem:s30+$0xA320]  }
.LBB2_9:
0x43a: {  	s25 =	sshra.s32 s31, $0x2;
	p0 =	sne.s32 s31, $0x9F00;
	[tilespmem:s30+$0xA2C0] =	vst v12;
	v5 =	vadd.f32 v5, v10;
	v10 =	vld [tilespmem:s30+$0xA330]  }
0x43b: {  	v12 =	vld [tilespmem:s25+$0xCAC0];
	[tilespmem:s30+$0xA2D0] =	vst v11;
	v4 =	vadd.f32 v4, v9  }
0x43c: {  	v11 =	vld [tilespmem:s25+$0xCAD0];
	[tilespmem:s30+$0xA2E0] =	vst v5;
	v3 =	vadd.f32 v3, v8  }
0x43d: {  	v5 =	vld [tilespmem:s25+$0xCAE0];
	[tilespmem:s30+$0xA2F0] =	vst v4;
	v2 =	vadd.f32 v2, v6  }
0x43e: {  	v4 =	vld [tilespmem:s25+$0xCAF0];
	[tilespmem:s30+$0xA300] =	vst v3;
	v1 =	vadd.f32 v1, v7  }
0x43f: {  	v3 =	vld [tilespmem:s25+$0xCB00];
	[tilespmem:s30+$0xA310] =	vst v2;
	v0 =	vadd.f32 v0, v10  }
0x440: {  	v2 =	vld [tilespmem:s25+$0xCB10];
	[tilespmem:s30+$0xA320] =	vst v1  }
0x441: {  	v1 =	vld [tilespmem:s25+$0xCB20];
	[tilespmem:s30+$0xA330] =	vst v0;
	s30 =	smov.u32 s25  }
0x442: {  	v0 =	vld [tilespmem:s30+$0xCB30]  }
0x443: {  	v6 =	vld [tilespmem:s30+$0xA2C0]  }
0x444: {  	v7 =	vld [tilespmem:s30+$0xA2D0]  }
.Ltmp3:
0x445: {  	v10 =	vld [tilespmem:s30+$0xA2E0];
	(pc) =	sbr.rel @p0 .LBB2_9-.Ltmp3, $4  }
0x446: {  	v9 =	vld [tilespmem:s30+$0xA2F0]  }
0x447: {  	v8 =	vld [tilespmem:s30+$0xA300]  }
0x448: {  	v12 =	vadd.f32 v12, v6;
	v6 =	vld [tilespmem:s30+$0xA310]  }
0x449: {  	s31 =	sadd.s32 $0x200, s31;
	v11 =	vadd.f32 v11, v7;
	v7 =	vld [tilespmem:s30+$0xA320]  }
0x44a: {  	[tilespmem:s30+$0xA2C0] =	vst v12;
	v5 =	vadd.f32 v5, v10;
	v10 =	vld [tilespmem:s30+$0xA330]  }
0x44b: {  	[tilespmem:s30+$0xA2D0] =	vst v11;
	v4 =	vadd.f32 v4, v9  }
0x44c: {  	[tilespmem:s30+$0xA2E0] =	vst v5;
	v3 =	vadd.f32 v3, v8  }
0x44d: {  	[tilespmem:s30+$0xA2F0] =	vst v4;
	v2 =	vadd.f32 v2, v6  }
0x44e: {  	[tilespmem:s30+$0xA300] =	vst v3;
	v1 =	vadd.f32 v1, v7  }
0x44f: {  	s25 =	sadd.s32 s11, s22;
	[tilespmem:s30+$0xA310] =	vst v2;
	v0 =	vadd.f32 v0, v10  }
0x450: {  	s25 =	sshll.u32 s25, $0x4;
	[tilespmem:s30+$0xA320] =	vst v1  }
0x451: {  	s25 =	sadd.s32 s8, s25;
	[tilespmem:s30+$0xA330] =	vst v0;
	s30 =	simm.s32 $0x0  }
0x452: {  	[hbm4b:s25+s30] =	stream.linear.scatter [tilespmem:s24], [sflag:$0x3], $0x2800, $0x38;
	[tilespmem:$0x14300] =	vst v63  }
0x453: {  	s25 =	sadd.s32 s22, s18;
	_ =	swait.ge [sflag:s21], $0x2800  }
0x454: {  	s22 =	sshrl.u32 s25, $0x3;
	[sflag:s21] =	ssyncset.done $0x0  }
0x455: {  	s31 =	sadd.s32 s1, s22;
	[sflag:s21] =	ssyncadd.s32 $0xFFFFD800  }
0x456: {  	[tilespmem:s19], [sflag:$0x3] =	stream.linear.gather [hbm4b:s31+s30], $0x50, $0x38;
	[tilespmem:$0x14300] =	vst v63  }
0x457: {  	_ =	swait.ge [sflag:s21], $0x50  }
0x458: {  	[sflag:s21] =	ssyncset.done $0x0  }
0x459: {  	s22 =	sadd.s32 s3, s22;
	[sflag:s21] =	ssyncadd.s32 $0xFFFFFFB0  }
0x45a: {  	[tilespmem:s20], [sflag:$0x3] =	stream.linear.gather [hbm4b:s22+s30], $0x50, $0x38;
	[tilespmem:$0x14300] =	vst v63  }
0x45b: {  	_ =	swait.ge [sflag:s21], $0x50  }
0x45c: {  	[sflag:s21] =	ssyncset.done $0x0  }
0x45d: {  	[sflag:s21] =	ssyncadd.s32 $0xFFFFFFB0  }
0x45e: {  	[tilespmem:s24], [sflag:$0x1] =	stream.indirect.gather [hbm4b:s5+s2], $0x80, s19, s2, $0xb8;
	[tilespmem:$0x14300] =	vst v63  }
0x45f: {  	s31 =	simm.s32 $0xCB00  }
0x460: {  	[tilespmem:s31], [sflag:$0x1] =	stream.indirect.gather [hbm4b:s5+s2], $0x80, s20, s2, $0xb8;
	[tilespmem:$0x14300] =	vst v63  }
0x461: {  	_ =	swait.ge [sflag:s16], $0x2800  }
0x462: {  	[sflag:s16] =	ssyncset.done $0x0  }
0x463: {  	[sflag:s16] =	ssyncadd.s32 $0xFFFFD800  }
0x464: {  	_ =	swait.ge [sflag:s16], $0x2800  }
0x465: {  	[sflag:s16] =	ssyncset.done $0x0  }
0x466: {  	s22 =	simm.s32 $0x0;
	[sflag:s16] =	ssyncadd.s32 $0xFFFFD800  }
0x467: {  	v7 =	vld [tilespmem:s22+$0x11B00]  }
0x468: {  	v11 =	vld [tilespmem:s22+$0x11B10]  }
0x469: {  	v5 =	vld [tilespmem:s22+$0x11B20]  }
0x46a: {  	v4 =	vld [tilespmem:s22+$0x11B30]  }
0x46b: {  	v3 =	vld [tilespmem:s22+$0x11B40]  }
0x46c: {  	v2 =	vld [tilespmem:s22+$0x11B50]  }
0x46d: {  	v1 =	vld [tilespmem:s22+$0x11B60]  }
0x46e: {  	v0 =	vld [tilespmem:s22+$0x11B70]  }
0x46f: {  	v12 =	vld [tilespmem:s22+$0xF300]  }
0x470: {  	v13 =	vld [tilespmem:s22+$0xF310]  }
0x471: {  	v10 =	vld [tilespmem:s22+$0xF320]  }
0x472: {  	v9 =	vld [tilespmem:s22+$0xF330]  }
0x473: {  	v8 =	vld [tilespmem:s22+$0xF340]  }
0x474: {  	v6 =	vld [tilespmem:s22+$0xF350];
	v12 =	vadd.f32 v7, v12  }
0x475: {  	s30 =	simm.s32 $0x200;
	v11 =	vadd.f32 v11, v13;
	v7 =	vld [tilespmem:s22+$0xF360]  }
.LBB2_11:
0x476: {  	s25 =	sshra.s32 s30, $0x2;
	p0 =	sne.s32 s30, $0x9E00;
	[tilespmem:s22+$0xF300] =	vst v12;
	v5 =	vadd.f32 v5, v10;
	v10 =	vld [tilespmem:s22+$0xF370]  }
0x477: {  	v12 =	vld [tilespmem:s25+$0x11B00];
	[tilespmem:s22+$0xF310] =	vst v11;
	v4 =	vadd.f32 v4, v9  }
0x478: {  	v11 =	vld [tilespmem:s25+$0x11B10];
	[tilespmem:s22+$0xF320] =	vst v5;
	v3 =	vadd.f32 v3, v8  }
0x479: {  	v5 =	vld [tilespmem:s25+$0x11B20];
	[tilespmem:s22+$0xF330] =	vst v4;
	v2 =	vadd.f32 v2, v6  }
0x47a: {  	v4 =	vld [tilespmem:s25+$0x11B30];
	[tilespmem:s22+$0xF340] =	vst v3;
	v1 =	vadd.f32 v1, v7  }
0x47b: {  	v3 =	vld [tilespmem:s25+$0x11B40];
	[tilespmem:s22+$0xF350] =	vst v2;
	v0 =	vadd.f32 v0, v10  }
0x47c: {  	v2 =	vld [tilespmem:s25+$0x11B50];
	[tilespmem:s22+$0xF360] =	vst v1  }
0x47d: {  	v1 =	vld [tilespmem:s25+$0x11B60];
	[tilespmem:s22+$0xF370] =	vst v0;
	s22 =	smov.u32 s25  }
0x47e: {  	v0 =	vld [tilespmem:s22+$0x11B70]  }
0x47f: {  	v6 =	vld [tilespmem:s22+$0xF300]  }
0x480: {  	v7 =	vld [tilespmem:s22+$0xF310]  }
.Ltmp4:
0x481: {  	v10 =	vld [tilespmem:s22+$0xF320];
	(pc) =	sbr.rel @p0 .LBB2_11-.Ltmp4, $4  }
0x482: {  	v9 =	vld [tilespmem:s22+$0xF330]  }
0x483: {  	v8 =	vld [tilespmem:s22+$0xF340]  }
0x484: {  	v12 =	vadd.f32 v12, v6;
	v6 =	vld [tilespmem:s22+$0xF350]  }
0x485: {  	s30 =	sadd.s32 $0x200, s30;
	v11 =	vadd.f32 v11, v7;
	v7 =	vld [tilespmem:s22+$0xF360]  }
0x486: {  	[tilespmem:s22+$0xF300] =	vst v12;
	v5 =	vadd.f32 v5, v10;
	v63 =	vld [tilespmem:s22+$0xF370]  }
0x487: {  	[tilespmem:s22+$0xF310] =	vst v11;
	v4 =	vadd.f32 v4, v9  }
0x488: {  	[tilespmem:s22+$0xF320] =	vst v5;
	v3 =	vadd.f32 v3, v8  }
0x489: {  	[tilespmem:s22+$0xF330] =	vst v4;
	v2 =	vadd.f32 v2, v6  }
0x48a: {  	[tilespmem:s22+$0xF340] =	vst v3;
	v1 =	vadd.f32 v1, v7  }
0x48b: {  	s6 =	sadd.s32 $0x1, s6;
	[tilespmem:s22+$0xF350] =	vst v2;
	v0 =	vadd.f32 v0, v63  }
0x48c: {  	s12 =	sshll.u32 s12, $0x4;
	p0 =	sne.s32 s6, $0x3E;
	[tilespmem:s22+$0xF360] =	vst v1  }
.Ltmp5:
0x48d: {  	s12 =	sadd.s32 s8, s12;
	[tilespmem:s22+$0xF370] =	vst v0;
	(pc) =	sbr.rel @p0 .LBB2_8-.Ltmp5, $4  }
0x48e: {  	[hbm4b:s12+s9] =	stream.linear.scatter [tilespmem:s29], [sflag:$0x3], $0x2800, $0x38;
	[tilespmem:$0x14300] =	vst v63  }
0x48f: {  	_ =	swait.ge [sflag:s21], $0x2800  }
0x490: {  	[sflag:s21] =	ssyncset.done $0x0  }
0x491: {  	[sflag:s21] =	ssyncadd.s32 $0xFFFFD800  }
0x492: {  	_ =	swait.ge [sflag:s15], $0x2800  }
0x493: {  	[sflag:s15] =	ssyncset.done $0x0  }
0x494: {  	[sflag:s15] =	ssyncadd.s32 $0xFFFFD800  }
0x495: {  	_ =	swait.ge [sflag:s15], $0x2800  }
0x496: {  	[sflag:s15] =	ssyncset.done $0x0  }
0x497: {  	s6 =	simm.s32 $0x40;
	[sflag:s15] =	ssyncadd.s32 $0xFFFFD800  }
0x498: {  	v7 =	vld [tilespmem:s6+$0xCAC0]  }
0x499: {  	v11 =	vld [tilespmem:s6+$0xCAD0]  }
0x49a: {  	v5 =	vld [tilespmem:s6+$0xCAE0]  }
0x49b: {  	v4 =	vld [tilespmem:s6+$0xCAF0]  }
0x49c: {  	v3 =	vld [tilespmem:s6+$0xCB00]  }
0x49d: {  	v2 =	vld [tilespmem:s6+$0xCB10]  }
0x49e: {  	v1 =	vld [tilespmem:s6+$0xCB20]  }
0x49f: {  	v0 =	vld [tilespmem:s6+$0xCB30]  }
0x4a0: {  	v12 =	vld [tilespmem:s6+$0xA2C0]  }
0x4a1: {  	v13 =	vld [tilespmem:s6+$0xA2D0]  }
0x4a2: {  	v10 =	vld [tilespmem:s6+$0xA2E0]  }
0x4a3: {  	v9 =	vld [tilespmem:s6+$0xA2F0]  }
0x4a4: {  	v8 =	vld [tilespmem:s6+$0xA300]  }
0x4a5: {  	v6 =	vld [tilespmem:s6+$0xA310];
	v12 =	vadd.f32 v7, v12  }
0x4a6: {  	s12 =	simm.s32 $0x300;
	v11 =	vadd.f32 v11, v13;
	v7 =	vld [tilespmem:s6+$0xA320]  }
.LBB2_14:
0x4a7: {  	s22 =	sshra.s32 s12, $0x2;
	p0 =	sne.s32 s12, $0x9F00;
	[tilespmem:s6+$0xA2C0] =	vst v12;
	v5 =	vadd.f32 v5, v10;
	v10 =	vld [tilespmem:s6+$0xA330]  }
0x4a8: {  	v12 =	vld [tilespmem:s22+$0xCAC0];
	[tilespmem:s6+$0xA2D0] =	vst v11;
	v4 =	vadd.f32 v4, v9  }
0x4a9: {  	v11 =	vld [tilespmem:s22+$0xCAD0];
	[tilespmem:s6+$0xA2E0] =	vst v5;
	v3 =	vadd.f32 v3, v8  }
0x4aa: {  	v5 =	vld [tilespmem:s22+$0xCAE0];
	[tilespmem:s6+$0xA2F0] =	vst v4;
	v2 =	vadd.f32 v2, v6  }
0x4ab: {  	v4 =	vld [tilespmem:s22+$0xCAF0];
	[tilespmem:s6+$0xA300] =	vst v3;
	v1 =	vadd.f32 v1, v7  }
0x4ac: {  	v3 =	vld [tilespmem:s22+$0xCB00];
	[tilespmem:s6+$0xA310] =	vst v2;
	v0 =	vadd.f32 v0, v10  }
0x4ad: {  	v2 =	vld [tilespmem:s22+$0xCB10];
	[tilespmem:s6+$0xA320] =	vst v1  }
0x4ae: {  	v1 =	vld [tilespmem:s22+$0xCB20];
	[tilespmem:s6+$0xA330] =	vst v0;
	s6 =	smov.u32 s22  }
0x4af: {  	v0 =	vld [tilespmem:s6+$0xCB30]  }
0x4b0: {  	v6 =	vld [tilespmem:s6+$0xA2C0]  }
0x4b1: {  	v7 =	vld [tilespmem:s6+$0xA2D0]  }
.Ltmp6:
0x4b2: {  	v10 =	vld [tilespmem:s6+$0xA2E0];
	(pc) =	sbr.rel @p0 .LBB2_14-.Ltmp6, $4  }
0x4b3: {  	v9 =	vld [tilespmem:s6+$0xA2F0]  }
0x4b4: {  	v8 =	vld [tilespmem:s6+$0xA300]  }
0x4b5: {  	v12 =	vadd.f32 v12, v6;
	v6 =	vld [tilespmem:s6+$0xA310]  }
0x4b6: {  	s12 =	sadd.s32 $0x200, s12;
	v11 =	vadd.f32 v11, v7;
	v7 =	vld [tilespmem:s6+$0xA320]  }
0x4b7: {  	[tilespmem:s6+$0xA2C0] =	vst v12;
	v5 =	vadd.f32 v5, v10;
	v63 =	vld [tilespmem:s6+$0xA330]  }
0x4b8: {  	[tilespmem:s6+$0xA2D0] =	vst v11;
	v4 =	vadd.f32 v4, v9  }
0x4b9: {  	[tilespmem:s6+$0xA2E0] =	vst v5;
	v3 =	vadd.f32 v3, v8  }
0x4ba: {  	[tilespmem:s6+$0xA2F0] =	vst v4;
	v2 =	vadd.f32 v2, v6  }
0x4bb: {  	[tilespmem:s6+$0xA300] =	vst v3;
	v1 =	vadd.f32 v1, v7  }
0x4bc: {  	[tilespmem:s6+$0xA310] =	vst v2;
	v0 =	vadd.f32 v0, v63  }
0x4bd: {  	[tilespmem:s6+$0xA320] =	vst v1  }
0x4be: {  	s30 =	rddreg [dreg:$0xb];
	[tilespmem:s6+$0xA330] =	vst v0  }
0x4bf: {  	[hbm4b:s30+s9] =	stream.linear.scatter [tilespmem:s24], [sflag:$0x3], $0x2800, $0x38;
	[tilespmem:$0x14300] =	vst v63  }
0x4c0: {  	_ =	swait.ge [sflag:s21], $0x2800  }
0x4c1: {  	s12 =	rddreg [dreg:$0xd]  }
0x4c2: {  	s31 =	rddreg [dreg:$0xc];
	s12 =	sadd.s32 $0x1, s12  }
0x4c3: {  	p0 =	sne.s32 s12, s31  }
.Ltmp7:
0x4c4: {  	_ = 	snop;
	(pc) =	sbr.rel @p0 .LBB2_1-.Ltmp7, $3  }
0x4c5: {  	_ =	sdelay $0x1  }
0x4c6: {  	[sflag:s21] =	ssyncset.done $0x0  }
0x4c7: {  	[sflag:s21] =	ssyncadd.s32 $0xFFFFD800  }
0x4c8: {  	_ =	sfence.sel $0x180000  }
0x4c9: {  	[bflag:$0x0] =	sbarrier.arrive $0xFFFF  }
0x4ca: {  	_ =	strace $0x90000047  }
0x4cb: {  	s0 =	stileid.u32;
	[bflag:$0x2] =	sbarrier.arrive $0xFFFF  }
0x4cc: {  	p0 =	sne.s32 s0, $0x0;
	s0 =	rddreg [dreg:$0x7]  }
0x4cd: {  	s0 =	sadd.s32 @!p0 $0x100000, s0  }
0x4ce: {  	[sflag:s0] =	ssyncadd.tile.s32 @!p0 $0x1;
	_ =	shalt  }
.Lfunc_end2:
_tile_overlayer_lowered:
.L_overlay_start_2:
0x4cf: {  	(tag) =	ssettag $0x2  }
0x4d0: {  	s0 =	rddreg [dreg:$0x0];
	s2 =	stileid.u32  }
0x4d1: {  	s1 =	rddreg [dreg:$0x1];
	p0 =	sne.s32 s2, $0x0  }
0x4d2: {  	s3 =	rddreg [dreg:$0x2];
	[bflag:$0x3] =	sbarrier.arrive $0xFFFF;
	s2 =	simm.s32 @!p0 $0x1C03  }
0x4d3: {  	[timem:s3], [sflag:s2] =	dma.local @!p0 [hbm:s0], s1  }
0x4d4: {  	s0 =	simm.s32 @!p0 $0x3  }
0x4d5: {  	_ =	swait.ge @!p0 [sflag:s0], s1  }
0x4d6: {  	s1 =	ssub.s32 @!p0 $0x0, s1;
	[sflag:s0] =	ssyncset.done @!p0 $0x0  }
0x4d7: {  	[sflag:s0] =	ssyncadd.s32 @!p0 s1  }
0x4d8: {  	[bflag:$0x3] =	sbarrier.arrive $0xFFFF  }
0x4d9: {  	_ =	shalt  }

</sc_bundles>
